<compile_context>
chip_gen: v7x
topology: tpu7x:2x2x1
jax: 0.10.2.dev20260603
libtpu: 0.0.44.dev20260713+nightly
codegen_flags: <defaults>
</compile_context>

<pallas_src>
import functools

import jax
import jax.numpy as jnp
from jax import lax
from jax.experimental import pallas as pl
from jax.experimental.pallas import tpu as pltpu
from jax.experimental.pallas import tpu_sc as plsc

NC = 2
NS = 16
ROW_BLK = 1280


def _mesh():
    return plsc.VectorSubcoreMesh(core_axis_name="c", subcore_axis_name="s")


_SC_PARAMS = pltpu.CompilerParams(use_tc_tiling_on_sc=False)


def _make_deg_count(n, e_pad):
    per_tile = e_pad // (NC * NS)
    k = 1024
    assert per_tile % k == 0 and n % (NS * ROW_BLK) == 0
    iters = per_tile // k
    rows_per = n // NS
    n_copies = rows_per // ROW_BLK

    @functools.partial(
        pl.kernel,
        out_type=jax.ShapeDtypeStruct((NC, n, 4), jnp.float32),
        mesh=_mesh(),
        compiler_params=_SC_PARAMS,
        scratch_types=[
            pltpu.VMEM((8, 128), jnp.int32),
            pltpu.VMEM((128, 4), jnp.float32),
            pltpu.VMEM((ROW_BLK, 4), jnp.float32),
            pltpu.VMEM_SHARED((n, 4), jnp.float32),
            pltpu.SemaphoreType.DMA,
        ],
    )
    def deg_kernel(dst_hbm, ones_hbm, zrows, out, dst_v, ones_v, zb, acc, sem):
        c = lax.axis_index("c")
        s = lax.axis_index("s")
        g = c * NS + s
        pltpu.sync_copy(ones_hbm, ones_v)
        pltpu.sync_copy(zrows, zb)
        rbase = s * rows_per
        for z in range(n_copies):
            pltpu.sync_copy(zb, acc.at[pl.ds(rbase + z * ROW_BLK, ROW_BLK)])
        plsc.subcore_barrier()
        row0 = g * (per_tile // 128)

        @pl.loop(0, iters)
        def _(i):
            pltpu.sync_copy(dst_hbm.at[pl.ds(row0 + i * (k // 128), k // 128)], dst_v)
            for j in range(k // 128):
                pltpu.sync_copy(ones_v, acc.at[dst_v.at[j]], add=True)

        plsc.subcore_barrier()
        for z in range(n_copies):
            sl = pl.ds(rbase + z * ROW_BLK, ROW_BLK)
            pltpu.sync_copy(acc.at[sl], out.at[c].at[sl])

    return deg_kernel


def _sweep_pipelined(table2d, src_hbm, dst_hbm, acc, srcb, dstb, rowsb, gsems,
                     ssem, isem, sbase, dbase, iters, k, m):

    def load(it, b):
        pltpu.async_copy(src_hbm.at[pl.ds(sbase + it * k, k)], srcb[b], isem)
        pltpu.async_copy(dst_hbm.at[pl.ds(dbase + it * k, k)], dstb[b], isem)

    def wait_idx(b):
        pltpu.make_async_copy(src_hbm.at[pl.ds(sbase, k)], srcb[b], isem).wait()
        pltpu.make_async_copy(dst_hbm.at[pl.ds(dbase, k)], dstb[b], isem).wait()

    def gather(b):
        pltpu.async_copy(table2d.at[srcb[b]], rowsb[b], gsems[b])

    def wait_gather(b):
        pltpu.make_async_copy(table2d.at[srcb[b]], rowsb[b], gsems[b]).wait()

    def scatter(b):
        pltpu.async_copy(rowsb[b], acc.at[dstb[b]], ssem, add=True).wait()

    load(0, 0)
    wait_idx(0)
    gather(0)
    load(1, 1)

    @pl.loop(0, iters, step=2)
    def _(i):
        wait_idx(1)
        gather(1)
        wait_gather(0)

        @pl.when(i + 2 < iters)
        def _():
            load(i + 2, 0)

        scatter(0)

        @pl.when(i + 2 < iters)
        def _():
            wait_idx(0)
            gather(0)

        wait_gather(1)

        @pl.when(i + 3 < iters)
        def _():
            load(i + 3, 1)

        scatter(1)


def _make_segsum8(n, e_pad):
    per_tile = e_pad // (NC * NS)
    k = 1792
    m = k // 128
    assert per_tile % k == 0 and (per_tile // k) % 2 == 0
    iters = per_tile // k
    rows_per = n // NS
    n_copies = rows_per // ROW_BLK

    @functools.partial(
        pl.kernel,
        out_type=jax.ShapeDtypeStruct((NC, n, 8), jnp.float32),
        mesh=_mesh(),
        compiler_params=_SC_PARAMS,
        scratch_types=[
            pltpu.VMEM((k,), jnp.int32), pltpu.VMEM((k,), jnp.int32),
            pltpu.VMEM((k,), jnp.int32), pltpu.VMEM((k,), jnp.int32),
            pltpu.VMEM((k, 8), jnp.float32), pltpu.VMEM((k, 8), jnp.float32),
            pltpu.VMEM((ROW_BLK, 8), jnp.float32),
            pltpu.VMEM_SHARED((n, 8), jnp.float32),
            pltpu.SemaphoreType.DMA, pltpu.SemaphoreType.DMA,
            pltpu.SemaphoreType.DMA, pltpu.SemaphoreType.DMA,
        ],
    )
    def segsum_kernel(table, src_hbm, dst_hbm, zrows, out,
                      s0, s1, d0, d1, r0, r1, zb, acc, gs0, gs1, ss, isem):
        c = lax.axis_index("c")
        s = lax.axis_index("s")
        g = c * NS + s
        pltpu.sync_copy(zrows, zb)
        rbase = s * rows_per
        for z in range(n_copies):
            pltpu.sync_copy(zb, acc.at[pl.ds(rbase + z * ROW_BLK, ROW_BLK)])
        plsc.subcore_barrier()
        _sweep_pipelined(table, src_hbm, dst_hbm, acc, (s0, s1), (d0, d1),
                         (r0, r1), (gs0, gs1), ss, isem, g * per_tile,
                         g * per_tile, iters, k, m)
        plsc.subcore_barrier()
        for z in range(n_copies):
            sl = pl.ds(rbase + z * ROW_BLK, ROW_BLK)
            pltpu.sync_copy(acc.at[sl], out.at[c].at[sl])

    return segsum_kernel


def _make_segsum16x4(n, e_pad):
    per_tile = e_pad // NS
    k = 512
    m = k // 128
    assert per_tile % k == 0 and (per_tile // k) % 2 == 0
    iters = per_tile // k
    rows_per = n // NS
    row_blk = 320
    n_copies = rows_per // row_blk

    @functools.partial(
        pl.kernel,
        out_type=jax.ShapeDtypeStruct((n, 64), jnp.float32),
        mesh=_mesh(),
        compiler_params=_SC_PARAMS,
        scratch_types=[
            pltpu.VMEM((k,), jnp.int32), pltpu.VMEM((k,), jnp.int32),
            pltpu.VMEM((k,), jnp.int32), pltpu.VMEM((k,), jnp.int32),
            pltpu.VMEM((k, 16), jnp.float32), pltpu.VMEM((k, 16), jnp.float32),
            pltpu.VMEM((row_blk, 16), jnp.float32),
            pltpu.VMEM_SHARED((n, 16), jnp.float32),
            pltpu.SemaphoreType.DMA, pltpu.SemaphoreType.DMA,
            pltpu.SemaphoreType.DMA, pltpu.SemaphoreType.DMA,
        ],
    )
    def segsum_kernel(table, src_hbm, dst_hbm, zrows, out,
                      s0, s1, d0, d1, r0, r1, zb, acc, gs0, gs1, ss, isem):
        c = lax.axis_index("c")
        s = lax.axis_index("s")
        pltpu.sync_copy(zrows, zb)
        rbase = s * rows_per
        ebase = s * per_tile
        for cc in range(2):
            cid = c * 2 + cc
            for z in range(n_copies):
                pltpu.sync_copy(zb, acc.at[pl.ds(rbase + z * row_blk, row_blk)])
            plsc.subcore_barrier()
            _sweep_pipelined(table, src_hbm, dst_hbm, acc, (s0, s1),
                             (d0, d1), (r0, r1), (gs0, gs1), ss, isem,
                             cid * e_pad + ebase, ebase, iters, k, m)
            plsc.subcore_barrier()
            for z in range(n_copies):
                sl = pl.ds(rbase + z * row_blk, row_blk)
                pltpu.sync_copy(acc.at[sl], out.at[sl, pl.ds(cid * 16, 16)])
            plsc.subcore_barrier()

    return segsum_kernel


_R = 2000


def _row0_mask(pid, r):
    return (lax.broadcasted_iota(jnp.int32, (r, 1), 0) == 0) & (pid == 0)


def _make_tc1(n, pad_edges):
    def body(degp, xp, xhat, dinv):
        pid = pl.program_id(0)
        d = degp[...]
        deg = d[0, :, 0:1] + d[1, :, 0:1] + 1.0
        deg = deg - jnp.where(_row0_mask(pid, _R), float(pad_edges), 0.0)
        di = lax.rsqrt(deg)
        dinv[...] = di
        col5 = (lax.broadcasted_iota(jnp.int32, (1, 8), 1) == 5).astype(jnp.float32)
        xhat[...] = xp[...] * di + di * col5

    return pl.pallas_call(
        body,
        grid=(n // _R,),
        in_specs=[
            pl.BlockSpec((NC, _R, 4), lambda i: (0, i, 0)),
            pl.BlockSpec((_R, 8), lambda i: (i, 0)),
        ],
        out_specs=[
            pl.BlockSpec((_R, 8), lambda i: (i, 0)),
            pl.BlockSpec((_R, 1), lambda i: (i, 0)),
        ],
        out_shape=[
            jax.ShapeDtypeStruct((n, 8), jnp.float32),
            jax.ShapeDtypeStruct((n, 1), jnp.float32),
        ],
    )


def _make_tc2(n, pad_edges):
    def body(s1p, xhat, w1, b1, out):
        pid = pl.program_id(0)
        sp = s1p[...]
        xh = xhat[...]
        di = xh[:, 5:6]
        s = sp[0] + sp[1]
        s = s - jnp.where(_row0_mask(pid, _R), float(pad_edges) * xh[0:1, :], 0.0)
        a1 = di * (s + xh)
        h1 = jnp.dot(a1, w1[...], preferred_element_type=jnp.float32,
                     precision=lax.Precision.HIGHEST) + b1[...]
        out[...] = jnp.maximum(h1, 0.0) * di

    return pl.pallas_call(
        body,
        grid=(n // _R,),
        in_specs=[
            pl.BlockSpec((NC, _R, 8), lambda i: (0, i, 0)),
            pl.BlockSpec((_R, 8), lambda i: (i, 0)),
            pl.BlockSpec((8, 64), lambda i: (0, 0)),
            pl.BlockSpec((1, 64), lambda i: (0, 0)),
        ],
        out_specs=pl.BlockSpec((_R, 64), lambda i: (i, 0)),
        out_shape=jax.ShapeDtypeStruct((n, 64), jnp.float32),
    )


def _make_tc3(n, pad_edges):
    def body(s2c, t4, dinv, w2, b2, w3p, out):
        pid = pl.program_id(0)
        hh = t4[...]
        s = s2c[...]
        s = s - jnp.where(_row0_mask(pid, _R), float(pad_edges) * hh[0:1, :], 0.0)
        a2 = dinv[...] * (s + hh)
        h2 = jnp.dot(a2, w2[...], preferred_element_type=jnp.float32,
                     precision=lax.Precision.HIGHEST) + b2[...]
        h2 = jnp.maximum(h2, 0.0)
        t = jnp.dot(h2, w3p[...], preferred_element_type=jnp.float32,
                    precision=lax.Precision.HIGHEST)
        di = dinv[...]
        col1 = (lax.broadcasted_iota(jnp.int32, (1, 8), 1) == 1).astype(jnp.float32)
        out[...] = t * di + di * col1

    return pl.pallas_call(
        body,
        grid=(n // _R,),
        in_specs=[
            pl.BlockSpec((_R, 64), lambda i: (i, 0)),
            pl.BlockSpec((_R, 64), lambda i: (i, 0)),
            pl.BlockSpec((_R, 1), lambda i: (i, 0)),
            pl.BlockSpec((64, 64), lambda i: (0, 0)),
            pl.BlockSpec((1, 64), lambda i: (0, 0)),
            pl.BlockSpec((64, 8), lambda i: (0, 0)),
        ],
        out_specs=pl.BlockSpec((_R, 8), lambda i: (i, 0)),
        out_shape=jax.ShapeDtypeStruct((n, 8), jnp.float32),
    )


def _make_tc4(n, pad_edges):
    def body(s3p, h3hat, b3, out):
        pid = pl.program_id(0)
        sp = s3p[...]
        hh = h3hat[...]
        s = sp[0] + sp[1]
        s = s - jnp.where(_row0_mask(pid, _R), float(pad_edges) * hh[0:1, :], 0.0)
        o = hh[:, 1:2] * (s + hh)
        out[...] = o[:, 0:1] + b3[...]

    return pl.pallas_call(
        body,
        grid=(n // _R,),
        in_specs=[
            pl.BlockSpec((NC, _R, 8), lambda i: (0, i, 0)),
            pl.BlockSpec((_R, 8), lambda i: (i, 0)),
            pl.BlockSpec((1, 1), lambda i: (0, 0)),
        ],
        out_specs=pl.BlockSpec((_R, 1), lambda i: (i, 0)),
        out_shape=jax.ShapeDtypeStruct((n, 1), jnp.float32),
    )


def kernel(x, edge_index, W1, b1, W2, b2, W3, b3):
    n, f = x.shape
    e = edge_index.shape[1]
    h = W1.shape[1]
    assert f == 5 and h == 64 and W3.shape[1] == 1

    unit = NC * NS * 1024
    e_pad = ((e + unit - 1) // unit) * unit
    pad = e_pad - e
    n_unit = NS * ROW_BLK
    n_pad = ((n + n_unit - 1) // n_unit) * n_unit

    src = jnp.concatenate([edge_index[0], jnp.zeros((pad,), jnp.int32)])
    dst = jnp.concatenate([edge_index[1], jnp.zeros((pad,), jnp.int32)])
    dst2d = dst.reshape(-1, 128)
    ones = jnp.ones((128, 4), jnp.float32)
    z4 = jnp.zeros((ROW_BLK, 4), jnp.float32)
    z8 = jnp.zeros((ROW_BLK, 8), jnp.float32)

    degp = _make_deg_count(n_pad, e_pad)(dst2d, ones, z4)
    xpad = jnp.pad(x, ((0, 0), (0, 8 - f)))
    xhat, dinv = _make_tc1(n, pad)(degp, xpad)

    segsum8 = _make_segsum8(n_pad, e_pad)
    s1p = segsum8(xhat, src, dst, z8)
    w1p = jnp.pad(W1, ((0, 8 - f), (0, 0)))
    h1hat = _make_tc2(n, pad)(s1p, xhat, w1p, b1.reshape(1, h))

    z16 = jnp.zeros((320, 16), jnp.float32)
    h1lin = h1hat.reshape(4 * n, 16)
    src4 = src * 4
    src4cat = jnp.concatenate([src4, src4 + 1, src4 + 2, src4 + 3])
    s2m = _make_segsum16x4(n_pad, e_pad)(h1lin, src4cat, dst, z16)

    w3p = jnp.pad(W3, ((0, 0), (0, 7)))
    h3hatp = _make_tc3(n, pad)(s2m, h1hat, dinv, W2, b2.reshape(1, h), w3p)

    s3p = segsum8(h3hatp, src, dst, z8)
    out = _make_tc4(n, pad)(s3p, h3hatp, b3.reshape(1, 1))
    return out

# --- scband reference (transcript-rebuilt; emitter-appended) ---
"""Pipeline reference for scband-energy-flow-gnn-23287312679270 (READ-ONLY COPY).

The authoritative reference and input builder live on the scoring server;
editing this copy changes nothing except your own understanding.
"""

import jax, jax.numpy as jnp
import numpy as np

N = 100000
E = 1600000
F = 5
H = 64


def gcn_conv(x, edge_index, W, b, num_nodes):
    # PyG-style GCNConv: add self-loops, symmetric normalization, linear transform, scatter-add
    src = edge_index[0]
    dst = edge_index[1]
    loop = jnp.arange(num_nodes, dtype=src.dtype)
    src = jnp.concatenate([src, loop])
    dst = jnp.concatenate([dst, loop])
    deg = jnp.zeros((num_nodes,), dtype=x.dtype).at[dst].add(1.0)
    dinv = jnp.where(deg > 0, jax.lax.rsqrt(deg), 0.0)
    norm = dinv[src] * dinv[dst]
    h = x @ W  # [N, out]
    msg = h[src] * norm[:, None]  # gather + scale
    out = jnp.zeros((num_nodes, W.shape[1]), dtype=x.dtype).at[dst].add(msg)
    return out + b


def setup_inputs(seed: int = 0) -> dict:
    key = jax.random.key(seed)
    ks = jax.random.split(key, 8)
    x = jax.random.normal(ks[0], (N, F), dtype=jnp.float32)
    edge_index = jax.random.randint(ks[1], (2, E), 0, N, dtype=jnp.int32)
    W1 = jax.random.normal(ks[2], (F, H), dtype=jnp.float32) * (1.0 / np.sqrt(F))
    b1 = jnp.zeros((H,), dtype=jnp.float32)
    W2 = jax.random.normal(ks[3], (H, H), dtype=jnp.float32) * (1.0 / np.sqrt(H))
    b2 = jnp.zeros((H,), dtype=jnp.float32)
    W3 = jax.random.normal(ks[4], (H, 1), dtype=jnp.float32) * (1.0 / np.sqrt(H))
    b3 = jnp.zeros((1,), dtype=jnp.float32)
    return {"x": x, "edge_index": edge_index, "W1": W1, "b1": b1, "W2": W2, "b2": b2, "W3": W3, "b3": b3}


def reference(x, edge_index, W1, b1, W2, b2, W3, b3):
    h = gcn_conv(x, edge_index, W1, b1, N)
    h = jax.nn.relu(h)
    h = gcn_conv(h, edge_index, W2, b2, N)
    h = jax.nn.relu(h)
    out = gcn_conv(h, edge_index, W3, b3, N)
    return out

if __name__ == "__main__":
    import jax
    _d = setup_inputs()
    print(jax.jit(kernel)(*tuple(_d.values())))

</pallas_src>

<mosaic_0001>
#map = affine_map<(d0, d1) -> (0, 0)>
#map1 = affine_map<(d0, d1) -> (0)>
#map2 = affine_map<(d0, d1) -> (0, 0, 0)>
module attributes {stable_mosaic.version = 14 : i64} {
  func.func @segsum_kernel(%arg0: i32, %arg1: i32, %arg2: memref<100000x8xf32, #tpu.memory_space<hbm>>, %arg3: memref<1605632xi32, #tpu.memory_space<hbm>>, %arg4: memref<1605632xi32, #tpu.memory_space<hbm>>, %arg5: memref<1280x8xf32, #tpu.memory_space<hbm>>, %arg6: memref<2x102400x8xf32, #tpu.memory_space<hbm>>, %arg7: memref<1792xi32, #tpu.memory_space<vmem>>, %arg8: memref<1792xi32, #tpu.memory_space<vmem>>, %arg9: memref<1792xi32, #tpu.memory_space<vmem>>, %arg10: memref<1792xi32, #tpu.memory_space<vmem>>, %arg11: memref<1792x8xf32, #tpu.memory_space<vmem>>, %arg12: memref<1792x8xf32, #tpu.memory_space<vmem>>, %arg13: memref<1280x8xf32, #tpu.memory_space<vmem>>, %arg14: memref<102400x8xf32, #tpu.memory_space<vmem_shared>>, %arg15: memref<!tpu.dma_semaphore, #tpu.memory_space<semaphore_mem>>, %arg16: memref<!tpu.dma_semaphore, #tpu.memory_space<semaphore_mem>>, %arg17: memref<!tpu.dma_semaphore, #tpu.memory_space<semaphore_mem>>, %arg18: memref<!tpu.dma_semaphore, #tpu.memory_space<semaphore_mem>>) attributes {dimension_semantics = [#tpu.dimension_semantics<core_parallel>, #tpu.dimension_semantics<subcore_parallel>], iteration_bounds = array<i64: 2, 16>, scalar_prefetch = 0 : i64, scratch_operands = 12 : i64, tpu.core_type = #tpu.core_type<sc_vector_subcore>, window_params = [{transform_indices = #map}, {transform_indices = #map1}, {transform_indices = #map1}, {transform_indices = #map}, {transform_indices = #map2}]} {
    %mul3A = arith.constant 16 : i32
    %mul3A_0 = arith.muli %arg0, %mul3A : i32
    %add3A = arith.addi %mul3A_0, %arg1 : i32
    "tpu.region"() ({
      %run_scoped3A = tpu.sem_alloc : memref<!tpu.dma_semaphore, #tpu.memory_space<semaphore_mem>>
      tpu.enqueue_dma source(%arg5 : memref<1280x8xf32, #tpu.memory_space<hbm>>) target(%arg13 : memref<1280x8xf32, #tpu.memory_space<vmem>>) target_semaphore(%run_scoped3A : memref<!tpu.dma_semaphore, #tpu.memory_space<semaphore_mem>>)
      tpu.wait_dma2 semaphore(%run_scoped3A : memref<!tpu.dma_semaphore, #tpu.memory_space<semaphore_mem>>) src(%arg5 : memref<1280x8xf32, #tpu.memory_space<hbm>>) dst(%arg13 : memref<1280x8xf32, #tpu.memory_space<vmem>>)
      tpu.yield
    }) : () -> ()
    %mul3A_1 = arith.constant 6400 : i32
    %mul3A_2 = arith.muli %arg1, %mul3A_1 : i32
    %add3A_3 = arith.constant 0 : i32
    %add3A_4 = arith.addi %mul3A_2, %add3A_3 : i32
    "tpu.region"() ({
      %run_scoped3A = tpu.sem_alloc : memref<!tpu.dma_semaphore, #tpu.memory_space<semaphore_mem>>
      %dma_start3A_53 = arith.constant 0 : i32
      %dma_start3A_54 = tpu.memref_slice %arg14[%add3A_4, %dma_start3A_53] : memref<102400x8xf32, #tpu.memory_space<vmem_shared>> -> memref<1280x8xf32, #tpu.memory_space<vmem_shared>>
      %dma_start3A_55 = arith.constant 0 : i32
      %dma_start3A_56 = tpu.memref_slice %arg14[%add3A_4, %dma_start3A_55] : memref<102400x8xf32, #tpu.memory_space<vmem_shared>> -> memref<1280x8xf32, #tpu.memory_space<vmem_shared>>
      tpu.enqueue_dma source(%arg13 : memref<1280x8xf32, #tpu.memory_space<vmem>>) target(%dma_start3A_56 : memref<1280x8xf32, #tpu.memory_space<vmem_shared>>) target_semaphore(%run_scoped3A : memref<!tpu.dma_semaphore, #tpu.memory_space<semaphore_mem>>)
      %dma_wait3A_57 = arith.constant 0 : i32
      %dma_wait3A_58 = tpu.memref_slice %arg14[%add3A_4, %dma_wait3A_57] : memref<102400x8xf32, #tpu.memory_space<vmem_shared>> -> memref<1280x8xf32, #tpu.memory_space<vmem_shared>>
      %dma_wait3A_59 = arith.constant 0 : i32
      %dma_wait3A_60 = tpu.memref_slice %arg14[%add3A_4, %dma_wait3A_59] : memref<102400x8xf32, #tpu.memory_space<vmem_shared>> -> memref<1280x8xf32, #tpu.memory_space<vmem_shared>>
      tpu.wait_dma2 semaphore(%run_scoped3A : memref<!tpu.dma_semaphore, #tpu.memory_space<semaphore_mem>>) src(%arg13 : memref<1280x8xf32, #tpu.memory_space<vmem>>) dst(%dma_wait3A_60 : memref<1280x8xf32, #tpu.memory_space<vmem_shared>>)
      tpu.yield
    }) : () -> ()
    %add3A_5 = arith.constant 1280 : i32
    %add3A_6 = arith.addi %mul3A_2, %add3A_5 : i32
    "tpu.region"() ({
      %run_scoped3A = tpu.sem_alloc : memref<!tpu.dma_semaphore, #tpu.memory_space<semaphore_mem>>
      %dma_start3A_53 = arith.constant 0 : i32
      %dma_start3A_54 = tpu.memref_slice %arg14[%add3A_6, %dma_start3A_53] : memref<102400x8xf32, #tpu.memory_space<vmem_shared>> -> memref<1280x8xf32, #tpu.memory_space<vmem_shared>>
      %dma_start3A_55 = arith.constant 0 : i32
      %dma_start3A_56 = tpu.memref_slice %arg14[%add3A_6, %dma_start3A_55] : memref<102400x8xf32, #tpu.memory_space<vmem_shared>> -> memref<1280x8xf32, #tpu.memory_space<vmem_shared>>
      tpu.enqueue_dma source(%arg13 : memref<1280x8xf32, #tpu.memory_space<vmem>>) target(%dma_start3A_56 : memref<1280x8xf32, #tpu.memory_space<vmem_shared>>) target_semaphore(%run_scoped3A : memref<!tpu.dma_semaphore, #tpu.memory_space<semaphore_mem>>)
      %dma_wait3A_57 = arith.constant 0 : i32
      %dma_wait3A_58 = tpu.memref_slice %arg14[%add3A_6, %dma_wait3A_57] : memref<102400x8xf32, #tpu.memory_space<vmem_shared>> -> memref<1280x8xf32, #tpu.memory_space<vmem_shared>>
      %dma_wait3A_59 = arith.constant 0 : i32
      %dma_wait3A_60 = tpu.memref_slice %arg14[%add3A_6, %dma_wait3A_59] : memref<102400x8xf32, #tpu.memory_space<vmem_shared>> -> memref<1280x8xf32, #tpu.memory_space<vmem_shared>>
      tpu.wait_dma2 semaphore(%run_scoped3A : memref<!tpu.dma_semaphore, #tpu.memory_space<semaphore_mem>>) src(%arg13 : memref<1280x8xf32, #tpu.memory_space<vmem>>) dst(%dma_wait3A_60 : memref<1280x8xf32, #tpu.memory_space<vmem_shared>>)
      tpu.yield
    }) : () -> ()
    %add3A_7 = arith.constant 2560 : i32
    %add3A_8 = arith.addi %mul3A_2, %add3A_7 : i32
    "tpu.region"() ({
      %run_scoped3A = tpu.sem_alloc : memref<!tpu.dma_semaphore, #tpu.memory_space<semaphore_mem>>
      %dma_start3A_53 = arith.constant 0 : i32
      %dma_start3A_54 = tpu.memref_slice %arg14[%add3A_8, %dma_start3A_53] : memref<102400x8xf32, #tpu.memory_space<vmem_shared>> -> memref<1280x8xf32, #tpu.memory_space<vmem_shared>>
      %dma_start3A_55 = arith.constant 0 : i32
      %dma_start3A_56 = tpu.memref_slice %arg14[%add3A_8, %dma_start3A_55] : memref<102400x8xf32, #tpu.memory_space<vmem_shared>> -> memref<1280x8xf32, #tpu.memory_space<vmem_shared>>
      tpu.enqueue_dma source(%arg13 : memref<1280x8xf32, #tpu.memory_space<vmem>>) target(%dma_start3A_56 : memref<1280x8xf32, #tpu.memory_space<vmem_shared>>) target_semaphore(%run_scoped3A : memref<!tpu.dma_semaphore, #tpu.memory_space<semaphore_mem>>)
      %dma_wait3A_57 = arith.constant 0 : i32
      %dma_wait3A_58 = tpu.memref_slice %arg14[%add3A_8, %dma_wait3A_57] : memref<102400x8xf32, #tpu.memory_space<vmem_shared>> -> memref<1280x8xf32, #tpu.memory_space<vmem_shared>>
      %dma_wait3A_59 = arith.constant 0 : i32
      %dma_wait3A_60 = tpu.memref_slice %arg14[%add3A_8, %dma_wait3A_59] : memref<102400x8xf32, #tpu.memory_space<vmem_shared>> -> memref<1280x8xf32, #tpu.memory_space<vmem_shared>>
      tpu.wait_dma2 semaphore(%run_scoped3A : memref<!tpu.dma_semaphore, #tpu.memory_space<semaphore_mem>>) src(%arg13 : memref<1280x8xf32, #tpu.memory_space<vmem>>) dst(%dma_wait3A_60 : memref<1280x8xf32, #tpu.memory_space<vmem_shared>>)
      tpu.yield
    }) : () -> ()
    %add3A_9 = arith.constant 3840 : i32
    %add3A_10 = arith.addi %mul3A_2, %add3A_9 : i32
    "tpu.region"() ({
      %run_scoped3A = tpu.sem_alloc : memref<!tpu.dma_semaphore, #tpu.memory_space<semaphore_mem>>
      %dma_start3A_53 = arith.constant 0 : i32
      %dma_start3A_54 = tpu.memref_slice %arg14[%add3A_10, %dma_start3A_53] : memref<102400x8xf32, #tpu.memory_space<vmem_shared>> -> memref<1280x8xf32, #tpu.memory_space<vmem_shared>>
      %dma_start3A_55 = arith.constant 0 : i32
      %dma_start3A_56 = tpu.memref_slice %arg14[%add3A_10, %dma_start3A_55] : memref<102400x8xf32, #tpu.memory_space<vmem_shared>> -> memref<1280x8xf32, #tpu.memory_space<vmem_shared>>
      tpu.enqueue_dma source(%arg13 : memref<1280x8xf32, #tpu.memory_space<vmem>>) target(%dma_start3A_56 : memref<1280x8xf32, #tpu.memory_space<vmem_shared>>) target_semaphore(%run_scoped3A : memref<!tpu.dma_semaphore, #tpu.memory_space<semaphore_mem>>)
      %dma_wait3A_57 = arith.constant 0 : i32
      %dma_wait3A_58 = tpu.memref_slice %arg14[%add3A_10, %dma_wait3A_57] : memref<102400x8xf32, #tpu.memory_space<vmem_shared>> -> memref<1280x8xf32, #tpu.memory_space<vmem_shared>>
      %dma_wait3A_59 = arith.constant 0 : i32
      %dma_wait3A_60 = tpu.memref_slice %arg14[%add3A_10, %dma_wait3A_59] : memref<102400x8xf32, #tpu.memory_space<vmem_shared>> -> memref<1280x8xf32, #tpu.memory_space<vmem_shared>>
      tpu.wait_dma2 semaphore(%run_scoped3A : memref<!tpu.dma_semaphore, #tpu.memory_space<semaphore_mem>>) src(%arg13 : memref<1280x8xf32, #tpu.memory_space<vmem>>) dst(%dma_wait3A_60 : memref<1280x8xf32, #tpu.memory_space<vmem_shared>>)
      tpu.yield
    }) : () -> ()
    %add3A_11 = arith.constant 5120 : i32
    %add3A_12 = arith.addi %mul3A_2, %add3A_11 : i32
    "tpu.region"() ({
      %run_scoped3A = tpu.sem_alloc : memref<!tpu.dma_semaphore, #tpu.memory_space<semaphore_mem>>
      %dma_start3A_53 = arith.constant 0 : i32
      %dma_start3A_54 = tpu.memref_slice %arg14[%add3A_12, %dma_start3A_53] : memref<102400x8xf32, #tpu.memory_space<vmem_shared>> -> memref<1280x8xf32, #tpu.memory_space<vmem_shared>>
      %dma_start3A_55 = arith.constant 0 : i32
      %dma_start3A_56 = tpu.memref_slice %arg14[%add3A_12, %dma_start3A_55] : memref<102400x8xf32, #tpu.memory_space<vmem_shared>> -> memref<1280x8xf32, #tpu.memory_space<vmem_shared>>
      tpu.enqueue_dma source(%arg13 : memref<1280x8xf32, #tpu.memory_space<vmem>>) target(%dma_start3A_56 : memref<1280x8xf32, #tpu.memory_space<vmem_shared>>) target_semaphore(%run_scoped3A : memref<!tpu.dma_semaphore, #tpu.memory_space<semaphore_mem>>)
      %dma_wait3A_57 = arith.constant 0 : i32
      %dma_wait3A_58 = tpu.memref_slice %arg14[%add3A_12, %dma_wait3A_57] : memref<102400x8xf32, #tpu.memory_space<vmem_shared>> -> memref<1280x8xf32, #tpu.memory_space<vmem_shared>>
      %dma_wait3A_59 = arith.constant 0 : i32
      %dma_wait3A_60 = tpu.memref_slice %arg14[%add3A_12, %dma_wait3A_59] : memref<102400x8xf32, #tpu.memory_space<vmem_shared>> -> memref<1280x8xf32, #tpu.memory_space<vmem_shared>>
      tpu.wait_dma2 semaphore(%run_scoped3A : memref<!tpu.dma_semaphore, #tpu.memory_space<semaphore_mem>>) src(%arg13 : memref<1280x8xf32, #tpu.memory_space<vmem>>) dst(%dma_wait3A_60 : memref<1280x8xf32, #tpu.memory_space<vmem_shared>>)
      tpu.yield
    }) : () -> ()
    %barrier3A = arith.constant 0 : index
    tpu.barrier barrier_id(%barrier3A)
    %mul3A_13 = arith.constant 50176 : i32
    %mul3A_14 = arith.muli %add3A, %mul3A_13 : i32
    %mul3A_15 = arith.constant 50176 : i32
    %mul3A_16 = arith.muli %add3A, %mul3A_15 : i32
    %add3A_17 = arith.constant 0 : i32
    %add3A_18 = arith.addi %mul3A_14, %add3A_17 : i32
    %dma_start3A = tpu.memref_slice %arg3[%add3A_18] : memref<1605632xi32, #tpu.memory_space<hbm>> -> memref<1792xi32, #tpu.memory_space<hbm>>
    %dma_start3A_19 = tpu.memref_slice %arg3[%add3A_18] : memref<1605632xi32, #tpu.memory_space<hbm>> -> memref<1792xi32, #tpu.memory_space<hbm>>
    tpu.enqueue_dma source(%dma_start3A_19 : memref<1792xi32, #tpu.memory_space<hbm>>) target(%arg7 : memref<1792xi32, #tpu.memory_space<vmem>>) target_semaphore(%arg18 : memref<!tpu.dma_semaphore, #tpu.memory_space<semaphore_mem>>)
    %add3A_20 = arith.constant 0 : i32
    %add3A_21 = arith.addi %mul3A_16, %add3A_20 : i32
    %dma_start3A_22 = tpu.memref_slice %arg4[%add3A_21] : memref<1605632xi32, #tpu.memory_space<hbm>> -> memref<1792xi32, #tpu.memory_space<hbm>>
    %dma_start3A_23 = tpu.memref_slice %arg4[%add3A_21] : memref<1605632xi32, #tpu.memory_space<hbm>> -> memref<1792xi32, #tpu.memory_space<hbm>>
    tpu.enqueue_dma source(%dma_start3A_23 : memref<1792xi32, #tpu.memory_space<hbm>>) target(%arg9 : memref<1792xi32, #tpu.memory_space<vmem>>) target_semaphore(%arg18 : memref<!tpu.dma_semaphore, #tpu.memory_space<semaphore_mem>>)
    %dma_wait3A = tpu.memref_slice %arg3[%mul3A_14] : memref<1605632xi32, #tpu.memory_space<hbm>> -> memref<1792xi32, #tpu.memory_space<hbm>>
    %dma_wait3A_24 = tpu.memref_slice %arg3[%mul3A_14] : memref<1605632xi32, #tpu.memory_space<hbm>> -> memref<1792xi32, #tpu.memory_space<hbm>>
    tpu.wait_dma2 semaphore(%arg18 : memref<!tpu.dma_semaphore, #tpu.memory_space<semaphore_mem>>) src(%dma_wait3A_24 : memref<1792xi32, #tpu.memory_space<hbm>>) dst(%arg7 : memref<1792xi32, #tpu.memory_space<vmem>>)
    %dma_wait3A_25 = tpu.memref_slice %arg4[%mul3A_16] : memref<1605632xi32, #tpu.memory_space<hbm>> -> memref<1792xi32, #tpu.memory_space<hbm>>
    %dma_wait3A_26 = tpu.memref_slice %arg4[%mul3A_16] : memref<1605632xi32, #tpu.memory_space<hbm>> -> memref<1792xi32, #tpu.memory_space<hbm>>
    tpu.wait_dma2 semaphore(%arg18 : memref<!tpu.dma_semaphore, #tpu.memory_space<semaphore_mem>>) src(%dma_wait3A_26 : memref<1792xi32, #tpu.memory_space<hbm>>) dst(%arg9 : memref<1792xi32, #tpu.memory_space<vmem>>)
    %dma_start3A_27 = arith.constant 0 : i32
    %dma_start3A_28 = arith.constant 0 : i32
    %dma_start3A_29 = tpu.memref_slice %arg2[%dma_start3A_27, %dma_start3A_28] : memref<100000x8xf32, #tpu.memory_space<hbm>> -> memref<100000x8xf32, #tpu.memory_space<hbm>>
    tpu.enqueue_indirect_dma source(%dma_start3A_29 : memref<100000x8xf32, #tpu.memory_space<hbm>>) target(%arg11 : memref<1792x8xf32, #tpu.memory_space<vmem>>) offsets(%arg7 : memref<1792xi32, #tpu.memory_space<vmem>>) semaphore(%arg15 : memref<!tpu.dma_semaphore, #tpu.memory_space<semaphore_mem>>)
    %add3A_30 = arith.constant 1792 : i32
    %add3A_31 = arith.addi %mul3A_14, %add3A_30 : i32
    %dma_start3A_32 = tpu.memref_slice %arg3[%add3A_31] : memref<1605632xi32, #tpu.memory_space<hbm>> -> memref<1792xi32, #tpu.memory_space<hbm>>
    %dma_start3A_33 = tpu.memref_slice %arg3[%add3A_31] : memref<1605632xi32, #tpu.memory_space<hbm>> -> memref<1792xi32, #tpu.memory_space<hbm>>
    tpu.enqueue_dma source(%dma_start3A_33 : memref<1792xi32, #tpu.memory_space<hbm>>) target(%arg8 : memref<1792xi32, #tpu.memory_space<vmem>>) target_semaphore(%arg18 : memref<!tpu.dma_semaphore, #tpu.memory_space<semaphore_mem>>)
    %add3A_34 = arith.constant 1792 : i32
    %add3A_35 = arith.addi %mul3A_16, %add3A_34 : i32
    %dma_start3A_36 = tpu.memref_slice %arg4[%add3A_35] : memref<1605632xi32, #tpu.memory_space<hbm>> -> memref<1792xi32, #tpu.memory_space<hbm>>
    %dma_start3A_37 = tpu.memref_slice %arg4[%add3A_35] : memref<1605632xi32, #tpu.memory_space<hbm>> -> memref<1792xi32, #tpu.memory_space<hbm>>
    tpu.enqueue_dma source(%dma_start3A_37 : memref<1792xi32, #tpu.memory_space<hbm>>) target(%arg10 : memref<1792xi32, #tpu.memory_space<vmem>>) target_semaphore(%arg18 : memref<!tpu.dma_semaphore, #tpu.memory_space<semaphore_mem>>)
    %scan3A = arith.constant 0 : i32
    %scan3A_38 = arith.constant 14 : i32
    %scan3A_39 = arith.addi %scan3A, %scan3A_38 : i32
    %scan3A_40 = arith.constant 1 : i32
    scf.for %scan3A_53 = %scan3A to %scan3A_39 step %scan3A_40  : i32 {
      %mul3A_54 = arith.constant 2 : i32
      %mul3A_55 = arith.muli %scan3A_53, %mul3A_54 : i32
      %add3A_56 = arith.constant 0 : i32
      %add3A_57 = arith.addi %add3A_56, %mul3A_55 : i32
      %dma_wait3A_58 = tpu.memref_slice %arg3[%mul3A_14] : memref<1605632xi32, #tpu.memory_space<hbm>> -> memref<1792xi32, #tpu.memory_space<hbm>>
      %dma_wait3A_59 = tpu.memref_slice %arg3[%mul3A_14] : memref<1605632xi32, #tpu.memory_space<hbm>> -> memref<1792xi32, #tpu.memory_space<hbm>>
      tpu.wait_dma2 semaphore(%arg18 : memref<!tpu.dma_semaphore, #tpu.memory_space<semaphore_mem>>) src(%dma_wait3A_59 : memref<1792xi32, #tpu.memory_space<hbm>>) dst(%arg8 : memref<1792xi32, #tpu.memory_space<vmem>>)
      %dma_wait3A_60 = tpu.memref_slice %arg4[%mul3A_16] : memref<1605632xi32, #tpu.memory_space<hbm>> -> memref<1792xi32, #tpu.memory_space<hbm>>
      %dma_wait3A_61 = tpu.memref_slice %arg4[%mul3A_16] : memref<1605632xi32, #tpu.memory_space<hbm>> -> memref<1792xi32, #tpu.memory_space<hbm>>
      tpu.wait_dma2 semaphore(%arg18 : memref<!tpu.dma_semaphore, #tpu.memory_space<semaphore_mem>>) src(%dma_wait3A_61 : memref<1792xi32, #tpu.memory_space<hbm>>) dst(%arg10 : memref<1792xi32, #tpu.memory_space<vmem>>)
      %dma_start3A_62 = arith.constant 0 : i32
      %dma_start3A_63 = arith.constant 0 : i32
      %dma_start3A_64 = tpu.memref_slice %arg2[%dma_start3A_62, %dma_start3A_63] : memref<100000x8xf32, #tpu.memory_space<hbm>> -> memref<100000x8xf32, #tpu.memory_space<hbm>>
      tpu.enqueue_indirect_dma source(%dma_start3A_64 : memref<100000x8xf32, #tpu.memory_space<hbm>>) target(%arg12 : memref<1792x8xf32, #tpu.memory_space<vmem>>) offsets(%arg8 : memref<1792xi32, #tpu.memory_space<vmem>>) semaphore(%arg16 : memref<!tpu.dma_semaphore, #tpu.memory_space<semaphore_mem>>)
      %dma_wait3A_65 = arith.constant 0 : i32
      %dma_wait3A_66 = arith.constant 0 : i32
      %dma_wait3A_67 = tpu.memref_slice %arg2[%dma_wait3A_65, %dma_wait3A_66] : memref<100000x8xf32, #tpu.memory_space<hbm>> -> memref<100000x8xf32, #tpu.memory_space<hbm>>
      tpu.wait_indirect_dma semaphore(%arg15 : memref<!tpu.dma_semaphore, #tpu.memory_space<semaphore_mem>>) src(%dma_wait3A_67 : memref<100000x8xf32, #tpu.memory_space<hbm>>) dst(%arg11 : memref<1792x8xf32, #tpu.memory_space<vmem>>)
      %add3A_68 = arith.constant 2 : i32
      %add3A_69 = arith.addi %add3A_57, %add3A_68 : i32
      %lt3A = arith.constant 28 : i32
      %lt3A_70 = arith.cmpi slt, %add3A_69, %lt3A : i32
      %convert_element_type3A = arith.extui %lt3A_70 : i1 to i32
      %cond3A = arith.constant 0 : i32
      %cond3A_71 = arith.cmpi ne, %convert_element_type3A, %cond3A : i32
      scf.if %cond3A_71 {
        %add3A_101 = arith.constant 2 : i32
        %add3A_102 = arith.addi %add3A_57, %add3A_101 : i32
        %mul3A_103 = arith.constant 1792 : i32
        %mul3A_104 = arith.muli %add3A_102, %mul3A_103 : i32
        %add3A_105 = arith.addi %mul3A_14, %mul3A_104 : i32
        %dma_start3A_106 = tpu.memref_slice %arg3[%add3A_105] : memref<1605632xi32, #tpu.memory_space<hbm>> -> memref<1792xi32, #tpu.memory_space<hbm>>
        %dma_start3A_107 = tpu.memref_slice %arg3[%add3A_105] : memref<1605632xi32, #tpu.memory_space<hbm>> -> memref<1792xi32, #tpu.memory_space<hbm>>
        tpu.enqueue_dma source(%dma_start3A_107 : memref<1792xi32, #tpu.memory_space<hbm>>) target(%arg7 : memref<1792xi32, #tpu.memory_space<vmem>>) target_semaphore(%arg18 : memref<!tpu.dma_semaphore, #tpu.memory_space<semaphore_mem>>)
        %mul3A_108 = arith.constant 1792 : i32
        %mul3A_109 = arith.muli %add3A_102, %mul3A_108 : i32
        %add3A_110 = arith.addi %mul3A_16, %mul3A_109 : i32
        %dma_start3A_111 = tpu.memref_slice %arg4[%add3A_110] : memref<1605632xi32, #tpu.memory_space<hbm>> -> memref<1792xi32, #tpu.memory_space<hbm>>
        %dma_start3A_112 = tpu.memref_slice %arg4[%add3A_110] : memref<1605632xi32, #tpu.memory_space<hbm>> -> memref<1792xi32, #tpu.memory_space<hbm>>
        tpu.enqueue_dma source(%dma_start3A_112 : memref<1792xi32, #tpu.memory_space<hbm>>) target(%arg9 : memref<1792xi32, #tpu.memory_space<vmem>>) target_semaphore(%arg18 : memref<!tpu.dma_semaphore, #tpu.memory_space<semaphore_mem>>)
      } else {
      }
      %dma_start3A_72 = arith.constant 0 : i32
      %dma_start3A_73 = arith.constant 0 : i32
      %dma_start3A_74 = tpu.memref_slice %arg14[%dma_start3A_72, %dma_start3A_73] : memref<102400x8xf32, #tpu.memory_space<vmem_shared>> -> memref<102400x8xf32, #tpu.memory_space<vmem_shared>>
      tpu.enqueue_indirect_dma source(%arg11 : memref<1792x8xf32, #tpu.memory_space<vmem>>) target(%dma_start3A_74 : memref<102400x8xf32, #tpu.memory_space<vmem_shared>>) offsets(%arg9 : memref<1792xi32, #tpu.memory_space<vmem>>) semaphore(%arg17 : memref<!tpu.dma_semaphore, #tpu.memory_space<semaphore_mem>>) {add = true}
      %dma_wait3A_75 = arith.constant 0 : i32
      %dma_wait3A_76 = arith.constant 0 : i32
      %dma_wait3A_77 = tpu.memref_slice %arg14[%dma_wait3A_75, %dma_wait3A_76] : memref<102400x8xf32, #tpu.memory_space<vmem_shared>> -> memref<102400x8xf32, #tpu.memory_space<vmem_shared>>
      tpu.wait_indirect_dma semaphore(%arg17 : memref<!tpu.dma_semaphore, #tpu.memory_space<semaphore_mem>>) src(%arg11 : memref<1792x8xf32, #tpu.memory_space<vmem>>) dst(%dma_wait3A_77 : memref<102400x8xf32, #tpu.memory_space<vmem_shared>>)
      %add3A_78 = arith.constant 2 : i32
      %add3A_79 = arith.addi %add3A_57, %add3A_78 : i32
      %lt3A_80 = arith.constant 28 : i32
      %lt3A_81 = arith.cmpi slt, %add3A_79, %lt3A_80 : i32
      %convert_element_type3A_82 = arith.extui %lt3A_81 : i1 to i32
      %cond3A_83 = arith.constant 0 : i32
      %cond3A_84 = arith.cmpi ne, %convert_element_type3A_82, %cond3A_83 : i32
      scf.if %cond3A_84 {
        %dma_wait3A_101 = tpu.memref_slice %arg3[%mul3A_14] : memref<1605632xi32, #tpu.memory_space<hbm>> -> memref<1792xi32, #tpu.memory_space<hbm>>
        %dma_wait3A_102 = tpu.memref_slice %arg3[%mul3A_14] : memref<1605632xi32, #tpu.memory_space<hbm>> -> memref<1792xi32, #tpu.memory_space<hbm>>
        tpu.wait_dma2 semaphore(%arg18 : memref<!tpu.dma_semaphore, #tpu.memory_space<semaphore_mem>>) src(%dma_wait3A_102 : memref<1792xi32, #tpu.memory_space<hbm>>) dst(%arg7 : memref<1792xi32, #tpu.memory_space<vmem>>)
        %dma_wait3A_103 = tpu.memref_slice %arg4[%mul3A_16] : memref<1605632xi32, #tpu.memory_space<hbm>> -> memref<1792xi32, #tpu.memory_space<hbm>>
        %dma_wait3A_104 = tpu.memref_slice %arg4[%mul3A_16] : memref<1605632xi32, #tpu.memory_space<hbm>> -> memref<1792xi32, #tpu.memory_space<hbm>>
        tpu.wait_dma2 semaphore(%arg18 : memref<!tpu.dma_semaphore, #tpu.memory_space<semaphore_mem>>) src(%dma_wait3A_104 : memref<1792xi32, #tpu.memory_space<hbm>>) dst(%arg9 : memref<1792xi32, #tpu.memory_space<vmem>>)
        %dma_start3A_105 = arith.constant 0 : i32
        %dma_start3A_106 = arith.constant 0 : i32
        %dma_start3A_107 = tpu.memref_slice %arg2[%dma_start3A_105, %dma_start3A_106] : memref<100000x8xf32, #tpu.memory_space<hbm>> -> memref<100000x8xf32, #tpu.memory_space<hbm>>
        tpu.enqueue_indirect_dma source(%dma_start3A_107 : memref<100000x8xf32, #tpu.memory_space<hbm>>) target(%arg11 : memref<1792x8xf32, #tpu.memory_space<vmem>>) offsets(%arg7 : memref<1792xi32, #tpu.memory_space<vmem>>) semaphore(%arg15 : memref<!tpu.dma_semaphore, #tpu.memory_space<semaphore_mem>>)
      } else {
      }
      %dma_wait3A_85 = arith.constant 0 : i32
      %dma_wait3A_86 = arith.constant 0 : i32
      %dma_wait3A_87 = tpu.memref_slice %arg2[%dma_wait3A_85, %dma_wait3A_86] : memref<100000x8xf32, #tpu.memory_space<hbm>> -> memref<100000x8xf32, #tpu.memory_space<hbm>>
      tpu.wait_indirect_dma semaphore(%arg16 : memref<!tpu.dma_semaphore, #tpu.memory_space<semaphore_mem>>) src(%dma_wait3A_87 : memref<100000x8xf32, #tpu.memory_space<hbm>>) dst(%arg12 : memref<1792x8xf32, #tpu.memory_space<vmem>>)
      %add3A_88 = arith.constant 3 : i32
      %add3A_89 = arith.addi %add3A_57, %add3A_88 : i32
      %lt3A_90 = arith.constant 28 : i32
      %lt3A_91 = arith.cmpi slt, %add3A_89, %lt3A_90 : i32
      %convert_element_type3A_92 = arith.extui %lt3A_91 : i1 to i32
      %cond3A_93 = arith.constant 0 : i32
      %cond3A_94 = arith.cmpi ne, %convert_element_type3A_92, %cond3A_93 : i32
      scf.if %cond3A_94 {
        %add3A_101 = arith.constant 3 : i32
        %add3A_102 = arith.addi %add3A_57, %add3A_101 : i32
        %mul3A_103 = arith.constant 1792 : i32
        %mul3A_104 = arith.muli %add3A_102, %mul3A_103 : i32
        %add3A_105 = arith.addi %mul3A_14, %mul3A_104 : i32
        %dma_start3A_106 = tpu.memref_slice %arg3[%add3A_105] : memref<1605632xi32, #tpu.memory_space<hbm>> -> memref<1792xi32, #tpu.memory_space<hbm>>
        %dma_start3A_107 = tpu.memref_slice %arg3[%add3A_105] : memref<1605632xi32, #tpu.memory_space<hbm>> -> memref<1792xi32, #tpu.memory_space<hbm>>
        tpu.enqueue_dma source(%dma_start3A_107 : memref<1792xi32, #tpu.memory_space<hbm>>) target(%arg8 : memref<1792xi32, #tpu.memory_space<vmem>>) target_semaphore(%arg18 : memref<!tpu.dma_semaphore, #tpu.memory_space<semaphore_mem>>)
        %mul3A_108 = arith.constant 1792 : i32
        %mul3A_109 = arith.muli %add3A_102, %mul3A_108 : i32
        %add3A_110 = arith.addi %mul3A_16, %mul3A_109 : i32
        %dma_start3A_111 = tpu.memref_slice %arg4[%add3A_110] : memref<1605632xi32, #tpu.memory_space<hbm>> -> memref<1792xi32, #tpu.memory_space<hbm>>
        %dma_start3A_112 = tpu.memref_slice %arg4[%add3A_110] : memref<1605632xi32, #tpu.memory_space<hbm>> -> memref<1792xi32, #tpu.memory_space<hbm>>
        tpu.enqueue_dma source(%dma_start3A_112 : memref<1792xi32, #tpu.memory_space<hbm>>) target(%arg10 : memref<1792xi32, #tpu.memory_space<vmem>>) target_semaphore(%arg18 : memref<!tpu.dma_semaphore, #tpu.memory_space<semaphore_mem>>)
      } else {
      }
      %dma_start3A_95 = arith.constant 0 : i32
      %dma_start3A_96 = arith.constant 0 : i32
      %dma_start3A_97 = tpu.memref_slice %arg14[%dma_start3A_95, %dma_start3A_96] : memref<102400x8xf32, #tpu.memory_space<vmem_shared>> -> memref<102400x8xf32, #tpu.memory_space<vmem_shared>>
      tpu.enqueue_indirect_dma source(%arg12 : memref<1792x8xf32, #tpu.memory_space<vmem>>) target(%dma_start3A_97 : memref<102400x8xf32, #tpu.memory_space<vmem_shared>>) offsets(%arg10 : memref<1792xi32, #tpu.memory_space<vmem>>) semaphore(%arg17 : memref<!tpu.dma_semaphore, #tpu.memory_space<semaphore_mem>>) {add = true}
      %dma_wait3A_98 = arith.constant 0 : i32
      %dma_wait3A_99 = arith.constant 0 : i32
      %dma_wait3A_100 = tpu.memref_slice %arg14[%dma_wait3A_98, %dma_wait3A_99] : memref<102400x8xf32, #tpu.memory_space<vmem_shared>> -> memref<102400x8xf32, #tpu.memory_space<vmem_shared>>
      tpu.wait_indirect_dma semaphore(%arg17 : memref<!tpu.dma_semaphore, #tpu.memory_space<semaphore_mem>>) src(%arg12 : memref<1792x8xf32, #tpu.memory_space<vmem>>) dst(%dma_wait3A_100 : memref<102400x8xf32, #tpu.memory_space<vmem_shared>>)
    }
    %scan3A_41 = arith.constant 14 : i32
    %barrier3A_42 = arith.constant 0 : index
    tpu.barrier barrier_id(%barrier3A_42)
    %add3A_43 = arith.constant 0 : i32
    %add3A_44 = arith.addi %mul3A_2, %add3A_43 : i32
    "tpu.region"() ({
      %run_scoped3A = tpu.sem_alloc : memref<!tpu.dma_semaphore, #tpu.memory_space<semaphore_mem>>
      %dma_start3A_53 = arith.constant 0 : i32
      %dma_start3A_54 = arith.constant 0 : i32
      %dma_start3A_55 = tpu.memref_slice %arg6[%arg0, %dma_start3A_53, %dma_start3A_54] : memref<2x102400x8xf32, #tpu.memory_space<hbm>> -> memref<1x102400x8xf32, #tpu.memory_space<hbm>>
      %dma_start3A_56 = tpu.memref_squeeze %dma_start3A_55 : memref<1x102400x8xf32, #tpu.memory_space<hbm>> -> memref<102400x8xf32, #tpu.memory_space<hbm>>
      %dma_start3A_57 = arith.constant 0 : i32
      %dma_start3A_58 = tpu.memref_slice %dma_start3A_56[%add3A_44, %dma_start3A_57] : memref<102400x8xf32, #tpu.memory_space<hbm>> -> memref<1280x8xf32, #tpu.memory_space<hbm>>
      %dma_start3A_59 = arith.constant 0 : i32
      %dma_start3A_60 = tpu.memref_slice %arg14[%add3A_44, %dma_start3A_59] : memref<102400x8xf32, #tpu.memory_space<vmem_shared>> -> memref<1280x8xf32, #tpu.memory_space<vmem_shared>>
      tpu.enqueue_dma source(%dma_start3A_60 : memref<1280x8xf32, #tpu.memory_space<vmem_shared>>) target(%dma_start3A_58 : memref<1280x8xf32, #tpu.memory_space<hbm>>) target_semaphore(%run_scoped3A : memref<!tpu.dma_semaphore, #tpu.memory_space<semaphore_mem>>)
      %dma_wait3A_61 = arith.constant 0 : i32
      %dma_wait3A_62 = arith.constant 0 : i32
      %dma_wait3A_63 = tpu.memref_slice %arg6[%arg0, %dma_wait3A_61, %dma_wait3A_62] : memref<2x102400x8xf32, #tpu.memory_space<hbm>> -> memref<1x102400x8xf32, #tpu.memory_space<hbm>>
      %dma_wait3A_64 = tpu.memref_squeeze %dma_wait3A_63 : memref<1x102400x8xf32, #tpu.memory_space<hbm>> -> memref<102400x8xf32, #tpu.memory_space<hbm>>
      %dma_wait3A_65 = arith.constant 0 : i32
      %dma_wait3A_66 = tpu.memref_slice %dma_wait3A_64[%add3A_44, %dma_wait3A_65] : memref<102400x8xf32, #tpu.memory_space<hbm>> -> memref<1280x8xf32, #tpu.memory_space<hbm>>
      %dma_wait3A_67 = arith.constant 0 : i32
      %dma_wait3A_68 = tpu.memref_slice %arg14[%add3A_44, %dma_wait3A_67] : memref<102400x8xf32, #tpu.memory_space<vmem_shared>> -> memref<1280x8xf32, #tpu.memory_space<vmem_shared>>
      tpu.wait_dma2 semaphore(%run_scoped3A : memref<!tpu.dma_semaphore, #tpu.memory_space<semaphore_mem>>) src(%dma_wait3A_68 : memref<1280x8xf32, #tpu.memory_space<vmem_shared>>) dst(%dma_wait3A_66 : memref<1280x8xf32, #tpu.memory_space<hbm>>)
      tpu.yield
    }) : () -> ()
    %add3A_45 = arith.constant 1280 : i32
    %add3A_46 = arith.addi %mul3A_2, %add3A_45 : i32
    "tpu.region"() ({
      %run_scoped3A = tpu.sem_alloc : memref<!tpu.dma_semaphore, #tpu.memory_space<semaphore_mem>>
      %dma_start3A_53 = arith.constant 0 : i32
      %dma_start3A_54 = arith.constant 0 : i32
      %dma_start3A_55 = tpu.memref_slice %arg6[%arg0, %dma_start3A_53, %dma_start3A_54] : memref<2x102400x8xf32, #tpu.memory_space<hbm>> -> memref<1x102400x8xf32, #tpu.memory_space<hbm>>
      %dma_start3A_56 = tpu.memref_squeeze %dma_start3A_55 : memref<1x102400x8xf32, #tpu.memory_space<hbm>> -> memref<102400x8xf32, #tpu.memory_space<hbm>>
      %dma_start3A_57 = arith.constant 0 : i32
      %dma_start3A_58 = tpu.memref_slice %dma_start3A_56[%add3A_46, %dma_start3A_57] : memref<102400x8xf32, #tpu.memory_space<hbm>> -> memref<1280x8xf32, #tpu.memory_space<hbm>>
      %dma_start3A_59 = arith.constant 0 : i32
      %dma_start3A_60 = tpu.memref_slice %arg14[%add3A_46, %dma_start3A_59] : memref<102400x8xf32, #tpu.memory_space<vmem_shared>> -> memref<1280x8xf32, #tpu.memory_space<vmem_shared>>
      tpu.enqueue_dma source(%dma_start3A_60 : memref<1280x8xf32, #tpu.memory_space<vmem_shared>>) target(%dma_start3A_58 : memref<1280x8xf32, #tpu.memory_space<hbm>>) target_semaphore(%run_scoped3A : memref<!tpu.dma_semaphore, #tpu.memory_space<semaphore_mem>>)
      %dma_wait3A_61 = arith.constant 0 : i32
      %dma_wait3A_62 = arith.constant 0 : i32
      %dma_wait3A_63 = tpu.memref_slice %arg6[%arg0, %dma_wait3A_61, %dma_wait3A_62] : memref<2x102400x8xf32, #tpu.memory_space<hbm>> -> memref<1x102400x8xf32, #tpu.memory_space<hbm>>
      %dma_wait3A_64 = tpu.memref_squeeze %dma_wait3A_63 : memref<1x102400x8xf32, #tpu.memory_space<hbm>> -> memref<102400x8xf32, #tpu.memory_space<hbm>>
      %dma_wait3A_65 = arith.constant 0 : i32
      %dma_wait3A_66 = tpu.memref_slice %dma_wait3A_64[%add3A_46, %dma_wait3A_65] : memref<102400x8xf32, #tpu.memory_space<hbm>> -> memref<1280x8xf32, #tpu.memory_space<hbm>>
      %dma_wait3A_67 = arith.constant 0 : i32
      %dma_wait3A_68 = tpu.memref_slice %arg14[%add3A_46, %dma_wait3A_67] : memref<102400x8xf32, #tpu.memory_space<vmem_shared>> -> memref<1280x8xf32, #tpu.memory_space<vmem_shared>>
      tpu.wait_dma2 semaphore(%run_scoped3A : memref<!tpu.dma_semaphore, #tpu.memory_space<semaphore_mem>>) src(%dma_wait3A_68 : memref<1280x8xf32, #tpu.memory_space<vmem_shared>>) dst(%dma_wait3A_66 : memref<1280x8xf32, #tpu.memory_space<hbm>>)
      tpu.yield
    }) : () -> ()
    %add3A_47 = arith.constant 2560 : i32
    %add3A_48 = arith.addi %mul3A_2, %add3A_47 : i32
    "tpu.region"() ({
      %run_scoped3A = tpu.sem_alloc : memref<!tpu.dma_semaphore, #tpu.memory_space<semaphore_mem>>
      %dma_start3A_53 = arith.constant 0 : i32
      %dma_start3A_54 = arith.constant 0 : i32
      %dma_start3A_55 = tpu.memref_slice %arg6[%arg0, %dma_start3A_53, %dma_start3A_54] : memref<2x102400x8xf32, #tpu.memory_space<hbm>> -> memref<1x102400x8xf32, #tpu.memory_space<hbm>>
      %dma_start3A_56 = tpu.memref_squeeze %dma_start3A_55 : memref<1x102400x8xf32, #tpu.memory_space<hbm>> -> memref<102400x8xf32, #tpu.memory_space<hbm>>
      %dma_start3A_57 = arith.constant 0 : i32
      %dma_start3A_58 = tpu.memref_slice %dma_start3A_56[%add3A_48, %dma_start3A_57] : memref<102400x8xf32, #tpu.memory_space<hbm>> -> memref<1280x8xf32, #tpu.memory_space<hbm>>
      %dma_start3A_59 = arith.constant 0 : i32
      %dma_start3A_60 = tpu.memref_slice %arg14[%add3A_48, %dma_start3A_59] : memref<102400x8xf32, #tpu.memory_space<vmem_shared>> -> memref<1280x8xf32, #tpu.memory_space<vmem_shared>>
      tpu.enqueue_dma source(%dma_start3A_60 : memref<1280x8xf32, #tpu.memory_space<vmem_shared>>) target(%dma_start3A_58 : memref<1280x8xf32, #tpu.memory_space<hbm>>) target_semaphore(%run_scoped3A : memref<!tpu.dma_semaphore, #tpu.memory_space<semaphore_mem>>)
      %dma_wait3A_61 = arith.constant 0 : i32
      %dma_wait3A_62 = arith.constant 0 : i32
      %dma_wait3A_63 = tpu.memref_slice %arg6[%arg0, %dma_wait3A_61, %dma_wait3A_62] : memref<2x102400x8xf32, #tpu.memory_space<hbm>> -> memref<1x102400x8xf32, #tpu.memory_space<hbm>>
      %dma_wait3A_64 = tpu.memref_squeeze %dma_wait3A_63 : memref<1x102400x8xf32, #tpu.memory_space<hbm>> -> memref<102400x8xf32, #tpu.memory_space<hbm>>
      %dma_wait3A_65 = arith.constant 0 : i32
      %dma_wait3A_66 = tpu.memref_slice %dma_wait3A_64[%add3A_48, %dma_wait3A_65] : memref<102400x8xf32, #tpu.memory_space<hbm>> -> memref<1280x8xf32, #tpu.memory_space<hbm>>
      %dma_wait3A_67 = arith.constant 0 : i32
      %dma_wait3A_68 = tpu.memref_slice %arg14[%add3A_48, %dma_wait3A_67] : memref<102400x8xf32, #tpu.memory_space<vmem_shared>> -> memref<1280x8xf32, #tpu.memory_space<vmem_shared>>
      tpu.wait_dma2 semaphore(%run_scoped3A : memref<!tpu.dma_semaphore, #tpu.memory_space<semaphore_mem>>) src(%dma_wait3A_68 : memref<1280x8xf32, #tpu.memory_space<vmem_shared>>) dst(%dma_wait3A_66 : memref<1280x8xf32, #tpu.memory_space<hbm>>)
      tpu.yield
    }) : () -> ()
    %add3A_49 = arith.constant 3840 : i32
    %add3A_50 = arith.addi %mul3A_2, %add3A_49 : i32
    "tpu.region"() ({
      %run_scoped3A = tpu.sem_alloc : memref<!tpu.dma_semaphore, #tpu.memory_space<semaphore_mem>>
      %dma_start3A_53 = arith.constant 0 : i32
      %dma_start3A_54 = arith.constant 0 : i32
      %dma_start3A_55 = tpu.memref_slice %arg6[%arg0, %dma_start3A_53, %dma_start3A_54] : memref<2x102400x8xf32, #tpu.memory_space<hbm>> -> memref<1x102400x8xf32, #tpu.memory_space<hbm>>
      %dma_start3A_56 = tpu.memref_squeeze %dma_start3A_55 : memref<1x102400x8xf32, #tpu.memory_space<hbm>> -> memref<102400x8xf32, #tpu.memory_space<hbm>>
      %dma_start3A_57 = arith.constant 0 : i32
      %dma_start3A_58 = tpu.memref_slice %dma_start3A_56[%add3A_50, %dma_start3A_57] : memref<102400x8xf32, #tpu.memory_space<hbm>> -> memref<1280x8xf32, #tpu.memory_space<hbm>>
      %dma_start3A_59 = arith.constant 0 : i32
      %dma_start3A_60 = tpu.memref_slice %arg14[%add3A_50, %dma_start3A_59] : memref<102400x8xf32, #tpu.memory_space<vmem_shared>> -> memref<1280x8xf32, #tpu.memory_space<vmem_shared>>
      tpu.enqueue_dma source(%dma_start3A_60 : memref<1280x8xf32, #tpu.memory_space<vmem_shared>>) target(%dma_start3A_58 : memref<1280x8xf32, #tpu.memory_space<hbm>>) target_semaphore(%run_scoped3A : memref<!tpu.dma_semaphore, #tpu.memory_space<semaphore_mem>>)
      %dma_wait3A_61 = arith.constant 0 : i32
      %dma_wait3A_62 = arith.constant 0 : i32
      %dma_wait3A_63 = tpu.memref_slice %arg6[%arg0, %dma_wait3A_61, %dma_wait3A_62] : memref<2x102400x8xf32, #tpu.memory_space<hbm>> -> memref<1x102400x8xf32, #tpu.memory_space<hbm>>
      %dma_wait3A_64 = tpu.memref_squeeze %dma_wait3A_63 : memref<1x102400x8xf32, #tpu.memory_space<hbm>> -> memref<102400x8xf32, #tpu.memory_space<hbm>>
      %dma_wait3A_65 = arith.constant 0 : i32
      %dma_wait3A_66 = tpu.memref_slice %dma_wait3A_64[%add3A_50, %dma_wait3A_65] : memref<102400x8xf32, #tpu.memory_space<hbm>> -> memref<1280x8xf32, #tpu.memory_space<hbm>>
      %dma_wait3A_67 = arith.constant 0 : i32
      %dma_wait3A_68 = tpu.memref_slice %arg14[%add3A_50, %dma_wait3A_67] : memref<102400x8xf32, #tpu.memory_space<vmem_shared>> -> memref<1280x8xf32, #tpu.memory_space<vmem_shared>>
      tpu.wait_dma2 semaphore(%run_scoped3A : memref<!tpu.dma_semaphore, #tpu.memory_space<semaphore_mem>>) src(%dma_wait3A_68 : memref<1280x8xf32, #tpu.memory_space<vmem_shared>>) dst(%dma_wait3A_66 : memref<1280x8xf32, #tpu.memory_space<hbm>>)
      tpu.yield
    }) : () -> ()
    %add3A_51 = arith.constant 5120 : i32
    %add3A_52 = arith.addi %mul3A_2, %add3A_51 : i32
    "tpu.region"() ({
      %run_scoped3A = tpu.sem_alloc : memref<!tpu.dma_semaphore, #tpu.memory_space<semaphore_mem>>
      %dma_start3A_53 = arith.constant 0 : i32
      %dma_start3A_54 = arith.constant 0 : i32
      %dma_start3A_55 = tpu.memref_slice %arg6[%arg0, %dma_start3A_53, %dma_start3A_54] : memref<2x102400x8xf32, #tpu.memory_space<hbm>> -> memref<1x102400x8xf32, #tpu.memory_space<hbm>>
      %dma_start3A_56 = tpu.memref_squeeze %dma_start3A_55 : memref<1x102400x8xf32, #tpu.memory_space<hbm>> -> memref<102400x8xf32, #tpu.memory_space<hbm>>
      %dma_start3A_57 = arith.constant 0 : i32
      %dma_start3A_58 = tpu.memref_slice %dma_start3A_56[%add3A_52, %dma_start3A_57] : memref<102400x8xf32, #tpu.memory_space<hbm>> -> memref<1280x8xf32, #tpu.memory_space<hbm>>
      %dma_start3A_59 = arith.constant 0 : i32
      %dma_start3A_60 = tpu.memref_slice %arg14[%add3A_52, %dma_start3A_59] : memref<102400x8xf32, #tpu.memory_space<vmem_shared>> -> memref<1280x8xf32, #tpu.memory_space<vmem_shared>>
      tpu.enqueue_dma source(%dma_start3A_60 : memref<1280x8xf32, #tpu.memory_space<vmem_shared>>) target(%dma_start3A_58 : memref<1280x8xf32, #tpu.memory_space<hbm>>) target_semaphore(%run_scoped3A : memref<!tpu.dma_semaphore, #tpu.memory_space<semaphore_mem>>)
      %dma_wait3A_61 = arith.constant 0 : i32
      %dma_wait3A_62 = arith.constant 0 : i32
      %dma_wait3A_63 = tpu.memref_slice %arg6[%arg0, %dma_wait3A_61, %dma_wait3A_62] : memref<2x102400x8xf32, #tpu.memory_space<hbm>> -> memref<1x102400x8xf32, #tpu.memory_space<hbm>>
      %dma_wait3A_64 = tpu.memref_squeeze %dma_wait3A_63 : memref<1x102400x8xf32, #tpu.memory_space<hbm>> -> memref<102400x8xf32, #tpu.memory_space<hbm>>
      %dma_wait3A_65 = arith.constant 0 : i32
      %dma_wait3A_66 = tpu.memref_slice %dma_wait3A_64[%add3A_52, %dma_wait3A_65] : memref<102400x8xf32, #tpu.memory_space<hbm>> -> memref<1280x8xf32, #tpu.memory_space<hbm>>
      %dma_wait3A_67 = arith.constant 0 : i32
      %dma_wait3A_68 = tpu.memref_slice %arg14[%add3A_52, %dma_wait3A_67] : memref<102400x8xf32, #tpu.memory_space<vmem_shared>> -> memref<1280x8xf32, #tpu.memory_space<vmem_shared>>
      tpu.wait_dma2 semaphore(%run_scoped3A : memref<!tpu.dma_semaphore, #tpu.memory_space<semaphore_mem>>) src(%dma_wait3A_68 : memref<1280x8xf32, #tpu.memory_space<vmem_shared>>) dst(%dma_wait3A_66 : memref<1280x8xf32, #tpu.memory_space<hbm>>)
      tpu.yield
    }) : () -> ()
    return
  }
}

#map = affine_map<(d0, d1) -> (0, 0)>
#map1 = affine_map<(d0, d1) -> (0)>
module attributes {stable_mosaic.version = 14 : i64} {
  func.func @segsum_kernel(%arg0: i32, %arg1: i32, %arg2: memref<400000x16xf32, #tpu.memory_space<hbm>>, %arg3: memref<6422528xi32, #tpu.memory_space<hbm>>, %arg4: memref<1605632xi32, #tpu.memory_space<hbm>>, %arg5: memref<320x16xf32, #tpu.memory_space<hbm>>, %arg6: memref<102400x64xf32, #tpu.memory_space<hbm>>, %arg7: memref<512xi32, #tpu.memory_space<vmem>>, %arg8: memref<512xi32, #tpu.memory_space<vmem>>, %arg9: memref<512xi32, #tpu.memory_space<vmem>>, %arg10: memref<512xi32, #tpu.memory_space<vmem>>, %arg11: memref<512x16xf32, #tpu.memory_space<vmem>>, %arg12: memref<512x16xf32, #tpu.memory_space<vmem>>, %arg13: memref<320x16xf32, #tpu.memory_space<vmem>>, %arg14: memref<102400x16xf32, #tpu.memory_space<vmem_shared>>, %arg15: memref<!tpu.dma_semaphore, #tpu.memory_space<semaphore_mem>>, %arg16: memref<!tpu.dma_semaphore, #tpu.memory_space<semaphore_mem>>, %arg17: memref<!tpu.dma_semaphore, #tpu.memory_space<semaphore_mem>>, %arg18: memref<!tpu.dma_semaphore, #tpu.memory_space<semaphore_mem>>) attributes {dimension_semantics = [#tpu.dimension_semantics<core_parallel>, #tpu.dimension_semantics<subcore_parallel>], iteration_bounds = array<i64: 2, 16>, scalar_prefetch = 0 : i64, scratch_operands = 12 : i64, tpu.core_type = #tpu.core_type<sc_vector_subcore>, window_params = [{transform_indices = #map}, {transform_indices = #map1}, {transform_indices = #map1}, {transform_indices = #map}, {transform_indices = #map}]} {
    "tpu.region"() ({
      %run_scoped3A = tpu.sem_alloc : memref<!tpu.dma_semaphore, #tpu.memory_space<semaphore_mem>>
      tpu.enqueue_dma source(%arg5 : memref<320x16xf32, #tpu.memory_space<hbm>>) target(%arg13 : memref<320x16xf32, #tpu.memory_space<vmem>>) target_semaphore(%run_scoped3A : memref<!tpu.dma_semaphore, #tpu.memory_space<semaphore_mem>>)
      tpu.wait_dma2 semaphore(%run_scoped3A : memref<!tpu.dma_semaphore, #tpu.memory_space<semaphore_mem>>) src(%arg5 : memref<320x16xf32, #tpu.memory_space<hbm>>) dst(%arg13 : memref<320x16xf32, #tpu.memory_space<vmem>>)
      tpu.yield
    }) : () -> ()
    %mul3A = arith.constant 6400 : i32
    %mul3A_0 = arith.muli %arg1, %mul3A : i32
    %mul3A_1 = arith.constant 100352 : i32
    %mul3A_2 = arith.muli %arg1, %mul3A_1 : i32
    %mul3A_3 = arith.constant 2 : i32
    %mul3A_4 = arith.muli %arg0, %mul3A_3 : i32
    %add3A = arith.constant 0 : i32
    %add3A_5 = arith.addi %mul3A_4, %add3A : i32
    %add3A_6 = arith.constant 0 : i32
    %add3A_7 = arith.addi %mul3A_0, %add3A_6 : i32
    "tpu.region"() ({
      %run_scoped3A = tpu.sem_alloc : memref<!tpu.dma_semaphore, #tpu.memory_space<semaphore_mem>>
      %dma_start3A_314 = arith.constant 0 : i32
      %dma_start3A_315 = tpu.memref_slice %arg14[%add3A_7, %dma_start3A_314] : memref<102400x16xf32, #tpu.memory_space<vmem_shared>> -> memref<320x16xf32, #tpu.memory_space<vmem_shared>>
      %dma_start3A_316 = arith.constant 0 : i32
      %dma_start3A_317 = tpu.memref_slice %arg14[%add3A_7, %dma_start3A_316] : memref<102400x16xf32, #tpu.memory_space<vmem_shared>> -> memref<320x16xf32, #tpu.memory_space<vmem_shared>>
      tpu.enqueue_dma source(%arg13 : memref<320x16xf32, #tpu.memory_space<vmem>>) target(%dma_start3A_317 : memref<320x16xf32, #tpu.memory_space<vmem_shared>>) target_semaphore(%run_scoped3A : memref<!tpu.dma_semaphore, #tpu.memory_space<semaphore_mem>>)
      %dma_wait3A_318 = arith.constant 0 : i32
      %dma_wait3A_319 = tpu.memref_slice %arg14[%add3A_7, %dma_wait3A_318] : memref<102400x16xf32, #tpu.memory_space<vmem_shared>> -> memref<320x16xf32, #tpu.memory_space<vmem_shared>>
      %dma_wait3A_320 = arith.constant 0 : i32
      %dma_wait3A_321 = tpu.memref_slice %arg14[%add3A_7, %dma_wait3A_320] : memref<102400x16xf32, #tpu.memory_space<vmem_shared>> -> memref<320x16xf32, #tpu.memory_space<vmem_shared>>
      tpu.wait_dma2 semaphore(%run_scoped3A : memref<!tpu.dma_semaphore, #tpu.memory_space<semaphore_mem>>) src(%arg13 : memref<320x16xf32, #tpu.memory_space<vmem>>) dst(%dma_wait3A_321 : memref<320x16xf32, #tpu.memory_space<vmem_shared>>)
      tpu.yield
    }) : () -> ()
    %add3A_8 = arith.constant 320 : i32
    %add3A_9 = arith.addi %mul3A_0, %add3A_8 : i32
    "tpu.region"() ({
      %run_scoped3A = tpu.sem_alloc : memref<!tpu.dma_semaphore, #tpu.memory_space<semaphore_mem>>
      %dma_start3A_314 = arith.constant 0 : i32
      %dma_start3A_315 = tpu.memref_slice %arg14[%add3A_9, %dma_start3A_314] : memref<102400x16xf32, #tpu.memory_space<vmem_shared>> -> memref<320x16xf32, #tpu.memory_space<vmem_shared>>
      %dma_start3A_316 = arith.constant 0 : i32
      %dma_start3A_317 = tpu.memref_slice %arg14[%add3A_9, %dma_start3A_316] : memref<102400x16xf32, #tpu.memory_space<vmem_shared>> -> memref<320x16xf32, #tpu.memory_space<vmem_shared>>
      tpu.enqueue_dma source(%arg13 : memref<320x16xf32, #tpu.memory_space<vmem>>) target(%dma_start3A_317 : memref<320x16xf32, #tpu.memory_space<vmem_shared>>) target_semaphore(%run_scoped3A : memref<!tpu.dma_semaphore, #tpu.memory_space<semaphore_mem>>)
      %dma_wait3A_318 = arith.constant 0 : i32
      %dma_wait3A_319 = tpu.memref_slice %arg14[%add3A_9, %dma_wait3A_318] : memref<102400x16xf32, #tpu.memory_space<vmem_shared>> -> memref<320x16xf32, #tpu.memory_space<vmem_shared>>
      %dma_wait3A_320 = arith.constant 0 : i32
      %dma_wait3A_321 = tpu.memref_slice %arg14[%add3A_9, %dma_wait3A_320] : memref<102400x16xf32, #tpu.memory_space<vmem_shared>> -> memref<320x16xf32, #tpu.memory_space<vmem_shared>>
      tpu.wait_dma2 semaphore(%run_scoped3A : memref<!tpu.dma_semaphore, #tpu.memory_space<semaphore_mem>>) src(%arg13 : memref<320x16xf32, #tpu.memory_space<vmem>>) dst(%dma_wait3A_321 : memref<320x16xf32, #tpu.memory_space<vmem_shared>>)
      tpu.yield
    }) : () -> ()
    %add3A_10 = arith.constant 640 : i32
    %add3A_11 = arith.addi %mul3A_0, %add3A_10 : i32
    "tpu.region"() ({
      %run_scoped3A = tpu.sem_alloc : memref<!tpu.dma_semaphore, #tpu.memory_space<semaphore_mem>>
      %dma_start3A_314 = arith.constant 0 : i32
      %dma_start3A_315 = tpu.memref_slice %arg14[%add3A_11, %dma_start3A_314] : memref<102400x16xf32, #tpu.memory_space<vmem_shared>> -> memref<320x16xf32, #tpu.memory_space<vmem_shared>>
      %dma_start3A_316 = arith.constant 0 : i32
      %dma_start3A_317 = tpu.memref_slice %arg14[%add3A_11, %dma_start3A_316] : memref<102400x16xf32, #tpu.memory_space<vmem_shared>> -> memref<320x16xf32, #tpu.memory_space<vmem_shared>>
      tpu.enqueue_dma source(%arg13 : memref<320x16xf32, #tpu.memory_space<vmem>>) target(%dma_start3A_317 : memref<320x16xf32, #tpu.memory_space<vmem_shared>>) target_semaphore(%run_scoped3A : memref<!tpu.dma_semaphore, #tpu.memory_space<semaphore_mem>>)
      %dma_wait3A_318 = arith.constant 0 : i32
      %dma_wait3A_319 = tpu.memref_slice %arg14[%add3A_11, %dma_wait3A_318] : memref<102400x16xf32, #tpu.memory_space<vmem_shared>> -> memref<320x16xf32, #tpu.memory_space<vmem_shared>>
      %dma_wait3A_320 = arith.constant 0 : i32
      %dma_wait3A_321 = tpu.memref_slice %arg14[%add3A_11, %dma_wait3A_320] : memref<102400x16xf32, #tpu.memory_space<vmem_shared>> -> memref<320x16xf32, #tpu.memory_space<vmem_shared>>
      tpu.wait_dma2 semaphore(%run_scoped3A : memref<!tpu.dma_semaphore, #tpu.memory_space<semaphore_mem>>) src(%arg13 : memref<320x16xf32, #tpu.memory_space<vmem>>) dst(%dma_wait3A_321 : memref<320x16xf32, #tpu.memory_space<vmem_shared>>)
      tpu.yield
    }) : () -> ()
    %add3A_12 = arith.constant 960 : i32
    %add3A_13 = arith.addi %mul3A_0, %add3A_12 : i32
    "tpu.region"() ({
      %run_scoped3A = tpu.sem_alloc : memref<!tpu.dma_semaphore, #tpu.memory_space<semaphore_mem>>
      %dma_start3A_314 = arith.constant 0 : i32
      %dma_start3A_315 = tpu.memref_slice %arg14[%add3A_13, %dma_start3A_314] : memref<102400x16xf32, #tpu.memory_space<vmem_shared>> -> memref<320x16xf32, #tpu.memory_space<vmem_shared>>
      %dma_start3A_316 = arith.constant 0 : i32
      %dma_start3A_317 = tpu.memref_slice %arg14[%add3A_13, %dma_start3A_316] : memref<102400x16xf32, #tpu.memory_space<vmem_shared>> -> memref<320x16xf32, #tpu.memory_space<vmem_shared>>
      tpu.enqueue_dma source(%arg13 : memref<320x16xf32, #tpu.memory_space<vmem>>) target(%dma_start3A_317 : memref<320x16xf32, #tpu.memory_space<vmem_shared>>) target_semaphore(%run_scoped3A : memref<!tpu.dma_semaphore, #tpu.memory_space<semaphore_mem>>)
      %dma_wait3A_318 = arith.constant 0 : i32
      %dma_wait3A_319 = tpu.memref_slice %arg14[%add3A_13, %dma_wait3A_318] : memref<102400x16xf32, #tpu.memory_space<vmem_shared>> -> memref<320x16xf32, #tpu.memory_space<vmem_shared>>
      %dma_wait3A_320 = arith.constant 0 : i32
      %dma_wait3A_321 = tpu.memref_slice %arg14[%add3A_13, %dma_wait3A_320] : memref<102400x16xf32, #tpu.memory_space<vmem_shared>> -> memref<320x16xf32, #tpu.memory_space<vmem_shared>>
      tpu.wait_dma2 semaphore(%run_scoped3A : memref<!tpu.dma_semaphore, #tpu.memory_space<semaphore_mem>>) src(%arg13 : memref<320x16xf32, #tpu.memory_space<vmem>>) dst(%dma_wait3A_321 : memref<320x16xf32, #tpu.memory_space<vmem_shared>>)
      tpu.yield
    }) : () -> ()
    %add3A_14 = arith.constant 1280 : i32
    %add3A_15 = arith.addi %mul3A_0, %add3A_14 : i32
    "tpu.region"() ({
      %run_scoped3A = tpu.sem_alloc : memref<!tpu.dma_semaphore, #tpu.memory_space<semaphore_mem>>
      %dma_start3A_314 = arith.constant 0 : i32
      %dma_start3A_315 = tpu.memref_slice %arg14[%add3A_15, %dma_start3A_314] : memref<102400x16xf32, #tpu.memory_space<vmem_shared>> -> memref<320x16xf32, #tpu.memory_space<vmem_shared>>
      %dma_start3A_316 = arith.constant 0 : i32
      %dma_start3A_317 = tpu.memref_slice %arg14[%add3A_15, %dma_start3A_316] : memref<102400x16xf32, #tpu.memory_space<vmem_shared>> -> memref<320x16xf32, #tpu.memory_space<vmem_shared>>
      tpu.enqueue_dma source(%arg13 : memref<320x16xf32, #tpu.memory_space<vmem>>) target(%dma_start3A_317 : memref<320x16xf32, #tpu.memory_space<vmem_shared>>) target_semaphore(%run_scoped3A : memref<!tpu.dma_semaphore, #tpu.memory_space<semaphore_mem>>)
      %dma_wait3A_318 = arith.constant 0 : i32
      %dma_wait3A_319 = tpu.memref_slice %arg14[%add3A_15, %dma_wait3A_318] : memref<102400x16xf32, #tpu.memory_space<vmem_shared>> -> memref<320x16xf32, #tpu.memory_space<vmem_shared>>
      %dma_wait3A_320 = arith.constant 0 : i32
      %dma_wait3A_321 = tpu.memref_slice %arg14[%add3A_15, %dma_wait3A_320] : memref<102400x16xf32, #tpu.memory_space<vmem_shared>> -> memref<320x16xf32, #tpu.memory_space<vmem_shared>>
      tpu.wait_dma2 semaphore(%run_scoped3A : memref<!tpu.dma_semaphore, #tpu.memory_space<semaphore_mem>>) src(%arg13 : memref<320x16xf32, #tpu.memory_space<vmem>>) dst(%dma_wait3A_321 : memref<320x16xf32, #tpu.memory_space<vmem_shared>>)
      tpu.yield
    }) : () -> ()
    %add3A_16 = arith.constant 1600 : i32
    %add3A_17 = arith.addi %mul3A_0, %add3A_16 : i32
    "tpu.region"() ({
      %run_scoped3A = tpu.sem_alloc : memref<!tpu.dma_semaphore, #tpu.memory_space<semaphore_mem>>
      %dma_start3A_314 = arith.constant 0 : i32
      %dma_start3A_315 = tpu.memref_slice %arg14[%add3A_17, %dma_start3A_314] : memref<102400x16xf32, #tpu.memory_space<vmem_shared>> -> memref<320x16xf32, #tpu.memory_space<vmem_shared>>
      %dma_start3A_316 = arith.constant 0 : i32
      %dma_start3A_317 = tpu.memref_slice %arg14[%add3A_17, %dma_start3A_316] : memref<102400x16xf32, #tpu.memory_space<vmem_shared>> -> memref<320x16xf32, #tpu.memory_space<vmem_shared>>
      tpu.enqueue_dma source(%arg13 : memref<320x16xf32, #tpu.memory_space<vmem>>) target(%dma_start3A_317 : memref<320x16xf32, #tpu.memory_space<vmem_shared>>) target_semaphore(%run_scoped3A : memref<!tpu.dma_semaphore, #tpu.memory_space<semaphore_mem>>)
      %dma_wait3A_318 = arith.constant 0 : i32
      %dma_wait3A_319 = tpu.memref_slice %arg14[%add3A_17, %dma_wait3A_318] : memref<102400x16xf32, #tpu.memory_space<vmem_shared>> -> memref<320x16xf32, #tpu.memory_space<vmem_shared>>
      %dma_wait3A_320 = arith.constant 0 : i32
      %dma_wait3A_321 = tpu.memref_slice %arg14[%add3A_17, %dma_wait3A_320] : memref<102400x16xf32, #tpu.memory_space<vmem_shared>> -> memref<320x16xf32, #tpu.memory_space<vmem_shared>>
      tpu.wait_dma2 semaphore(%run_scoped3A : memref<!tpu.dma_semaphore, #tpu.memory_space<semaphore_mem>>) src(%arg13 : memref<320x16xf32, #tpu.memory_space<vmem>>) dst(%dma_wait3A_321 : memref<320x16xf32, #tpu.memory_space<vmem_shared>>)
      tpu.yield
    }) : () -> ()
    %add3A_18 = arith.constant 1920 : i32
    %add3A_19 = arith.addi %mul3A_0, %add3A_18 : i32
    "tpu.region"() ({
      %run_scoped3A = tpu.sem_alloc : memref<!tpu.dma_semaphore, #tpu.memory_space<semaphore_mem>>
      %dma_start3A_314 = arith.constant 0 : i32
      %dma_start3A_315 = tpu.memref_slice %arg14[%add3A_19, %dma_start3A_314] : memref<102400x16xf32, #tpu.memory_space<vmem_shared>> -> memref<320x16xf32, #tpu.memory_space<vmem_shared>>
      %dma_start3A_316 = arith.constant 0 : i32
      %dma_start3A_317 = tpu.memref_slice %arg14[%add3A_19, %dma_start3A_316] : memref<102400x16xf32, #tpu.memory_space<vmem_shared>> -> memref<320x16xf32, #tpu.memory_space<vmem_shared>>
      tpu.enqueue_dma source(%arg13 : memref<320x16xf32, #tpu.memory_space<vmem>>) target(%dma_start3A_317 : memref<320x16xf32, #tpu.memory_space<vmem_shared>>) target_semaphore(%run_scoped3A : memref<!tpu.dma_semaphore, #tpu.memory_space<semaphore_mem>>)
      %dma_wait3A_318 = arith.constant 0 : i32
      %dma_wait3A_319 = tpu.memref_slice %arg14[%add3A_19, %dma_wait3A_318] : memref<102400x16xf32, #tpu.memory_space<vmem_shared>> -> memref<320x16xf32, #tpu.memory_space<vmem_shared>>
      %dma_wait3A_320 = arith.constant 0 : i32
      %dma_wait3A_321 = tpu.memref_slice %arg14[%add3A_19, %dma_wait3A_320] : memref<102400x16xf32, #tpu.memory_space<vmem_shared>> -> memref<320x16xf32, #tpu.memory_space<vmem_shared>>
      tpu.wait_dma2 semaphore(%run_scoped3A : memref<!tpu.dma_semaphore, #tpu.memory_space<semaphore_mem>>) src(%arg13 : memref<320x16xf32, #tpu.memory_space<vmem>>) dst(%dma_wait3A_321 : memref<320x16xf32, #tpu.memory_space<vmem_shared>>)
      tpu.yield
    }) : () -> ()
    %add3A_20 = arith.constant 2240 : i32
    %add3A_21 = arith.addi %mul3A_0, %add3A_20 : i32
    "tpu.region"() ({
      %run_scoped3A = tpu.sem_alloc : memref<!tpu.dma_semaphore, #tpu.memory_space<semaphore_mem>>
      %dma_start3A_314 = arith.constant 0 : i32
      %dma_start3A_315 = tpu.memref_slice %arg14[%add3A_21, %dma_start3A_314] : memref<102400x16xf32, #tpu.memory_space<vmem_shared>> -> memref<320x16xf32, #tpu.memory_space<vmem_shared>>
      %dma_start3A_316 = arith.constant 0 : i32
      %dma_start3A_317 = tpu.memref_slice %arg14[%add3A_21, %dma_start3A_316] : memref<102400x16xf32, #tpu.memory_space<vmem_shared>> -> memref<320x16xf32, #tpu.memory_space<vmem_shared>>
      tpu.enqueue_dma source(%arg13 : memref<320x16xf32, #tpu.memory_space<vmem>>) target(%dma_start3A_317 : memref<320x16xf32, #tpu.memory_space<vmem_shared>>) target_semaphore(%run_scoped3A : memref<!tpu.dma_semaphore, #tpu.memory_space<semaphore_mem>>)
      %dma_wait3A_318 = arith.constant 0 : i32
      %dma_wait3A_319 = tpu.memref_slice %arg14[%add3A_21, %dma_wait3A_318] : memref<102400x16xf32, #tpu.memory_space<vmem_shared>> -> memref<320x16xf32, #tpu.memory_space<vmem_shared>>
      %dma_wait3A_320 = arith.constant 0 : i32
      %dma_wait3A_321 = tpu.memref_slice %arg14[%add3A_21, %dma_wait3A_320] : memref<102400x16xf32, #tpu.memory_space<vmem_shared>> -> memref<320x16xf32, #tpu.memory_space<vmem_shared>>
      tpu.wait_dma2 semaphore(%run_scoped3A : memref<!tpu.dma_semaphore, #tpu.memory_space<semaphore_mem>>) src(%arg13 : memref<320x16xf32, #tpu.memory_space<vmem>>) dst(%dma_wait3A_321 : memref<320x16xf32, #tpu.memory_space<vmem_shared>>)
      tpu.yield
    }) : () -> ()
    %add3A_22 = arith.constant 2560 : i32
    %add3A_23 = arith.addi %mul3A_0, %add3A_22 : i32
    "tpu.region"() ({
      %run_scoped3A = tpu.sem_alloc : memref<!tpu.dma_semaphore, #tpu.memory_space<semaphore_mem>>
      %dma_start3A_314 = arith.constant 0 : i32
      %dma_start3A_315 = tpu.memref_slice %arg14[%add3A_23, %dma_start3A_314] : memref<102400x16xf32, #tpu.memory_space<vmem_shared>> -> memref<320x16xf32, #tpu.memory_space<vmem_shared>>
      %dma_start3A_316 = arith.constant 0 : i32
      %dma_start3A_317 = tpu.memref_slice %arg14[%add3A_23, %dma_start3A_316] : memref<102400x16xf32, #tpu.memory_space<vmem_shared>> -> memref<320x16xf32, #tpu.memory_space<vmem_shared>>
      tpu.enqueue_dma source(%arg13 : memref<320x16xf32, #tpu.memory_space<vmem>>) target(%dma_start3A_317 : memref<320x16xf32, #tpu.memory_space<vmem_shared>>) target_semaphore(%run_scoped3A : memref<!tpu.dma_semaphore, #tpu.memory_space<semaphore_mem>>)
      %dma_wait3A_318 = arith.constant 0 : i32
      %dma_wait3A_319 = tpu.memref_slice %arg14[%add3A_23, %dma_wait3A_318] : memref<102400x16xf32, #tpu.memory_space<vmem_shared>> -> memref<320x16xf32, #tpu.memory_space<vmem_shared>>
      %dma_wait3A_320 = arith.constant 0 : i32
      %dma_wait3A_321 = tpu.memref_slice %arg14[%add3A_23, %dma_wait3A_320] : memref<102400x16xf32, #tpu.memory_space<vmem_shared>> -> memref<320x16xf32, #tpu.memory_space<vmem_shared>>
      tpu.wait_dma2 semaphore(%run_scoped3A : memref<!tpu.dma_semaphore, #tpu.memory_space<semaphore_mem>>) src(%arg13 : memref<320x16xf32, #tpu.memory_space<vmem>>) dst(%dma_wait3A_321 : memref<320x16xf32, #tpu.memory_space<vmem_shared>>)
      tpu.yield
    }) : () -> ()
    %add3A_24 = arith.constant 2880 : i32
    %add3A_25 = arith.addi %mul3A_0, %add3A_24 : i32
    "tpu.region"() ({
      %run_scoped3A = tpu.sem_alloc : memref<!tpu.dma_semaphore, #tpu.memory_space<semaphore_mem>>
      %dma_start3A_314 = arith.constant 0 : i32
      %dma_start3A_315 = tpu.memref_slice %arg14[%add3A_25, %dma_start3A_314] : memref<102400x16xf32, #tpu.memory_space<vmem_shared>> -> memref<320x16xf32, #tpu.memory_space<vmem_shared>>
      %dma_start3A_316 = arith.constant 0 : i32
      %dma_start3A_317 = tpu.memref_slice %arg14[%add3A_25, %dma_start3A_316] : memref<102400x16xf32, #tpu.memory_space<vmem_shared>> -> memref<320x16xf32, #tpu.memory_space<vmem_shared>>
      tpu.enqueue_dma source(%arg13 : memref<320x16xf32, #tpu.memory_space<vmem>>) target(%dma_start3A_317 : memref<320x16xf32, #tpu.memory_space<vmem_shared>>) target_semaphore(%run_scoped3A : memref<!tpu.dma_semaphore, #tpu.memory_space<semaphore_mem>>)
      %dma_wait3A_318 = arith.constant 0 : i32
      %dma_wait3A_319 = tpu.memref_slice %arg14[%add3A_25, %dma_wait3A_318] : memref<102400x16xf32, #tpu.memory_space<vmem_shared>> -> memref<320x16xf32, #tpu.memory_space<vmem_shared>>
      %dma_wait3A_320 = arith.constant 0 : i32
      %dma_wait3A_321 = tpu.memref_slice %arg14[%add3A_25, %dma_wait3A_320] : memref<102400x16xf32, #tpu.memory_space<vmem_shared>> -> memref<320x16xf32, #tpu.memory_space<vmem_shared>>
      tpu.wait_dma2 semaphore(%run_scoped3A : memref<!tpu.dma_semaphore, #tpu.memory_space<semaphore_mem>>) src(%arg13 : memref<320x16xf32, #tpu.memory_space<vmem>>) dst(%dma_wait3A_321 : memref<320x16xf32, #tpu.memory_space<vmem_shared>>)
      tpu.yield
    }) : () -> ()
    %add3A_26 = arith.constant 3200 : i32
    %add3A_27 = arith.addi %mul3A_0, %add3A_26 : i32
    "tpu.region"() ({
      %run_scoped3A = tpu.sem_alloc : memref<!tpu.dma_semaphore, #tpu.memory_space<semaphore_mem>>
      %dma_start3A_314 = arith.constant 0 : i32
      %dma_start3A_315 = tpu.memref_slice %arg14[%add3A_27, %dma_start3A_314] : memref<102400x16xf32, #tpu.memory_space<vmem_shared>> -> memref<320x16xf32, #tpu.memory_space<vmem_shared>>
      %dma_start3A_316 = arith.constant 0 : i32
      %dma_start3A_317 = tpu.memref_slice %arg14[%add3A_27, %dma_start3A_316] : memref<102400x16xf32, #tpu.memory_space<vmem_shared>> -> memref<320x16xf32, #tpu.memory_space<vmem_shared>>
      tpu.enqueue_dma source(%arg13 : memref<320x16xf32, #tpu.memory_space<vmem>>) target(%dma_start3A_317 : memref<320x16xf32, #tpu.memory_space<vmem_shared>>) target_semaphore(%run_scoped3A : memref<!tpu.dma_semaphore, #tpu.memory_space<semaphore_mem>>)
      %dma_wait3A_318 = arith.constant 0 : i32
      %dma_wait3A_319 = tpu.memref_slice %arg14[%add3A_27, %dma_wait3A_318] : memref<102400x16xf32, #tpu.memory_space<vmem_shared>> -> memref<320x16xf32, #tpu.memory_space<vmem_shared>>
      %dma_wait3A_320 = arith.constant 0 : i32
      %dma_wait3A_321 = tpu.memref_slice %arg14[%add3A_27, %dma_wait3A_320] : memref<102400x16xf32, #tpu.memory_space<vmem_shared>> -> memref<320x16xf32, #tpu.memory_space<vmem_shared>>
      tpu.wait_dma2 semaphore(%run_scoped3A : memref<!tpu.dma_semaphore, #tpu.memory_space<semaphore_mem>>) src(%arg13 : memref<320x16xf32, #tpu.memory_space<vmem>>) dst(%dma_wait3A_321 : memref<320x16xf32, #tpu.memory_space<vmem_shared>>)
      tpu.yield
    }) : () -> ()
    %add3A_28 = arith.constant 3520 : i32
    %add3A_29 = arith.addi %mul3A_0, %add3A_28 : i32
    "tpu.region"() ({
      %run_scoped3A = tpu.sem_alloc : memref<!tpu.dma_semaphore, #tpu.memory_space<semaphore_mem>>
      %dma_start3A_314 = arith.constant 0 : i32
      %dma_start3A_315 = tpu.memref_slice %arg14[%add3A_29, %dma_start3A_314] : memref<102400x16xf32, #tpu.memory_space<vmem_shared>> -> memref<320x16xf32, #tpu.memory_space<vmem_shared>>
      %dma_start3A_316 = arith.constant 0 : i32
      %dma_start3A_317 = tpu.memref_slice %arg14[%add3A_29, %dma_start3A_316] : memref<102400x16xf32, #tpu.memory_space<vmem_shared>> -> memref<320x16xf32, #tpu.memory_space<vmem_shared>>
      tpu.enqueue_dma source(%arg13 : memref<320x16xf32, #tpu.memory_space<vmem>>) target(%dma_start3A_317 : memref<320x16xf32, #tpu.memory_space<vmem_shared>>) target_semaphore(%run_scoped3A : memref<!tpu.dma_semaphore, #tpu.memory_space<semaphore_mem>>)
      %dma_wait3A_318 = arith.constant 0 : i32
      %dma_wait3A_319 = tpu.memref_slice %arg14[%add3A_29, %dma_wait3A_318] : memref<102400x16xf32, #tpu.memory_space<vmem_shared>> -> memref<320x16xf32, #tpu.memory_space<vmem_shared>>
      %dma_wait3A_320 = arith.constant 0 : i32
      %dma_wait3A_321 = tpu.memref_slice %arg14[%add3A_29, %dma_wait3A_320] : memref<102400x16xf32, #tpu.memory_space<vmem_shared>> -> memref<320x16xf32, #tpu.memory_space<vmem_shared>>
      tpu.wait_dma2 semaphore(%run_scoped3A : memref<!tpu.dma_semaphore, #tpu.memory_space<semaphore_mem>>) src(%arg13 : memref<320x16xf32, #tpu.memory_space<vmem>>) dst(%dma_wait3A_321 : memref<320x16xf32, #tpu.memory_space<vmem_shared>>)
      tpu.yield
    }) : () -> ()
    %add3A_30 = arith.constant 3840 : i32
    %add3A_31 = arith.addi %mul3A_0, %add3A_30 : i32
    "tpu.region"() ({
      %run_scoped3A = tpu.sem_alloc : memref<!tpu.dma_semaphore, #tpu.memory_space<semaphore_mem>>
      %dma_start3A_314 = arith.constant 0 : i32
      %dma_start3A_315 = tpu.memref_slice %arg14[%add3A_31, %dma_start3A_314] : memref<102400x16xf32, #tpu.memory_space<vmem_shared>> -> memref<320x16xf32, #tpu.memory_space<vmem_shared>>
      %dma_start3A_316 = arith.constant 0 : i32
      %dma_start3A_317 = tpu.memref_slice %arg14[%add3A_31, %dma_start3A_316] : memref<102400x16xf32, #tpu.memory_space<vmem_shared>> -> memref<320x16xf32, #tpu.memory_space<vmem_shared>>
      tpu.enqueue_dma source(%arg13 : memref<320x16xf32, #tpu.memory_space<vmem>>) target(%dma_start3A_317 : memref<320x16xf32, #tpu.memory_space<vmem_shared>>) target_semaphore(%run_scoped3A : memref<!tpu.dma_semaphore, #tpu.memory_space<semaphore_mem>>)
      %dma_wait3A_318 = arith.constant 0 : i32
      %dma_wait3A_319 = tpu.memref_slice %arg14[%add3A_31, %dma_wait3A_318] : memref<102400x16xf32, #tpu.memory_space<vmem_shared>> -> memref<320x16xf32, #tpu.memory_space<vmem_shared>>
      %dma_wait3A_320 = arith.constant 0 : i32
      %dma_wait3A_321 = tpu.memref_slice %arg14[%add3A_31, %dma_wait3A_320] : memref<102400x16xf32, #tpu.memory_space<vmem_shared>> -> memref<320x16xf32, #tpu.memory_space<vmem_shared>>
      tpu.wait_dma2 semaphore(%run_scoped3A : memref<!tpu.dma_semaphore, #tpu.memory_space<semaphore_mem>>) src(%arg13 : memref<320x16xf32, #tpu.memory_space<vmem>>) dst(%dma_wait3A_321 : memref<320x16xf32, #tpu.memory_space<vmem_shared>>)
      tpu.yield
    }) : () -> ()
    %add3A_32 = arith.constant 4160 : i32
    %add3A_33 = arith.addi %mul3A_0, %add3A_32 : i32
    "tpu.region"() ({
      %run_scoped3A = tpu.sem_alloc : memref<!tpu.dma_semaphore, #tpu.memory_space<semaphore_mem>>
      %dma_start3A_314 = arith.constant 0 : i32
      %dma_start3A_315 = tpu.memref_slice %arg14[%add3A_33, %dma_start3A_314] : memref<102400x16xf32, #tpu.memory_space<vmem_shared>> -> memref<320x16xf32, #tpu.memory_space<vmem_shared>>
      %dma_start3A_316 = arith.constant 0 : i32
      %dma_start3A_317 = tpu.memref_slice %arg14[%add3A_33, %dma_start3A_316] : memref<102400x16xf32, #tpu.memory_space<vmem_shared>> -> memref<320x16xf32, #tpu.memory_space<vmem_shared>>
      tpu.enqueue_dma source(%arg13 : memref<320x16xf32, #tpu.memory_space<vmem>>) target(%dma_start3A_317 : memref<320x16xf32, #tpu.memory_space<vmem_shared>>) target_semaphore(%run_scoped3A : memref<!tpu.dma_semaphore, #tpu.memory_space<semaphore_mem>>)
      %dma_wait3A_318 = arith.constant 0 : i32
      %dma_wait3A_319 = tpu.memref_slice %arg14[%add3A_33, %dma_wait3A_318] : memref<102400x16xf32, #tpu.memory_space<vmem_shared>> -> memref<320x16xf32, #tpu.memory_space<vmem_shared>>
      %dma_wait3A_320 = arith.constant 0 : i32
      %dma_wait3A_321 = tpu.memref_slice %arg14[%add3A_33, %dma_wait3A_320] : memref<102400x16xf32, #tpu.memory_space<vmem_shared>> -> memref<320x16xf32, #tpu.memory_space<vmem_shared>>
      tpu.wait_dma2 semaphore(%run_scoped3A : memref<!tpu.dma_semaphore, #tpu.memory_space<semaphore_mem>>) src(%arg13 : memref<320x16xf32, #tpu.memory_space<vmem>>) dst(%dma_wait3A_321 : memref<320x16xf32, #tpu.memory_space<vmem_shared>>)
      tpu.yield
    }) : () -> ()
    %add3A_34 = arith.constant 4480 : i32
    %add3A_35 = arith.addi %mul3A_0, %add3A_34 : i32
    "tpu.region"() ({
      %run_scoped3A = tpu.sem_alloc : memref<!tpu.dma_semaphore, #tpu.memory_space<semaphore_mem>>
      %dma_start3A_314 = arith.constant 0 : i32
      %dma_start3A_315 = tpu.memref_slice %arg14[%add3A_35, %dma_start3A_314] : memref<102400x16xf32, #tpu.memory_space<vmem_shared>> -> memref<320x16xf32, #tpu.memory_space<vmem_shared>>
      %dma_start3A_316 = arith.constant 0 : i32
      %dma_start3A_317 = tpu.memref_slice %arg14[%add3A_35, %dma_start3A_316] : memref<102400x16xf32, #tpu.memory_space<vmem_shared>> -> memref<320x16xf32, #tpu.memory_space<vmem_shared>>
      tpu.enqueue_dma source(%arg13 : memref<320x16xf32, #tpu.memory_space<vmem>>) target(%dma_start3A_317 : memref<320x16xf32, #tpu.memory_space<vmem_shared>>) target_semaphore(%run_scoped3A : memref<!tpu.dma_semaphore, #tpu.memory_space<semaphore_mem>>)
      %dma_wait3A_318 = arith.constant 0 : i32
      %dma_wait3A_319 = tpu.memref_slice %arg14[%add3A_35, %dma_wait3A_318] : memref<102400x16xf32, #tpu.memory_space<vmem_shared>> -> memref<320x16xf32, #tpu.memory_space<vmem_shared>>
      %dma_wait3A_320 = arith.constant 0 : i32
      %dma_wait3A_321 = tpu.memref_slice %arg14[%add3A_35, %dma_wait3A_320] : memref<102400x16xf32, #tpu.memory_space<vmem_shared>> -> memref<320x16xf32, #tpu.memory_space<vmem_shared>>
      tpu.wait_dma2 semaphore(%run_scoped3A : memref<!tpu.dma_semaphore, #tpu.memory_space<semaphore_mem>>) src(%arg13 : memref<320x16xf32, #tpu.memory_space<vmem>>) dst(%dma_wait3A_321 : memref<320x16xf32, #tpu.memory_space<vmem_shared>>)
      tpu.yield
    }) : () -> ()
    %add3A_36 = arith.constant 4800 : i32
    %add3A_37 = arith.addi %mul3A_0, %add3A_36 : i32
    "tpu.region"() ({
      %run_scoped3A = tpu.sem_alloc : memref<!tpu.dma_semaphore, #tpu.memory_space<semaphore_mem>>
      %dma_start3A_314 = arith.constant 0 : i32
      %dma_start3A_315 = tpu.memref_slice %arg14[%add3A_37, %dma_start3A_314] : memref<102400x16xf32, #tpu.memory_space<vmem_shared>> -> memref<320x16xf32, #tpu.memory_space<vmem_shared>>
      %dma_start3A_316 = arith.constant 0 : i32
      %dma_start3A_317 = tpu.memref_slice %arg14[%add3A_37, %dma_start3A_316] : memref<102400x16xf32, #tpu.memory_space<vmem_shared>> -> memref<320x16xf32, #tpu.memory_space<vmem_shared>>
      tpu.enqueue_dma source(%arg13 : memref<320x16xf32, #tpu.memory_space<vmem>>) target(%dma_start3A_317 : memref<320x16xf32, #tpu.memory_space<vmem_shared>>) target_semaphore(%run_scoped3A : memref<!tpu.dma_semaphore, #tpu.memory_space<semaphore_mem>>)
      %dma_wait3A_318 = arith.constant 0 : i32
      %dma_wait3A_319 = tpu.memref_slice %arg14[%add3A_37, %dma_wait3A_318] : memref<102400x16xf32, #tpu.memory_space<vmem_shared>> -> memref<320x16xf32, #tpu.memory_space<vmem_shared>>
      %dma_wait3A_320 = arith.constant 0 : i32
      %dma_wait3A_321 = tpu.memref_slice %arg14[%add3A_37, %dma_wait3A_320] : memref<102400x16xf32, #tpu.memory_space<vmem_shared>> -> memref<320x16xf32, #tpu.memory_space<vmem_shared>>
      tpu.wait_dma2 semaphore(%run_scoped3A : memref<!tpu.dma_semaphore, #tpu.memory_space<semaphore_mem>>) src(%arg13 : memref<320x16xf32, #tpu.memory_space<vmem>>) dst(%dma_wait3A_321 : memref<320x16xf32, #tpu.memory_space<vmem_shared>>)
      tpu.yield
    }) : () -> ()
    %add3A_38 = arith.constant 5120 : i32
    %add3A_39 = arith.addi %mul3A_0, %add3A_38 : i32
    "tpu.region"() ({
      %run_scoped3A = tpu.sem_alloc : memref<!tpu.dma_semaphore, #tpu.memory_space<semaphore_mem>>
      %dma_start3A_314 = arith.constant 0 : i32
      %dma_start3A_315 = tpu.memref_slice %arg14[%add3A_39, %dma_start3A_314] : memref<102400x16xf32, #tpu.memory_space<vmem_shared>> -> memref<320x16xf32, #tpu.memory_space<vmem_shared>>
      %dma_start3A_316 = arith.constant 0 : i32
      %dma_start3A_317 = tpu.memref_slice %arg14[%add3A_39, %dma_start3A_316] : memref<102400x16xf32, #tpu.memory_space<vmem_shared>> -> memref<320x16xf32, #tpu.memory_space<vmem_shared>>
      tpu.enqueue_dma source(%arg13 : memref<320x16xf32, #tpu.memory_space<vmem>>) target(%dma_start3A_317 : memref<320x16xf32, #tpu.memory_space<vmem_shared>>) target_semaphore(%run_scoped3A : memref<!tpu.dma_semaphore, #tpu.memory_space<semaphore_mem>>)
      %dma_wait3A_318 = arith.constant 0 : i32
      %dma_wait3A_319 = tpu.memref_slice %arg14[%add3A_39, %dma_wait3A_318] : memref<102400x16xf32, #tpu.memory_space<vmem_shared>> -> memref<320x16xf32, #tpu.memory_space<vmem_shared>>
      %dma_wait3A_320 = arith.constant 0 : i32
      %dma_wait3A_321 = tpu.memref_slice %arg14[%add3A_39, %dma_wait3A_320] : memref<102400x16xf32, #tpu.memory_space<vmem_shared>> -> memref<320x16xf32, #tpu.memory_space<vmem_shared>>
      tpu.wait_dma2 semaphore(%run_scoped3A : memref<!tpu.dma_semaphore, #tpu.memory_space<semaphore_mem>>) src(%arg13 : memref<320x16xf32, #tpu.memory_space<vmem>>) dst(%dma_wait3A_321 : memref<320x16xf32, #tpu.memory_space<vmem_shared>>)
      tpu.yield
    }) : () -> ()
    %add3A_40 = arith.constant 5440 : i32
    %add3A_41 = arith.addi %mul3A_0, %add3A_40 : i32
    "tpu.region"() ({
      %run_scoped3A = tpu.sem_alloc : memref<!tpu.dma_semaphore, #tpu.memory_space<semaphore_mem>>
      %dma_start3A_314 = arith.constant 0 : i32
      %dma_start3A_315 = tpu.memref_slice %arg14[%add3A_41, %dma_start3A_314] : memref<102400x16xf32, #tpu.memory_space<vmem_shared>> -> memref<320x16xf32, #tpu.memory_space<vmem_shared>>
      %dma_start3A_316 = arith.constant 0 : i32
      %dma_start3A_317 = tpu.memref_slice %arg14[%add3A_41, %dma_start3A_316] : memref<102400x16xf32, #tpu.memory_space<vmem_shared>> -> memref<320x16xf32, #tpu.memory_space<vmem_shared>>
      tpu.enqueue_dma source(%arg13 : memref<320x16xf32, #tpu.memory_space<vmem>>) target(%dma_start3A_317 : memref<320x16xf32, #tpu.memory_space<vmem_shared>>) target_semaphore(%run_scoped3A : memref<!tpu.dma_semaphore, #tpu.memory_space<semaphore_mem>>)
      %dma_wait3A_318 = arith.constant 0 : i32
      %dma_wait3A_319 = tpu.memref_slice %arg14[%add3A_41, %dma_wait3A_318] : memref<102400x16xf32, #tpu.memory_space<vmem_shared>> -> memref<320x16xf32, #tpu.memory_space<vmem_shared>>
      %dma_wait3A_320 = arith.constant 0 : i32
      %dma_wait3A_321 = tpu.memref_slice %arg14[%add3A_41, %dma_wait3A_320] : memref<102400x16xf32, #tpu.memory_space<vmem_shared>> -> memref<320x16xf32, #tpu.memory_space<vmem_shared>>
      tpu.wait_dma2 semaphore(%run_scoped3A : memref<!tpu.dma_semaphore, #tpu.memory_space<semaphore_mem>>) src(%arg13 : memref<320x16xf32, #tpu.memory_space<vmem>>) dst(%dma_wait3A_321 : memref<320x16xf32, #tpu.memory_space<vmem_shared>>)
      tpu.yield
    }) : () -> ()
    %add3A_42 = arith.constant 5760 : i32
    %add3A_43 = arith.addi %mul3A_0, %add3A_42 : i32
    "tpu.region"() ({
      %run_scoped3A = tpu.sem_alloc : memref<!tpu.dma_semaphore, #tpu.memory_space<semaphore_mem>>
      %dma_start3A_314 = arith.constant 0 : i32
      %dma_start3A_315 = tpu.memref_slice %arg14[%add3A_43, %dma_start3A_314] : memref<102400x16xf32, #tpu.memory_space<vmem_shared>> -> memref<320x16xf32, #tpu.memory_space<vmem_shared>>
      %dma_start3A_316 = arith.constant 0 : i32
      %dma_start3A_317 = tpu.memref_slice %arg14[%add3A_43, %dma_start3A_316] : memref<102400x16xf32, #tpu.memory_space<vmem_shared>> -> memref<320x16xf32, #tpu.memory_space<vmem_shared>>
      tpu.enqueue_dma source(%arg13 : memref<320x16xf32, #tpu.memory_space<vmem>>) target(%dma_start3A_317 : memref<320x16xf32, #tpu.memory_space<vmem_shared>>) target_semaphore(%run_scoped3A : memref<!tpu.dma_semaphore, #tpu.memory_space<semaphore_mem>>)
      %dma_wait3A_318 = arith.constant 0 : i32
      %dma_wait3A_319 = tpu.memref_slice %arg14[%add3A_43, %dma_wait3A_318] : memref<102400x16xf32, #tpu.memory_space<vmem_shared>> -> memref<320x16xf32, #tpu.memory_space<vmem_shared>>
      %dma_wait3A_320 = arith.constant 0 : i32
      %dma_wait3A_321 = tpu.memref_slice %arg14[%add3A_43, %dma_wait3A_320] : memref<102400x16xf32, #tpu.memory_space<vmem_shared>> -> memref<320x16xf32, #tpu.memory_space<vmem_shared>>
      tpu.wait_dma2 semaphore(%run_scoped3A : memref<!tpu.dma_semaphore, #tpu.memory_space<semaphore_mem>>) src(%arg13 : memref<320x16xf32, #tpu.memory_space<vmem>>) dst(%dma_wait3A_321 : memref<320x16xf32, #tpu.memory_space<vmem_shared>>)
      tpu.yield
    }) : () -> ()
    %add3A_44 = arith.constant 6080 : i32
    %add3A_45 = arith.addi %mul3A_0, %add3A_44 : i32
    "tpu.region"() ({
      %run_scoped3A = tpu.sem_alloc : memref<!tpu.dma_semaphore, #tpu.memory_space<semaphore_mem>>
      %dma_start3A_314 = arith.constant 0 : i32
      %dma_start3A_315 = tpu.memref_slice %arg14[%add3A_45, %dma_start3A_314] : memref<102400x16xf32, #tpu.memory_space<vmem_shared>> -> memref<320x16xf32, #tpu.memory_space<vmem_shared>>
      %dma_start3A_316 = arith.constant 0 : i32
      %dma_start3A_317 = tpu.memref_slice %arg14[%add3A_45, %dma_start3A_316] : memref<102400x16xf32, #tpu.memory_space<vmem_shared>> -> memref<320x16xf32, #tpu.memory_space<vmem_shared>>
      tpu.enqueue_dma source(%arg13 : memref<320x16xf32, #tpu.memory_space<vmem>>) target(%dma_start3A_317 : memref<320x16xf32, #tpu.memory_space<vmem_shared>>) target_semaphore(%run_scoped3A : memref<!tpu.dma_semaphore, #tpu.memory_space<semaphore_mem>>)
      %dma_wait3A_318 = arith.constant 0 : i32
      %dma_wait3A_319 = tpu.memref_slice %arg14[%add3A_45, %dma_wait3A_318] : memref<102400x16xf32, #tpu.memory_space<vmem_shared>> -> memref<320x16xf32, #tpu.memory_space<vmem_shared>>
      %dma_wait3A_320 = arith.constant 0 : i32
      %dma_wait3A_321 = tpu.memref_slice %arg14[%add3A_45, %dma_wait3A_320] : memref<102400x16xf32, #tpu.memory_space<vmem_shared>> -> memref<320x16xf32, #tpu.memory_space<vmem_shared>>
      tpu.wait_dma2 semaphore(%run_scoped3A : memref<!tpu.dma_semaphore, #tpu.memory_space<semaphore_mem>>) src(%arg13 : memref<320x16xf32, #tpu.memory_space<vmem>>) dst(%dma_wait3A_321 : memref<320x16xf32, #tpu.memory_space<vmem_shared>>)
      tpu.yield
    }) : () -> ()
    %barrier3A = arith.constant 0 : index
    tpu.barrier barrier_id(%barrier3A)
    %mul3A_46 = arith.constant 1605632 : i32
    %mul3A_47 = arith.muli %add3A_5, %mul3A_46 : i32
    %add3A_48 = arith.addi %mul3A_47, %mul3A_2 : i32
    %add3A_49 = arith.constant 0 : i32
    %add3A_50 = arith.addi %add3A_48, %add3A_49 : i32
    %dma_start3A = tpu.memref_slice %arg3[%add3A_50] : memref<6422528xi32, #tpu.memory_space<hbm>> -> memref<512xi32, #tpu.memory_space<hbm>>
    %dma_start3A_51 = tpu.memref_slice %arg3[%add3A_50] : memref<6422528xi32, #tpu.memory_space<hbm>> -> memref<512xi32, #tpu.memory_space<hbm>>
    tpu.enqueue_dma source(%dma_start3A_51 : memref<512xi32, #tpu.memory_space<hbm>>) target(%arg7 : memref<512xi32, #tpu.memory_space<vmem>>) target_semaphore(%arg18 : memref<!tpu.dma_semaphore, #tpu.memory_space<semaphore_mem>>)
    %add3A_52 = arith.constant 0 : i32
    %add3A_53 = arith.addi %mul3A_2, %add3A_52 : i32
    %dma_start3A_54 = tpu.memref_slice %arg4[%add3A_53] : memref<1605632xi32, #tpu.memory_space<hbm>> -> memref<512xi32, #tpu.memory_space<hbm>>
    %dma_start3A_55 = tpu.memref_slice %arg4[%add3A_53] : memref<1605632xi32, #tpu.memory_space<hbm>> -> memref<512xi32, #tpu.memory_space<hbm>>
    tpu.enqueue_dma source(%dma_start3A_55 : memref<512xi32, #tpu.memory_space<hbm>>) target(%arg9 : memref<512xi32, #tpu.memory_space<vmem>>) target_semaphore(%arg18 : memref<!tpu.dma_semaphore, #tpu.memory_space<semaphore_mem>>)
    %dma_wait3A = tpu.memref_slice %arg3[%add3A_48] : memref<6422528xi32, #tpu.memory_space<hbm>> -> memref<512xi32, #tpu.memory_space<hbm>>
    %dma_wait3A_56 = tpu.memref_slice %arg3[%add3A_48] : memref<6422528xi32, #tpu.memory_space<hbm>> -> memref<512xi32, #tpu.memory_space<hbm>>
    tpu.wait_dma2 semaphore(%arg18 : memref<!tpu.dma_semaphore, #tpu.memory_space<semaphore_mem>>) src(%dma_wait3A_56 : memref<512xi32, #tpu.memory_space<hbm>>) dst(%arg7 : memref<512xi32, #tpu.memory_space<vmem>>)
    %dma_wait3A_57 = tpu.memref_slice %arg4[%mul3A_2] : memref<1605632xi32, #tpu.memory_space<hbm>> -> memref<512xi32, #tpu.memory_space<hbm>>
    %dma_wait3A_58 = tpu.memref_slice %arg4[%mul3A_2] : memref<1605632xi32, #tpu.memory_space<hbm>> -> memref<512xi32, #tpu.memory_space<hbm>>
    tpu.wait_dma2 semaphore(%arg18 : memref<!tpu.dma_semaphore, #tpu.memory_space<semaphore_mem>>) src(%dma_wait3A_58 : memref<512xi32, #tpu.memory_space<hbm>>) dst(%arg9 : memref<512xi32, #tpu.memory_space<vmem>>)
    %dma_start3A_59 = arith.constant 0 : i32
    %dma_start3A_60 = arith.constant 0 : i32
    %dma_start3A_61 = tpu.memref_slice %arg2[%dma_start3A_59, %dma_start3A_60] : memref<400000x16xf32, #tpu.memory_space<hbm>> -> memref<400000x16xf32, #tpu.memory_space<hbm>>
    tpu.enqueue_indirect_dma source(%dma_start3A_61 : memref<400000x16xf32, #tpu.memory_space<hbm>>) target(%arg11 : memref<512x16xf32, #tpu.memory_space<vmem>>) offsets(%arg7 : memref<512xi32, #tpu.memory_space<vmem>>) semaphore(%arg15 : memref<!tpu.dma_semaphore, #tpu.memory_space<semaphore_mem>>)
    %add3A_62 = arith.constant 512 : i32
    %add3A_63 = arith.addi %add3A_48, %add3A_62 : i32
    %dma_start3A_64 = tpu.memref_slice %arg3[%add3A_63] : memref<6422528xi32, #tpu.memory_space<hbm>> -> memref<512xi32, #tpu.memory_space<hbm>>
    %dma_start3A_65 = tpu.memref_slice %arg3[%add3A_63] : memref<6422528xi32, #tpu.memory_space<hbm>> -> memref<512xi32, #tpu.memory_space<hbm>>
    tpu.enqueue_dma source(%dma_start3A_65 : memref<512xi32, #tpu.memory_space<hbm>>) target(%arg8 : memref<512xi32, #tpu.memory_space<vmem>>) target_semaphore(%arg18 : memref<!tpu.dma_semaphore, #tpu.memory_space<semaphore_mem>>)
    %add3A_66 = arith.constant 512 : i32
    %add3A_67 = arith.addi %mul3A_2, %add3A_66 : i32
    %dma_start3A_68 = tpu.memref_slice %arg4[%add3A_67] : memref<1605632xi32, #tpu.memory_space<hbm>> -> memref<512xi32, #tpu.memory_space<hbm>>
    %dma_start3A_69 = tpu.memref_slice %arg4[%add3A_67] : memref<1605632xi32, #tpu.memory_space<hbm>> -> memref<512xi32, #tpu.memory_space<hbm>>
    tpu.enqueue_dma source(%dma_start3A_69 : memref<512xi32, #tpu.memory_space<hbm>>) target(%arg10 : memref<512xi32, #tpu.memory_space<vmem>>) target_semaphore(%arg18 : memref<!tpu.dma_semaphore, #tpu.memory_space<semaphore_mem>>)
    %scan3A = arith.constant 0 : i32
    %scan3A_70 = arith.constant 98 : i32
    %scan3A_71 = arith.addi %scan3A, %scan3A_70 : i32
    %scan3A_72 = arith.constant 1 : i32
    scf.for %scan3A_314 = %scan3A to %scan3A_71 step %scan3A_72  : i32 {
      %mul3A_315 = arith.constant 2 : i32
      %mul3A_316 = arith.muli %scan3A_314, %mul3A_315 : i32
      %add3A_317 = arith.constant 0 : i32
      %add3A_318 = arith.addi %add3A_317, %mul3A_316 : i32
      %dma_wait3A_319 = tpu.memref_slice %arg3[%add3A_48] : memref<6422528xi32, #tpu.memory_space<hbm>> -> memref<512xi32, #tpu.memory_space<hbm>>
      %dma_wait3A_320 = tpu.memref_slice %arg3[%add3A_48] : memref<6422528xi32, #tpu.memory_space<hbm>> -> memref<512xi32, #tpu.memory_space<hbm>>
      tpu.wait_dma2 semaphore(%arg18 : memref<!tpu.dma_semaphore, #tpu.memory_space<semaphore_mem>>) src(%dma_wait3A_320 : memref<512xi32, #tpu.memory_space<hbm>>) dst(%arg8 : memref<512xi32, #tpu.memory_space<vmem>>)
      %dma_wait3A_321 = tpu.memref_slice %arg4[%mul3A_2] : memref<1605632xi32, #tpu.memory_space<hbm>> -> memref<512xi32, #tpu.memory_space<hbm>>
      %dma_wait3A_322 = tpu.memref_slice %arg4[%mul3A_2] : memref<1605632xi32, #tpu.memory_space<hbm>> -> memref<512xi32, #tpu.memory_space<hbm>>
      tpu.wait_dma2 semaphore(%arg18 : memref<!tpu.dma_semaphore, #tpu.memory_space<semaphore_mem>>) src(%dma_wait3A_322 : memref<512xi32, #tpu.memory_space<hbm>>) dst(%arg10 : memref<512xi32, #tpu.memory_space<vmem>>)
      %dma_start3A_323 = arith.constant 0 : i32
      %dma_start3A_324 = arith.constant 0 : i32
      %dma_start3A_325 = tpu.memref_slice %arg2[%dma_start3A_323, %dma_start3A_324] : memref<400000x16xf32, #tpu.memory_space<hbm>> -> memref<400000x16xf32, #tpu.memory_space<hbm>>
      tpu.enqueue_indirect_dma source(%dma_start3A_325 : memref<400000x16xf32, #tpu.memory_space<hbm>>) target(%arg12 : memref<512x16xf32, #tpu.memory_space<vmem>>) offsets(%arg8 : memref<512xi32, #tpu.memory_space<vmem>>) semaphore(%arg16 : memref<!tpu.dma_semaphore, #tpu.memory_space<semaphore_mem>>)
      %dma_wait3A_326 = arith.constant 0 : i32
      %dma_wait3A_327 = arith.constant 0 : i32
      %dma_wait3A_328 = tpu.memref_slice %arg2[%dma_wait3A_326, %dma_wait3A_327] : memref<400000x16xf32, #tpu.memory_space<hbm>> -> memref<400000x16xf32, #tpu.memory_space<hbm>>
      tpu.wait_indirect_dma semaphore(%arg15 : memref<!tpu.dma_semaphore, #tpu.memory_space<semaphore_mem>>) src(%dma_wait3A_328 : memref<400000x16xf32, #tpu.memory_space<hbm>>) dst(%arg11 : memref<512x16xf32, #tpu.memory_space<vmem>>)
      %add3A_329 = arith.constant 2 : i32
      %add3A_330 = arith.addi %add3A_318, %add3A_329 : i32
      %lt3A = arith.constant 196 : i32
      %lt3A_331 = arith.cmpi slt, %add3A_330, %lt3A : i32
      %convert_element_type3A = arith.extui %lt3A_331 : i1 to i32
      %cond3A = arith.constant 0 : i32
      %cond3A_332 = arith.cmpi ne, %convert_element_type3A, %cond3A : i32
      scf.if %cond3A_332 {
        %add3A_362 = arith.constant 2 : i32
        %add3A_363 = arith.addi %add3A_318, %add3A_362 : i32
        %mul3A_364 = arith.constant 512 : i32
        %mul3A_365 = arith.muli %add3A_363, %mul3A_364 : i32
        %add3A_366 = arith.addi %add3A_48, %mul3A_365 : i32
        %dma_start3A_367 = tpu.memref_slice %arg3[%add3A_366] : memref<6422528xi32, #tpu.memory_space<hbm>> -> memref<512xi32, #tpu.memory_space<hbm>>
        %dma_start3A_368 = tpu.memref_slice %arg3[%add3A_366] : memref<6422528xi32, #tpu.memory_space<hbm>> -> memref<512xi32, #tpu.memory_space<hbm>>
        tpu.enqueue_dma source(%dma_start3A_368 : memref<512xi32, #tpu.memory_space<hbm>>) target(%arg7 : memref<512xi32, #tpu.memory_space<vmem>>) target_semaphore(%arg18 : memref<!tpu.dma_semaphore, #tpu.memory_space<semaphore_mem>>)
        %mul3A_369 = arith.constant 512 : i32
        %mul3A_370 = arith.muli %add3A_363, %mul3A_369 : i32
        %add3A_371 = arith.addi %mul3A_2, %mul3A_370 : i32
        %dma_start3A_372 = tpu.memref_slice %arg4[%add3A_371] : memref<1605632xi32, #tpu.memory_space<hbm>> -> memref<512xi32, #tpu.memory_space<hbm>>
        %dma_start3A_373 = tpu.memref_slice %arg4[%add3A_371] : memref<1605632xi32, #tpu.memory_space<hbm>> -> memref<512xi32, #tpu.memory_space<hbm>>
        tpu.enqueue_dma source(%dma_start3A_373 : memref<512xi32, #tpu.memory_space<hbm>>) target(%arg9 : memref<512xi32, #tpu.memory_space<vmem>>) target_semaphore(%arg18 : memref<!tpu.dma_semaphore, #tpu.memory_space<semaphore_mem>>)
      } else {
      }
      %dma_start3A_333 = arith.constant 0 : i32
      %dma_start3A_334 = arith.constant 0 : i32
      %dma_start3A_335 = tpu.memref_slice %arg14[%dma_start3A_333, %dma_start3A_334] : memref<102400x16xf32, #tpu.memory_space<vmem_shared>> -> memref<102400x16xf32, #tpu.memory_space<vmem_shared>>
      tpu.enqueue_indirect_dma source(%arg11 : memref<512x16xf32, #tpu.memory_space<vmem>>) target(%dma_start3A_335 : memref<102400x16xf32, #tpu.memory_space<vmem_shared>>) offsets(%arg9 : memref<512xi32, #tpu.memory_space<vmem>>) semaphore(%arg17 : memref<!tpu.dma_semaphore, #tpu.memory_space<semaphore_mem>>) {add = true}
      %dma_wait3A_336 = arith.constant 0 : i32
      %dma_wait3A_337 = arith.constant 0 : i32
      %dma_wait3A_338 = tpu.memref_slice %arg14[%dma_wait3A_336, %dma_wait3A_337] : memref<102400x16xf32, #tpu.memory_space<vmem_shared>> -> memref<102400x16xf32, #tpu.memory_space<vmem_shared>>
      tpu.wait_indirect_dma semaphore(%arg17 : memref<!tpu.dma_semaphore, #tpu.memory_space<semaphore_mem>>) src(%arg11 : memref<512x16xf32, #tpu.memory_space<vmem>>) dst(%dma_wait3A_338 : memref<102400x16xf32, #tpu.memory_space<vmem_shared>>)
      %add3A_339 = arith.constant 2 : i32
      %add3A_340 = arith.addi %add3A_318, %add3A_339 : i32
      %lt3A_341 = arith.constant 196 : i32
      %lt3A_342 = arith.cmpi slt, %add3A_340, %lt3A_341 : i32
      %convert_element_type3A_343 = arith.extui %lt3A_342 : i1 to i32
      %cond3A_344 = arith.constant 0 : i32
      %cond3A_345 = arith.cmpi ne, %convert_element_type3A_343, %cond3A_344 : i32
      scf.if %cond3A_345 {
        %dma_wait3A_362 = tpu.memref_slice %arg3[%add3A_48] : memref<6422528xi32, #tpu.memory_space<hbm>> -> memref<512xi32, #tpu.memory_space<hbm>>
        %dma_wait3A_363 = tpu.memref_slice %arg3[%add3A_48] : memref<6422528xi32, #tpu.memory_space<hbm>> -> memref<512xi32, #tpu.memory_space<hbm>>
        tpu.wait_dma2 semaphore(%arg18 : memref<!tpu.dma_semaphore, #tpu.memory_space<semaphore_mem>>) src(%dma_wait3A_363 : memref<512xi32, #tpu.memory_space<hbm>>) dst(%arg7 : memref<512xi32, #tpu.memory_space<vmem>>)
        %dma_wait3A_364 = tpu.memref_slice %arg4[%mul3A_2] : memref<1605632xi32, #tpu.memory_space<hbm>> -> memref<512xi32, #tpu.memory_space<hbm>>
        %dma_wait3A_365 = tpu.memref_slice %arg4[%mul3A_2] : memref<1605632xi32, #tpu.memory_space<hbm>> -> memref<512xi32, #tpu.memory_space<hbm>>
        tpu.wait_dma2 semaphore(%arg18 : memref<!tpu.dma_semaphore, #tpu.memory_space<semaphore_mem>>) src(%dma_wait3A_365 : memref<512xi32, #tpu.memory_space<hbm>>) dst(%arg9 : memref<512xi32, #tpu.memory_space<vmem>>)
        %dma_start3A_366 = arith.constant 0 : i32
        %dma_start3A_367 = arith.constant 0 : i32
        %dma_start3A_368 = tpu.memref_slice %arg2[%dma_start3A_366, %dma_start3A_367] : memref<400000x16xf32, #tpu.memory_space<hbm>> -> memref<400000x16xf32, #tpu.memory_space<hbm>>
        tpu.enqueue_indirect_dma source(%dma_start3A_368 : memref<400000x16xf32, #tpu.memory_space<hbm>>) target(%arg11 : memref<512x16xf32, #tpu.memory_space<vmem>>) offsets(%arg7 : memref<512xi32, #tpu.memory_space<vmem>>) semaphore(%arg15 : memref<!tpu.dma_semaphore, #tpu.memory_space<semaphore_mem>>)
      } else {
      }
      %dma_wait3A_346 = arith.constant 0 : i32
      %dma_wait3A_347 = arith.constant 0 : i32
      %dma_wait3A_348 = tpu.memref_slice %arg2[%dma_wait3A_346, %dma_wait3A_347] : memref<400000x16xf32, #tpu.memory_space<hbm>> -> memref<400000x16xf32, #tpu.memory_space<hbm>>
      tpu.wait_indirect_dma semaphore(%arg16 : memref<!tpu.dma_semaphore, #tpu.memory_space<semaphore_mem>>) src(%dma_wait3A_348 : memref<400000x16xf32, #tpu.memory_space<hbm>>) dst(%arg12 : memref<512x16xf32, #tpu.memory_space<vmem>>)
      %add3A_349 = arith.constant 3 : i32
      %add3A_350 = arith.addi %add3A_318, %add3A_349 : i32
      %lt3A_351 = arith.constant 196 : i32
      %lt3A_352 = arith.cmpi slt, %add3A_350, %lt3A_351 : i32
      %convert_element_type3A_353 = arith.extui %lt3A_352 : i1 to i32
      %cond3A_354 = arith.constant 0 : i32
      %cond3A_355 = arith.cmpi ne, %convert_element_type3A_353, %cond3A_354 : i32
      scf.if %cond3A_355 {
        %add3A_362 = arith.constant 3 : i32
        %add3A_363 = arith.addi %add3A_318, %add3A_362 : i32
        %mul3A_364 = arith.constant 512 : i32
        %mul3A_365 = arith.muli %add3A_363, %mul3A_364 : i32
        %add3A_366 = arith.addi %add3A_48, %mul3A_365 : i32
        %dma_start3A_367 = tpu.memref_slice %arg3[%add3A_366] : memref<6422528xi32, #tpu.memory_space<hbm>> -> memref<512xi32, #tpu.memory_space<hbm>>
        %dma_start3A_368 = tpu.memref_slice %arg3[%add3A_366] : memref<6422528xi32, #tpu.memory_space<hbm>> -> memref<512xi32, #tpu.memory_space<hbm>>
        tpu.enqueue_dma source(%dma_start3A_368 : memref<512xi32, #tpu.memory_space<hbm>>) target(%arg8 : memref<512xi32, #tpu.memory_space<vmem>>) target_semaphore(%arg18 : memref<!tpu.dma_semaphore, #tpu.memory_space<semaphore_mem>>)
        %mul3A_369 = arith.constant 512 : i32
        %mul3A_370 = arith.muli %add3A_363, %mul3A_369 : i32
        %add3A_371 = arith.addi %mul3A_2, %mul3A_370 : i32
        %dma_start3A_372 = tpu.memref_slice %arg4[%add3A_371] : memref<1605632xi32, #tpu.memory_space<hbm>> -> memref<512xi32, #tpu.memory_space<hbm>>
        %dma_start3A_373 = tpu.memref_slice %arg4[%add3A_371] : memref<1605632xi32, #tpu.memory_space<hbm>> -> memref<512xi32, #tpu.memory_space<hbm>>
        tpu.enqueue_dma source(%dma_start3A_373 : memref<512xi32, #tpu.memory_space<hbm>>) target(%arg10 : memref<512xi32, #tpu.memory_space<vmem>>) target_semaphore(%arg18 : memref<!tpu.dma_semaphore, #tpu.memory_space<semaphore_mem>>)
      } else {
      }
      %dma_start3A_356 = arith.constant 0 : i32
      %dma_start3A_357 = arith.constant 0 : i32
      %dma_start3A_358 = tpu.memref_slice %arg14[%dma_start3A_356, %dma_start3A_357] : memref<102400x16xf32, #tpu.memory_space<vmem_shared>> -> memref<102400x16xf32, #tpu.memory_space<vmem_shared>>
      tpu.enqueue_indirect_dma source(%arg12 : memref<512x16xf32, #tpu.memory_space<vmem>>) target(%dma_start3A_358 : memref<102400x16xf32, #tpu.memory_space<vmem_shared>>) offsets(%arg10 : memref<512xi32, #tpu.memory_space<vmem>>) semaphore(%arg17 : memref<!tpu.dma_semaphore, #tpu.memory_space<semaphore_mem>>) {add = true}
      %dma_wait3A_359 = arith.constant 0 : i32
      %dma_wait3A_360 = arith.constant 0 : i32
      %dma_wait3A_361 = tpu.memref_slice %arg14[%dma_wait3A_359, %dma_wait3A_360] : memref<102400x16xf32, #tpu.memory_space<vmem_shared>> -> memref<102400x16xf32, #tpu.memory_space<vmem_shared>>
      tpu.wait_indirect_dma semaphore(%arg17 : memref<!tpu.dma_semaphore, #tpu.memory_space<semaphore_mem>>) src(%arg12 : memref<512x16xf32, #tpu.memory_space<vmem>>) dst(%dma_wait3A_361 : memref<102400x16xf32, #tpu.memory_space<vmem_shared>>)
    }
    %scan3A_73 = arith.constant 98 : i32
    %barrier3A_74 = arith.constant 0 : index
    tpu.barrier barrier_id(%barrier3A_74)
    %add3A_75 = arith.constant 0 : i32
    %add3A_76 = arith.addi %mul3A_0, %add3A_75 : i32
    %mul3A_77 = arith.constant 16 : i32
    %mul3A_78 = arith.muli %add3A_5, %mul3A_77 : i32
    "tpu.region"() ({
      %run_scoped3A = tpu.sem_alloc : memref<!tpu.dma_semaphore, #tpu.memory_space<semaphore_mem>>
      %dma_start3A_314 = tpu.memref_slice %arg6[%add3A_76, %mul3A_78] : memref<102400x64xf32, #tpu.memory_space<hbm>> -> memref<320x16xf32, #tpu.memory_space<hbm>>
      %dma_start3A_315 = arith.constant 0 : i32
      %dma_start3A_316 = tpu.memref_slice %arg14[%add3A_76, %dma_start3A_315] : memref<102400x16xf32, #tpu.memory_space<vmem_shared>> -> memref<320x16xf32, #tpu.memory_space<vmem_shared>>
      tpu.enqueue_dma source(%dma_start3A_316 : memref<320x16xf32, #tpu.memory_space<vmem_shared>>) target(%dma_start3A_314 : memref<320x16xf32, #tpu.memory_space<hbm>>) target_semaphore(%run_scoped3A : memref<!tpu.dma_semaphore, #tpu.memory_space<semaphore_mem>>)
      %dma_wait3A_317 = tpu.memref_slice %arg6[%add3A_76, %mul3A_78] : memref<102400x64xf32, #tpu.memory_space<hbm>> -> memref<320x16xf32, #tpu.memory_space<hbm>>
      %dma_wait3A_318 = arith.constant 0 : i32
      %dma_wait3A_319 = tpu.memref_slice %arg14[%add3A_76, %dma_wait3A_318] : memref<102400x16xf32, #tpu.memory_space<vmem_shared>> -> memref<320x16xf32, #tpu.memory_space<vmem_shared>>
      tpu.wait_dma2 semaphore(%run_scoped3A : memref<!tpu.dma_semaphore, #tpu.memory_space<semaphore_mem>>) src(%dma_wait3A_319 : memref<320x16xf32, #tpu.memory_space<vmem_shared>>) dst(%dma_wait3A_317 : memref<320x16xf32, #tpu.memory_space<hbm>>)
      tpu.yield
    }) : () -> ()
    %add3A_79 = arith.constant 320 : i32
    %add3A_80 = arith.addi %mul3A_0, %add3A_79 : i32
    %mul3A_81 = arith.constant 16 : i32
    %mul3A_82 = arith.muli %add3A_5, %mul3A_81 : i32
    "tpu.region"() ({
      %run_scoped3A = tpu.sem_alloc : memref<!tpu.dma_semaphore, #tpu.memory_space<semaphore_mem>>
      %dma_start3A_314 = tpu.memref_slice %arg6[%add3A_80, %mul3A_82] : memref<102400x64xf32, #tpu.memory_space<hbm>> -> memref<320x16xf32, #tpu.memory_space<hbm>>
      %dma_start3A_315 = arith.constant 0 : i32
      %dma_start3A_316 = tpu.memref_slice %arg14[%add3A_80, %dma_start3A_315] : memref<102400x16xf32, #tpu.memory_space<vmem_shared>> -> memref<320x16xf32, #tpu.memory_space<vmem_shared>>
      tpu.enqueue_dma source(%dma_start3A_316 : memref<320x16xf32, #tpu.memory_space<vmem_shared>>) target(%dma_start3A_314 : memref<320x16xf32, #tpu.memory_space<hbm>>) target_semaphore(%run_scoped3A : memref<!tpu.dma_semaphore, #tpu.memory_space<semaphore_mem>>)
      %dma_wait3A_317 = tpu.memref_slice %arg6[%add3A_80, %mul3A_82] : memref<102400x64xf32, #tpu.memory_space<hbm>> -> memref<320x16xf32, #tpu.memory_space<hbm>>
      %dma_wait3A_318 = arith.constant 0 : i32
      %dma_wait3A_319 = tpu.memref_slice %arg14[%add3A_80, %dma_wait3A_318] : memref<102400x16xf32, #tpu.memory_space<vmem_shared>> -> memref<320x16xf32, #tpu.memory_space<vmem_shared>>
      tpu.wait_dma2 semaphore(%run_scoped3A : memref<!tpu.dma_semaphore, #tpu.memory_space<semaphore_mem>>) src(%dma_wait3A_319 : memref<320x16xf32, #tpu.memory_space<vmem_shared>>) dst(%dma_wait3A_317 : memref<320x16xf32, #tpu.memory_space<hbm>>)
      tpu.yield
    }) : () -> ()
    %add3A_83 = arith.constant 640 : i32
    %add3A_84 = arith.addi %mul3A_0, %add3A_83 : i32
    %mul3A_85 = arith.constant 16 : i32
    %mul3A_86 = arith.muli %add3A_5, %mul3A_85 : i32
    "tpu.region"() ({
      %run_scoped3A = tpu.sem_alloc : memref<!tpu.dma_semaphore, #tpu.memory_space<semaphore_mem>>
      %dma_start3A_314 = tpu.memref_slice %arg6[%add3A_84, %mul3A_86] : memref<102400x64xf32, #tpu.memory_space<hbm>> -> memref<320x16xf32, #tpu.memory_space<hbm>>
      %dma_start3A_315 = arith.constant 0 : i32
      %dma_start3A_316 = tpu.memref_slice %arg14[%add3A_84, %dma_start3A_315] : memref<102400x16xf32, #tpu.memory_space<vmem_shared>> -> memref<320x16xf32, #tpu.memory_space<vmem_shared>>
      tpu.enqueue_dma source(%dma_start3A_316 : memref<320x16xf32, #tpu.memory_space<vmem_shared>>) target(%dma_start3A_314 : memref<320x16xf32, #tpu.memory_space<hbm>>) target_semaphore(%run_scoped3A : memref<!tpu.dma_semaphore, #tpu.memory_space<semaphore_mem>>)
      %dma_wait3A_317 = tpu.memref_slice %arg6[%add3A_84, %mul3A_86] : memref<102400x64xf32, #tpu.memory_space<hbm>> -> memref<320x16xf32, #tpu.memory_space<hbm>>
      %dma_wait3A_318 = arith.constant 0 : i32
      %dma_wait3A_319 = tpu.memref_slice %arg14[%add3A_84, %dma_wait3A_318] : memref<102400x16xf32, #tpu.memory_space<vmem_shared>> -> memref<320x16xf32, #tpu.memory_space<vmem_shared>>
      tpu.wait_dma2 semaphore(%run_scoped3A : memref<!tpu.dma_semaphore, #tpu.memory_space<semaphore_mem>>) src(%dma_wait3A_319 : memref<320x16xf32, #tpu.memory_space<vmem_shared>>) dst(%dma_wait3A_317 : memref<320x16xf32, #tpu.memory_space<hbm>>)
      tpu.yield
    }) : () -> ()
    %add3A_87 = arith.constant 960 : i32
    %add3A_88 = arith.addi %mul3A_0, %add3A_87 : i32
    %mul3A_89 = arith.constant 16 : i32
    %mul3A_90 = arith.muli %add3A_5, %mul3A_89 : i32
    "tpu.region"() ({
      %run_scoped3A = tpu.sem_alloc : memref<!tpu.dma_semaphore, #tpu.memory_space<semaphore_mem>>
      %dma_start3A_314 = tpu.memref_slice %arg6[%add3A_88, %mul3A_90] : memref<102400x64xf32, #tpu.memory_space<hbm>> -> memref<320x16xf32, #tpu.memory_space<hbm>>
      %dma_start3A_315 = arith.constant 0 : i32
      %dma_start3A_316 = tpu.memref_slice %arg14[%add3A_88, %dma_start3A_315] : memref<102400x16xf32, #tpu.memory_space<vmem_shared>> -> memref<320x16xf32, #tpu.memory_space<vmem_shared>>
      tpu.enqueue_dma source(%dma_start3A_316 : memref<320x16xf32, #tpu.memory_space<vmem_shared>>) target(%dma_start3A_314 : memref<320x16xf32, #tpu.memory_space<hbm>>) target_semaphore(%run_scoped3A : memref<!tpu.dma_semaphore, #tpu.memory_space<semaphore_mem>>)
      %dma_wait3A_317 = tpu.memref_slice %arg6[%add3A_88, %mul3A_90] : memref<102400x64xf32, #tpu.memory_space<hbm>> -> memref<320x16xf32, #tpu.memory_space<hbm>>
      %dma_wait3A_318 = arith.constant 0 : i32
      %dma_wait3A_319 = tpu.memref_slice %arg14[%add3A_88, %dma_wait3A_318] : memref<102400x16xf32, #tpu.memory_space<vmem_shared>> -> memref<320x16xf32, #tpu.memory_space<vmem_shared>>
      tpu.wait_dma2 semaphore(%run_scoped3A : memref<!tpu.dma_semaphore, #tpu.memory_space<semaphore_mem>>) src(%dma_wait3A_319 : memref<320x16xf32, #tpu.memory_space<vmem_shared>>) dst(%dma_wait3A_317 : memref<320x16xf32, #tpu.memory_space<hbm>>)
      tpu.yield
    }) : () -> ()
    %add3A_91 = arith.constant 1280 : i32
    %add3A_92 = arith.addi %mul3A_0, %add3A_91 : i32
    %mul3A_93 = arith.constant 16 : i32
    %mul3A_94 = arith.muli %add3A_5, %mul3A_93 : i32
    "tpu.region"() ({
      %run_scoped3A = tpu.sem_alloc : memref<!tpu.dma_semaphore, #tpu.memory_space<semaphore_mem>>
      %dma_start3A_314 = tpu.memref_slice %arg6[%add3A_92, %mul3A_94] : memref<102400x64xf32, #tpu.memory_space<hbm>> -> memref<320x16xf32, #tpu.memory_space<hbm>>
      %dma_start3A_315 = arith.constant 0 : i32
      %dma_start3A_316 = tpu.memref_slice %arg14[%add3A_92, %dma_start3A_315] : memref<102400x16xf32, #tpu.memory_space<vmem_shared>> -> memref<320x16xf32, #tpu.memory_space<vmem_shared>>
      tpu.enqueue_dma source(%dma_start3A_316 : memref<320x16xf32, #tpu.memory_space<vmem_shared>>) target(%dma_start3A_314 : memref<320x16xf32, #tpu.memory_space<hbm>>) target_semaphore(%run_scoped3A : memref<!tpu.dma_semaphore, #tpu.memory_space<semaphore_mem>>)
      %dma_wait3A_317 = tpu.memref_slice %arg6[%add3A_92, %mul3A_94] : memref<102400x64xf32, #tpu.memory_space<hbm>> -> memref<320x16xf32, #tpu.memory_space<hbm>>
      %dma_wait3A_318 = arith.constant 0 : i32
      %dma_wait3A_319 = tpu.memref_slice %arg14[%add3A_92, %dma_wait3A_318] : memref<102400x16xf32, #tpu.memory_space<vmem_shared>> -> memref<320x16xf32, #tpu.memory_space<vmem_shared>>
      tpu.wait_dma2 semaphore(%run_scoped3A : memref<!tpu.dma_semaphore, #tpu.memory_space<semaphore_mem>>) src(%dma_wait3A_319 : memref<320x16xf32, #tpu.memory_space<vmem_shared>>) dst(%dma_wait3A_317 : memref<320x16xf32, #tpu.memory_space<hbm>>)
      tpu.yield
    }) : () -> ()
    %add3A_95 = arith.constant 1600 : i32
    %add3A_96 = arith.addi %mul3A_0, %add3A_95 : i32
    %mul3A_97 = arith.constant 16 : i32
    %mul3A_98 = arith.muli %add3A_5, %mul3A_97 : i32
    "tpu.region"() ({
      %run_scoped3A = tpu.sem_alloc : memref<!tpu.dma_semaphore, #tpu.memory_space<semaphore_mem>>
      %dma_start3A_314 = tpu.memref_slice %arg6[%add3A_96, %mul3A_98] : memref<102400x64xf32, #tpu.memory_space<hbm>> -> memref<320x16xf32, #tpu.memory_space<hbm>>
      %dma_start3A_315 = arith.constant 0 : i32
      %dma_start3A_316 = tpu.memref_slice %arg14[%add3A_96, %dma_start3A_315] : memref<102400x16xf32, #tpu.memory_space<vmem_shared>> -> memref<320x16xf32, #tpu.memory_space<vmem_shared>>
      tpu.enqueue_dma source(%dma_start3A_316 : memref<320x16xf32, #tpu.memory_space<vmem_shared>>) target(%dma_start3A_314 : memref<320x16xf32, #tpu.memory_space<hbm>>) target_semaphore(%run_scoped3A : memref<!tpu.dma_semaphore, #tpu.memory_space<semaphore_mem>>)
      %dma_wait3A_317 = tpu.memref_slice %arg6[%add3A_96, %mul3A_98] : memref<102400x64xf32, #tpu.memory_space<hbm>> -> memref<320x16xf32, #tpu.memory_space<hbm>>
      %dma_wait3A_318 = arith.constant 0 : i32
      %dma_wait3A_319 = tpu.memref_slice %arg14[%add3A_96, %dma_wait3A_318] : memref<102400x16xf32, #tpu.memory_space<vmem_shared>> -> memref<320x16xf32, #tpu.memory_space<vmem_shared>>
      tpu.wait_dma2 semaphore(%run_scoped3A : memref<!tpu.dma_semaphore, #tpu.memory_space<semaphore_mem>>) src(%dma_wait3A_319 : memref<320x16xf32, #tpu.memory_space<vmem_shared>>) dst(%dma_wait3A_317 : memref<320x16xf32, #tpu.memory_space<hbm>>)
      tpu.yield
    }) : () -> ()
    %add3A_99 = arith.constant 1920 : i32
    %add3A_100 = arith.addi %mul3A_0, %add3A_99 : i32
    %mul3A_101 = arith.constant 16 : i32
    %mul3A_102 = arith.muli %add3A_5, %mul3A_101 : i32
    "tpu.region"() ({
      %run_scoped3A = tpu.sem_alloc : memref<!tpu.dma_semaphore, #tpu.memory_space<semaphore_mem>>
      %dma_start3A_314 = tpu.memref_slice %arg6[%add3A_100, %mul3A_102] : memref<102400x64xf32, #tpu.memory_space<hbm>> -> memref<320x16xf32, #tpu.memory_space<hbm>>
      %dma_start3A_315 = arith.constant 0 : i32
      %dma_start3A_316 = tpu.memref_slice %arg14[%add3A_100, %dma_start3A_315] : memref<102400x16xf32, #tpu.memory_space<vmem_shared>> -> memref<320x16xf32, #tpu.memory_space<vmem_shared>>
      tpu.enqueue_dma source(%dma_start3A_316 : memref<320x16xf32, #tpu.memory_space<vmem_shared>>) target(%dma_start3A_314 : memref<320x16xf32, #tpu.memory_space<hbm>>) target_semaphore(%run_scoped3A : memref<!tpu.dma_semaphore, #tpu.memory_space<semaphore_mem>>)
      %dma_wait3A_317 = tpu.memref_slice %arg6[%add3A_100, %mul3A_102] : memref<102400x64xf32, #tpu.memory_space<hbm>> -> memref<320x16xf32, #tpu.memory_space<hbm>>
      %dma_wait3A_318 = arith.constant 0 : i32
      %dma_wait3A_319 = tpu.memref_slice %arg14[%add3A_100, %dma_wait3A_318] : memref<102400x16xf32, #tpu.memory_space<vmem_shared>> -> memref<320x16xf32, #tpu.memory_space<vmem_shared>>
      tpu.wait_dma2 semaphore(%run_scoped3A : memref<!tpu.dma_semaphore, #tpu.memory_space<semaphore_mem>>) src(%dma_wait3A_319 : memref<320x16xf32, #tpu.memory_space<vmem_shared>>) dst(%dma_wait3A_317 : memref<320x16xf32, #tpu.memory_space<hbm>>)
      tpu.yield
    }) : () -> ()
    %add3A_103 = arith.constant 2240 : i32
    %add3A_104 = arith.addi %mul3A_0, %add3A_103 : i32
    %mul3A_105 = arith.constant 16 : i32
    %mul3A_106 = arith.muli %add3A_5, %mul3A_105 : i32
    "tpu.region"() ({
      %run_scoped3A = tpu.sem_alloc : memref<!tpu.dma_semaphore, #tpu.memory_space<semaphore_mem>>
      %dma_start3A_314 = tpu.memref_slice %arg6[%add3A_104, %mul3A_106] : memref<102400x64xf32, #tpu.memory_space<hbm>> -> memref<320x16xf32, #tpu.memory_space<hbm>>
      %dma_start3A_315 = arith.constant 0 : i32
      %dma_start3A_316 = tpu.memref_slice %arg14[%add3A_104, %dma_start3A_315] : memref<102400x16xf32, #tpu.memory_space<vmem_shared>> -> memref<320x16xf32, #tpu.memory_space<vmem_shared>>
      tpu.enqueue_dma source(%dma_start3A_316 : memref<320x16xf32, #tpu.memory_space<vmem_shared>>) target(%dma_start3A_314 : memref<320x16xf32, #tpu.memory_space<hbm>>) target_semaphore(%run_scoped3A : memref<!tpu.dma_semaphore, #tpu.memory_space<semaphore_mem>>)
      %dma_wait3A_317 = tpu.memref_slice %arg6[%add3A_104, %mul3A_106] : memref<102400x64xf32, #tpu.memory_space<hbm>> -> memref<320x16xf32, #tpu.memory_space<hbm>>
      %dma_wait3A_318 = arith.constant 0 : i32
      %dma_wait3A_319 = tpu.memref_slice %arg14[%add3A_104, %dma_wait3A_318] : memref<102400x16xf32, #tpu.memory_space<vmem_shared>> -> memref<320x16xf32, #tpu.memory_space<vmem_shared>>
      tpu.wait_dma2 semaphore(%run_scoped3A : memref<!tpu.dma_semaphore, #tpu.memory_space<semaphore_mem>>) src(%dma_wait3A_319 : memref<320x16xf32, #tpu.memory_space<vmem_shared>>) dst(%dma_wait3A_317 : memref<320x16xf32, #tpu.memory_space<hbm>>)
      tpu.yield
    }) : () -> ()
    %add3A_107 = arith.constant 2560 : i32
    %add3A_108 = arith.addi %mul3A_0, %add3A_107 : i32
    %mul3A_109 = arith.constant 16 : i32
    %mul3A_110 = arith.muli %add3A_5, %mul3A_109 : i32
    "tpu.region"() ({
      %run_scoped3A = tpu.sem_alloc : memref<!tpu.dma_semaphore, #tpu.memory_space<semaphore_mem>>
      %dma_start3A_314 = tpu.memref_slice %arg6[%add3A_108, %mul3A_110] : memref<102400x64xf32, #tpu.memory_space<hbm>> -> memref<320x16xf32, #tpu.memory_space<hbm>>
      %dma_start3A_315 = arith.constant 0 : i32
      %dma_start3A_316 = tpu.memref_slice %arg14[%add3A_108, %dma_start3A_315] : memref<102400x16xf32, #tpu.memory_space<vmem_shared>> -> memref<320x16xf32, #tpu.memory_space<vmem_shared>>
      tpu.enqueue_dma source(%dma_start3A_316 : memref<320x16xf32, #tpu.memory_space<vmem_shared>>) target(%dma_start3A_314 : memref<320x16xf32, #tpu.memory_space<hbm>>) target_semaphore(%run_scoped3A : memref<!tpu.dma_semaphore, #tpu.memory_space<semaphore_mem>>)
      %dma_wait3A_317 = tpu.memref_slice %arg6[%add3A_108, %mul3A_110] : memref<102400x64xf32, #tpu.memory_space<hbm>> -> memref<320x16xf32, #tpu.memory_space<hbm>>
      %dma_wait3A_318 = arith.constant 0 : i32
      %dma_wait3A_319 = tpu.memref_slice %arg14[%add3A_108, %dma_wait3A_318] : memref<102400x16xf32, #tpu.memory_space<vmem_shared>> -> memref<320x16xf32, #tpu.memory_space<vmem_shared>>
      tpu.wait_dma2 semaphore(%run_scoped3A : memref<!tpu.dma_semaphore, #tpu.memory_space<semaphore_mem>>) src(%dma_wait3A_319 : memref<320x16xf32, #tpu.memory_space<vmem_shared>>) dst(%dma_wait3A_317 : memref<320x16xf32, #tpu.memory_space<hbm>>)
      tpu.yield
    }) : () -> ()
    %add3A_111 = arith.constant 2880 : i32
    %add3A_112 = arith.addi %mul3A_0, %add3A_111 : i32
    %mul3A_113 = arith.constant 16 : i32
    %mul3A_114 = arith.muli %add3A_5, %mul3A_113 : i32
    "tpu.region"() ({
      %run_scoped3A = tpu.sem_alloc : memref<!tpu.dma_semaphore, #tpu.memory_space<semaphore_mem>>
      %dma_start3A_314 = tpu.memref_slice %arg6[%add3A_112, %mul3A_114] : memref<102400x64xf32, #tpu.memory_space<hbm>> -> memref<320x16xf32, #tpu.memory_space<hbm>>
      %dma_start3A_315 = arith.constant 0 : i32
      %dma_start3A_316 = tpu.memref_slice %arg14[%add3A_112, %dma_start3A_315] : memref<102400x16xf32, #tpu.memory_space<vmem_shared>> -> memref<320x16xf32, #tpu.memory_space<vmem_shared>>
      tpu.enqueue_dma source(%dma_start3A_316 : memref<320x16xf32, #tpu.memory_space<vmem_shared>>) target(%dma_start3A_314 : memref<320x16xf32, #tpu.memory_space<hbm>>) target_semaphore(%run_scoped3A : memref<!tpu.dma_semaphore, #tpu.memory_space<semaphore_mem>>)
      %dma_wait3A_317 = tpu.memref_slice %arg6[%add3A_112, %mul3A_114] : memref<102400x64xf32, #tpu.memory_space<hbm>> -> memref<320x16xf32, #tpu.memory_space<hbm>>
      %dma_wait3A_318 = arith.constant 0 : i32
      %dma_wait3A_319 = tpu.memref_slice %arg14[%add3A_112, %dma_wait3A_318] : memref<102400x16xf32, #tpu.memory_space<vmem_shared>> -> memref<320x16xf32, #tpu.memory_space<vmem_shared>>
      tpu.wait_dma2 semaphore(%run_scoped3A : memref<!tpu.dma_semaphore, #tpu.memory_space<semaphore_mem>>) src(%dma_wait3A_319 : memref<320x16xf32, #tpu.memory_space<vmem_shared>>) dst(%dma_wait3A_317 : memref<320x16xf32, #tpu.memory_space<hbm>>)
      tpu.yield
    }) : () -> ()
    %add3A_115 = arith.constant 3200 : i32
    %add3A_116 = arith.addi %mul3A_0, %add3A_115 : i32
    %mul3A_117 = arith.constant 16 : i32
    %mul3A_118 = arith.muli %add3A_5, %mul3A_117 : i32
    "tpu.region"() ({
      %run_scoped3A = tpu.sem_alloc : memref<!tpu.dma_semaphore, #tpu.memory_space<semaphore_mem>>
      %dma_start3A_314 = tpu.memref_slice %arg6[%add3A_116, %mul3A_118] : memref<102400x64xf32, #tpu.memory_space<hbm>> -> memref<320x16xf32, #tpu.memory_space<hbm>>
      %dma_start3A_315 = arith.constant 0 : i32
      %dma_start3A_316 = tpu.memref_slice %arg14[%add3A_116, %dma_start3A_315] : memref<102400x16xf32, #tpu.memory_space<vmem_shared>> -> memref<320x16xf32, #tpu.memory_space<vmem_shared>>
      tpu.enqueue_dma source(%dma_start3A_316 : memref<320x16xf32, #tpu.memory_space<vmem_shared>>) target(%dma_start3A_314 : memref<320x16xf32, #tpu.memory_space<hbm>>) target_semaphore(%run_scoped3A : memref<!tpu.dma_semaphore, #tpu.memory_space<semaphore_mem>>)
      %dma_wait3A_317 = tpu.memref_slice %arg6[%add3A_116, %mul3A_118] : memref<102400x64xf32, #tpu.memory_space<hbm>> -> memref<320x16xf32, #tpu.memory_space<hbm>>
      %dma_wait3A_318 = arith.constant 0 : i32
      %dma_wait3A_319 = tpu.memref_slice %arg14[%add3A_116, %dma_wait3A_318] : memref<102400x16xf32, #tpu.memory_space<vmem_shared>> -> memref<320x16xf32, #tpu.memory_space<vmem_shared>>
      tpu.wait_dma2 semaphore(%run_scoped3A : memref<!tpu.dma_semaphore, #tpu.memory_space<semaphore_mem>>) src(%dma_wait3A_319 : memref<320x16xf32, #tpu.memory_space<vmem_shared>>) dst(%dma_wait3A_317 : memref<320x16xf32, #tpu.memory_space<hbm>>)
      tpu.yield
    }) : () -> ()
    %add3A_119 = arith.constant 3520 : i32
    %add3A_120 = arith.addi %mul3A_0, %add3A_119 : i32
    %mul3A_121 = arith.constant 16 : i32
    %mul3A_122 = arith.muli %add3A_5, %mul3A_121 : i32
    "tpu.region"() ({
      %run_scoped3A = tpu.sem_alloc : memref<!tpu.dma_semaphore, #tpu.memory_space<semaphore_mem>>
      %dma_start3A_314 = tpu.memref_slice %arg6[%add3A_120, %mul3A_122] : memref<102400x64xf32, #tpu.memory_space<hbm>> -> memref<320x16xf32, #tpu.memory_space<hbm>>
      %dma_start3A_315 = arith.constant 0 : i32
      %dma_start3A_316 = tpu.memref_slice %arg14[%add3A_120, %dma_start3A_315] : memref<102400x16xf32, #tpu.memory_space<vmem_shared>> -> memref<320x16xf32, #tpu.memory_space<vmem_shared>>
      tpu.enqueue_dma source(%dma_start3A_316 : memref<320x16xf32, #tpu.memory_space<vmem_shared>>) target(%dma_start3A_314 : memref<320x16xf32, #tpu.memory_space<hbm>>) target_semaphore(%run_scoped3A : memref<!tpu.dma_semaphore, #tpu.memory_space<semaphore_mem>>)
      %dma_wait3A_317 = tpu.memref_slice %arg6[%add3A_120, %mul3A_122] : memref<102400x64xf32, #tpu.memory_space<hbm>> -> memref<320x16xf32, #tpu.memory_space<hbm>>
      %dma_wait3A_318 = arith.constant 0 : i32
      %dma_wait3A_319 = tpu.memref_slice %arg14[%add3A_120, %dma_wait3A_318] : memref<102400x16xf32, #tpu.memory_space<vmem_shared>> -> memref<320x16xf32, #tpu.memory_space<vmem_shared>>
      tpu.wait_dma2 semaphore(%run_scoped3A : memref<!tpu.dma_semaphore, #tpu.memory_space<semaphore_mem>>) src(%dma_wait3A_319 : memref<320x16xf32, #tpu.memory_space<vmem_shared>>) dst(%dma_wait3A_317 : memref<320x16xf32, #tpu.memory_space<hbm>>)
      tpu.yield
    }) : () -> ()
    %add3A_123 = arith.constant 3840 : i32
    %add3A_124 = arith.addi %mul3A_0, %add3A_123 : i32
    %mul3A_125 = arith.constant 16 : i32
    %mul3A_126 = arith.muli %add3A_5, %mul3A_125 : i32
    "tpu.region"() ({
      %run_scoped3A = tpu.sem_alloc : memref<!tpu.dma_semaphore, #tpu.memory_space<semaphore_mem>>
      %dma_start3A_314 = tpu.memref_slice %arg6[%add3A_124, %mul3A_126] : memref<102400x64xf32, #tpu.memory_space<hbm>> -> memref<320x16xf32, #tpu.memory_space<hbm>>
      %dma_start3A_315 = arith.constant 0 : i32
      %dma_start3A_316 = tpu.memref_slice %arg14[%add3A_124, %dma_start3A_315] : memref<102400x16xf32, #tpu.memory_space<vmem_shared>> -> memref<320x16xf32, #tpu.memory_space<vmem_shared>>
      tpu.enqueue_dma source(%dma_start3A_316 : memref<320x16xf32, #tpu.memory_space<vmem_shared>>) target(%dma_start3A_314 : memref<320x16xf32, #tpu.memory_space<hbm>>) target_semaphore(%run_scoped3A : memref<!tpu.dma_semaphore, #tpu.memory_space<semaphore_mem>>)
      %dma_wait3A_317 = tpu.memref_slice %arg6[%add3A_124, %mul3A_126] : memref<102400x64xf32, #tpu.memory_space<hbm>> -> memref<320x16xf32, #tpu.memory_space<hbm>>
      %dma_wait3A_318 = arith.constant 0 : i32
      %dma_wait3A_319 = tpu.memref_slice %arg14[%add3A_124, %dma_wait3A_318] : memref<102400x16xf32, #tpu.memory_space<vmem_shared>> -> memref<320x16xf32, #tpu.memory_space<vmem_shared>>
      tpu.wait_dma2 semaphore(%run_scoped3A : memref<!tpu.dma_semaphore, #tpu.memory_space<semaphore_mem>>) src(%dma_wait3A_319 : memref<320x16xf32, #tpu.memory_space<vmem_shared>>) dst(%dma_wait3A_317 : memref<320x16xf32, #tpu.memory_space<hbm>>)
      tpu.yield
    }) : () -> ()
    %add3A_127 = arith.constant 4160 : i32
    %add3A_128 = arith.addi %mul3A_0, %add3A_127 : i32
    %mul3A_129 = arith.constant 16 : i32
    %mul3A_130 = arith.muli %add3A_5, %mul3A_129 : i32
    "tpu.region"() ({
      %run_scoped3A = tpu.sem_alloc : memref<!tpu.dma_semaphore, #tpu.memory_space<semaphore_mem>>
      %dma_start3A_314 = tpu.memref_slice %arg6[%add3A_128, %mul3A_130] : memref<102400x64xf32, #tpu.memory_space<hbm>> -> memref<320x16xf32, #tpu.memory_space<hbm>>
      %dma_start3A_315 = arith.constant 0 : i32
      %dma_start3A_316 = tpu.memref_slice %arg14[%add3A_128, %dma_start3A_315] : memref<102400x16xf32, #tpu.memory_space<vmem_shared>> -> memref<320x16xf32, #tpu.memory_space<vmem_shared>>
      tpu.enqueue_dma source(%dma_start3A_316 : memref<320x16xf32, #tpu.memory_space<vmem_shared>>) target(%dma_start3A_314 : memref<320x16xf32, #tpu.memory_space<hbm>>) target_semaphore(%run_scoped3A : memref<!tpu.dma_semaphore, #tpu.memory_space<semaphore_mem>>)
      %dma_wait3A_317 = tpu.memref_slice %arg6[%add3A_128, %mul3A_130] : memref<102400x64xf32, #tpu.memory_space<hbm>> -> memref<320x16xf32, #tpu.memory_space<hbm>>
      %dma_wait3A_318 = arith.constant 0 : i32
      %dma_wait3A_319 = tpu.memref_slice %arg14[%add3A_128, %dma_wait3A_318] : memref<102400x16xf32, #tpu.memory_space<vmem_shared>> -> memref<320x16xf32, #tpu.memory_space<vmem_shared>>
      tpu.wait_dma2 semaphore(%run_scoped3A : memref<!tpu.dma_semaphore, #tpu.memory_space<semaphore_mem>>) src(%dma_wait3A_319 : memref<320x16xf32, #tpu.memory_space<vmem_shared>>) dst(%dma_wait3A_317 : memref<320x16xf32, #tpu.memory_space<hbm>>)
      tpu.yield
    }) : () -> ()
    %add3A_131 = arith.constant 4480 : i32
    %add3A_132 = arith.addi %mul3A_0, %add3A_131 : i32
    %mul3A_133 = arith.constant 16 : i32
    %mul3A_134 = arith.muli %add3A_5, %mul3A_133 : i32
    "tpu.region"() ({
      %run_scoped3A = tpu.sem_alloc : memref<!tpu.dma_semaphore, #tpu.memory_space<semaphore_mem>>
      %dma_start3A_314 = tpu.memref_slice %arg6[%add3A_132, %mul3A_134] : memref<102400x64xf32, #tpu.memory_space<hbm>> -> memref<320x16xf32, #tpu.memory_space<hbm>>
      %dma_start3A_315 = arith.constant 0 : i32
      %dma_start3A_316 = tpu.memref_slice %arg14[%add3A_132, %dma_start3A_315] : memref<102400x16xf32, #tpu.memory_space<vmem_shared>> -> memref<320x16xf32, #tpu.memory_space<vmem_shared>>
      tpu.enqueue_dma source(%dma_start3A_316 : memref<320x16xf32, #tpu.memory_space<vmem_shared>>) target(%dma_start3A_314 : memref<320x16xf32, #tpu.memory_space<hbm>>) target_semaphore(%run_scoped3A : memref<!tpu.dma_semaphore, #tpu.memory_space<semaphore_mem>>)
      %dma_wait3A_317 = tpu.memref_slice %arg6[%add3A_132, %mul3A_134] : memref<102400x64xf32, #tpu.memory_space<hbm>> -> memref<320x16xf32, #tpu.memory_space<hbm>>
      %dma_wait3A_318 = arith.constant 0 : i32
      %dma_wait3A_319 = tpu.memref_slice %arg14[%add3A_132, %dma_wait3A_318] : memref<102400x16xf32, #tpu.memory_space<vmem_shared>> -> memref<320x16xf32, #tpu.memory_space<vmem_shared>>
      tpu.wait_dma2 semaphore(%run_scoped3A : memref<!tpu.dma_semaphore, #tpu.memory_space<semaphore_mem>>) src(%dma_wait3A_319 : memref<320x16xf32, #tpu.memory_space<vmem_shared>>) dst(%dma_wait3A_317 : memref<320x16xf32, #tpu.memory_space<hbm>>)
      tpu.yield
    }) : () -> ()
    %add3A_135 = arith.constant 4800 : i32
    %add3A_136 = arith.addi %mul3A_0, %add3A_135 : i32
    %mul3A_137 = arith.constant 16 : i32
    %mul3A_138 = arith.muli %add3A_5, %mul3A_137 : i32
    "tpu.region"() ({
      %run_scoped3A = tpu.sem_alloc : memref<!tpu.dma_semaphore, #tpu.memory_space<semaphore_mem>>
      %dma_start3A_314 = tpu.memref_slice %arg6[%add3A_136, %mul3A_138] : memref<102400x64xf32, #tpu.memory_space<hbm>> -> memref<320x16xf32, #tpu.memory_space<hbm>>
      %dma_start3A_315 = arith.constant 0 : i32
      %dma_start3A_316 = tpu.memref_slice %arg14[%add3A_136, %dma_start3A_315] : memref<102400x16xf32, #tpu.memory_space<vmem_shared>> -> memref<320x16xf32, #tpu.memory_space<vmem_shared>>
      tpu.enqueue_dma source(%dma_start3A_316 : memref<320x16xf32, #tpu.memory_space<vmem_shared>>) target(%dma_start3A_314 : memref<320x16xf32, #tpu.memory_space<hbm>>) target_semaphore(%run_scoped3A : memref<!tpu.dma_semaphore, #tpu.memory_space<semaphore_mem>>)
      %dma_wait3A_317 = tpu.memref_slice %arg6[%add3A_136, %mul3A_138] : memref<102400x64xf32, #tpu.memory_space<hbm>> -> memref<320x16xf32, #tpu.memory_space<hbm>>
      %dma_wait3A_318 = arith.constant 0 : i32
      %dma_wait3A_319 = tpu.memref_slice %arg14[%add3A_136, %dma_wait3A_318] : memref<102400x16xf32, #tpu.memory_space<vmem_shared>> -> memref<320x16xf32, #tpu.memory_space<vmem_shared>>
      tpu.wait_dma2 semaphore(%run_scoped3A : memref<!tpu.dma_semaphore, #tpu.memory_space<semaphore_mem>>) src(%dma_wait3A_319 : memref<320x16xf32, #tpu.memory_space<vmem_shared>>) dst(%dma_wait3A_317 : memref<320x16xf32, #tpu.memory_space<hbm>>)
      tpu.yield
    }) : () -> ()
    %add3A_139 = arith.constant 5120 : i32
    %add3A_140 = arith.addi %mul3A_0, %add3A_139 : i32
    %mul3A_141 = arith.constant 16 : i32
    %mul3A_142 = arith.muli %add3A_5, %mul3A_141 : i32
    "tpu.region"() ({
      %run_scoped3A = tpu.sem_alloc : memref<!tpu.dma_semaphore, #tpu.memory_space<semaphore_mem>>
      %dma_start3A_314 = tpu.memref_slice %arg6[%add3A_140, %mul3A_142] : memref<102400x64xf32, #tpu.memory_space<hbm>> -> memref<320x16xf32, #tpu.memory_space<hbm>>
      %dma_start3A_315 = arith.constant 0 : i32
      %dma_start3A_316 = tpu.memref_slice %arg14[%add3A_140, %dma_start3A_315] : memref<102400x16xf32, #tpu.memory_space<vmem_shared>> -> memref<320x16xf32, #tpu.memory_space<vmem_shared>>
      tpu.enqueue_dma source(%dma_start3A_316 : memref<320x16xf32, #tpu.memory_space<vmem_shared>>) target(%dma_start3A_314 : memref<320x16xf32, #tpu.memory_space<hbm>>) target_semaphore(%run_scoped3A : memref<!tpu.dma_semaphore, #tpu.memory_space<semaphore_mem>>)
      %dma_wait3A_317 = tpu.memref_slice %arg6[%add3A_140, %mul3A_142] : memref<102400x64xf32, #tpu.memory_space<hbm>> -> memref<320x16xf32, #tpu.memory_space<hbm>>
      %dma_wait3A_318 = arith.constant 0 : i32
      %dma_wait3A_319 = tpu.memref_slice %arg14[%add3A_140, %dma_wait3A_318] : memref<102400x16xf32, #tpu.memory_space<vmem_shared>> -> memref<320x16xf32, #tpu.memory_space<vmem_shared>>
      tpu.wait_dma2 semaphore(%run_scoped3A : memref<!tpu.dma_semaphore, #tpu.memory_space<semaphore_mem>>) src(%dma_wait3A_319 : memref<320x16xf32, #tpu.memory_space<vmem_shared>>) dst(%dma_wait3A_317 : memref<320x16xf32, #tpu.memory_space<hbm>>)
      tpu.yield
    }) : () -> ()
    %add3A_143 = arith.constant 5440 : i32
    %add3A_144 = arith.addi %mul3A_0, %add3A_143 : i32
    %mul3A_145 = arith.constant 16 : i32
    %mul3A_146 = arith.muli %add3A_5, %mul3A_145 : i32
    "tpu.region"() ({
      %run_scoped3A = tpu.sem_alloc : memref<!tpu.dma_semaphore, #tpu.memory_space<semaphore_mem>>
      %dma_start3A_314 = tpu.memref_slice %arg6[%add3A_144, %mul3A_146] : memref<102400x64xf32, #tpu.memory_space<hbm>> -> memref<320x16xf32, #tpu.memory_space<hbm>>
      %dma_start3A_315 = arith.constant 0 : i32
      %dma_start3A_316 = tpu.memref_slice %arg14[%add3A_144, %dma_start3A_315] : memref<102400x16xf32, #tpu.memory_space<vmem_shared>> -> memref<320x16xf32, #tpu.memory_space<vmem_shared>>
      tpu.enqueue_dma source(%dma_start3A_316 : memref<320x16xf32, #tpu.memory_space<vmem_shared>>) target(%dma_start3A_314 : memref<320x16xf32, #tpu.memory_space<hbm>>) target_semaphore(%run_scoped3A : memref<!tpu.dma_semaphore, #tpu.memory_space<semaphore_mem>>)
      %dma_wait3A_317 = tpu.memref_slice %arg6[%add3A_144, %mul3A_146] : memref<102400x64xf32, #tpu.memory_space<hbm>> -> memref<320x16xf32, #tpu.memory_space<hbm>>
      %dma_wait3A_318 = arith.constant 0 : i32
      %dma_wait3A_319 = tpu.memref_slice %arg14[%add3A_144, %dma_wait3A_318] : memref<102400x16xf32, #tpu.memory_space<vmem_shared>> -> memref<320x16xf32, #tpu.memory_space<vmem_shared>>
      tpu.wait_dma2 semaphore(%run_scoped3A : memref<!tpu.dma_semaphore, #tpu.memory_space<semaphore_mem>>) src(%dma_wait3A_319 : memref<320x16xf32, #tpu.memory_space<vmem_shared>>) dst(%dma_wait3A_317 : memref<320x16xf32, #tpu.memory_space<hbm>>)
      tpu.yield
    }) : () -> ()
    %add3A_147 = arith.constant 5760 : i32
    %add3A_148 = arith.addi %mul3A_0, %add3A_147 : i32
    %mul3A_149 = arith.constant 16 : i32
    %mul3A_150 = arith.muli %add3A_5, %mul3A_149 : i32
    "tpu.region"() ({
      %run_scoped3A = tpu.sem_alloc : memref<!tpu.dma_semaphore, #tpu.memory_space<semaphore_mem>>
      %dma_start3A_314 = tpu.memref_slice %arg6[%add3A_148, %mul3A_150] : memref<102400x64xf32, #tpu.memory_space<hbm>> -> memref<320x16xf32, #tpu.memory_space<hbm>>
      %dma_start3A_315 = arith.constant 0 : i32
      %dma_start3A_316 = tpu.memref_slice %arg14[%add3A_148, %dma_start3A_315] : memref<102400x16xf32, #tpu.memory_space<vmem_shared>> -> memref<320x16xf32, #tpu.memory_space<vmem_shared>>
      tpu.enqueue_dma source(%dma_start3A_316 : memref<320x16xf32, #tpu.memory_space<vmem_shared>>) target(%dma_start3A_314 : memref<320x16xf32, #tpu.memory_space<hbm>>) target_semaphore(%run_scoped3A : memref<!tpu.dma_semaphore, #tpu.memory_space<semaphore_mem>>)
      %dma_wait3A_317 = tpu.memref_slice %arg6[%add3A_148, %mul3A_150] : memref<102400x64xf32, #tpu.memory_space<hbm>> -> memref<320x16xf32, #tpu.memory_space<hbm>>
      %dma_wait3A_318 = arith.constant 0 : i32
      %dma_wait3A_319 = tpu.memref_slice %arg14[%add3A_148, %dma_wait3A_318] : memref<102400x16xf32, #tpu.memory_space<vmem_shared>> -> memref<320x16xf32, #tpu.memory_space<vmem_shared>>
      tpu.wait_dma2 semaphore(%run_scoped3A : memref<!tpu.dma_semaphore, #tpu.memory_space<semaphore_mem>>) src(%dma_wait3A_319 : memref<320x16xf32, #tpu.memory_space<vmem_shared>>) dst(%dma_wait3A_317 : memref<320x16xf32, #tpu.memory_space<hbm>>)
      tpu.yield
    }) : () -> ()
    %add3A_151 = arith.constant 6080 : i32
    %add3A_152 = arith.addi %mul3A_0, %add3A_151 : i32
    %mul3A_153 = arith.constant 16 : i32
    %mul3A_154 = arith.muli %add3A_5, %mul3A_153 : i32
    "tpu.region"() ({
      %run_scoped3A = tpu.sem_alloc : memref<!tpu.dma_semaphore, #tpu.memory_space<semaphore_mem>>
      %dma_start3A_314 = tpu.memref_slice %arg6[%add3A_152, %mul3A_154] : memref<102400x64xf32, #tpu.memory_space<hbm>> -> memref<320x16xf32, #tpu.memory_space<hbm>>
      %dma_start3A_315 = arith.constant 0 : i32
      %dma_start3A_316 = tpu.memref_slice %arg14[%add3A_152, %dma_start3A_315] : memref<102400x16xf32, #tpu.memory_space<vmem_shared>> -> memref<320x16xf32, #tpu.memory_space<vmem_shared>>
      tpu.enqueue_dma source(%dma_start3A_316 : memref<320x16xf32, #tpu.memory_space<vmem_shared>>) target(%dma_start3A_314 : memref<320x16xf32, #tpu.memory_space<hbm>>) target_semaphore(%run_scoped3A : memref<!tpu.dma_semaphore, #tpu.memory_space<semaphore_mem>>)
      %dma_wait3A_317 = tpu.memref_slice %arg6[%add3A_152, %mul3A_154] : memref<102400x64xf32, #tpu.memory_space<hbm>> -> memref<320x16xf32, #tpu.memory_space<hbm>>
      %dma_wait3A_318 = arith.constant 0 : i32
      %dma_wait3A_319 = tpu.memref_slice %arg14[%add3A_152, %dma_wait3A_318] : memref<102400x16xf32, #tpu.memory_space<vmem_shared>> -> memref<320x16xf32, #tpu.memory_space<vmem_shared>>
      tpu.wait_dma2 semaphore(%run_scoped3A : memref<!tpu.dma_semaphore, #tpu.memory_space<semaphore_mem>>) src(%dma_wait3A_319 : memref<320x16xf32, #tpu.memory_space<vmem_shared>>) dst(%dma_wait3A_317 : memref<320x16xf32, #tpu.memory_space<hbm>>)
      tpu.yield
    }) : () -> ()
    %barrier3A_155 = arith.constant 0 : index
    tpu.barrier barrier_id(%barrier3A_155)
    %mul3A_156 = arith.constant 2 : i32
    %mul3A_157 = arith.muli %arg0, %mul3A_156 : i32
    %add3A_158 = arith.constant 1 : i32
    %add3A_159 = arith.addi %mul3A_157, %add3A_158 : i32
    %add3A_160 = arith.constant 0 : i32
    %add3A_161 = arith.addi %mul3A_0, %add3A_160 : i32
    "tpu.region"() ({
      %run_scoped3A = tpu.sem_alloc : memref<!tpu.dma_semaphore, #tpu.memory_space<semaphore_mem>>
      %dma_start3A_314 = arith.constant 0 : i32
      %dma_start3A_315 = tpu.memref_slice %arg14[%add3A_161, %dma_start3A_314] : memref<102400x16xf32, #tpu.memory_space<vmem_shared>> -> memref<320x16xf32, #tpu.memory_space<vmem_shared>>
      %dma_start3A_316 = arith.constant 0 : i32
      %dma_start3A_317 = tpu.memref_slice %arg14[%add3A_161, %dma_start3A_316] : memref<102400x16xf32, #tpu.memory_space<vmem_shared>> -> memref<320x16xf32, #tpu.memory_space<vmem_shared>>
      tpu.enqueue_dma source(%arg13 : memref<320x16xf32, #tpu.memory_space<vmem>>) target(%dma_start3A_317 : memref<320x16xf32, #tpu.memory_space<vmem_shared>>) target_semaphore(%run_scoped3A : memref<!tpu.dma_semaphore, #tpu.memory_space<semaphore_mem>>)
      %dma_wait3A_318 = arith.constant 0 : i32
      %dma_wait3A_319 = tpu.memref_slice %arg14[%add3A_161, %dma_wait3A_318] : memref<102400x16xf32, #tpu.memory_space<vmem_shared>> -> memref<320x16xf32, #tpu.memory_space<vmem_shared>>
      %dma_wait3A_320 = arith.constant 0 : i32
      %dma_wait3A_321 = tpu.memref_slice %arg14[%add3A_161, %dma_wait3A_320] : memref<102400x16xf32, #tpu.memory_space<vmem_shared>> -> memref<320x16xf32, #tpu.memory_space<vmem_shared>>
      tpu.wait_dma2 semaphore(%run_scoped3A : memref<!tpu.dma_semaphore, #tpu.memory_space<semaphore_mem>>) src(%arg13 : memref<320x16xf32, #tpu.memory_space<vmem>>) dst(%dma_wait3A_321 : memref<320x16xf32, #tpu.memory_space<vmem_shared>>)
      tpu.yield
    }) : () -> ()
    %add3A_162 = arith.constant 320 : i32
    %add3A_163 = arith.addi %mul3A_0, %add3A_162 : i32
    "tpu.region"() ({
      %run_scoped3A = tpu.sem_alloc : memref<!tpu.dma_semaphore, #tpu.memory_space<semaphore_mem>>
      %dma_start3A_314 = arith.constant 0 : i32
      %dma_start3A_315 = tpu.memref_slice %arg14[%add3A_163, %dma_start3A_314] : memref<102400x16xf32, #tpu.memory_space<vmem_shared>> -> memref<320x16xf32, #tpu.memory_space<vmem_shared>>
      %dma_start3A_316 = arith.constant 0 : i32
      %dma_start3A_317 = tpu.memref_slice %arg14[%add3A_163, %dma_start3A_316] : memref<102400x16xf32, #tpu.memory_space<vmem_shared>> -> memref<320x16xf32, #tpu.memory_space<vmem_shared>>
      tpu.enqueue_dma source(%arg13 : memref<320x16xf32, #tpu.memory_space<vmem>>) target(%dma_start3A_317 : memref<320x16xf32, #tpu.memory_space<vmem_shared>>) target_semaphore(%run_scoped3A : memref<!tpu.dma_semaphore, #tpu.memory_space<semaphore_mem>>)
      %dma_wait3A_318 = arith.constant 0 : i32
      %dma_wait3A_319 = tpu.memref_slice %arg14[%add3A_163, %dma_wait3A_318] : memref<102400x16xf32, #tpu.memory_space<vmem_shared>> -> memref<320x16xf32, #tpu.memory_space<vmem_shared>>
      %dma_wait3A_320 = arith.constant 0 : i32
      %dma_wait3A_321 = tpu.memref_slice %arg14[%add3A_163, %dma_wait3A_320] : memref<102400x16xf32, #tpu.memory_space<vmem_shared>> -> memref<320x16xf32, #tpu.memory_space<vmem_shared>>
      tpu.wait_dma2 semaphore(%run_scoped3A : memref<!tpu.dma_semaphore, #tpu.memory_space<semaphore_mem>>) src(%arg13 : memref<320x16xf32, #tpu.memory_space<vmem>>) dst(%dma_wait3A_321 : memref<320x16xf32, #tpu.memory_space<vmem_shared>>)
      tpu.yield
    }) : () -> ()
    %add3A_164 = arith.constant 640 : i32
    %add3A_165 = arith.addi %mul3A_0, %add3A_164 : i32
    "tpu.region"() ({
      %run_scoped3A = tpu.sem_alloc : memref<!tpu.dma_semaphore, #tpu.memory_space<semaphore_mem>>
      %dma_start3A_314 = arith.constant 0 : i32
      %dma_start3A_315 = tpu.memref_slice %arg14[%add3A_165, %dma_start3A_314] : memref<102400x16xf32, #tpu.memory_space<vmem_shared>> -> memref<320x16xf32, #tpu.memory_space<vmem_shared>>
      %dma_start3A_316 = arith.constant 0 : i32
      %dma_start3A_317 = tpu.memref_slice %arg14[%add3A_165, %dma_start3A_316] : memref<102400x16xf32, #tpu.memory_space<vmem_shared>> -> memref<320x16xf32, #tpu.memory_space<vmem_shared>>
      tpu.enqueue_dma source(%arg13 : memref<320x16xf32, #tpu.memory_space<vmem>>) target(%dma_start3A_317 : memref<320x16xf32, #tpu.memory_space<vmem_shared>>) target_semaphore(%run_scoped3A : memref<!tpu.dma_semaphore, #tpu.memory_space<semaphore_mem>>)
      %dma_wait3A_318 = arith.constant 0 : i32
      %dma_wait3A_319 = tpu.memref_slice %arg14[%add3A_165, %dma_wait3A_318] : memref<102400x16xf32, #tpu.memory_space<vmem_shared>> -> memref<320x16xf32, #tpu.memory_space<vmem_shared>>
      %dma_wait3A_320 = arith.constant 0 : i32
      %dma_wait3A_321 = tpu.memref_slice %arg14[%add3A_165, %dma_wait3A_320] : memref<102400x16xf32, #tpu.memory_space<vmem_shared>> -> memref<320x16xf32, #tpu.memory_space<vmem_shared>>
      tpu.wait_dma2 semaphore(%run_scoped3A : memref<!tpu.dma_semaphore, #tpu.memory_space<semaphore_mem>>) src(%arg13 : memref<320x16xf32, #tpu.memory_space<vmem>>) dst(%dma_wait3A_321 : memref<320x16xf32, #tpu.memory_space<vmem_shared>>)
      tpu.yield
    }) : () -> ()
    %add3A_166 = arith.constant 960 : i32
    %add3A_167 = arith.addi %mul3A_0, %add3A_166 : i32
    "tpu.region"() ({
      %run_scoped3A = tpu.sem_alloc : memref<!tpu.dma_semaphore, #tpu.memory_space<semaphore_mem>>
      %dma_start3A_314 = arith.constant 0 : i32
      %dma_start3A_315 = tpu.memref_slice %arg14[%add3A_167, %dma_start3A_314] : memref<102400x16xf32, #tpu.memory_space<vmem_shared>> -> memref<320x16xf32, #tpu.memory_space<vmem_shared>>
      %dma_start3A_316 = arith.constant 0 : i32
      %dma_start3A_317 = tpu.memref_slice %arg14[%add3A_167, %dma_start3A_316] : memref<102400x16xf32, #tpu.memory_space<vmem_shared>> -> memref<320x16xf32, #tpu.memory_space<vmem_shared>>
      tpu.enqueue_dma source(%arg13 : memref<320x16xf32, #tpu.memory_space<vmem>>) target(%dma_start3A_317 : memref<320x16xf32, #tpu.memory_space<vmem_shared>>) target_semaphore(%run_scoped3A : memref<!tpu.dma_semaphore, #tpu.memory_space<semaphore_mem>>)
      %dma_wait3A_318 = arith.constant 0 : i32
      %dma_wait3A_319 = tpu.memref_slice %arg14[%add3A_167, %dma_wait3A_318] : memref<102400x16xf32, #tpu.memory_space<vmem_shared>> -> memref<320x16xf32, #tpu.memory_space<vmem_shared>>
      %dma_wait3A_320 = arith.constant 0 : i32
      %dma_wait3A_321 = tpu.memref_slice %arg14[%add3A_167, %dma_wait3A_320] : memref<102400x16xf32, #tpu.memory_space<vmem_shared>> -> memref<320x16xf32, #tpu.memory_space<vmem_shared>>
      tpu.wait_dma2 semaphore(%run_scoped3A : memref<!tpu.dma_semaphore, #tpu.memory_space<semaphore_mem>>) src(%arg13 : memref<320x16xf32, #tpu.memory_space<vmem>>) dst(%dma_wait3A_321 : memref<320x16xf32, #tpu.memory_space<vmem_shared>>)
      tpu.yield
    }) : () -> ()
    %add3A_168 = arith.constant 1280 : i32
    %add3A_169 = arith.addi %mul3A_0, %add3A_168 : i32
    "tpu.region"() ({
      %run_scoped3A = tpu.sem_alloc : memref<!tpu.dma_semaphore, #tpu.memory_space<semaphore_mem>>
      %dma_start3A_314 = arith.constant 0 : i32
      %dma_start3A_315 = tpu.memref_slice %arg14[%add3A_169, %dma_start3A_314] : memref<102400x16xf32, #tpu.memory_space<vmem_shared>> -> memref<320x16xf32, #tpu.memory_space<vmem_shared>>
      %dma_start3A_316 = arith.constant 0 : i32
      %dma_start3A_317 = tpu.memref_slice %arg14[%add3A_169, %dma_start3A_316] : memref<102400x16xf32, #tpu.memory_space<vmem_shared>> -> memref<320x16xf32, #tpu.memory_space<vmem_shared>>
      tpu.enqueue_dma source(%arg13 : memref<320x16xf32, #tpu.memory_space<vmem>>) target(%dma_start3A_317 : memref<320x16xf32, #tpu.memory_space<vmem_shared>>) target_semaphore(%run_scoped3A : memref<!tpu.dma_semaphore, #tpu.memory_space<semaphore_mem>>)
      %dma_wait3A_318 = arith.constant 0 : i32
      %dma_wait3A_319 = tpu.memref_slice %arg14[%add3A_169, %dma_wait3A_318] : memref<102400x16xf32, #tpu.memory_space<vmem_shared>> -> memref<320x16xf32, #tpu.memory_space<vmem_shared>>
      %dma_wait3A_320 = arith.constant 0 : i32
      %dma_wait3A_321 = tpu.memref_slice %arg14[%add3A_169, %dma_wait3A_320] : memref<102400x16xf32, #tpu.memory_space<vmem_shared>> -> memref<320x16xf32, #tpu.memory_space<vmem_shared>>
      tpu.wait_dma2 semaphore(%run_scoped3A : memref<!tpu.dma_semaphore, #tpu.memory_space<semaphore_mem>>) src(%arg13 : memref<320x16xf32, #tpu.memory_space<vmem>>) dst(%dma_wait3A_321 : memref<320x16xf32, #tpu.memory_space<vmem_shared>>)
      tpu.yield
    }) : () -> ()
    %add3A_170 = arith.constant 1600 : i32
    %add3A_171 = arith.addi %mul3A_0, %add3A_170 : i32
    "tpu.region"() ({
      %run_scoped3A = tpu.sem_alloc : memref<!tpu.dma_semaphore, #tpu.memory_space<semaphore_mem>>
      %dma_start3A_314 = arith.constant 0 : i32
      %dma_start3A_315 = tpu.memref_slice %arg14[%add3A_171, %dma_start3A_314] : memref<102400x16xf32, #tpu.memory_space<vmem_shared>> -> memref<320x16xf32, #tpu.memory_space<vmem_shared>>
      %dma_start3A_316 = arith.constant 0 : i32
      %dma_start3A_317 = tpu.memref_slice %arg14[%add3A_171, %dma_start3A_316] : memref<102400x16xf32, #tpu.memory_space<vmem_shared>> -> memref<320x16xf32, #tpu.memory_space<vmem_shared>>
      tpu.enqueue_dma source(%arg13 : memref<320x16xf32, #tpu.memory_space<vmem>>) target(%dma_start3A_317 : memref<320x16xf32, #tpu.memory_space<vmem_shared>>) target_semaphore(%run_scoped3A : memref<!tpu.dma_semaphore, #tpu.memory_space<semaphore_mem>>)
      %dma_wait3A_318 = arith.constant 0 : i32
      %dma_wait3A_319 = tpu.memref_slice %arg14[%add3A_171, %dma_wait3A_318] : memref<102400x16xf32, #tpu.memory_space<vmem_shared>> -> memref<320x16xf32, #tpu.memory_space<vmem_shared>>
      %dma_wait3A_320 = arith.constant 0 : i32
      %dma_wait3A_321 = tpu.memref_slice %arg14[%add3A_171, %dma_wait3A_320] : memref<102400x16xf32, #tpu.memory_space<vmem_shared>> -> memref<320x16xf32, #tpu.memory_space<vmem_shared>>
      tpu.wait_dma2 semaphore(%run_scoped3A : memref<!tpu.dma_semaphore, #tpu.memory_space<semaphore_mem>>) src(%arg13 : memref<320x16xf32, #tpu.memory_space<vmem>>) dst(%dma_wait3A_321 : memref<320x16xf32, #tpu.memory_space<vmem_shared>>)
      tpu.yield
    }) : () -> ()
    %add3A_172 = arith.constant 1920 : i32
    %add3A_173 = arith.addi %mul3A_0, %add3A_172 : i32
    "tpu.region"() ({
      %run_scoped3A = tpu.sem_alloc : memref<!tpu.dma_semaphore, #tpu.memory_space<semaphore_mem>>
      %dma_start3A_314 = arith.constant 0 : i32
      %dma_start3A_315 = tpu.memref_slice %arg14[%add3A_173, %dma_start3A_314] : memref<102400x16xf32, #tpu.memory_space<vmem_shared>> -> memref<320x16xf32, #tpu.memory_space<vmem_shared>>
      %dma_start3A_316 = arith.constant 0 : i32
      %dma_start3A_317 = tpu.memref_slice %arg14[%add3A_173, %dma_start3A_316] : memref<102400x16xf32, #tpu.memory_space<vmem_shared>> -> memref<320x16xf32, #tpu.memory_space<vmem_shared>>
      tpu.enqueue_dma source(%arg13 : memref<320x16xf32, #tpu.memory_space<vmem>>) target(%dma_start3A_317 : memref<320x16xf32, #tpu.memory_space<vmem_shared>>) target_semaphore(%run_scoped3A : memref<!tpu.dma_semaphore, #tpu.memory_space<semaphore_mem>>)
      %dma_wait3A_318 = arith.constant 0 : i32
      %dma_wait3A_319 = tpu.memref_slice %arg14[%add3A_173, %dma_wait3A_318] : memref<102400x16xf32, #tpu.memory_space<vmem_shared>> -> memref<320x16xf32, #tpu.memory_space<vmem_shared>>
      %dma_wait3A_320 = arith.constant 0 : i32
      %dma_wait3A_321 = tpu.memref_slice %arg14[%add3A_173, %dma_wait3A_320] : memref<102400x16xf32, #tpu.memory_space<vmem_shared>> -> memref<320x16xf32, #tpu.memory_space<vmem_shared>>
      tpu.wait_dma2 semaphore(%run_scoped3A : memref<!tpu.dma_semaphore, #tpu.memory_space<semaphore_mem>>) src(%arg13 : memref<320x16xf32, #tpu.memory_space<vmem>>) dst(%dma_wait3A_321 : memref<320x16xf32, #tpu.memory_space<vmem_shared>>)
      tpu.yield
    }) : () -> ()
    %add3A_174 = arith.constant 2240 : i32
    %add3A_175 = arith.addi %mul3A_0, %add3A_174 : i32
    "tpu.region"() ({
      %run_scoped3A = tpu.sem_alloc : memref<!tpu.dma_semaphore, #tpu.memory_space<semaphore_mem>>
      %dma_start3A_314 = arith.constant 0 : i32
      %dma_start3A_315 = tpu.memref_slice %arg14[%add3A_175, %dma_start3A_314] : memref<102400x16xf32, #tpu.memory_space<vmem_shared>> -> memref<320x16xf32, #tpu.memory_space<vmem_shared>>
      %dma_start3A_316 = arith.constant 0 : i32
      %dma_start3A_317 = tpu.memref_slice %arg14[%add3A_175, %dma_start3A_316] : memref<102400x16xf32, #tpu.memory_space<vmem_shared>> -> memref<320x16xf32, #tpu.memory_space<vmem_shared>>
      tpu.enqueue_dma source(%arg13 : memref<320x16xf32, #tpu.memory_space<vmem>>) target(%dma_start3A_317 : memref<320x16xf32, #tpu.memory_space<vmem_shared>>) target_semaphore(%run_scoped3A : memref<!tpu.dma_semaphore, #tpu.memory_space<semaphore_mem>>)
      %dma_wait3A_318 = arith.constant 0 : i32
      %dma_wait3A_319 = tpu.memref_slice %arg14[%add3A_175, %dma_wait3A_318] : memref<102400x16xf32, #tpu.memory_space<vmem_shared>> -> memref<320x16xf32, #tpu.memory_space<vmem_shared>>
      %dma_wait3A_320 = arith.constant 0 : i32
      %dma_wait3A_321 = tpu.memref_slice %arg14[%add3A_175, %dma_wait3A_320] : memref<102400x16xf32, #tpu.memory_space<vmem_shared>> -> memref<320x16xf32, #tpu.memory_space<vmem_shared>>
      tpu.wait_dma2 semaphore(%run_scoped3A : memref<!tpu.dma_semaphore, #tpu.memory_space<semaphore_mem>>) src(%arg13 : memref<320x16xf32, #tpu.memory_space<vmem>>) dst(%dma_wait3A_321 : memref<320x16xf32, #tpu.memory_space<vmem_shared>>)
      tpu.yield
    }) : () -> ()
    %add3A_176 = arith.constant 2560 : i32
    %add3A_177 = arith.addi %mul3A_0, %add3A_176 : i32
    "tpu.region"() ({
      %run_scoped3A = tpu.sem_alloc : memref<!tpu.dma_semaphore, #tpu.memory_space<semaphore_mem>>
      %dma_start3A_314 = arith.constant 0 : i32
      %dma_start3A_315 = tpu.memref_slice %arg14[%add3A_177, %dma_start3A_314] : memref<102400x16xf32, #tpu.memory_space<vmem_shared>> -> memref<320x16xf32, #tpu.memory_space<vmem_shared>>
      %dma_start3A_316 = arith.constant 0 : i32
      %dma_start3A_317 = tpu.memref_slice %arg14[%add3A_177, %dma_start3A_316] : memref<102400x16xf32, #tpu.memory_space<vmem_shared>> -> memref<320x16xf32, #tpu.memory_space<vmem_shared>>
      tpu.enqueue_dma source(%arg13 : memref<320x16xf32, #tpu.memory_space<vmem>>) target(%dma_start3A_317 : memref<320x16xf32, #tpu.memory_space<vmem_shared>>) target_semaphore(%run_scoped3A : memref<!tpu.dma_semaphore, #tpu.memory_space<semaphore_mem>>)
      %dma_wait3A_318 = arith.constant 0 : i32
      %dma_wait3A_319 = tpu.memref_slice %arg14[%add3A_177, %dma_wait3A_318] : memref<102400x16xf32, #tpu.memory_space<vmem_shared>> -> memref<320x16xf32, #tpu.memory_space<vmem_shared>>
      %dma_wait3A_320 = arith.constant 0 : i32
      %dma_wait3A_321 = tpu.memref_slice %arg14[%add3A_177, %dma_wait3A_320] : memref<102400x16xf32, #tpu.memory_space<vmem_shared>> -> memref<320x16xf32, #tpu.memory_space<vmem_shared>>
      tpu.wait_dma2 semaphore(%run_scoped3A : memref<!tpu.dma_semaphore, #tpu.memory_space<semaphore_mem>>) src(%arg13 : memref<320x16xf32, #tpu.memory_space<vmem>>) dst(%dma_wait3A_321 : memref<320x16xf32, #tpu.memory_space<vmem_shared>>)
      tpu.yield
    }) : () -> ()
    %add3A_178 = arith.constant 2880 : i32
    %add3A_179 = arith.addi %mul3A_0, %add3A_178 : i32
    "tpu.region"() ({
      %run_scoped3A = tpu.sem_alloc : memref<!tpu.dma_semaphore, #tpu.memory_space<semaphore_mem>>
      %dma_start3A_314 = arith.constant 0 : i32
      %dma_start3A_315 = tpu.memref_slice %arg14[%add3A_179, %dma_start3A_314] : memref<102400x16xf32, #tpu.memory_space<vmem_shared>> -> memref<320x16xf32, #tpu.memory_space<vmem_shared>>
      %dma_start3A_316 = arith.constant 0 : i32
      %dma_start3A_317 = tpu.memref_slice %arg14[%add3A_179, %dma_start3A_316] : memref<102400x16xf32, #tpu.memory_space<vmem_shared>> -> memref<320x16xf32, #tpu.memory_space<vmem_shared>>
      tpu.enqueue_dma source(%arg13 : memref<320x16xf32, #tpu.memory_space<vmem>>) target(%dma_start3A_317 : memref<320x16xf32, #tpu.memory_space<vmem_shared>>) target_semaphore(%run_scoped3A : memref<!tpu.dma_semaphore, #tpu.memory_space<semaphore_mem>>)
      %dma_wait3A_318 = arith.constant 0 : i32
      %dma_wait3A_319 = tpu.memref_slice %arg14[%add3A_179, %dma_wait3A_318] : memref<102400x16xf32, #tpu.memory_space<vmem_shared>> -> memref<320x16xf32, #tpu.memory_space<vmem_shared>>
      %dma_wait3A_320 = arith.constant 0 : i32
      %dma_wait3A_321 = tpu.memref_slice %arg14[%add3A_179, %dma_wait3A_320] : memref<102400x16xf32, #tpu.memory_space<vmem_shared>> -> memref<320x16xf32, #tpu.memory_space<vmem_shared>>
      tpu.wait_dma2 semaphore(%run_scoped3A : memref<!tpu.dma_semaphore, #tpu.memory_space<semaphore_mem>>) src(%arg13 : memref<320x16xf32, #tpu.memory_space<vmem>>) dst(%dma_wait3A_321 : memref<320x16xf32, #tpu.memory_space<vmem_shared>>)
      tpu.yield
    }) : () -> ()
    %add3A_180 = arith.constant 3200 : i32
    %add3A_181 = arith.addi %mul3A_0, %add3A_180 : i32
    "tpu.region"() ({
      %run_scoped3A = tpu.sem_alloc : memref<!tpu.dma_semaphore, #tpu.memory_space<semaphore_mem>>
      %dma_start3A_314 = arith.constant 0 : i32
      %dma_start3A_315 = tpu.memref_slice %arg14[%add3A_181, %dma_start3A_314] : memref<102400x16xf32, #tpu.memory_space<vmem_shared>> -> memref<320x16xf32, #tpu.memory_space<vmem_shared>>
      %dma_start3A_316 = arith.constant 0 : i32
      %dma_start3A_317 = tpu.memref_slice %arg14[%add3A_181, %dma_start3A_316] : memref<102400x16xf32, #tpu.memory_space<vmem_shared>> -> memref<320x16xf32, #tpu.memory_space<vmem_shared>>
      tpu.enqueue_dma source(%arg13 : memref<320x16xf32, #tpu.memory_space<vmem>>) target(%dma_start3A_317 : memref<320x16xf32, #tpu.memory_space<vmem_shared>>) target_semaphore(%run_scoped3A : memref<!tpu.dma_semaphore, #tpu.memory_space<semaphore_mem>>)
      %dma_wait3A_318 = arith.constant 0 : i32
      %dma_wait3A_319 = tpu.memref_slice %arg14[%add3A_181, %dma_wait3A_318] : memref<102400x16xf32, #tpu.memory_space<vmem_shared>> -> memref<320x16xf32, #tpu.memory_space<vmem_shared>>
      %dma_wait3A_320 = arith.constant 0 : i32
      %dma_wait3A_321 = tpu.memref_slice %arg14[%add3A_181, %dma_wait3A_320] : memref<102400x16xf32, #tpu.memory_space<vmem_shared>> -> memref<320x16xf32, #tpu.memory_space<vmem_shared>>
      tpu.wait_dma2 semaphore(%run_scoped3A : memref<!tpu.dma_semaphore, #tpu.memory_space<semaphore_mem>>) src(%arg13 : memref<320x16xf32, #tpu.memory_space<vmem>>) dst(%dma_wait3A_321 : memref<320x16xf32, #tpu.memory_space<vmem_shared>>)
      tpu.yield
    }) : () -> ()
    %add3A_182 = arith.constant 3520 : i32
    %add3A_183 = arith.addi %mul3A_0, %add3A_182 : i32
    "tpu.region"() ({
      %run_scoped3A = tpu.sem_alloc : memref<!tpu.dma_semaphore, #tpu.memory_space<semaphore_mem>>
      %dma_start3A_314 = arith.constant 0 : i32
      %dma_start3A_315 = tpu.memref_slice %arg14[%add3A_183, %dma_start3A_314] : memref<102400x16xf32, #tpu.memory_space<vmem_shared>> -> memref<320x16xf32, #tpu.memory_space<vmem_shared>>
      %dma_start3A_316 = arith.constant 0 : i32
      %dma_start3A_317 = tpu.memref_slice %arg14[%add3A_183, %dma_start3A_316] : memref<102400x16xf32, #tpu.memory_space<vmem_shared>> -> memref<320x16xf32, #tpu.memory_space<vmem_shared>>
      tpu.enqueue_dma source(%arg13 : memref<320x16xf32, #tpu.memory_space<vmem>>) target(%dma_start3A_317 : memref<320x16xf32, #tpu.memory_space<vmem_shared>>) target_semaphore(%run_scoped3A : memref<!tpu.dma_semaphore, #tpu.memory_space<semaphore_mem>>)
      %dma_wait3A_318 = arith.constant 0 : i32
      %dma_wait3A_319 = tpu.memref_slice %arg14[%add3A_183, %dma_wait3A_318] : memref<102400x16xf32, #tpu.memory_space<vmem_shared>> -> memref<320x16xf32, #tpu.memory_space<vmem_shared>>
      %dma_wait3A_320 = arith.constant 0 : i32
      %dma_wait3A_321 = tpu.memref_slice %arg14[%add3A_183, %dma_wait3A_320] : memref<102400x16xf32, #tpu.memory_space<vmem_shared>> -> memref<320x16xf32, #tpu.memory_space<vmem_shared>>
      tpu.wait_dma2 semaphore(%run_scoped3A : memref<!tpu.dma_semaphore, #tpu.memory_space<semaphore_mem>>) src(%arg13 : memref<320x16xf32, #tpu.memory_space<vmem>>) dst(%dma_wait3A_321 : memref<320x16xf32, #tpu.memory_space<vmem_shared>>)
      tpu.yield
    }) : () -> ()
    %add3A_184 = arith.constant 3840 : i32
    %add3A_185 = arith.addi %mul3A_0, %add3A_184 : i32
    "tpu.region"() ({
      %run_scoped3A = tpu.sem_alloc : memref<!tpu.dma_semaphore, #tpu.memory_space<semaphore_mem>>
      %dma_start3A_314 = arith.constant 0 : i32
      %dma_start3A_315 = tpu.memref_slice %arg14[%add3A_185, %dma_start3A_314] : memref<102400x16xf32, #tpu.memory_space<vmem_shared>> -> memref<320x16xf32, #tpu.memory_space<vmem_shared>>
      %dma_start3A_316 = arith.constant 0 : i32
      %dma_start3A_317 = tpu.memref_slice %arg14[%add3A_185, %dma_start3A_316] : memref<102400x16xf32, #tpu.memory_space<vmem_shared>> -> memref<320x16xf32, #tpu.memory_space<vmem_shared>>
      tpu.enqueue_dma source(%arg13 : memref<320x16xf32, #tpu.memory_space<vmem>>) target(%dma_start3A_317 : memref<320x16xf32, #tpu.memory_space<vmem_shared>>) target_semaphore(%run_scoped3A : memref<!tpu.dma_semaphore, #tpu.memory_space<semaphore_mem>>)
      %dma_wait3A_318 = arith.constant 0 : i32
      %dma_wait3A_319 = tpu.memref_slice %arg14[%add3A_185, %dma_wait3A_318] : memref<102400x16xf32, #tpu.memory_space<vmem_shared>> -> memref<320x16xf32, #tpu.memory_space<vmem_shared>>
      %dma_wait3A_320 = arith.constant 0 : i32
      %dma_wait3A_321 = tpu.memref_slice %arg14[%add3A_185, %dma_wait3A_320] : memref<102400x16xf32, #tpu.memory_space<vmem_shared>> -> memref<320x16xf32, #tpu.memory_space<vmem_shared>>
      tpu.wait_dma2 semaphore(%run_scoped3A : memref<!tpu.dma_semaphore, #tpu.memory_space<semaphore_mem>>) src(%arg13 : memref<320x16xf32, #tpu.memory_space<vmem>>) dst(%dma_wait3A_321 : memref<320x16xf32, #tpu.memory_space<vmem_shared>>)
      tpu.yield
    }) : () -> ()
    %add3A_186 = arith.constant 4160 : i32
    %add3A_187 = arith.addi %mul3A_0, %add3A_186 : i32
    "tpu.region"() ({
      %run_scoped3A = tpu.sem_alloc : memref<!tpu.dma_semaphore, #tpu.memory_space<semaphore_mem>>
      %dma_start3A_314 = arith.constant 0 : i32
      %dma_start3A_315 = tpu.memref_slice %arg14[%add3A_187, %dma_start3A_314] : memref<102400x16xf32, #tpu.memory_space<vmem_shared>> -> memref<320x16xf32, #tpu.memory_space<vmem_shared>>
      %dma_start3A_316 = arith.constant 0 : i32
      %dma_start3A_317 = tpu.memref_slice %arg14[%add3A_187, %dma_start3A_316] : memref<102400x16xf32, #tpu.memory_space<vmem_shared>> -> memref<320x16xf32, #tpu.memory_space<vmem_shared>>
      tpu.enqueue_dma source(%arg13 : memref<320x16xf32, #tpu.memory_space<vmem>>) target(%dma_start3A_317 : memref<320x16xf32, #tpu.memory_space<vmem_shared>>) target_semaphore(%run_scoped3A : memref<!tpu.dma_semaphore, #tpu.memory_space<semaphore_mem>>)
      %dma_wait3A_318 = arith.constant 0 : i32
      %dma_wait3A_319 = tpu.memref_slice %arg14[%add3A_187, %dma_wait3A_318] : memref<102400x16xf32, #tpu.memory_space<vmem_shared>> -> memref<320x16xf32, #tpu.memory_space<vmem_shared>>
      %dma_wait3A_320 = arith.constant 0 : i32
      %dma_wait3A_321 = tpu.memref_slice %arg14[%add3A_187, %dma_wait3A_320] : memref<102400x16xf32, #tpu.memory_space<vmem_shared>> -> memref<320x16xf32, #tpu.memory_space<vmem_shared>>
      tpu.wait_dma2 semaphore(%run_scoped3A : memref<!tpu.dma_semaphore, #tpu.memory_space<semaphore_mem>>) src(%arg13 : memref<320x16xf32, #tpu.memory_space<vmem>>) dst(%dma_wait3A_321 : memref<320x16xf32, #tpu.memory_space<vmem_shared>>)
      tpu.yield
    }) : () -> ()
    %add3A_188 = arith.constant 4480 : i32
    %add3A_189 = arith.addi %mul3A_0, %add3A_188 : i32
    "tpu.region"() ({
      %run_scoped3A = tpu.sem_alloc : memref<!tpu.dma_semaphore, #tpu.memory_space<semaphore_mem>>
      %dma_start3A_314 = arith.constant 0 : i32
      %dma_start3A_315 = tpu.memref_slice %arg14[%add3A_189, %dma_start3A_314] : memref<102400x16xf32, #tpu.memory_space<vmem_shared>> -> memref<320x16xf32, #tpu.memory_space<vmem_shared>>
      %dma_start3A_316 = arith.constant 0 : i32
      %dma_start3A_317 = tpu.memref_slice %arg14[%add3A_189, %dma_start3A_316] : memref<102400x16xf32, #tpu.memory_space<vmem_shared>> -> memref<320x16xf32, #tpu.memory_space<vmem_shared>>
      tpu.enqueue_dma source(%arg13 : memref<320x16xf32, #tpu.memory_space<vmem>>) target(%dma_start3A_317 : memref<320x16xf32, #tpu.memory_space<vmem_shared>>) target_semaphore(%run_scoped3A : memref<!tpu.dma_semaphore, #tpu.memory_space<semaphore_mem>>)
      %dma_wait3A_318 = arith.constant 0 : i32
      %dma_wait3A_319 = tpu.memref_slice %arg14[%add3A_189, %dma_wait3A_318] : memref<102400x16xf32, #tpu.memory_space<vmem_shared>> -> memref<320x16xf32, #tpu.memory_space<vmem_shared>>
      %dma_wait3A_320 = arith.constant 0 : i32
      %dma_wait3A_321 = tpu.memref_slice %arg14[%add3A_189, %dma_wait3A_320] : memref<102400x16xf32, #tpu.memory_space<vmem_shared>> -> memref<320x16xf32, #tpu.memory_space<vmem_shared>>
      tpu.wait_dma2 semaphore(%run_scoped3A : memref<!tpu.dma_semaphore, #tpu.memory_space<semaphore_mem>>) src(%arg13 : memref<320x16xf32, #tpu.memory_space<vmem>>) dst(%dma_wait3A_321 : memref<320x16xf32, #tpu.memory_space<vmem_shared>>)
      tpu.yield
    }) : () -> ()
    %add3A_190 = arith.constant 4800 : i32
    %add3A_191 = arith.addi %mul3A_0, %add3A_190 : i32
    "tpu.region"() ({
      %run_scoped3A = tpu.sem_alloc : memref<!tpu.dma_semaphore, #tpu.memory_space<semaphore_mem>>
      %dma_start3A_314 = arith.constant 0 : i32
      %dma_start3A_315 = tpu.memref_slice %arg14[%add3A_191, %dma_start3A_314] : memref<102400x16xf32, #tpu.memory_space<vmem_shared>> -> memref<320x16xf32, #tpu.memory_space<vmem_shared>>
      %dma_start3A_316 = arith.constant 0 : i32
      %dma_start3A_317 = tpu.memref_slice %arg14[%add3A_191, %dma_start3A_316] : memref<102400x16xf32, #tpu.memory_space<vmem_shared>> -> memref<320x16xf32, #tpu.memory_space<vmem_shared>>
      tpu.enqueue_dma source(%arg13 : memref<320x16xf32, #tpu.memory_space<vmem>>) target(%dma_start3A_317 : memref<320x16xf32, #tpu.memory_space<vmem_shared>>) target_semaphore(%run_scoped3A : memref<!tpu.dma_semaphore, #tpu.memory_space<semaphore_mem>>)
      %dma_wait3A_318 = arith.constant 0 : i32
      %dma_wait3A_319 = tpu.memref_slice %arg14[%add3A_191, %dma_wait3A_318] : memref<102400x16xf32, #tpu.memory_space<vmem_shared>> -> memref<320x16xf32, #tpu.memory_space<vmem_shared>>
      %dma_wait3A_320 = arith.constant 0 : i32
      %dma_wait3A_321 = tpu.memref_slice %arg14[%add3A_191, %dma_wait3A_320] : memref<102400x16xf32, #tpu.memory_space<vmem_shared>> -> memref<320x16xf32, #tpu.memory_space<vmem_shared>>
      tpu.wait_dma2 semaphore(%run_scoped3A : memref<!tpu.dma_semaphore, #tpu.memory_space<semaphore_mem>>) src(%arg13 : memref<320x16xf32, #tpu.memory_space<vmem>>) dst(%dma_wait3A_321 : memref<320x16xf32, #tpu.memory_space<vmem_shared>>)
      tpu.yield
    }) : () -> ()
    %add3A_192 = arith.constant 5120 : i32
    %add3A_193 = arith.addi %mul3A_0, %add3A_192 : i32
    "tpu.region"() ({
      %run_scoped3A = tpu.sem_alloc : memref<!tpu.dma_semaphore, #tpu.memory_space<semaphore_mem>>
      %dma_start3A_314 = arith.constant 0 : i32
      %dma_start3A_315 = tpu.memref_slice %arg14[%add3A_193, %dma_start3A_314] : memref<102400x16xf32, #tpu.memory_space<vmem_shared>> -> memref<320x16xf32, #tpu.memory_space<vmem_shared>>
      %dma_start3A_316 = arith.constant 0 : i32
      %dma_start3A_317 = tpu.memref_slice %arg14[%add3A_193, %dma_start3A_316] : memref<102400x16xf32, #tpu.memory_space<vmem_shared>> -> memref<320x16xf32, #tpu.memory_space<vmem_shared>>
      tpu.enqueue_dma source(%arg13 : memref<320x16xf32, #tpu.memory_space<vmem>>) target(%dma_start3A_317 : memref<320x16xf32, #tpu.memory_space<vmem_shared>>) target_semaphore(%run_scoped3A : memref<!tpu.dma_semaphore, #tpu.memory_space<semaphore_mem>>)
      %dma_wait3A_318 = arith.constant 0 : i32
      %dma_wait3A_319 = tpu.memref_slice %arg14[%add3A_193, %dma_wait3A_318] : memref<102400x16xf32, #tpu.memory_space<vmem_shared>> -> memref<320x16xf32, #tpu.memory_space<vmem_shared>>
      %dma_wait3A_320 = arith.constant 0 : i32
      %dma_wait3A_321 = tpu.memref_slice %arg14[%add3A_193, %dma_wait3A_320] : memref<102400x16xf32, #tpu.memory_space<vmem_shared>> -> memref<320x16xf32, #tpu.memory_space<vmem_shared>>
      tpu.wait_dma2 semaphore(%run_scoped3A : memref<!tpu.dma_semaphore, #tpu.memory_space<semaphore_mem>>) src(%arg13 : memref<320x16xf32, #tpu.memory_space<vmem>>) dst(%dma_wait3A_321 : memref<320x16xf32, #tpu.memory_space<vmem_shared>>)
      tpu.yield
    }) : () -> ()
    %add3A_194 = arith.constant 5440 : i32
    %add3A_195 = arith.addi %mul3A_0, %add3A_194 : i32
    "tpu.region"() ({
      %run_scoped3A = tpu.sem_alloc : memref<!tpu.dma_semaphore, #tpu.memory_space<semaphore_mem>>
      %dma_start3A_314 = arith.constant 0 : i32
      %dma_start3A_315 = tpu.memref_slice %arg14[%add3A_195, %dma_start3A_314] : memref<102400x16xf32, #tpu.memory_space<vmem_shared>> -> memref<320x16xf32, #tpu.memory_space<vmem_shared>>
      %dma_start3A_316 = arith.constant 0 : i32
      %dma_start3A_317 = tpu.memref_slice %arg14[%add3A_195, %dma_start3A_316] : memref<102400x16xf32, #tpu.memory_space<vmem_shared>> -> memref<320x16xf32, #tpu.memory_space<vmem_shared>>
      tpu.enqueue_dma source(%arg13 : memref<320x16xf32, #tpu.memory_space<vmem>>) target(%dma_start3A_317 : memref<320x16xf32, #tpu.memory_space<vmem_shared>>) target_semaphore(%run_scoped3A : memref<!tpu.dma_semaphore, #tpu.memory_space<semaphore_mem>>)
      %dma_wait3A_318 = arith.constant 0 : i32
      %dma_wait3A_319 = tpu.memref_slice %arg14[%add3A_195, %dma_wait3A_318] : memref<102400x16xf32, #tpu.memory_space<vmem_shared>> -> memref<320x16xf32, #tpu.memory_space<vmem_shared>>
      %dma_wait3A_320 = arith.constant 0 : i32
      %dma_wait3A_321 = tpu.memref_slice %arg14[%add3A_195, %dma_wait3A_320] : memref<102400x16xf32, #tpu.memory_space<vmem_shared>> -> memref<320x16xf32, #tpu.memory_space<vmem_shared>>
      tpu.wait_dma2 semaphore(%run_scoped3A : memref<!tpu.dma_semaphore, #tpu.memory_space<semaphore_mem>>) src(%arg13 : memref<320x16xf32, #tpu.memory_space<vmem>>) dst(%dma_wait3A_321 : memref<320x16xf32, #tpu.memory_space<vmem_shared>>)
      tpu.yield
    }) : () -> ()
    %add3A_196 = arith.constant 5760 : i32
    %add3A_197 = arith.addi %mul3A_0, %add3A_196 : i32
    "tpu.region"() ({
      %run_scoped3A = tpu.sem_alloc : memref<!tpu.dma_semaphore, #tpu.memory_space<semaphore_mem>>
      %dma_start3A_314 = arith.constant 0 : i32
      %dma_start3A_315 = tpu.memref_slice %arg14[%add3A_197, %dma_start3A_314] : memref<102400x16xf32, #tpu.memory_space<vmem_shared>> -> memref<320x16xf32, #tpu.memory_space<vmem_shared>>
      %dma_start3A_316 = arith.constant 0 : i32
      %dma_start3A_317 = tpu.memref_slice %arg14[%add3A_197, %dma_start3A_316] : memref<102400x16xf32, #tpu.memory_space<vmem_shared>> -> memref<320x16xf32, #tpu.memory_space<vmem_shared>>
      tpu.enqueue_dma source(%arg13 : memref<320x16xf32, #tpu.memory_space<vmem>>) target(%dma_start3A_317 : memref<320x16xf32, #tpu.memory_space<vmem_shared>>) target_semaphore(%run_scoped3A : memref<!tpu.dma_semaphore, #tpu.memory_space<semaphore_mem>>)
      %dma_wait3A_318 = arith.constant 0 : i32
      %dma_wait3A_319 = tpu.memref_slice %arg14[%add3A_197, %dma_wait3A_318] : memref<102400x16xf32, #tpu.memory_space<vmem_shared>> -> memref<320x16xf32, #tpu.memory_space<vmem_shared>>
      %dma_wait3A_320 = arith.constant 0 : i32
      %dma_wait3A_321 = tpu.memref_slice %arg14[%add3A_197, %dma_wait3A_320] : memref<102400x16xf32, #tpu.memory_space<vmem_shared>> -> memref<320x16xf32, #tpu.memory_space<vmem_shared>>
      tpu.wait_dma2 semaphore(%run_scoped3A : memref<!tpu.dma_semaphore, #tpu.memory_space<semaphore_mem>>) src(%arg13 : memref<320x16xf32, #tpu.memory_space<vmem>>) dst(%dma_wait3A_321 : memref<320x16xf32, #tpu.memory_space<vmem_shared>>)
      tpu.yield
    }) : () -> ()
    %add3A_198 = arith.constant 6080 : i32
    %add3A_199 = arith.addi %mul3A_0, %add3A_198 : i32
    "tpu.region"() ({
      %run_scoped3A = tpu.sem_alloc : memref<!tpu.dma_semaphore, #tpu.memory_space<semaphore_mem>>
      %dma_start3A_314 = arith.constant 0 : i32
      %dma_start3A_315 = tpu.memref_slice %arg14[%add3A_199, %dma_start3A_314] : memref<102400x16xf32, #tpu.memory_space<vmem_shared>> -> memref<320x16xf32, #tpu.memory_space<vmem_shared>>
      %dma_start3A_316 = arith.constant 0 : i32
      %dma_start3A_317 = tpu.memref_slice %arg14[%add3A_199, %dma_start3A_316] : memref<102400x16xf32, #tpu.memory_space<vmem_shared>> -> memref<320x16xf32, #tpu.memory_space<vmem_shared>>
      tpu.enqueue_dma source(%arg13 : memref<320x16xf32, #tpu.memory_space<vmem>>) target(%dma_start3A_317 : memref<320x16xf32, #tpu.memory_space<vmem_shared>>) target_semaphore(%run_scoped3A : memref<!tpu.dma_semaphore, #tpu.memory_space<semaphore_mem>>)
      %dma_wait3A_318 = arith.constant 0 : i32
      %dma_wait3A_319 = tpu.memref_slice %arg14[%add3A_199, %dma_wait3A_318] : memref<102400x16xf32, #tpu.memory_space<vmem_shared>> -> memref<320x16xf32, #tpu.memory_space<vmem_shared>>
      %dma_wait3A_320 = arith.constant 0 : i32
      %dma_wait3A_321 = tpu.memref_slice %arg14[%add3A_199, %dma_wait3A_320] : memref<102400x16xf32, #tpu.memory_space<vmem_shared>> -> memref<320x16xf32, #tpu.memory_space<vmem_shared>>
      tpu.wait_dma2 semaphore(%run_scoped3A : memref<!tpu.dma_semaphore, #tpu.memory_space<semaphore_mem>>) src(%arg13 : memref<320x16xf32, #tpu.memory_space<vmem>>) dst(%dma_wait3A_321 : memref<320x16xf32, #tpu.memory_space<vmem_shared>>)
      tpu.yield
    }) : () -> ()
    %barrier3A_200 = arith.constant 0 : index
    tpu.barrier barrier_id(%barrier3A_200)
    %mul3A_201 = arith.constant 1605632 : i32
    %mul3A_202 = arith.muli %add3A_159, %mul3A_201 : i32
    %add3A_203 = arith.addi %mul3A_202, %mul3A_2 : i32
    %add3A_204 = arith.constant 0 : i32
    %add3A_205 = arith.addi %add3A_203, %add3A_204 : i32
    %dma_start3A_206 = tpu.memref_slice %arg3[%add3A_205] : memref<6422528xi32, #tpu.memory_space<hbm>> -> memref<512xi32, #tpu.memory_space<hbm>>
    %dma_start3A_207 = tpu.memref_slice %arg3[%add3A_205] : memref<6422528xi32, #tpu.memory_space<hbm>> -> memref<512xi32, #tpu.memory_space<hbm>>
    tpu.enqueue_dma source(%dma_start3A_207 : memref<512xi32, #tpu.memory_space<hbm>>) target(%arg7 : memref<512xi32, #tpu.memory_space<vmem>>) target_semaphore(%arg18 : memref<!tpu.dma_semaphore, #tpu.memory_space<semaphore_mem>>)
    %add3A_208 = arith.constant 0 : i32
    %add3A_209 = arith.addi %mul3A_2, %add3A_208 : i32
    %dma_start3A_210 = tpu.memref_slice %arg4[%add3A_209] : memref<1605632xi32, #tpu.memory_space<hbm>> -> memref<512xi32, #tpu.memory_space<hbm>>
    %dma_start3A_211 = tpu.memref_slice %arg4[%add3A_209] : memref<1605632xi32, #tpu.memory_space<hbm>> -> memref<512xi32, #tpu.memory_space<hbm>>
    tpu.enqueue_dma source(%dma_start3A_211 : memref<512xi32, #tpu.memory_space<hbm>>) target(%arg9 : memref<512xi32, #tpu.memory_space<vmem>>) target_semaphore(%arg18 : memref<!tpu.dma_semaphore, #tpu.memory_space<semaphore_mem>>)
    %dma_wait3A_212 = tpu.memref_slice %arg3[%add3A_203] : memref<6422528xi32, #tpu.memory_space<hbm>> -> memref<512xi32, #tpu.memory_space<hbm>>
    %dma_wait3A_213 = tpu.memref_slice %arg3[%add3A_203] : memref<6422528xi32, #tpu.memory_space<hbm>> -> memref<512xi32, #tpu.memory_space<hbm>>
    tpu.wait_dma2 semaphore(%arg18 : memref<!tpu.dma_semaphore, #tpu.memory_space<semaphore_mem>>) src(%dma_wait3A_213 : memref<512xi32, #tpu.memory_space<hbm>>) dst(%arg7 : memref<512xi32, #tpu.memory_space<vmem>>)
    %dma_wait3A_214 = tpu.memref_slice %arg4[%mul3A_2] : memref<1605632xi32, #tpu.memory_space<hbm>> -> memref<512xi32, #tpu.memory_space<hbm>>
    %dma_wait3A_215 = tpu.memref_slice %arg4[%mul3A_2] : memref<1605632xi32, #tpu.memory_space<hbm>> -> memref<512xi32, #tpu.memory_space<hbm>>
    tpu.wait_dma2 semaphore(%arg18 : memref<!tpu.dma_semaphore, #tpu.memory_space<semaphore_mem>>) src(%dma_wait3A_215 : memref<512xi32, #tpu.memory_space<hbm>>) dst(%arg9 : memref<512xi32, #tpu.memory_space<vmem>>)
    %dma_start3A_216 = arith.constant 0 : i32
    %dma_start3A_217 = arith.constant 0 : i32
    %dma_start3A_218 = tpu.memref_slice %arg2[%dma_start3A_216, %dma_start3A_217] : memref<400000x16xf32, #tpu.memory_space<hbm>> -> memref<400000x16xf32, #tpu.memory_space<hbm>>
    tpu.enqueue_indirect_dma source(%dma_start3A_218 : memref<400000x16xf32, #tpu.memory_space<hbm>>) target(%arg11 : memref<512x16xf32, #tpu.memory_space<vmem>>) offsets(%arg7 : memref<512xi32, #tpu.memory_space<vmem>>) semaphore(%arg15 : memref<!tpu.dma_semaphore, #tpu.memory_space<semaphore_mem>>)
    %add3A_219 = arith.constant 512 : i32
    %add3A_220 = arith.addi %add3A_203, %add3A_219 : i32
    %dma_start3A_221 = tpu.memref_slice %arg3[%add3A_220] : memref<6422528xi32, #tpu.memory_space<hbm>> -> memref<512xi32, #tpu.memory_space<hbm>>
    %dma_start3A_222 = tpu.memref_slice %arg3[%add3A_220] : memref<6422528xi32, #tpu.memory_space<hbm>> -> memref<512xi32, #tpu.memory_space<hbm>>
    tpu.enqueue_dma source(%dma_start3A_222 : memref<512xi32, #tpu.memory_space<hbm>>) target(%arg8 : memref<512xi32, #tpu.memory_space<vmem>>) target_semaphore(%arg18 : memref<!tpu.dma_semaphore, #tpu.memory_space<semaphore_mem>>)
    %add3A_223 = arith.constant 512 : i32
    %add3A_224 = arith.addi %mul3A_2, %add3A_223 : i32
    %dma_start3A_225 = tpu.memref_slice %arg4[%add3A_224] : memref<1605632xi32, #tpu.memory_space<hbm>> -> memref<512xi32, #tpu.memory_space<hbm>>
    %dma_start3A_226 = tpu.memref_slice %arg4[%add3A_224] : memref<1605632xi32, #tpu.memory_space<hbm>> -> memref<512xi32, #tpu.memory_space<hbm>>
    tpu.enqueue_dma source(%dma_start3A_226 : memref<512xi32, #tpu.memory_space<hbm>>) target(%arg10 : memref<512xi32, #tpu.memory_space<vmem>>) target_semaphore(%arg18 : memref<!tpu.dma_semaphore, #tpu.memory_space<semaphore_mem>>)
    %scan3A_227 = arith.constant 0 : i32
    %scan3A_228 = arith.constant 98 : i32
    %scan3A_229 = arith.addi %scan3A_227, %scan3A_228 : i32
    %scan3A_230 = arith.constant 1 : i32
    scf.for %scan3A_314 = %scan3A_227 to %scan3A_229 step %scan3A_230  : i32 {
      %mul3A_315 = arith.constant 2 : i32
      %mul3A_316 = arith.muli %scan3A_314, %mul3A_315 : i32
      %add3A_317 = arith.constant 0 : i32
      %add3A_318 = arith.addi %add3A_317, %mul3A_316 : i32
      %dma_wait3A_319 = tpu.memref_slice %arg3[%add3A_203] : memref<6422528xi32, #tpu.memory_space<hbm>> -> memref<512xi32, #tpu.memory_space<hbm>>
      %dma_wait3A_320 = tpu.memref_slice %arg3[%add3A_203] : memref<6422528xi32, #tpu.memory_space<hbm>> -> memref<512xi32, #tpu.memory_space<hbm>>
      tpu.wait_dma2 semaphore(%arg18 : memref<!tpu.dma_semaphore, #tpu.memory_space<semaphore_mem>>) src(%dma_wait3A_320 : memref<512xi32, #tpu.memory_space<hbm>>) dst(%arg8 : memref<512xi32, #tpu.memory_space<vmem>>)
      %dma_wait3A_321 = tpu.memref_slice %arg4[%mul3A_2] : memref<1605632xi32, #tpu.memory_space<hbm>> -> memref<512xi32, #tpu.memory_space<hbm>>
      %dma_wait3A_322 = tpu.memref_slice %arg4[%mul3A_2] : memref<1605632xi32, #tpu.memory_space<hbm>> -> memref<512xi32, #tpu.memory_space<hbm>>
      tpu.wait_dma2 semaphore(%arg18 : memref<!tpu.dma_semaphore, #tpu.memory_space<semaphore_mem>>) src(%dma_wait3A_322 : memref<512xi32, #tpu.memory_space<hbm>>) dst(%arg10 : memref<512xi32, #tpu.memory_space<vmem>>)
      %dma_start3A_323 = arith.constant 0 : i32
      %dma_start3A_324 = arith.constant 0 : i32
      %dma_start3A_325 = tpu.memref_slice %arg2[%dma_start3A_323, %dma_start3A_324] : memref<400000x16xf32, #tpu.memory_space<hbm>> -> memref<400000x16xf32, #tpu.memory_space<hbm>>
      tpu.enqueue_indirect_dma source(%dma_start3A_325 : memref<400000x16xf32, #tpu.memory_space<hbm>>) target(%arg12 : memref<512x16xf32, #tpu.memory_space<vmem>>) offsets(%arg8 : memref<512xi32, #tpu.memory_space<vmem>>) semaphore(%arg16 : memref<!tpu.dma_semaphore, #tpu.memory_space<semaphore_mem>>)
      %dma_wait3A_326 = arith.constant 0 : i32
      %dma_wait3A_327 = arith.constant 0 : i32
      %dma_wait3A_328 = tpu.memref_slice %arg2[%dma_wait3A_326, %dma_wait3A_327] : memref<400000x16xf32, #tpu.memory_space<hbm>> -> memref<400000x16xf32, #tpu.memory_space<hbm>>
      tpu.wait_indirect_dma semaphore(%arg15 : memref<!tpu.dma_semaphore, #tpu.memory_space<semaphore_mem>>) src(%dma_wait3A_328 : memref<400000x16xf32, #tpu.memory_space<hbm>>) dst(%arg11 : memref<512x16xf32, #tpu.memory_space<vmem>>)
      %add3A_329 = arith.constant 2 : i32
      %add3A_330 = arith.addi %add3A_318, %add3A_329 : i32
      %lt3A = arith.constant 196 : i32
      %lt3A_331 = arith.cmpi slt, %add3A_330, %lt3A : i32
      %convert_element_type3A = arith.extui %lt3A_331 : i1 to i32
      %cond3A = arith.constant 0 : i32
      %cond3A_332 = arith.cmpi ne, %convert_element_type3A, %cond3A : i32
      scf.if %cond3A_332 {
        %add3A_362 = arith.constant 2 : i32
        %add3A_363 = arith.addi %add3A_318, %add3A_362 : i32
        %mul3A_364 = arith.constant 512 : i32
        %mul3A_365 = arith.muli %add3A_363, %mul3A_364 : i32
        %add3A_366 = arith.addi %add3A_203, %mul3A_365 : i32
        %dma_start3A_367 = tpu.memref_slice %arg3[%add3A_366] : memref<6422528xi32, #tpu.memory_space<hbm>> -> memref<512xi32, #tpu.memory_space<hbm>>
        %dma_start3A_368 = tpu.memref_slice %arg3[%add3A_366] : memref<6422528xi32, #tpu.memory_space<hbm>> -> memref<512xi32, #tpu.memory_space<hbm>>
        tpu.enqueue_dma source(%dma_start3A_368 : memref<512xi32, #tpu.memory_space<hbm>>) target(%arg7 : memref<512xi32, #tpu.memory_space<vmem>>) target_semaphore(%arg18 : memref<!tpu.dma_semaphore, #tpu.memory_space<semaphore_mem>>)
        %mul3A_369 = arith.constant 512 : i32
        %mul3A_370 = arith.muli %add3A_363, %mul3A_369 : i32
        %add3A_371 = arith.addi %mul3A_2, %mul3A_370 : i32
        %dma_start3A_372 = tpu.memref_slice %arg4[%add3A_371] : memref<1605632xi32, #tpu.memory_space<hbm>> -> memref<512xi32, #tpu.memory_space<hbm>>
        %dma_start3A_373 = tpu.memref_slice %arg4[%add3A_371] : memref<1605632xi32, #tpu.memory_space<hbm>> -> memref<512xi32, #tpu.memory_space<hbm>>
        tpu.enqueue_dma source(%dma_start3A_373 : memref<512xi32, #tpu.memory_space<hbm>>) target(%arg9 : memref<512xi32, #tpu.memory_space<vmem>>) target_semaphore(%arg18 : memref<!tpu.dma_semaphore, #tpu.memory_space<semaphore_mem>>)
      } else {
      }
      %dma_start3A_333 = arith.constant 0 : i32
      %dma_start3A_334 = arith.constant 0 : i32
      %dma_start3A_335 = tpu.memref_slice %arg14[%dma_start3A_333, %dma_start3A_334] : memref<102400x16xf32, #tpu.memory_space<vmem_shared>> -> memref<102400x16xf32, #tpu.memory_space<vmem_shared>>
      tpu.enqueue_indirect_dma source(%arg11 : memref<512x16xf32, #tpu.memory_space<vmem>>) target(%dma_start3A_335 : memref<102400x16xf32, #tpu.memory_space<vmem_shared>>) offsets(%arg9 : memref<512xi32, #tpu.memory_space<vmem>>) semaphore(%arg17 : memref<!tpu.dma_semaphore, #tpu.memory_space<semaphore_mem>>) {add = true}
      %dma_wait3A_336 = arith.constant 0 : i32
      %dma_wait3A_337 = arith.constant 0 : i32
      %dma_wait3A_338 = tpu.memref_slice %arg14[%dma_wait3A_336, %dma_wait3A_337] : memref<102400x16xf32, #tpu.memory_space<vmem_shared>> -> memref<102400x16xf32, #tpu.memory_space<vmem_shared>>
      tpu.wait_indirect_dma semaphore(%arg17 : memref<!tpu.dma_semaphore, #tpu.memory_space<semaphore_mem>>) src(%arg11 : memref<512x16xf32, #tpu.memory_space<vmem>>) dst(%dma_wait3A_338 : memref<102400x16xf32, #tpu.memory_space<vmem_shared>>)
      %add3A_339 = arith.constant 2 : i32
      %add3A_340 = arith.addi %add3A_318, %add3A_339 : i32
      %lt3A_341 = arith.constant 196 : i32
      %lt3A_342 = arith.cmpi slt, %add3A_340, %lt3A_341 : i32
      %convert_element_type3A_343 = arith.extui %lt3A_342 : i1 to i32
      %cond3A_344 = arith.constant 0 : i32
      %cond3A_345 = arith.cmpi ne, %convert_element_type3A_343, %cond3A_344 : i32
      scf.if %cond3A_345 {
        %dma_wait3A_362 = tpu.memref_slice %arg3[%add3A_203] : memref<6422528xi32, #tpu.memory_space<hbm>> -> memref<512xi32, #tpu.memory_space<hbm>>
        %dma_wait3A_363 = tpu.memref_slice %arg3[%add3A_203] : memref<6422528xi32, #tpu.memory_space<hbm>> -> memref<512xi32, #tpu.memory_space<hbm>>
        tpu.wait_dma2 semaphore(%arg18 : memref<!tpu.dma_semaphore, #tpu.memory_space<semaphore_mem>>) src(%dma_wait3A_363 : memref<512xi32, #tpu.memory_space<hbm>>) dst(%arg7 : memref<512xi32, #tpu.memory_space<vmem>>)
        %dma_wait3A_364 = tpu.memref_slice %arg4[%mul3A_2] : memref<1605632xi32, #tpu.memory_space<hbm>> -> memref<512xi32, #tpu.memory_space<hbm>>
        %dma_wait3A_365 = tpu.memref_slice %arg4[%mul3A_2] : memref<1605632xi32, #tpu.memory_space<hbm>> -> memref<512xi32, #tpu.memory_space<hbm>>
        tpu.wait_dma2 semaphore(%arg18 : memref<!tpu.dma_semaphore, #tpu.memory_space<semaphore_mem>>) src(%dma_wait3A_365 : memref<512xi32, #tpu.memory_space<hbm>>) dst(%arg9 : memref<512xi32, #tpu.memory_space<vmem>>)
        %dma_start3A_366 = arith.constant 0 : i32
        %dma_start3A_367 = arith.constant 0 : i32
        %dma_start3A_368 = tpu.memref_slice %arg2[%dma_start3A_366, %dma_start3A_367] : memref<400000x16xf32, #tpu.memory_space<hbm>> -> memref<400000x16xf32, #tpu.memory_space<hbm>>
        tpu.enqueue_indirect_dma source(%dma_start3A_368 : memref<400000x16xf32, #tpu.memory_space<hbm>>) target(%arg11 : memref<512x16xf32, #tpu.memory_space<vmem>>) offsets(%arg7 : memref<512xi32, #tpu.memory_space<vmem>>) semaphore(%arg15 : memref<!tpu.dma_semaphore, #tpu.memory_space<semaphore_mem>>)
      } else {
      }
      %dma_wait3A_346 = arith.constant 0 : i32
      %dma_wait3A_347 = arith.constant 0 : i32
      %dma_wait3A_348 = tpu.memref_slice %arg2[%dma_wait3A_346, %dma_wait3A_347] : memref<400000x16xf32, #tpu.memory_space<hbm>> -> memref<400000x16xf32, #tpu.memory_space<hbm>>
      tpu.wait_indirect_dma semaphore(%arg16 : memref<!tpu.dma_semaphore, #tpu.memory_space<semaphore_mem>>) src(%dma_wait3A_348 : memref<400000x16xf32, #tpu.memory_space<hbm>>) dst(%arg12 : memref<512x16xf32, #tpu.memory_space<vmem>>)
      %add3A_349 = arith.constant 3 : i32
      %add3A_350 = arith.addi %add3A_318, %add3A_349 : i32
      %lt3A_351 = arith.constant 196 : i32
      %lt3A_352 = arith.cmpi slt, %add3A_350, %lt3A_351 : i32
      %convert_element_type3A_353 = arith.extui %lt3A_352 : i1 to i32
      %cond3A_354 = arith.constant 0 : i32
      %cond3A_355 = arith.cmpi ne, %convert_element_type3A_353, %cond3A_354 : i32
      scf.if %cond3A_355 {
        %add3A_362 = arith.constant 3 : i32
        %add3A_363 = arith.addi %add3A_318, %add3A_362 : i32
        %mul3A_364 = arith.constant 512 : i32
        %mul3A_365 = arith.muli %add3A_363, %mul3A_364 : i32
        %add3A_366 = arith.addi %add3A_203, %mul3A_365 : i32
        %dma_start3A_367 = tpu.memref_slice %arg3[%add3A_366] : memref<6422528xi32, #tpu.memory_space<hbm>> -> memref<512xi32, #tpu.memory_space<hbm>>
        %dma_start3A_368 = tpu.memref_slice %arg3[%add3A_366] : memref<6422528xi32, #tpu.memory_space<hbm>> -> memref<512xi32, #tpu.memory_space<hbm>>
        tpu.enqueue_dma source(%dma_start3A_368 : memref<512xi32, #tpu.memory_space<hbm>>) target(%arg8 : memref<512xi32, #tpu.memory_space<vmem>>) target_semaphore(%arg18 : memref<!tpu.dma_semaphore, #tpu.memory_space<semaphore_mem>>)
        %mul3A_369 = arith.constant 512 : i32
        %mul3A_370 = arith.muli %add3A_363, %mul3A_369 : i32
        %add3A_371 = arith.addi %mul3A_2, %mul3A_370 : i32
        %dma_start3A_372 = tpu.memref_slice %arg4[%add3A_371] : memref<1605632xi32, #tpu.memory_space<hbm>> -> memref<512xi32, #tpu.memory_space<hbm>>
        %dma_start3A_373 = tpu.memref_slice %arg4[%add3A_371] : memref<1605632xi32, #tpu.memory_space<hbm>> -> memref<512xi32, #tpu.memory_space<hbm>>
        tpu.enqueue_dma source(%dma_start3A_373 : memref<512xi32, #tpu.memory_space<hbm>>) target(%arg10 : memref<512xi32, #tpu.memory_space<vmem>>) target_semaphore(%arg18 : memref<!tpu.dma_semaphore, #tpu.memory_space<semaphore_mem>>)
      } else {
      }
      %dma_start3A_356 = arith.constant 0 : i32
      %dma_start3A_357 = arith.constant 0 : i32
      %dma_start3A_358 = tpu.memref_slice %arg14[%dma_start3A_356, %dma_start3A_357] : memref<102400x16xf32, #tpu.memory_space<vmem_shared>> -> memref<102400x16xf32, #tpu.memory_space<vmem_shared>>
      tpu.enqueue_indirect_dma source(%arg12 : memref<512x16xf32, #tpu.memory_space<vmem>>) target(%dma_start3A_358 : memref<102400x16xf32, #tpu.memory_space<vmem_shared>>) offsets(%arg10 : memref<512xi32, #tpu.memory_space<vmem>>) semaphore(%arg17 : memref<!tpu.dma_semaphore, #tpu.memory_space<semaphore_mem>>) {add = true}
      %dma_wait3A_359 = arith.constant 0 : i32
      %dma_wait3A_360 = arith.constant 0 : i32
      %dma_wait3A_361 = tpu.memref_slice %arg14[%dma_wait3A_359, %dma_wait3A_360] : memref<102400x16xf32, #tpu.memory_space<vmem_shared>> -> memref<102400x16xf32, #tpu.memory_space<vmem_shared>>
      tpu.wait_indirect_dma semaphore(%arg17 : memref<!tpu.dma_semaphore, #tpu.memory_space<semaphore_mem>>) src(%arg12 : memref<512x16xf32, #tpu.memory_space<vmem>>) dst(%dma_wait3A_361 : memref<102400x16xf32, #tpu.memory_space<vmem_shared>>)
    }
    %scan3A_231 = arith.constant 98 : i32
    %barrier3A_232 = arith.constant 0 : index
    tpu.barrier barrier_id(%barrier3A_232)
    %add3A_233 = arith.constant 0 : i32
    %add3A_234 = arith.addi %mul3A_0, %add3A_233 : i32
    %mul3A_235 = arith.constant 16 : i32
    %mul3A_236 = arith.muli %add3A_159, %mul3A_235 : i32
    "tpu.region"() ({
      %run_scoped3A = tpu.sem_alloc : memref<!tpu.dma_semaphore, #tpu.memory_space<semaphore_mem>>
      %dma_start3A_314 = tpu.memref_slice %arg6[%add3A_234, %mul3A_236] : memref<102400x64xf32, #tpu.memory_space<hbm>> -> memref<320x16xf32, #tpu.memory_space<hbm>>
      %dma_start3A_315 = arith.constant 0 : i32
      %dma_start3A_316 = tpu.memref_slice %arg14[%add3A_234, %dma_start3A_315] : memref<102400x16xf32, #tpu.memory_space<vmem_shared>> -> memref<320x16xf32, #tpu.memory_space<vmem_shared>>
      tpu.enqueue_dma source(%dma_start3A_316 : memref<320x16xf32, #tpu.memory_space<vmem_shared>>) target(%dma_start3A_314 : memref<320x16xf32, #tpu.memory_space<hbm>>) target_semaphore(%run_scoped3A : memref<!tpu.dma_semaphore, #tpu.memory_space<semaphore_mem>>)
      %dma_wait3A_317 = tpu.memref_slice %arg6[%add3A_234, %mul3A_236] : memref<102400x64xf32, #tpu.memory_space<hbm>> -> memref<320x16xf32, #tpu.memory_space<hbm>>
      %dma_wait3A_318 = arith.constant 0 : i32
      %dma_wait3A_319 = tpu.memref_slice %arg14[%add3A_234, %dma_wait3A_318] : memref<102400x16xf32, #tpu.memory_space<vmem_shared>> -> memref<320x16xf32, #tpu.memory_space<vmem_shared>>
      tpu.wait_dma2 semaphore(%run_scoped3A : memref<!tpu.dma_semaphore, #tpu.memory_space<semaphore_mem>>) src(%dma_wait3A_319 : memref<320x16xf32, #tpu.memory_space<vmem_shared>>) dst(%dma_wait3A_317 : memref<320x16xf32, #tpu.memory_space<hbm>>)
      tpu.yield
    }) : () -> ()
    %add3A_237 = arith.constant 320 : i32
    %add3A_238 = arith.addi %mul3A_0, %add3A_237 : i32
    %mul3A_239 = arith.constant 16 : i32
    %mul3A_240 = arith.muli %add3A_159, %mul3A_239 : i32
    "tpu.region"() ({
      %run_scoped3A = tpu.sem_alloc : memref<!tpu.dma_semaphore, #tpu.memory_space<semaphore_mem>>
      %dma_start3A_314 = tpu.memref_slice %arg6[%add3A_238, %mul3A_240] : memref<102400x64xf32, #tpu.memory_space<hbm>> -> memref<320x16xf32, #tpu.memory_space<hbm>>
      %dma_start3A_315 = arith.constant 0 : i32
      %dma_start3A_316 = tpu.memref_slice %arg14[%add3A_238, %dma_start3A_315] : memref<102400x16xf32, #tpu.memory_space<vmem_shared>> -> memref<320x16xf32, #tpu.memory_space<vmem_shared>>
      tpu.enqueue_dma source(%dma_start3A_316 : memref<320x16xf32, #tpu.memory_space<vmem_shared>>) target(%dma_start3A_314 : memref<320x16xf32, #tpu.memory_space<hbm>>) target_semaphore(%run_scoped3A : memref<!tpu.dma_semaphore, #tpu.memory_space<semaphore_mem>>)
      %dma_wait3A_317 = tpu.memref_slice %arg6[%add3A_238, %mul3A_240] : memref<102400x64xf32, #tpu.memory_space<hbm>> -> memref<320x16xf32, #tpu.memory_space<hbm>>
      %dma_wait3A_318 = arith.constant 0 : i32
      %dma_wait3A_319 = tpu.memref_slice %arg14[%add3A_238, %dma_wait3A_318] : memref<102400x16xf32, #tpu.memory_space<vmem_shared>> -> memref<320x16xf32, #tpu.memory_space<vmem_shared>>
      tpu.wait_dma2 semaphore(%run_scoped3A : memref<!tpu.dma_semaphore, #tpu.memory_space<semaphore_mem>>) src(%dma_wait3A_319 : memref<320x16xf32, #tpu.memory_space<vmem_shared>>) dst(%dma_wait3A_317 : memref<320x16xf32, #tpu.memory_space<hbm>>)
      tpu.yield
    }) : () -> ()
    %add3A_241 = arith.constant 640 : i32
    %add3A_242 = arith.addi %mul3A_0, %add3A_241 : i32
    %mul3A_243 = arith.constant 16 : i32
    %mul3A_244 = arith.muli %add3A_159, %mul3A_243 : i32
    "tpu.region"() ({
      %run_scoped3A = tpu.sem_alloc : memref<!tpu.dma_semaphore, #tpu.memory_space<semaphore_mem>>
      %dma_start3A_314 = tpu.memref_slice %arg6[%add3A_242, %mul3A_244] : memref<102400x64xf32, #tpu.memory_space<hbm>> -> memref<320x16xf32, #tpu.memory_space<hbm>>
      %dma_start3A_315 = arith.constant 0 : i32
      %dma_start3A_316 = tpu.memref_slice %arg14[%add3A_242, %dma_start3A_315] : memref<102400x16xf32, #tpu.memory_space<vmem_shared>> -> memref<320x16xf32, #tpu.memory_space<vmem_shared>>
      tpu.enqueue_dma source(%dma_start3A_316 : memref<320x16xf32, #tpu.memory_space<vmem_shared>>) target(%dma_start3A_314 : memref<320x16xf32, #tpu.memory_space<hbm>>) target_semaphore(%run_scoped3A : memref<!tpu.dma_semaphore, #tpu.memory_space<semaphore_mem>>)
      %dma_wait3A_317 = tpu.memref_slice %arg6[%add3A_242, %mul3A_244] : memref<102400x64xf32, #tpu.memory_space<hbm>> -> memref<320x16xf32, #tpu.memory_space<hbm>>
      %dma_wait3A_318 = arith.constant 0 : i32
      %dma_wait3A_319 = tpu.memref_slice %arg14[%add3A_242, %dma_wait3A_318] : memref<102400x16xf32, #tpu.memory_space<vmem_shared>> -> memref<320x16xf32, #tpu.memory_space<vmem_shared>>
      tpu.wait_dma2 semaphore(%run_scoped3A : memref<!tpu.dma_semaphore, #tpu.memory_space<semaphore_mem>>) src(%dma_wait3A_319 : memref<320x16xf32, #tpu.memory_space<vmem_shared>>) dst(%dma_wait3A_317 : memref<320x16xf32, #tpu.memory_space<hbm>>)
      tpu.yield
    }) : () -> ()
    %add3A_245 = arith.constant 960 : i32
    %add3A_246 = arith.addi %mul3A_0, %add3A_245 : i32
    %mul3A_247 = arith.constant 16 : i32
    %mul3A_248 = arith.muli %add3A_159, %mul3A_247 : i32
    "tpu.region"() ({
      %run_scoped3A = tpu.sem_alloc : memref<!tpu.dma_semaphore, #tpu.memory_space<semaphore_mem>>
      %dma_start3A_314 = tpu.memref_slice %arg6[%add3A_246, %mul3A_248] : memref<102400x64xf32, #tpu.memory_space<hbm>> -> memref<320x16xf32, #tpu.memory_space<hbm>>
      %dma_start3A_315 = arith.constant 0 : i32
      %dma_start3A_316 = tpu.memref_slice %arg14[%add3A_246, %dma_start3A_315] : memref<102400x16xf32, #tpu.memory_space<vmem_shared>> -> memref<320x16xf32, #tpu.memory_space<vmem_shared>>
      tpu.enqueue_dma source(%dma_start3A_316 : memref<320x16xf32, #tpu.memory_space<vmem_shared>>) target(%dma_start3A_314 : memref<320x16xf32, #tpu.memory_space<hbm>>) target_semaphore(%run_scoped3A : memref<!tpu.dma_semaphore, #tpu.memory_space<semaphore_mem>>)
      %dma_wait3A_317 = tpu.memref_slice %arg6[%add3A_246, %mul3A_248] : memref<102400x64xf32, #tpu.memory_space<hbm>> -> memref<320x16xf32, #tpu.memory_space<hbm>>
      %dma_wait3A_318 = arith.constant 0 : i32
      %dma_wait3A_319 = tpu.memref_slice %arg14[%add3A_246, %dma_wait3A_318] : memref<102400x16xf32, #tpu.memory_space<vmem_shared>> -> memref<320x16xf32, #tpu.memory_space<vmem_shared>>
      tpu.wait_dma2 semaphore(%run_scoped3A : memref<!tpu.dma_semaphore, #tpu.memory_space<semaphore_mem>>) src(%dma_wait3A_319 : memref<320x16xf32, #tpu.memory_space<vmem_shared>>) dst(%dma_wait3A_317 : memref<320x16xf32, #tpu.memory_space<hbm>>)
      tpu.yield
    }) : () -> ()
    %add3A_249 = arith.constant 1280 : i32
    %add3A_250 = arith.addi %mul3A_0, %add3A_249 : i32
    %mul3A_251 = arith.constant 16 : i32
    %mul3A_252 = arith.muli %add3A_159, %mul3A_251 : i32
    "tpu.region"() ({
      %run_scoped3A = tpu.sem_alloc : memref<!tpu.dma_semaphore, #tpu.memory_space<semaphore_mem>>
      %dma_start3A_314 = tpu.memref_slice %arg6[%add3A_250, %mul3A_252] : memref<102400x64xf32, #tpu.memory_space<hbm>> -> memref<320x16xf32, #tpu.memory_space<hbm>>
      %dma_start3A_315 = arith.constant 0 : i32
      %dma_start3A_316 = tpu.memref_slice %arg14[%add3A_250, %dma_start3A_315] : memref<102400x16xf32, #tpu.memory_space<vmem_shared>> -> memref<320x16xf32, #tpu.memory_space<vmem_shared>>
      tpu.enqueue_dma source(%dma_start3A_316 : memref<320x16xf32, #tpu.memory_space<vmem_shared>>) target(%dma_start3A_314 : memref<320x16xf32, #tpu.memory_space<hbm>>) target_semaphore(%run_scoped3A : memref<!tpu.dma_semaphore, #tpu.memory_space<semaphore_mem>>)
      %dma_wait3A_317 = tpu.memref_slice %arg6[%add3A_250, %mul3A_252] : memref<102400x64xf32, #tpu.memory_space<hbm>> -> memref<320x16xf32, #tpu.memory_space<hbm>>
      %dma_wait3A_318 = arith.constant 0 : i32
      %dma_wait3A_319 = tpu.memref_slice %arg14[%add3A_250, %dma_wait3A_318] : memref<102400x16xf32, #tpu.memory_space<vmem_shared>> -> memref<320x16xf32, #tpu.memory_space<vmem_shared>>
      tpu.wait_dma2 semaphore(%run_scoped3A : memref<!tpu.dma_semaphore, #tpu.memory_space<semaphore_mem>>) src(%dma_wait3A_319 : memref<320x16xf32, #tpu.memory_space<vmem_shared>>) dst(%dma_wait3A_317 : memref<320x16xf32, #tpu.memory_space<hbm>>)
      tpu.yield
    }) : () -> ()
    %add3A_253 = arith.constant 1600 : i32
    %add3A_254 = arith.addi %mul3A_0, %add3A_253 : i32
    %mul3A_255 = arith.constant 16 : i32
    %mul3A_256 = arith.muli %add3A_159, %mul3A_255 : i32
    "tpu.region"() ({
      %run_scoped3A = tpu.sem_alloc : memref<!tpu.dma_semaphore, #tpu.memory_space<semaphore_mem>>
      %dma_start3A_314 = tpu.memref_slice %arg6[%add3A_254, %mul3A_256] : memref<102400x64xf32, #tpu.memory_space<hbm>> -> memref<320x16xf32, #tpu.memory_space<hbm>>
      %dma_start3A_315 = arith.constant 0 : i32
      %dma_start3A_316 = tpu.memref_slice %arg14[%add3A_254, %dma_start3A_315] : memref<102400x16xf32, #tpu.memory_space<vmem_shared>> -> memref<320x16xf32, #tpu.memory_space<vmem_shared>>
      tpu.enqueue_dma source(%dma_start3A_316 : memref<320x16xf32, #tpu.memory_space<vmem_shared>>) target(%dma_start3A_314 : memref<320x16xf32, #tpu.memory_space<hbm>>) target_semaphore(%run_scoped3A : memref<!tpu.dma_semaphore, #tpu.memory_space<semaphore_mem>>)
      %dma_wait3A_317 = tpu.memref_slice %arg6[%add3A_254, %mul3A_256] : memref<102400x64xf32, #tpu.memory_space<hbm>> -> memref<320x16xf32, #tpu.memory_space<hbm>>
      %dma_wait3A_318 = arith.constant 0 : i32
      %dma_wait3A_319 = tpu.memref_slice %arg14[%add3A_254, %dma_wait3A_318] : memref<102400x16xf32, #tpu.memory_space<vmem_shared>> -> memref<320x16xf32, #tpu.memory_space<vmem_shared>>
      tpu.wait_dma2 semaphore(%run_scoped3A : memref<!tpu.dma_semaphore, #tpu.memory_space<semaphore_mem>>) src(%dma_wait3A_319 : memref<320x16xf32, #tpu.memory_space<vmem_shared>>) dst(%dma_wait3A_317 : memref<320x16xf32, #tpu.memory_space<hbm>>)
      tpu.yield
    }) : () -> ()
    %add3A_257 = arith.constant 1920 : i32
    %add3A_258 = arith.addi %mul3A_0, %add3A_257 : i32
    %mul3A_259 = arith.constant 16 : i32
    %mul3A_260 = arith.muli %add3A_159, %mul3A_259 : i32
    "tpu.region"() ({
      %run_scoped3A = tpu.sem_alloc : memref<!tpu.dma_semaphore, #tpu.memory_space<semaphore_mem>>
      %dma_start3A_314 = tpu.memref_slice %arg6[%add3A_258, %mul3A_260] : memref<102400x64xf32, #tpu.memory_space<hbm>> -> memref<320x16xf32, #tpu.memory_space<hbm>>
      %dma_start3A_315 = arith.constant 0 : i32
      %dma_start3A_316 = tpu.memref_slice %arg14[%add3A_258, %dma_start3A_315] : memref<102400x16xf32, #tpu.memory_space<vmem_shared>> -> memref<320x16xf32, #tpu.memory_space<vmem_shared>>
      tpu.enqueue_dma source(%dma_start3A_316 : memref<320x16xf32, #tpu.memory_space<vmem_shared>>) target(%dma_start3A_314 : memref<320x16xf32, #tpu.memory_space<hbm>>) target_semaphore(%run_scoped3A : memref<!tpu.dma_semaphore, #tpu.memory_space<semaphore_mem>>)
      %dma_wait3A_317 = tpu.memref_slice %arg6[%add3A_258, %mul3A_260] : memref<102400x64xf32, #tpu.memory_space<hbm>> -> memref<320x16xf32, #tpu.memory_space<hbm>>
      %dma_wait3A_318 = arith.constant 0 : i32
      %dma_wait3A_319 = tpu.memref_slice %arg14[%add3A_258, %dma_wait3A_318] : memref<102400x16xf32, #tpu.memory_space<vmem_shared>> -> memref<320x16xf32, #tpu.memory_space<vmem_shared>>
      tpu.wait_dma2 semaphore(%run_scoped3A : memref<!tpu.dma_semaphore, #tpu.memory_space<semaphore_mem>>) src(%dma_wait3A_319 : memref<320x16xf32, #tpu.memory_space<vmem_shared>>) dst(%dma_wait3A_317 : memref<320x16xf32, #tpu.memory_space<hbm>>)
      tpu.yield
    }) : () -> ()
    %add3A_261 = arith.constant 2240 : i32
    %add3A_262 = arith.addi %mul3A_0, %add3A_261 : i32
    %mul3A_263 = arith.constant 16 : i32
    %mul3A_264 = arith.muli %add3A_159, %mul3A_263 : i32
    "tpu.region"() ({
      %run_scoped3A = tpu.sem_alloc : memref<!tpu.dma_semaphore, #tpu.memory_space<semaphore_mem>>
      %dma_start3A_314 = tpu.memref_slice %arg6[%add3A_262, %mul3A_264] : memref<102400x64xf32, #tpu.memory_space<hbm>> -> memref<320x16xf32, #tpu.memory_space<hbm>>
      %dma_start3A_315 = arith.constant 0 : i32
      %dma_start3A_316 = tpu.memref_slice %arg14[%add3A_262, %dma_start3A_315] : memref<102400x16xf32, #tpu.memory_space<vmem_shared>> -> memref<320x16xf32, #tpu.memory_space<vmem_shared>>
      tpu.enqueue_dma source(%dma_start3A_316 : memref<320x16xf32, #tpu.memory_space<vmem_shared>>) target(%dma_start3A_314 : memref<320x16xf32, #tpu.memory_space<hbm>>) target_semaphore(%run_scoped3A : memref<!tpu.dma_semaphore, #tpu.memory_space<semaphore_mem>>)
      %dma_wait3A_317 = tpu.memref_slice %arg6[%add3A_262, %mul3A_264] : memref<102400x64xf32, #tpu.memory_space<hbm>> -> memref<320x16xf32, #tpu.memory_space<hbm>>
      %dma_wait3A_318 = arith.constant 0 : i32
      %dma_wait3A_319 = tpu.memref_slice %arg14[%add3A_262, %dma_wait3A_318] : memref<102400x16xf32, #tpu.memory_space<vmem_shared>> -> memref<320x16xf32, #tpu.memory_space<vmem_shared>>
      tpu.wait_dma2 semaphore(%run_scoped3A : memref<!tpu.dma_semaphore, #tpu.memory_space<semaphore_mem>>) src(%dma_wait3A_319 : memref<320x16xf32, #tpu.memory_space<vmem_shared>>) dst(%dma_wait3A_317 : memref<320x16xf32, #tpu.memory_space<hbm>>)
      tpu.yield
    }) : () -> ()
    %add3A_265 = arith.constant 2560 : i32
    %add3A_266 = arith.addi %mul3A_0, %add3A_265 : i32
    %mul3A_267 = arith.constant 16 : i32
    %mul3A_268 = arith.muli %add3A_159, %mul3A_267 : i32
    "tpu.region"() ({
      %run_scoped3A = tpu.sem_alloc : memref<!tpu.dma_semaphore, #tpu.memory_space<semaphore_mem>>
      %dma_start3A_314 = tpu.memref_slice %arg6[%add3A_266, %mul3A_268] : memref<102400x64xf32, #tpu.memory_space<hbm>> -> memref<320x16xf32, #tpu.memory_space<hbm>>
      %dma_start3A_315 = arith.constant 0 : i32
      %dma_start3A_316 = tpu.memref_slice %arg14[%add3A_266, %dma_start3A_315] : memref<102400x16xf32, #tpu.memory_space<vmem_shared>> -> memref<320x16xf32, #tpu.memory_space<vmem_shared>>
      tpu.enqueue_dma source(%dma_start3A_316 : memref<320x16xf32, #tpu.memory_space<vmem_shared>>) target(%dma_start3A_314 : memref<320x16xf32, #tpu.memory_space<hbm>>) target_semaphore(%run_scoped3A : memref<!tpu.dma_semaphore, #tpu.memory_space<semaphore_mem>>)
      %dma_wait3A_317 = tpu.memref_slice %arg6[%add3A_266, %mul3A_268] : memref<102400x64xf32, #tpu.memory_space<hbm>> -> memref<320x16xf32, #tpu.memory_space<hbm>>
      %dma_wait3A_318 = arith.constant 0 : i32
      %dma_wait3A_319 = tpu.memref_slice %arg14[%add3A_266, %dma_wait3A_318] : memref<102400x16xf32, #tpu.memory_space<vmem_shared>> -> memref<320x16xf32, #tpu.memory_space<vmem_shared>>
      tpu.wait_dma2 semaphore(%run_scoped3A : memref<!tpu.dma_semaphore, #tpu.memory_space<semaphore_mem>>) src(%dma_wait3A_319 : memref<320x16xf32, #tpu.memory_space<vmem_shared>>) dst(%dma_wait3A_317 : memref<320x16xf32, #tpu.memory_space<hbm>>)
      tpu.yield
    }) : () -> ()
    %add3A_269 = arith.constant 2880 : i32
    %add3A_270 = arith.addi %mul3A_0, %add3A_269 : i32
    %mul3A_271 = arith.constant 16 : i32
    %mul3A_272 = arith.muli %add3A_159, %mul3A_271 : i32
    "tpu.region"() ({
      %run_scoped3A = tpu.sem_alloc : memref<!tpu.dma_semaphore, #tpu.memory_space<semaphore_mem>>
      %dma_start3A_314 = tpu.memref_slice %arg6[%add3A_270, %mul3A_272] : memref<102400x64xf32, #tpu.memory_space<hbm>> -> memref<320x16xf32, #tpu.memory_space<hbm>>
      %dma_start3A_315 = arith.constant 0 : i32
      %dma_start3A_316 = tpu.memref_slice %arg14[%add3A_270, %dma_start3A_315] : memref<102400x16xf32, #tpu.memory_space<vmem_shared>> -> memref<320x16xf32, #tpu.memory_space<vmem_shared>>
      tpu.enqueue_dma source(%dma_start3A_316 : memref<320x16xf32, #tpu.memory_space<vmem_shared>>) target(%dma_start3A_314 : memref<320x16xf32, #tpu.memory_space<hbm>>) target_semaphore(%run_scoped3A : memref<!tpu.dma_semaphore, #tpu.memory_space<semaphore_mem>>)
      %dma_wait3A_317 = tpu.memref_slice %arg6[%add3A_270, %mul3A_272] : memref<102400x64xf32, #tpu.memory_space<hbm>> -> memref<320x16xf32, #tpu.memory_space<hbm>>
      %dma_wait3A_318 = arith.constant 0 : i32
      %dma_wait3A_319 = tpu.memref_slice %arg14[%add3A_270, %dma_wait3A_318] : memref<102400x16xf32, #tpu.memory_space<vmem_shared>> -> memref<320x16xf32, #tpu.memory_space<vmem_shared>>
      tpu.wait_dma2 semaphore(%run_scoped3A : memref<!tpu.dma_semaphore, #tpu.memory_space<semaphore_mem>>) src(%dma_wait3A_319 : memref<320x16xf32, #tpu.memory_space<vmem_shared>>) dst(%dma_wait3A_317 : memref<320x16xf32, #tpu.memory_space<hbm>>)
      tpu.yield
    }) : () -> ()
    %add3A_273 = arith.constant 3200 : i32
    %add3A_274 = arith.addi %mul3A_0, %add3A_273 : i32
    %mul3A_275 = arith.constant 16 : i32
    %mul3A_276 = arith.muli %add3A_159, %mul3A_275 : i32
    "tpu.region"() ({
      %run_scoped3A = tpu.sem_alloc : memref<!tpu.dma_semaphore, #tpu.memory_space<semaphore_mem>>
      %dma_start3A_314 = tpu.memref_slice %arg6[%add3A_274, %mul3A_276] : memref<102400x64xf32, #tpu.memory_space<hbm>> -> memref<320x16xf32, #tpu.memory_space<hbm>>
      %dma_start3A_315 = arith.constant 0 : i32
      %dma_start3A_316 = tpu.memref_slice %arg14[%add3A_274, %dma_start3A_315] : memref<102400x16xf32, #tpu.memory_space<vmem_shared>> -> memref<320x16xf32, #tpu.memory_space<vmem_shared>>
      tpu.enqueue_dma source(%dma_start3A_316 : memref<320x16xf32, #tpu.memory_space<vmem_shared>>) target(%dma_start3A_314 : memref<320x16xf32, #tpu.memory_space<hbm>>) target_semaphore(%run_scoped3A : memref<!tpu.dma_semaphore, #tpu.memory_space<semaphore_mem>>)
      %dma_wait3A_317 = tpu.memref_slice %arg6[%add3A_274, %mul3A_276] : memref<102400x64xf32, #tpu.memory_space<hbm>> -> memref<320x16xf32, #tpu.memory_space<hbm>>
      %dma_wait3A_318 = arith.constant 0 : i32
      %dma_wait3A_319 = tpu.memref_slice %arg14[%add3A_274, %dma_wait3A_318] : memref<102400x16xf32, #tpu.memory_space<vmem_shared>> -> memref<320x16xf32, #tpu.memory_space<vmem_shared>>
      tpu.wait_dma2 semaphore(%run_scoped3A : memref<!tpu.dma_semaphore, #tpu.memory_space<semaphore_mem>>) src(%dma_wait3A_319 : memref<320x16xf32, #tpu.memory_space<vmem_shared>>) dst(%dma_wait3A_317 : memref<320x16xf32, #tpu.memory_space<hbm>>)
      tpu.yield
    }) : () -> ()
    %add3A_277 = arith.constant 3520 : i32
    %add3A_278 = arith.addi %mul3A_0, %add3A_277 : i32
    %mul3A_279 = arith.constant 16 : i32
    %mul3A_280 = arith.muli %add3A_159, %mul3A_279 : i32
    "tpu.region"() ({
      %run_scoped3A = tpu.sem_alloc : memref<!tpu.dma_semaphore, #tpu.memory_space<semaphore_mem>>
      %dma_start3A_314 = tpu.memref_slice %arg6[%add3A_278, %mul3A_280] : memref<102400x64xf32, #tpu.memory_space<hbm>> -> memref<320x16xf32, #tpu.memory_space<hbm>>
      %dma_start3A_315 = arith.constant 0 : i32
      %dma_start3A_316 = tpu.memref_slice %arg14[%add3A_278, %dma_start3A_315] : memref<102400x16xf32, #tpu.memory_space<vmem_shared>> -> memref<320x16xf32, #tpu.memory_space<vmem_shared>>
      tpu.enqueue_dma source(%dma_start3A_316 : memref<320x16xf32, #tpu.memory_space<vmem_shared>>) target(%dma_start3A_314 : memref<320x16xf32, #tpu.memory_space<hbm>>) target_semaphore(%run_scoped3A : memref<!tpu.dma_semaphore, #tpu.memory_space<semaphore_mem>>)
      %dma_wait3A_317 = tpu.memref_slice %arg6[%add3A_278, %mul3A_280] : memref<102400x64xf32, #tpu.memory_space<hbm>> -> memref<320x16xf32, #tpu.memory_space<hbm>>
      %dma_wait3A_318 = arith.constant 0 : i32
      %dma_wait3A_319 = tpu.memref_slice %arg14[%add3A_278, %dma_wait3A_318] : memref<102400x16xf32, #tpu.memory_space<vmem_shared>> -> memref<320x16xf32, #tpu.memory_space<vmem_shared>>
      tpu.wait_dma2 semaphore(%run_scoped3A : memref<!tpu.dma_semaphore, #tpu.memory_space<semaphore_mem>>) src(%dma_wait3A_319 : memref<320x16xf32, #tpu.memory_space<vmem_shared>>) dst(%dma_wait3A_317 : memref<320x16xf32, #tpu.memory_space<hbm>>)
      tpu.yield
    }) : () -> ()
    %add3A_281 = arith.constant 3840 : i32
    %add3A_282 = arith.addi %mul3A_0, %add3A_281 : i32
    %mul3A_283 = arith.constant 16 : i32
    %mul3A_284 = arith.muli %add3A_159, %mul3A_283 : i32
    "tpu.region"() ({
      %run_scoped3A = tpu.sem_alloc : memref<!tpu.dma_semaphore, #tpu.memory_space<semaphore_mem>>
      %dma_start3A_314 = tpu.memref_slice %arg6[%add3A_282, %mul3A_284] : memref<102400x64xf32, #tpu.memory_space<hbm>> -> memref<320x16xf32, #tpu.memory_space<hbm>>
      %dma_start3A_315 = arith.constant 0 : i32
      %dma_start3A_316 = tpu.memref_slice %arg14[%add3A_282, %dma_start3A_315] : memref<102400x16xf32, #tpu.memory_space<vmem_shared>> -> memref<320x16xf32, #tpu.memory_space<vmem_shared>>
      tpu.enqueue_dma source(%dma_start3A_316 : memref<320x16xf32, #tpu.memory_space<vmem_shared>>) target(%dma_start3A_314 : memref<320x16xf32, #tpu.memory_space<hbm>>) target_semaphore(%run_scoped3A : memref<!tpu.dma_semaphore, #tpu.memory_space<semaphore_mem>>)
      %dma_wait3A_317 = tpu.memref_slice %arg6[%add3A_282, %mul3A_284] : memref<102400x64xf32, #tpu.memory_space<hbm>> -> memref<320x16xf32, #tpu.memory_space<hbm>>
      %dma_wait3A_318 = arith.constant 0 : i32
      %dma_wait3A_319 = tpu.memref_slice %arg14[%add3A_282, %dma_wait3A_318] : memref<102400x16xf32, #tpu.memory_space<vmem_shared>> -> memref<320x16xf32, #tpu.memory_space<vmem_shared>>
      tpu.wait_dma2 semaphore(%run_scoped3A : memref<!tpu.dma_semaphore, #tpu.memory_space<semaphore_mem>>) src(%dma_wait3A_319 : memref<320x16xf32, #tpu.memory_space<vmem_shared>>) dst(%dma_wait3A_317 : memref<320x16xf32, #tpu.memory_space<hbm>>)
      tpu.yield
    }) : () -> ()
    %add3A_285 = arith.constant 4160 : i32
    %add3A_286 = arith.addi %mul3A_0, %add3A_285 : i32
    %mul3A_287 = arith.constant 16 : i32
    %mul3A_288 = arith.muli %add3A_159, %mul3A_287 : i32
    "tpu.region"() ({
      %run_scoped3A = tpu.sem_alloc : memref<!tpu.dma_semaphore, #tpu.memory_space<semaphore_mem>>
      %dma_start3A_314 = tpu.memref_slice %arg6[%add3A_286, %mul3A_288] : memref<102400x64xf32, #tpu.memory_space<hbm>> -> memref<320x16xf32, #tpu.memory_space<hbm>>
      %dma_start3A_315 = arith.constant 0 : i32
      %dma_start3A_316 = tpu.memref_slice %arg14[%add3A_286, %dma_start3A_315] : memref<102400x16xf32, #tpu.memory_space<vmem_shared>> -> memref<320x16xf32, #tpu.memory_space<vmem_shared>>
      tpu.enqueue_dma source(%dma_start3A_316 : memref<320x16xf32, #tpu.memory_space<vmem_shared>>) target(%dma_start3A_314 : memref<320x16xf32, #tpu.memory_space<hbm>>) target_semaphore(%run_scoped3A : memref<!tpu.dma_semaphore, #tpu.memory_space<semaphore_mem>>)
      %dma_wait3A_317 = tpu.memref_slice %arg6[%add3A_286, %mul3A_288] : memref<102400x64xf32, #tpu.memory_space<hbm>> -> memref<320x16xf32, #tpu.memory_space<hbm>>
      %dma_wait3A_318 = arith.constant 0 : i32
      %dma_wait3A_319 = tpu.memref_slice %arg14[%add3A_286, %dma_wait3A_318] : memref<102400x16xf32, #tpu.memory_space<vmem_shared>> -> memref<320x16xf32, #tpu.memory_space<vmem_shared>>
      tpu.wait_dma2 semaphore(%run_scoped3A : memref<!tpu.dma_semaphore, #tpu.memory_space<semaphore_mem>>) src(%dma_wait3A_319 : memref<320x16xf32, #tpu.memory_space<vmem_shared>>) dst(%dma_wait3A_317 : memref<320x16xf32, #tpu.memory_space<hbm>>)
      tpu.yield
    }) : () -> ()
    %add3A_289 = arith.constant 4480 : i32
    %add3A_290 = arith.addi %mul3A_0, %add3A_289 : i32
    %mul3A_291 = arith.constant 16 : i32
    %mul3A_292 = arith.muli %add3A_159, %mul3A_291 : i32
    "tpu.region"() ({
      %run_scoped3A = tpu.sem_alloc : memref<!tpu.dma_semaphore, #tpu.memory_space<semaphore_mem>>
      %dma_start3A_314 = tpu.memref_slice %arg6[%add3A_290, %mul3A_292] : memref<102400x64xf32, #tpu.memory_space<hbm>> -> memref<320x16xf32, #tpu.memory_space<hbm>>
      %dma_start3A_315 = arith.constant 0 : i32
      %dma_start3A_316 = tpu.memref_slice %arg14[%add3A_290, %dma_start3A_315] : memref<102400x16xf32, #tpu.memory_space<vmem_shared>> -> memref<320x16xf32, #tpu.memory_space<vmem_shared>>
      tpu.enqueue_dma source(%dma_start3A_316 : memref<320x16xf32, #tpu.memory_space<vmem_shared>>) target(%dma_start3A_314 : memref<320x16xf32, #tpu.memory_space<hbm>>) target_semaphore(%run_scoped3A : memref<!tpu.dma_semaphore, #tpu.memory_space<semaphore_mem>>)
      %dma_wait3A_317 = tpu.memref_slice %arg6[%add3A_290, %mul3A_292] : memref<102400x64xf32, #tpu.memory_space<hbm>> -> memref<320x16xf32, #tpu.memory_space<hbm>>
      %dma_wait3A_318 = arith.constant 0 : i32
      %dma_wait3A_319 = tpu.memref_slice %arg14[%add3A_290, %dma_wait3A_318] : memref<102400x16xf32, #tpu.memory_space<vmem_shared>> -> memref<320x16xf32, #tpu.memory_space<vmem_shared>>
      tpu.wait_dma2 semaphore(%run_scoped3A : memref<!tpu.dma_semaphore, #tpu.memory_space<semaphore_mem>>) src(%dma_wait3A_319 : memref<320x16xf32, #tpu.memory_space<vmem_shared>>) dst(%dma_wait3A_317 : memref<320x16xf32, #tpu.memory_space<hbm>>)
      tpu.yield
    }) : () -> ()
    %add3A_293 = arith.constant 4800 : i32
    %add3A_294 = arith.addi %mul3A_0, %add3A_293 : i32
    %mul3A_295 = arith.constant 16 : i32
    %mul3A_296 = arith.muli %add3A_159, %mul3A_295 : i32
    "tpu.region"() ({
      %run_scoped3A = tpu.sem_alloc : memref<!tpu.dma_semaphore, #tpu.memory_space<semaphore_mem>>
      %dma_start3A_314 = tpu.memref_slice %arg6[%add3A_294, %mul3A_296] : memref<102400x64xf32, #tpu.memory_space<hbm>> -> memref<320x16xf32, #tpu.memory_space<hbm>>
      %dma_start3A_315 = arith.constant 0 : i32
      %dma_start3A_316 = tpu.memref_slice %arg14[%add3A_294, %dma_start3A_315] : memref<102400x16xf32, #tpu.memory_space<vmem_shared>> -> memref<320x16xf32, #tpu.memory_space<vmem_shared>>
      tpu.enqueue_dma source(%dma_start3A_316 : memref<320x16xf32, #tpu.memory_space<vmem_shared>>) target(%dma_start3A_314 : memref<320x16xf32, #tpu.memory_space<hbm>>) target_semaphore(%run_scoped3A : memref<!tpu.dma_semaphore, #tpu.memory_space<semaphore_mem>>)
      %dma_wait3A_317 = tpu.memref_slice %arg6[%add3A_294, %mul3A_296] : memref<102400x64xf32, #tpu.memory_space<hbm>> -> memref<320x16xf32, #tpu.memory_space<hbm>>
      %dma_wait3A_318 = arith.constant 0 : i32
      %dma_wait3A_319 = tpu.memref_slice %arg14[%add3A_294, %dma_wait3A_318] : memref<102400x16xf32, #tpu.memory_space<vmem_shared>> -> memref<320x16xf32, #tpu.memory_space<vmem_shared>>
      tpu.wait_dma2 semaphore(%run_scoped3A : memref<!tpu.dma_semaphore, #tpu.memory_space<semaphore_mem>>) src(%dma_wait3A_319 : memref<320x16xf32, #tpu.memory_space<vmem_shared>>) dst(%dma_wait3A_317 : memref<320x16xf32, #tpu.memory_space<hbm>>)
      tpu.yield
    }) : () -> ()
    %add3A_297 = arith.constant 5120 : i32
    %add3A_298 = arith.addi %mul3A_0, %add3A_297 : i32
    %mul3A_299 = arith.constant 16 : i32
    %mul3A_300 = arith.muli %add3A_159, %mul3A_299 : i32
    "tpu.region"() ({
      %run_scoped3A = tpu.sem_alloc : memref<!tpu.dma_semaphore, #tpu.memory_space<semaphore_mem>>
      %dma_start3A_314 = tpu.memref_slice %arg6[%add3A_298, %mul3A_300] : memref<102400x64xf32, #tpu.memory_space<hbm>> -> memref<320x16xf32, #tpu.memory_space<hbm>>
      %dma_start3A_315 = arith.constant 0 : i32
      %dma_start3A_316 = tpu.memref_slice %arg14[%add3A_298, %dma_start3A_315] : memref<102400x16xf32, #tpu.memory_space<vmem_shared>> -> memref<320x16xf32, #tpu.memory_space<vmem_shared>>
      tpu.enqueue_dma source(%dma_start3A_316 : memref<320x16xf32, #tpu.memory_space<vmem_shared>>) target(%dma_start3A_314 : memref<320x16xf32, #tpu.memory_space<hbm>>) target_semaphore(%run_scoped3A : memref<!tpu.dma_semaphore, #tpu.memory_space<semaphore_mem>>)
      %dma_wait3A_317 = tpu.memref_slice %arg6[%add3A_298, %mul3A_300] : memref<102400x64xf32, #tpu.memory_space<hbm>> -> memref<320x16xf32, #tpu.memory_space<hbm>>
      %dma_wait3A_318 = arith.constant 0 : i32
      %dma_wait3A_319 = tpu.memref_slice %arg14[%add3A_298, %dma_wait3A_318] : memref<102400x16xf32, #tpu.memory_space<vmem_shared>> -> memref<320x16xf32, #tpu.memory_space<vmem_shared>>
      tpu.wait_dma2 semaphore(%run_scoped3A : memref<!tpu.dma_semaphore, #tpu.memory_space<semaphore_mem>>) src(%dma_wait3A_319 : memref<320x16xf32, #tpu.memory_space<vmem_shared>>) dst(%dma_wait3A_317 : memref<320x16xf32, #tpu.memory_space<hbm>>)
      tpu.yield
    }) : () -> ()
    %add3A_301 = arith.constant 5440 : i32
    %add3A_302 = arith.addi %mul3A_0, %add3A_301 : i32
    %mul3A_303 = arith.constant 16 : i32
    %mul3A_304 = arith.muli %add3A_159, %mul3A_303 : i32
    "tpu.region"() ({
      %run_scoped3A = tpu.sem_alloc : memref<!tpu.dma_semaphore, #tpu.memory_space<semaphore_mem>>
      %dma_start3A_314 = tpu.memref_slice %arg6[%add3A_302, %mul3A_304] : memref<102400x64xf32, #tpu.memory_space<hbm>> -> memref<320x16xf32, #tpu.memory_space<hbm>>
      %dma_start3A_315 = arith.constant 0 : i32
      %dma_start3A_316 = tpu.memref_slice %arg14[%add3A_302, %dma_start3A_315] : memref<102400x16xf32, #tpu.memory_space<vmem_shared>> -> memref<320x16xf32, #tpu.memory_space<vmem_shared>>
      tpu.enqueue_dma source(%dma_start3A_316 : memref<320x16xf32, #tpu.memory_space<vmem_shared>>) target(%dma_start3A_314 : memref<320x16xf32, #tpu.memory_space<hbm>>) target_semaphore(%run_scoped3A : memref<!tpu.dma_semaphore, #tpu.memory_space<semaphore_mem>>)
      %dma_wait3A_317 = tpu.memref_slice %arg6[%add3A_302, %mul3A_304] : memref<102400x64xf32, #tpu.memory_space<hbm>> -> memref<320x16xf32, #tpu.memory_space<hbm>>
      %dma_wait3A_318 = arith.constant 0 : i32
      %dma_wait3A_319 = tpu.memref_slice %arg14[%add3A_302, %dma_wait3A_318] : memref<102400x16xf32, #tpu.memory_space<vmem_shared>> -> memref<320x16xf32, #tpu.memory_space<vmem_shared>>
      tpu.wait_dma2 semaphore(%run_scoped3A : memref<!tpu.dma_semaphore, #tpu.memory_space<semaphore_mem>>) src(%dma_wait3A_319 : memref<320x16xf32, #tpu.memory_space<vmem_shared>>) dst(%dma_wait3A_317 : memref<320x16xf32, #tpu.memory_space<hbm>>)
      tpu.yield
    }) : () -> ()
    %add3A_305 = arith.constant 5760 : i32
    %add3A_306 = arith.addi %mul3A_0, %add3A_305 : i32
    %mul3A_307 = arith.constant 16 : i32
    %mul3A_308 = arith.muli %add3A_159, %mul3A_307 : i32
    "tpu.region"() ({
      %run_scoped3A = tpu.sem_alloc : memref<!tpu.dma_semaphore, #tpu.memory_space<semaphore_mem>>
      %dma_start3A_314 = tpu.memref_slice %arg6[%add3A_306, %mul3A_308] : memref<102400x64xf32, #tpu.memory_space<hbm>> -> memref<320x16xf32, #tpu.memory_space<hbm>>
      %dma_start3A_315 = arith.constant 0 : i32
      %dma_start3A_316 = tpu.memref_slice %arg14[%add3A_306, %dma_start3A_315] : memref<102400x16xf32, #tpu.memory_space<vmem_shared>> -> memref<320x16xf32, #tpu.memory_space<vmem_shared>>
      tpu.enqueue_dma source(%dma_start3A_316 : memref<320x16xf32, #tpu.memory_space<vmem_shared>>) target(%dma_start3A_314 : memref<320x16xf32, #tpu.memory_space<hbm>>) target_semaphore(%run_scoped3A : memref<!tpu.dma_semaphore, #tpu.memory_space<semaphore_mem>>)
      %dma_wait3A_317 = tpu.memref_slice %arg6[%add3A_306, %mul3A_308] : memref<102400x64xf32, #tpu.memory_space<hbm>> -> memref<320x16xf32, #tpu.memory_space<hbm>>
      %dma_wait3A_318 = arith.constant 0 : i32
      %dma_wait3A_319 = tpu.memref_slice %arg14[%add3A_306, %dma_wait3A_318] : memref<102400x16xf32, #tpu.memory_space<vmem_shared>> -> memref<320x16xf32, #tpu.memory_space<vmem_shared>>
      tpu.wait_dma2 semaphore(%run_scoped3A : memref<!tpu.dma_semaphore, #tpu.memory_space<semaphore_mem>>) src(%dma_wait3A_319 : memref<320x16xf32, #tpu.memory_space<vmem_shared>>) dst(%dma_wait3A_317 : memref<320x16xf32, #tpu.memory_space<hbm>>)
      tpu.yield
    }) : () -> ()
    %add3A_309 = arith.constant 6080 : i32
    %add3A_310 = arith.addi %mul3A_0, %add3A_309 : i32
    %mul3A_311 = arith.constant 16 : i32
    %mul3A_312 = arith.muli %add3A_159, %mul3A_311 : i32
    "tpu.region"() ({
      %run_scoped3A = tpu.sem_alloc : memref<!tpu.dma_semaphore, #tpu.memory_space<semaphore_mem>>
      %dma_start3A_314 = tpu.memref_slice %arg6[%add3A_310, %mul3A_312] : memref<102400x64xf32, #tpu.memory_space<hbm>> -> memref<320x16xf32, #tpu.memory_space<hbm>>
      %dma_start3A_315 = arith.constant 0 : i32
      %dma_start3A_316 = tpu.memref_slice %arg14[%add3A_310, %dma_start3A_315] : memref<102400x16xf32, #tpu.memory_space<vmem_shared>> -> memref<320x16xf32, #tpu.memory_space<vmem_shared>>
      tpu.enqueue_dma source(%dma_start3A_316 : memref<320x16xf32, #tpu.memory_space<vmem_shared>>) target(%dma_start3A_314 : memref<320x16xf32, #tpu.memory_space<hbm>>) target_semaphore(%run_scoped3A : memref<!tpu.dma_semaphore, #tpu.memory_space<semaphore_mem>>)
      %dma_wait3A_317 = tpu.memref_slice %arg6[%add3A_310, %mul3A_312] : memref<102400x64xf32, #tpu.memory_space<hbm>> -> memref<320x16xf32, #tpu.memory_space<hbm>>
      %dma_wait3A_318 = arith.constant 0 : i32
      %dma_wait3A_319 = tpu.memref_slice %arg14[%add3A_310, %dma_wait3A_318] : memref<102400x16xf32, #tpu.memory_space<vmem_shared>> -> memref<320x16xf32, #tpu.memory_space<vmem_shared>>
      tpu.wait_dma2 semaphore(%run_scoped3A : memref<!tpu.dma_semaphore, #tpu.memory_space<semaphore_mem>>) src(%dma_wait3A_319 : memref<320x16xf32, #tpu.memory_space<vmem_shared>>) dst(%dma_wait3A_317 : memref<320x16xf32, #tpu.memory_space<hbm>>)
      tpu.yield
    }) : () -> ()
    %barrier3A_313 = arith.constant 0 : index
    tpu.barrier barrier_id(%barrier3A_313)
    return
  }
}

#map = affine_map<(d0, d1) -> (0, 0)>
#map1 = affine_map<(d0, d1) -> (0, 0, 0)>
module attributes {stable_mosaic.version = 14 : i64} {
  func.func @deg_kernel(%arg0: i32, %arg1: i32, %arg2: memref<12544x128xi32, #tpu.memory_space<hbm>>, %arg3: memref<128x4xf32, #tpu.memory_space<hbm>>, %arg4: memref<1280x4xf32, #tpu.memory_space<hbm>>, %arg5: memref<2x102400x4xf32, #tpu.memory_space<hbm>>, %arg6: memref<8x128xi32, #tpu.memory_space<vmem>>, %arg7: memref<128x4xf32, #tpu.memory_space<vmem>>, %arg8: memref<1280x4xf32, #tpu.memory_space<vmem>>, %arg9: memref<102400x4xf32, #tpu.memory_space<vmem_shared>>, %arg10: memref<!tpu.dma_semaphore, #tpu.memory_space<semaphore_mem>>) attributes {dimension_semantics = [#tpu.dimension_semantics<core_parallel>, #tpu.dimension_semantics<subcore_parallel>], iteration_bounds = array<i64: 2, 16>, scalar_prefetch = 0 : i64, scratch_operands = 5 : i64, tpu.core_type = #tpu.core_type<sc_vector_subcore>, window_params = [{transform_indices = #map}, {transform_indices = #map}, {transform_indices = #map}, {transform_indices = #map1}]} {
    %mul3A = arith.constant 16 : i32
    %mul3A_0 = arith.muli %arg0, %mul3A : i32
    %add3A = arith.addi %mul3A_0, %arg1 : i32
    "tpu.region"() ({
      %run_scoped3A = tpu.sem_alloc : memref<!tpu.dma_semaphore, #tpu.memory_space<semaphore_mem>>
      tpu.enqueue_dma source(%arg3 : memref<128x4xf32, #tpu.memory_space<hbm>>) target(%arg7 : memref<128x4xf32, #tpu.memory_space<vmem>>) target_semaphore(%run_scoped3A : memref<!tpu.dma_semaphore, #tpu.memory_space<semaphore_mem>>)
      tpu.wait_dma2 semaphore(%run_scoped3A : memref<!tpu.dma_semaphore, #tpu.memory_space<semaphore_mem>>) src(%arg3 : memref<128x4xf32, #tpu.memory_space<hbm>>) dst(%arg7 : memref<128x4xf32, #tpu.memory_space<vmem>>)
      tpu.yield
    }) : () -> ()
    "tpu.region"() ({
      %run_scoped3A = tpu.sem_alloc : memref<!tpu.dma_semaphore, #tpu.memory_space<semaphore_mem>>
      tpu.enqueue_dma source(%arg4 : memref<1280x4xf32, #tpu.memory_space<hbm>>) target(%arg8 : memref<1280x4xf32, #tpu.memory_space<vmem>>) target_semaphore(%run_scoped3A : memref<!tpu.dma_semaphore, #tpu.memory_space<semaphore_mem>>)
      tpu.wait_dma2 semaphore(%run_scoped3A : memref<!tpu.dma_semaphore, #tpu.memory_space<semaphore_mem>>) src(%arg4 : memref<1280x4xf32, #tpu.memory_space<hbm>>) dst(%arg8 : memref<1280x4xf32, #tpu.memory_space<vmem>>)
      tpu.yield
    }) : () -> ()
    %mul3A_1 = arith.constant 6400 : i32
    %mul3A_2 = arith.muli %arg1, %mul3A_1 : i32
    %add3A_3 = arith.constant 0 : i32
    %add3A_4 = arith.addi %mul3A_2, %add3A_3 : i32
    "tpu.region"() ({
      %run_scoped3A = tpu.sem_alloc : memref<!tpu.dma_semaphore, #tpu.memory_space<semaphore_mem>>
      %dma_start3A = arith.constant 0 : i32
      %dma_start3A_30 = tpu.memref_slice %arg9[%add3A_4, %dma_start3A] : memref<102400x4xf32, #tpu.memory_space<vmem_shared>> -> memref<1280x4xf32, #tpu.memory_space<vmem_shared>>
      %dma_start3A_31 = arith.constant 0 : i32
      %dma_start3A_32 = tpu.memref_slice %arg9[%add3A_4, %dma_start3A_31] : memref<102400x4xf32, #tpu.memory_space<vmem_shared>> -> memref<1280x4xf32, #tpu.memory_space<vmem_shared>>
      tpu.enqueue_dma source(%arg8 : memref<1280x4xf32, #tpu.memory_space<vmem>>) target(%dma_start3A_32 : memref<1280x4xf32, #tpu.memory_space<vmem_shared>>) target_semaphore(%run_scoped3A : memref<!tpu.dma_semaphore, #tpu.memory_space<semaphore_mem>>)
      %dma_wait3A = arith.constant 0 : i32
      %dma_wait3A_33 = tpu.memref_slice %arg9[%add3A_4, %dma_wait3A] : memref<102400x4xf32, #tpu.memory_space<vmem_shared>> -> memref<1280x4xf32, #tpu.memory_space<vmem_shared>>
      %dma_wait3A_34 = arith.constant 0 : i32
      %dma_wait3A_35 = tpu.memref_slice %arg9[%add3A_4, %dma_wait3A_34] : memref<102400x4xf32, #tpu.memory_space<vmem_shared>> -> memref<1280x4xf32, #tpu.memory_space<vmem_shared>>
      tpu.wait_dma2 semaphore(%run_scoped3A : memref<!tpu.dma_semaphore, #tpu.memory_space<semaphore_mem>>) src(%arg8 : memref<1280x4xf32, #tpu.memory_space<vmem>>) dst(%dma_wait3A_35 : memref<1280x4xf32, #tpu.memory_space<vmem_shared>>)
      tpu.yield
    }) : () -> ()
    %add3A_5 = arith.constant 1280 : i32
    %add3A_6 = arith.addi %mul3A_2, %add3A_5 : i32
    "tpu.region"() ({
      %run_scoped3A = tpu.sem_alloc : memref<!tpu.dma_semaphore, #tpu.memory_space<semaphore_mem>>
      %dma_start3A = arith.constant 0 : i32
      %dma_start3A_30 = tpu.memref_slice %arg9[%add3A_6, %dma_start3A] : memref<102400x4xf32, #tpu.memory_space<vmem_shared>> -> memref<1280x4xf32, #tpu.memory_space<vmem_shared>>
      %dma_start3A_31 = arith.constant 0 : i32
      %dma_start3A_32 = tpu.memref_slice %arg9[%add3A_6, %dma_start3A_31] : memref<102400x4xf32, #tpu.memory_space<vmem_shared>> -> memref<1280x4xf32, #tpu.memory_space<vmem_shared>>
      tpu.enqueue_dma source(%arg8 : memref<1280x4xf32, #tpu.memory_space<vmem>>) target(%dma_start3A_32 : memref<1280x4xf32, #tpu.memory_space<vmem_shared>>) target_semaphore(%run_scoped3A : memref<!tpu.dma_semaphore, #tpu.memory_space<semaphore_mem>>)
      %dma_wait3A = arith.constant 0 : i32
      %dma_wait3A_33 = tpu.memref_slice %arg9[%add3A_6, %dma_wait3A] : memref<102400x4xf32, #tpu.memory_space<vmem_shared>> -> memref<1280x4xf32, #tpu.memory_space<vmem_shared>>
      %dma_wait3A_34 = arith.constant 0 : i32
      %dma_wait3A_35 = tpu.memref_slice %arg9[%add3A_6, %dma_wait3A_34] : memref<102400x4xf32, #tpu.memory_space<vmem_shared>> -> memref<1280x4xf32, #tpu.memory_space<vmem_shared>>
      tpu.wait_dma2 semaphore(%run_scoped3A : memref<!tpu.dma_semaphore, #tpu.memory_space<semaphore_mem>>) src(%arg8 : memref<1280x4xf32, #tpu.memory_space<vmem>>) dst(%dma_wait3A_35 : memref<1280x4xf32, #tpu.memory_space<vmem_shared>>)
      tpu.yield
    }) : () -> ()
    %add3A_7 = arith.constant 2560 : i32
    %add3A_8 = arith.addi %mul3A_2, %add3A_7 : i32
    "tpu.region"() ({
      %run_scoped3A = tpu.sem_alloc : memref<!tpu.dma_semaphore, #tpu.memory_space<semaphore_mem>>
      %dma_start3A = arith.constant 0 : i32
      %dma_start3A_30 = tpu.memref_slice %arg9[%add3A_8, %dma_start3A] : memref<102400x4xf32, #tpu.memory_space<vmem_shared>> -> memref<1280x4xf32, #tpu.memory_space<vmem_shared>>
      %dma_start3A_31 = arith.constant 0 : i32
      %dma_start3A_32 = tpu.memref_slice %arg9[%add3A_8, %dma_start3A_31] : memref<102400x4xf32, #tpu.memory_space<vmem_shared>> -> memref<1280x4xf32, #tpu.memory_space<vmem_shared>>
      tpu.enqueue_dma source(%arg8 : memref<1280x4xf32, #tpu.memory_space<vmem>>) target(%dma_start3A_32 : memref<1280x4xf32, #tpu.memory_space<vmem_shared>>) target_semaphore(%run_scoped3A : memref<!tpu.dma_semaphore, #tpu.memory_space<semaphore_mem>>)
      %dma_wait3A = arith.constant 0 : i32
      %dma_wait3A_33 = tpu.memref_slice %arg9[%add3A_8, %dma_wait3A] : memref<102400x4xf32, #tpu.memory_space<vmem_shared>> -> memref<1280x4xf32, #tpu.memory_space<vmem_shared>>
      %dma_wait3A_34 = arith.constant 0 : i32
      %dma_wait3A_35 = tpu.memref_slice %arg9[%add3A_8, %dma_wait3A_34] : memref<102400x4xf32, #tpu.memory_space<vmem_shared>> -> memref<1280x4xf32, #tpu.memory_space<vmem_shared>>
      tpu.wait_dma2 semaphore(%run_scoped3A : memref<!tpu.dma_semaphore, #tpu.memory_space<semaphore_mem>>) src(%arg8 : memref<1280x4xf32, #tpu.memory_space<vmem>>) dst(%dma_wait3A_35 : memref<1280x4xf32, #tpu.memory_space<vmem_shared>>)
      tpu.yield
    }) : () -> ()
    %add3A_9 = arith.constant 3840 : i32
    %add3A_10 = arith.addi %mul3A_2, %add3A_9 : i32
    "tpu.region"() ({
      %run_scoped3A = tpu.sem_alloc : memref<!tpu.dma_semaphore, #tpu.memory_space<semaphore_mem>>
      %dma_start3A = arith.constant 0 : i32
      %dma_start3A_30 = tpu.memref_slice %arg9[%add3A_10, %dma_start3A] : memref<102400x4xf32, #tpu.memory_space<vmem_shared>> -> memref<1280x4xf32, #tpu.memory_space<vmem_shared>>
      %dma_start3A_31 = arith.constant 0 : i32
      %dma_start3A_32 = tpu.memref_slice %arg9[%add3A_10, %dma_start3A_31] : memref<102400x4xf32, #tpu.memory_space<vmem_shared>> -> memref<1280x4xf32, #tpu.memory_space<vmem_shared>>
      tpu.enqueue_dma source(%arg8 : memref<1280x4xf32, #tpu.memory_space<vmem>>) target(%dma_start3A_32 : memref<1280x4xf32, #tpu.memory_space<vmem_shared>>) target_semaphore(%run_scoped3A : memref<!tpu.dma_semaphore, #tpu.memory_space<semaphore_mem>>)
      %dma_wait3A = arith.constant 0 : i32
      %dma_wait3A_33 = tpu.memref_slice %arg9[%add3A_10, %dma_wait3A] : memref<102400x4xf32, #tpu.memory_space<vmem_shared>> -> memref<1280x4xf32, #tpu.memory_space<vmem_shared>>
      %dma_wait3A_34 = arith.constant 0 : i32
      %dma_wait3A_35 = tpu.memref_slice %arg9[%add3A_10, %dma_wait3A_34] : memref<102400x4xf32, #tpu.memory_space<vmem_shared>> -> memref<1280x4xf32, #tpu.memory_space<vmem_shared>>
      tpu.wait_dma2 semaphore(%run_scoped3A : memref<!tpu.dma_semaphore, #tpu.memory_space<semaphore_mem>>) src(%arg8 : memref<1280x4xf32, #tpu.memory_space<vmem>>) dst(%dma_wait3A_35 : memref<1280x4xf32, #tpu.memory_space<vmem_shared>>)
      tpu.yield
    }) : () -> ()
    %add3A_11 = arith.constant 5120 : i32
    %add3A_12 = arith.addi %mul3A_2, %add3A_11 : i32
    "tpu.region"() ({
      %run_scoped3A = tpu.sem_alloc : memref<!tpu.dma_semaphore, #tpu.memory_space<semaphore_mem>>
      %dma_start3A = arith.constant 0 : i32
      %dma_start3A_30 = tpu.memref_slice %arg9[%add3A_12, %dma_start3A] : memref<102400x4xf32, #tpu.memory_space<vmem_shared>> -> memref<1280x4xf32, #tpu.memory_space<vmem_shared>>
      %dma_start3A_31 = arith.constant 0 : i32
      %dma_start3A_32 = tpu.memref_slice %arg9[%add3A_12, %dma_start3A_31] : memref<102400x4xf32, #tpu.memory_space<vmem_shared>> -> memref<1280x4xf32, #tpu.memory_space<vmem_shared>>
      tpu.enqueue_dma source(%arg8 : memref<1280x4xf32, #tpu.memory_space<vmem>>) target(%dma_start3A_32 : memref<1280x4xf32, #tpu.memory_space<vmem_shared>>) target_semaphore(%run_scoped3A : memref<!tpu.dma_semaphore, #tpu.memory_space<semaphore_mem>>)
      %dma_wait3A = arith.constant 0 : i32
      %dma_wait3A_33 = tpu.memref_slice %arg9[%add3A_12, %dma_wait3A] : memref<102400x4xf32, #tpu.memory_space<vmem_shared>> -> memref<1280x4xf32, #tpu.memory_space<vmem_shared>>
      %dma_wait3A_34 = arith.constant 0 : i32
      %dma_wait3A_35 = tpu.memref_slice %arg9[%add3A_12, %dma_wait3A_34] : memref<102400x4xf32, #tpu.memory_space<vmem_shared>> -> memref<1280x4xf32, #tpu.memory_space<vmem_shared>>
      tpu.wait_dma2 semaphore(%run_scoped3A : memref<!tpu.dma_semaphore, #tpu.memory_space<semaphore_mem>>) src(%arg8 : memref<1280x4xf32, #tpu.memory_space<vmem>>) dst(%dma_wait3A_35 : memref<1280x4xf32, #tpu.memory_space<vmem_shared>>)
      tpu.yield
    }) : () -> ()
    %barrier3A = arith.constant 0 : index
    tpu.barrier barrier_id(%barrier3A)
    %mul3A_13 = arith.constant 392 : i32
    %mul3A_14 = arith.muli %add3A, %mul3A_13 : i32
    %scan3A = arith.constant 0 : i32
    %scan3A_15 = arith.constant 49 : i32
    %scan3A_16 = arith.addi %scan3A, %scan3A_15 : i32
    %scan3A_17 = arith.constant 1 : i32
    scf.for %scan3A_30 = %scan3A to %scan3A_16 step %scan3A_17  : i32 {
      %mul3A_31 = arith.constant 1 : i32
      %mul3A_32 = arith.muli %scan3A_30, %mul3A_31 : i32
      %add3A_33 = arith.constant 0 : i32
      %add3A_34 = arith.addi %add3A_33, %mul3A_32 : i32
      %mul3A_35 = arith.constant 8 : i32
      %mul3A_36 = arith.muli %add3A_34, %mul3A_35 : i32
      %add3A_37 = arith.addi %mul3A_14, %mul3A_36 : i32
      "tpu.region"() ({
        %run_scoped3A_45 = tpu.sem_alloc : memref<!tpu.dma_semaphore, #tpu.memory_space<semaphore_mem>>
        %dma_start3A = arith.constant 0 : i32
        %dma_start3A_46 = tpu.memref_slice %arg2[%add3A_37, %dma_start3A] : memref<12544x128xi32, #tpu.memory_space<hbm>> -> memref<8x128xi32, #tpu.memory_space<hbm>>
        %dma_start3A_47 = arith.constant 0 : i32
        %dma_start3A_48 = tpu.memref_slice %arg2[%add3A_37, %dma_start3A_47] : memref<12544x128xi32, #tpu.memory_space<hbm>> -> memref<8x128xi32, #tpu.memory_space<hbm>>
        tpu.enqueue_dma source(%dma_start3A_48 : memref<8x128xi32, #tpu.memory_space<hbm>>) target(%arg6 : memref<8x128xi32, #tpu.memory_space<vmem>>) target_semaphore(%run_scoped3A_45 : memref<!tpu.dma_semaphore, #tpu.memory_space<semaphore_mem>>)
        %dma_wait3A = arith.constant 0 : i32
        %dma_wait3A_49 = tpu.memref_slice %arg2[%add3A_37, %dma_wait3A] : memref<12544x128xi32, #tpu.memory_space<hbm>> -> memref<8x128xi32, #tpu.memory_space<hbm>>
        %dma_wait3A_50 = arith.constant 0 : i32
        %dma_wait3A_51 = tpu.memref_slice %arg2[%add3A_37, %dma_wait3A_50] : memref<12544x128xi32, #tpu.memory_space<hbm>> -> memref<8x128xi32, #tpu.memory_space<hbm>>
        tpu.wait_dma2 semaphore(%run_scoped3A_45 : memref<!tpu.dma_semaphore, #tpu.memory_space<semaphore_mem>>) src(%dma_wait3A_51 : memref<8x128xi32, #tpu.memory_space<hbm>>) dst(%arg6 : memref<8x128xi32, #tpu.memory_space<vmem>>)
        tpu.yield
      }) : () -> ()
      %run_scoped3A = arith.constant 0 : i32
      "tpu.region"() ({
        %run_scoped3A_45 = tpu.sem_alloc : memref<!tpu.dma_semaphore, #tpu.memory_space<semaphore_mem>>
        %dma_start3A = arith.constant 0 : i32
        %dma_start3A_46 = tpu.memref_slice %arg6[%run_scoped3A, %dma_start3A] : memref<8x128xi32, #tpu.memory_space<vmem>> -> memref<1x128xi32, #tpu.memory_space<vmem>>
        %dma_start3A_47 = tpu.memref_squeeze %dma_start3A_46 : memref<1x128xi32, #tpu.memory_space<vmem>> -> memref<128xi32, #tpu.memory_space<vmem>>
        %dma_start3A_48 = arith.constant 0 : i32
        %dma_start3A_49 = arith.constant 0 : i32
        %dma_start3A_50 = tpu.memref_slice %arg9[%dma_start3A_48, %dma_start3A_49] : memref<102400x4xf32, #tpu.memory_space<vmem_shared>> -> memref<102400x4xf32, #tpu.memory_space<vmem_shared>>
        tpu.enqueue_indirect_dma source(%arg7 : memref<128x4xf32, #tpu.memory_space<vmem>>) target(%dma_start3A_50 : memref<102400x4xf32, #tpu.memory_space<vmem_shared>>) offsets(%dma_start3A_47 : memref<128xi32, #tpu.memory_space<vmem>>) semaphore(%run_scoped3A_45 : memref<!tpu.dma_semaphore, #tpu.memory_space<semaphore_mem>>) {add = true}
        %dma_wait3A = arith.constant 0 : i32
        %dma_wait3A_51 = tpu.memref_slice %arg6[%run_scoped3A, %dma_wait3A] : memref<8x128xi32, #tpu.memory_space<vmem>> -> memref<1x128xi32, #tpu.memory_space<vmem>>
        %dma_wait3A_52 = tpu.memref_squeeze %dma_wait3A_51 : memref<1x128xi32, #tpu.memory_space<vmem>> -> memref<128xi32, #tpu.memory_space<vmem>>
        %dma_wait3A_53 = arith.constant 0 : i32
        %dma_wait3A_54 = arith.constant 0 : i32
        %dma_wait3A_55 = tpu.memref_slice %arg9[%dma_wait3A_53, %dma_wait3A_54] : memref<102400x4xf32, #tpu.memory_space<vmem_shared>> -> memref<102400x4xf32, #tpu.memory_space<vmem_shared>>
        tpu.wait_indirect_dma semaphore(%run_scoped3A_45 : memref<!tpu.dma_semaphore, #tpu.memory_space<semaphore_mem>>) src(%arg7 : memref<128x4xf32, #tpu.memory_space<vmem>>) dst(%dma_wait3A_55 : memref<102400x4xf32, #tpu.memory_space<vmem_shared>>)
        tpu.yield
      }) : () -> ()
      %run_scoped3A_38 = arith.constant 1 : i32
      "tpu.region"() ({
        %run_scoped3A_45 = tpu.sem_alloc : memref<!tpu.dma_semaphore, #tpu.memory_space<semaphore_mem>>
        %dma_start3A = arith.constant 0 : i32
        %dma_start3A_46 = tpu.memref_slice %arg6[%run_scoped3A_38, %dma_start3A] : memref<8x128xi32, #tpu.memory_space<vmem>> -> memref<1x128xi32, #tpu.memory_space<vmem>>
        %dma_start3A_47 = tpu.memref_squeeze %dma_start3A_46 : memref<1x128xi32, #tpu.memory_space<vmem>> -> memref<128xi32, #tpu.memory_space<vmem>>
        %dma_start3A_48 = arith.constant 0 : i32
        %dma_start3A_49 = arith.constant 0 : i32
        %dma_start3A_50 = tpu.memref_slice %arg9[%dma_start3A_48, %dma_start3A_49] : memref<102400x4xf32, #tpu.memory_space<vmem_shared>> -> memref<102400x4xf32, #tpu.memory_space<vmem_shared>>
        tpu.enqueue_indirect_dma source(%arg7 : memref<128x4xf32, #tpu.memory_space<vmem>>) target(%dma_start3A_50 : memref<102400x4xf32, #tpu.memory_space<vmem_shared>>) offsets(%dma_start3A_47 : memref<128xi32, #tpu.memory_space<vmem>>) semaphore(%run_scoped3A_45 : memref<!tpu.dma_semaphore, #tpu.memory_space<semaphore_mem>>) {add = true}
        %dma_wait3A = arith.constant 0 : i32
        %dma_wait3A_51 = tpu.memref_slice %arg6[%run_scoped3A_38, %dma_wait3A] : memref<8x128xi32, #tpu.memory_space<vmem>> -> memref<1x128xi32, #tpu.memory_space<vmem>>
        %dma_wait3A_52 = tpu.memref_squeeze %dma_wait3A_51 : memref<1x128xi32, #tpu.memory_space<vmem>> -> memref<128xi32, #tpu.memory_space<vmem>>
        %dma_wait3A_53 = arith.constant 0 : i32
        %dma_wait3A_54 = arith.constant 0 : i32
        %dma_wait3A_55 = tpu.memref_slice %arg9[%dma_wait3A_53, %dma_wait3A_54] : memref<102400x4xf32, #tpu.memory_space<vmem_shared>> -> memref<102400x4xf32, #tpu.memory_space<vmem_shared>>
        tpu.wait_indirect_dma semaphore(%run_scoped3A_45 : memref<!tpu.dma_semaphore, #tpu.memory_space<semaphore_mem>>) src(%arg7 : memref<128x4xf32, #tpu.memory_space<vmem>>) dst(%dma_wait3A_55 : memref<102400x4xf32, #tpu.memory_space<vmem_shared>>)
        tpu.yield
      }) : () -> ()
      %run_scoped3A_39 = arith.constant 2 : i32
      "tpu.region"() ({
        %run_scoped3A_45 = tpu.sem_alloc : memref<!tpu.dma_semaphore, #tpu.memory_space<semaphore_mem>>
        %dma_start3A = arith.constant 0 : i32
        %dma_start3A_46 = tpu.memref_slice %arg6[%run_scoped3A_39, %dma_start3A] : memref<8x128xi32, #tpu.memory_space<vmem>> -> memref<1x128xi32, #tpu.memory_space<vmem>>
        %dma_start3A_47 = tpu.memref_squeeze %dma_start3A_46 : memref<1x128xi32, #tpu.memory_space<vmem>> -> memref<128xi32, #tpu.memory_space<vmem>>
        %dma_start3A_48 = arith.constant 0 : i32
        %dma_start3A_49 = arith.constant 0 : i32
        %dma_start3A_50 = tpu.memref_slice %arg9[%dma_start3A_48, %dma_start3A_49] : memref<102400x4xf32, #tpu.memory_space<vmem_shared>> -> memref<102400x4xf32, #tpu.memory_space<vmem_shared>>
        tpu.enqueue_indirect_dma source(%arg7 : memref<128x4xf32, #tpu.memory_space<vmem>>) target(%dma_start3A_50 : memref<102400x4xf32, #tpu.memory_space<vmem_shared>>) offsets(%dma_start3A_47 : memref<128xi32, #tpu.memory_space<vmem>>) semaphore(%run_scoped3A_45 : memref<!tpu.dma_semaphore, #tpu.memory_space<semaphore_mem>>) {add = true}
        %dma_wait3A = arith.constant 0 : i32
        %dma_wait3A_51 = tpu.memref_slice %arg6[%run_scoped3A_39, %dma_wait3A] : memref<8x128xi32, #tpu.memory_space<vmem>> -> memref<1x128xi32, #tpu.memory_space<vmem>>
        %dma_wait3A_52 = tpu.memref_squeeze %dma_wait3A_51 : memref<1x128xi32, #tpu.memory_space<vmem>> -> memref<128xi32, #tpu.memory_space<vmem>>
        %dma_wait3A_53 = arith.constant 0 : i32
        %dma_wait3A_54 = arith.constant 0 : i32
        %dma_wait3A_55 = tpu.memref_slice %arg9[%dma_wait3A_53, %dma_wait3A_54] : memref<102400x4xf32, #tpu.memory_space<vmem_shared>> -> memref<102400x4xf32, #tpu.memory_space<vmem_shared>>
        tpu.wait_indirect_dma semaphore(%run_scoped3A_45 : memref<!tpu.dma_semaphore, #tpu.memory_space<semaphore_mem>>) src(%arg7 : memref<128x4xf32, #tpu.memory_space<vmem>>) dst(%dma_wait3A_55 : memref<102400x4xf32, #tpu.memory_space<vmem_shared>>)
        tpu.yield
      }) : () -> ()
      %run_scoped3A_40 = arith.constant 3 : i32
      "tpu.region"() ({
        %run_scoped3A_45 = tpu.sem_alloc : memref<!tpu.dma_semaphore, #tpu.memory_space<semaphore_mem>>
        %dma_start3A = arith.constant 0 : i32
        %dma_start3A_46 = tpu.memref_slice %arg6[%run_scoped3A_40, %dma_start3A] : memref<8x128xi32, #tpu.memory_space<vmem>> -> memref<1x128xi32, #tpu.memory_space<vmem>>
        %dma_start3A_47 = tpu.memref_squeeze %dma_start3A_46 : memref<1x128xi32, #tpu.memory_space<vmem>> -> memref<128xi32, #tpu.memory_space<vmem>>
        %dma_start3A_48 = arith.constant 0 : i32
        %dma_start3A_49 = arith.constant 0 : i32
        %dma_start3A_50 = tpu.memref_slice %arg9[%dma_start3A_48, %dma_start3A_49] : memref<102400x4xf32, #tpu.memory_space<vmem_shared>> -> memref<102400x4xf32, #tpu.memory_space<vmem_shared>>
        tpu.enqueue_indirect_dma source(%arg7 : memref<128x4xf32, #tpu.memory_space<vmem>>) target(%dma_start3A_50 : memref<102400x4xf32, #tpu.memory_space<vmem_shared>>) offsets(%dma_start3A_47 : memref<128xi32, #tpu.memory_space<vmem>>) semaphore(%run_scoped3A_45 : memref<!tpu.dma_semaphore, #tpu.memory_space<semaphore_mem>>) {add = true}
        %dma_wait3A = arith.constant 0 : i32
        %dma_wait3A_51 = tpu.memref_slice %arg6[%run_scoped3A_40, %dma_wait3A] : memref<8x128xi32, #tpu.memory_space<vmem>> -> memref<1x128xi32, #tpu.memory_space<vmem>>
        %dma_wait3A_52 = tpu.memref_squeeze %dma_wait3A_51 : memref<1x128xi32, #tpu.memory_space<vmem>> -> memref<128xi32, #tpu.memory_space<vmem>>
        %dma_wait3A_53 = arith.constant 0 : i32
        %dma_wait3A_54 = arith.constant 0 : i32
        %dma_wait3A_55 = tpu.memref_slice %arg9[%dma_wait3A_53, %dma_wait3A_54] : memref<102400x4xf32, #tpu.memory_space<vmem_shared>> -> memref<102400x4xf32, #tpu.memory_space<vmem_shared>>
        tpu.wait_indirect_dma semaphore(%run_scoped3A_45 : memref<!tpu.dma_semaphore, #tpu.memory_space<semaphore_mem>>) src(%arg7 : memref<128x4xf32, #tpu.memory_space<vmem>>) dst(%dma_wait3A_55 : memref<102400x4xf32, #tpu.memory_space<vmem_shared>>)
        tpu.yield
      }) : () -> ()
      %run_scoped3A_41 = arith.constant 4 : i32
      "tpu.region"() ({
        %run_scoped3A_45 = tpu.sem_alloc : memref<!tpu.dma_semaphore, #tpu.memory_space<semaphore_mem>>
        %dma_start3A = arith.constant 0 : i32
        %dma_start3A_46 = tpu.memref_slice %arg6[%run_scoped3A_41, %dma_start3A] : memref<8x128xi32, #tpu.memory_space<vmem>> -> memref<1x128xi32, #tpu.memory_space<vmem>>
        %dma_start3A_47 = tpu.memref_squeeze %dma_start3A_46 : memref<1x128xi32, #tpu.memory_space<vmem>> -> memref<128xi32, #tpu.memory_space<vmem>>
        %dma_start3A_48 = arith.constant 0 : i32
        %dma_start3A_49 = arith.constant 0 : i32
        %dma_start3A_50 = tpu.memref_slice %arg9[%dma_start3A_48, %dma_start3A_49] : memref<102400x4xf32, #tpu.memory_space<vmem_shared>> -> memref<102400x4xf32, #tpu.memory_space<vmem_shared>>
        tpu.enqueue_indirect_dma source(%arg7 : memref<128x4xf32, #tpu.memory_space<vmem>>) target(%dma_start3A_50 : memref<102400x4xf32, #tpu.memory_space<vmem_shared>>) offsets(%dma_start3A_47 : memref<128xi32, #tpu.memory_space<vmem>>) semaphore(%run_scoped3A_45 : memref<!tpu.dma_semaphore, #tpu.memory_space<semaphore_mem>>) {add = true}
        %dma_wait3A = arith.constant 0 : i32
        %dma_wait3A_51 = tpu.memref_slice %arg6[%run_scoped3A_41, %dma_wait3A] : memref<8x128xi32, #tpu.memory_space<vmem>> -> memref<1x128xi32, #tpu.memory_space<vmem>>
        %dma_wait3A_52 = tpu.memref_squeeze %dma_wait3A_51 : memref<1x128xi32, #tpu.memory_space<vmem>> -> memref<128xi32, #tpu.memory_space<vmem>>
        %dma_wait3A_53 = arith.constant 0 : i32
        %dma_wait3A_54 = arith.constant 0 : i32
        %dma_wait3A_55 = tpu.memref_slice %arg9[%dma_wait3A_53, %dma_wait3A_54] : memref<102400x4xf32, #tpu.memory_space<vmem_shared>> -> memref<102400x4xf32, #tpu.memory_space<vmem_shared>>
        tpu.wait_indirect_dma semaphore(%run_scoped3A_45 : memref<!tpu.dma_semaphore, #tpu.memory_space<semaphore_mem>>) src(%arg7 : memref<128x4xf32, #tpu.memory_space<vmem>>) dst(%dma_wait3A_55 : memref<102400x4xf32, #tpu.memory_space<vmem_shared>>)
        tpu.yield
      }) : () -> ()
      %run_scoped3A_42 = arith.constant 5 : i32
      "tpu.region"() ({
        %run_scoped3A_45 = tpu.sem_alloc : memref<!tpu.dma_semaphore, #tpu.memory_space<semaphore_mem>>
        %dma_start3A = arith.constant 0 : i32
        %dma_start3A_46 = tpu.memref_slice %arg6[%run_scoped3A_42, %dma_start3A] : memref<8x128xi32, #tpu.memory_space<vmem>> -> memref<1x128xi32, #tpu.memory_space<vmem>>
        %dma_start3A_47 = tpu.memref_squeeze %dma_start3A_46 : memref<1x128xi32, #tpu.memory_space<vmem>> -> memref<128xi32, #tpu.memory_space<vmem>>
        %dma_start3A_48 = arith.constant 0 : i32
        %dma_start3A_49 = arith.constant 0 : i32
        %dma_start3A_50 = tpu.memref_slice %arg9[%dma_start3A_48, %dma_start3A_49] : memref<102400x4xf32, #tpu.memory_space<vmem_shared>> -> memref<102400x4xf32, #tpu.memory_space<vmem_shared>>
        tpu.enqueue_indirect_dma source(%arg7 : memref<128x4xf32, #tpu.memory_space<vmem>>) target(%dma_start3A_50 : memref<102400x4xf32, #tpu.memory_space<vmem_shared>>) offsets(%dma_start3A_47 : memref<128xi32, #tpu.memory_space<vmem>>) semaphore(%run_scoped3A_45 : memref<!tpu.dma_semaphore, #tpu.memory_space<semaphore_mem>>) {add = true}
        %dma_wait3A = arith.constant 0 : i32
        %dma_wait3A_51 = tpu.memref_slice %arg6[%run_scoped3A_42, %dma_wait3A] : memref<8x128xi32, #tpu.memory_space<vmem>> -> memref<1x128xi32, #tpu.memory_space<vmem>>
        %dma_wait3A_52 = tpu.memref_squeeze %dma_wait3A_51 : memref<1x128xi32, #tpu.memory_space<vmem>> -> memref<128xi32, #tpu.memory_space<vmem>>
        %dma_wait3A_53 = arith.constant 0 : i32
        %dma_wait3A_54 = arith.constant 0 : i32
        %dma_wait3A_55 = tpu.memref_slice %arg9[%dma_wait3A_53, %dma_wait3A_54] : memref<102400x4xf32, #tpu.memory_space<vmem_shared>> -> memref<102400x4xf32, #tpu.memory_space<vmem_shared>>
        tpu.wait_indirect_dma semaphore(%run_scoped3A_45 : memref<!tpu.dma_semaphore, #tpu.memory_space<semaphore_mem>>) src(%arg7 : memref<128x4xf32, #tpu.memory_space<vmem>>) dst(%dma_wait3A_55 : memref<102400x4xf32, #tpu.memory_space<vmem_shared>>)
        tpu.yield
      }) : () -> ()
      %run_scoped3A_43 = arith.constant 6 : i32
      "tpu.region"() ({
        %run_scoped3A_45 = tpu.sem_alloc : memref<!tpu.dma_semaphore, #tpu.memory_space<semaphore_mem>>
        %dma_start3A = arith.constant 0 : i32
        %dma_start3A_46 = tpu.memref_slice %arg6[%run_scoped3A_43, %dma_start3A] : memref<8x128xi32, #tpu.memory_space<vmem>> -> memref<1x128xi32, #tpu.memory_space<vmem>>
        %dma_start3A_47 = tpu.memref_squeeze %dma_start3A_46 : memref<1x128xi32, #tpu.memory_space<vmem>> -> memref<128xi32, #tpu.memory_space<vmem>>
        %dma_start3A_48 = arith.constant 0 : i32
        %dma_start3A_49 = arith.constant 0 : i32
        %dma_start3A_50 = tpu.memref_slice %arg9[%dma_start3A_48, %dma_start3A_49] : memref<102400x4xf32, #tpu.memory_space<vmem_shared>> -> memref<102400x4xf32, #tpu.memory_space<vmem_shared>>
        tpu.enqueue_indirect_dma source(%arg7 : memref<128x4xf32, #tpu.memory_space<vmem>>) target(%dma_start3A_50 : memref<102400x4xf32, #tpu.memory_space<vmem_shared>>) offsets(%dma_start3A_47 : memref<128xi32, #tpu.memory_space<vmem>>) semaphore(%run_scoped3A_45 : memref<!tpu.dma_semaphore, #tpu.memory_space<semaphore_mem>>) {add = true}
        %dma_wait3A = arith.constant 0 : i32
        %dma_wait3A_51 = tpu.memref_slice %arg6[%run_scoped3A_43, %dma_wait3A] : memref<8x128xi32, #tpu.memory_space<vmem>> -> memref<1x128xi32, #tpu.memory_space<vmem>>
        %dma_wait3A_52 = tpu.memref_squeeze %dma_wait3A_51 : memref<1x128xi32, #tpu.memory_space<vmem>> -> memref<128xi32, #tpu.memory_space<vmem>>
        %dma_wait3A_53 = arith.constant 0 : i32
        %dma_wait3A_54 = arith.constant 0 : i32
        %dma_wait3A_55 = tpu.memref_slice %arg9[%dma_wait3A_53, %dma_wait3A_54] : memref<102400x4xf32, #tpu.memory_space<vmem_shared>> -> memref<102400x4xf32, #tpu.memory_space<vmem_shared>>
        tpu.wait_indirect_dma semaphore(%run_scoped3A_45 : memref<!tpu.dma_semaphore, #tpu.memory_space<semaphore_mem>>) src(%arg7 : memref<128x4xf32, #tpu.memory_space<vmem>>) dst(%dma_wait3A_55 : memref<102400x4xf32, #tpu.memory_space<vmem_shared>>)
        tpu.yield
      }) : () -> ()
      %run_scoped3A_44 = arith.constant 7 : i32
      "tpu.region"() ({
        %run_scoped3A_45 = tpu.sem_alloc : memref<!tpu.dma_semaphore, #tpu.memory_space<semaphore_mem>>
        %dma_start3A = arith.constant 0 : i32
        %dma_start3A_46 = tpu.memref_slice %arg6[%run_scoped3A_44, %dma_start3A] : memref<8x128xi32, #tpu.memory_space<vmem>> -> memref<1x128xi32, #tpu.memory_space<vmem>>
        %dma_start3A_47 = tpu.memref_squeeze %dma_start3A_46 : memref<1x128xi32, #tpu.memory_space<vmem>> -> memref<128xi32, #tpu.memory_space<vmem>>
        %dma_start3A_48 = arith.constant 0 : i32
        %dma_start3A_49 = arith.constant 0 : i32
        %dma_start3A_50 = tpu.memref_slice %arg9[%dma_start3A_48, %dma_start3A_49] : memref<102400x4xf32, #tpu.memory_space<vmem_shared>> -> memref<102400x4xf32, #tpu.memory_space<vmem_shared>>
        tpu.enqueue_indirect_dma source(%arg7 : memref<128x4xf32, #tpu.memory_space<vmem>>) target(%dma_start3A_50 : memref<102400x4xf32, #tpu.memory_space<vmem_shared>>) offsets(%dma_start3A_47 : memref<128xi32, #tpu.memory_space<vmem>>) semaphore(%run_scoped3A_45 : memref<!tpu.dma_semaphore, #tpu.memory_space<semaphore_mem>>) {add = true}
        %dma_wait3A = arith.constant 0 : i32
        %dma_wait3A_51 = tpu.memref_slice %arg6[%run_scoped3A_44, %dma_wait3A] : memref<8x128xi32, #tpu.memory_space<vmem>> -> memref<1x128xi32, #tpu.memory_space<vmem>>
        %dma_wait3A_52 = tpu.memref_squeeze %dma_wait3A_51 : memref<1x128xi32, #tpu.memory_space<vmem>> -> memref<128xi32, #tpu.memory_space<vmem>>
        %dma_wait3A_53 = arith.constant 0 : i32
        %dma_wait3A_54 = arith.constant 0 : i32
        %dma_wait3A_55 = tpu.memref_slice %arg9[%dma_wait3A_53, %dma_wait3A_54] : memref<102400x4xf32, #tpu.memory_space<vmem_shared>> -> memref<102400x4xf32, #tpu.memory_space<vmem_shared>>
        tpu.wait_indirect_dma semaphore(%run_scoped3A_45 : memref<!tpu.dma_semaphore, #tpu.memory_space<semaphore_mem>>) src(%arg7 : memref<128x4xf32, #tpu.memory_space<vmem>>) dst(%dma_wait3A_55 : memref<102400x4xf32, #tpu.memory_space<vmem_shared>>)
        tpu.yield
      }) : () -> ()
    }
    %scan3A_18 = arith.constant 49 : i32
    %barrier3A_19 = arith.constant 0 : index
    tpu.barrier barrier_id(%barrier3A_19)
    %add3A_20 = arith.constant 0 : i32
    %add3A_21 = arith.addi %mul3A_2, %add3A_20 : i32
    "tpu.region"() ({
      %run_scoped3A = tpu.sem_alloc : memref<!tpu.dma_semaphore, #tpu.memory_space<semaphore_mem>>
      %dma_start3A = arith.constant 0 : i32
      %dma_start3A_30 = arith.constant 0 : i32
      %dma_start3A_31 = tpu.memref_slice %arg5[%arg0, %dma_start3A, %dma_start3A_30] : memref<2x102400x4xf32, #tpu.memory_space<hbm>> -> memref<1x102400x4xf32, #tpu.memory_space<hbm>>
      %dma_start3A_32 = tpu.memref_squeeze %dma_start3A_31 : memref<1x102400x4xf32, #tpu.memory_space<hbm>> -> memref<102400x4xf32, #tpu.memory_space<hbm>>
      %dma_start3A_33 = arith.constant 0 : i32
      %dma_start3A_34 = tpu.memref_slice %dma_start3A_32[%add3A_21, %dma_start3A_33] : memref<102400x4xf32, #tpu.memory_space<hbm>> -> memref<1280x4xf32, #tpu.memory_space<hbm>>
      %dma_start3A_35 = arith.constant 0 : i32
      %dma_start3A_36 = tpu.memref_slice %arg9[%add3A_21, %dma_start3A_35] : memref<102400x4xf32, #tpu.memory_space<vmem_shared>> -> memref<1280x4xf32, #tpu.memory_space<vmem_shared>>
      tpu.enqueue_dma source(%dma_start3A_36 : memref<1280x4xf32, #tpu.memory_space<vmem_shared>>) target(%dma_start3A_34 : memref<1280x4xf32, #tpu.memory_space<hbm>>) target_semaphore(%run_scoped3A : memref<!tpu.dma_semaphore, #tpu.memory_space<semaphore_mem>>)
      %dma_wait3A = arith.constant 0 : i32
      %dma_wait3A_37 = arith.constant 0 : i32
      %dma_wait3A_38 = tpu.memref_slice %arg5[%arg0, %dma_wait3A, %dma_wait3A_37] : memref<2x102400x4xf32, #tpu.memory_space<hbm>> -> memref<1x102400x4xf32, #tpu.memory_space<hbm>>
      %dma_wait3A_39 = tpu.memref_squeeze %dma_wait3A_38 : memref<1x102400x4xf32, #tpu.memory_space<hbm>> -> memref<102400x4xf32, #tpu.memory_space<hbm>>
      %dma_wait3A_40 = arith.constant 0 : i32
      %dma_wait3A_41 = tpu.memref_slice %dma_wait3A_39[%add3A_21, %dma_wait3A_40] : memref<102400x4xf32, #tpu.memory_space<hbm>> -> memref<1280x4xf32, #tpu.memory_space<hbm>>
      %dma_wait3A_42 = arith.constant 0 : i32
      %dma_wait3A_43 = tpu.memref_slice %arg9[%add3A_21, %dma_wait3A_42] : memref<102400x4xf32, #tpu.memory_space<vmem_shared>> -> memref<1280x4xf32, #tpu.memory_space<vmem_shared>>
      tpu.wait_dma2 semaphore(%run_scoped3A : memref<!tpu.dma_semaphore, #tpu.memory_space<semaphore_mem>>) src(%dma_wait3A_43 : memref<1280x4xf32, #tpu.memory_space<vmem_shared>>) dst(%dma_wait3A_41 : memref<1280x4xf32, #tpu.memory_space<hbm>>)
      tpu.yield
    }) : () -> ()
    %add3A_22 = arith.constant 1280 : i32
    %add3A_23 = arith.addi %mul3A_2, %add3A_22 : i32
    "tpu.region"() ({
      %run_scoped3A = tpu.sem_alloc : memref<!tpu.dma_semaphore, #tpu.memory_space<semaphore_mem>>
      %dma_start3A = arith.constant 0 : i32
      %dma_start3A_30 = arith.constant 0 : i32
      %dma_start3A_31 = tpu.memref_slice %arg5[%arg0, %dma_start3A, %dma_start3A_30] : memref<2x102400x4xf32, #tpu.memory_space<hbm>> -> memref<1x102400x4xf32, #tpu.memory_space<hbm>>
      %dma_start3A_32 = tpu.memref_squeeze %dma_start3A_31 : memref<1x102400x4xf32, #tpu.memory_space<hbm>> -> memref<102400x4xf32, #tpu.memory_space<hbm>>
      %dma_start3A_33 = arith.constant 0 : i32
      %dma_start3A_34 = tpu.memref_slice %dma_start3A_32[%add3A_23, %dma_start3A_33] : memref<102400x4xf32, #tpu.memory_space<hbm>> -> memref<1280x4xf32, #tpu.memory_space<hbm>>
      %dma_start3A_35 = arith.constant 0 : i32
      %dma_start3A_36 = tpu.memref_slice %arg9[%add3A_23, %dma_start3A_35] : memref<102400x4xf32, #tpu.memory_space<vmem_shared>> -> memref<1280x4xf32, #tpu.memory_space<vmem_shared>>
      tpu.enqueue_dma source(%dma_start3A_36 : memref<1280x4xf32, #tpu.memory_space<vmem_shared>>) target(%dma_start3A_34 : memref<1280x4xf32, #tpu.memory_space<hbm>>) target_semaphore(%run_scoped3A : memref<!tpu.dma_semaphore, #tpu.memory_space<semaphore_mem>>)
      %dma_wait3A = arith.constant 0 : i32
      %dma_wait3A_37 = arith.constant 0 : i32
      %dma_wait3A_38 = tpu.memref_slice %arg5[%arg0, %dma_wait3A, %dma_wait3A_37] : memref<2x102400x4xf32, #tpu.memory_space<hbm>> -> memref<1x102400x4xf32, #tpu.memory_space<hbm>>
      %dma_wait3A_39 = tpu.memref_squeeze %dma_wait3A_38 : memref<1x102400x4xf32, #tpu.memory_space<hbm>> -> memref<102400x4xf32, #tpu.memory_space<hbm>>
      %dma_wait3A_40 = arith.constant 0 : i32
      %dma_wait3A_41 = tpu.memref_slice %dma_wait3A_39[%add3A_23, %dma_wait3A_40] : memref<102400x4xf32, #tpu.memory_space<hbm>> -> memref<1280x4xf32, #tpu.memory_space<hbm>>
      %dma_wait3A_42 = arith.constant 0 : i32
      %dma_wait3A_43 = tpu.memref_slice %arg9[%add3A_23, %dma_wait3A_42] : memref<102400x4xf32, #tpu.memory_space<vmem_shared>> -> memref<1280x4xf32, #tpu.memory_space<vmem_shared>>
      tpu.wait_dma2 semaphore(%run_scoped3A : memref<!tpu.dma_semaphore, #tpu.memory_space<semaphore_mem>>) src(%dma_wait3A_43 : memref<1280x4xf32, #tpu.memory_space<vmem_shared>>) dst(%dma_wait3A_41 : memref<1280x4xf32, #tpu.memory_space<hbm>>)
      tpu.yield
    }) : () -> ()
    %add3A_24 = arith.constant 2560 : i32
    %add3A_25 = arith.addi %mul3A_2, %add3A_24 : i32
    "tpu.region"() ({
      %run_scoped3A = tpu.sem_alloc : memref<!tpu.dma_semaphore, #tpu.memory_space<semaphore_mem>>
      %dma_start3A = arith.constant 0 : i32
      %dma_start3A_30 = arith.constant 0 : i32
      %dma_start3A_31 = tpu.memref_slice %arg5[%arg0, %dma_start3A, %dma_start3A_30] : memref<2x102400x4xf32, #tpu.memory_space<hbm>> -> memref<1x102400x4xf32, #tpu.memory_space<hbm>>
      %dma_start3A_32 = tpu.memref_squeeze %dma_start3A_31 : memref<1x102400x4xf32, #tpu.memory_space<hbm>> -> memref<102400x4xf32, #tpu.memory_space<hbm>>
      %dma_start3A_33 = arith.constant 0 : i32
      %dma_start3A_34 = tpu.memref_slice %dma_start3A_32[%add3A_25, %dma_start3A_33] : memref<102400x4xf32, #tpu.memory_space<hbm>> -> memref<1280x4xf32, #tpu.memory_space<hbm>>
      %dma_start3A_35 = arith.constant 0 : i32
      %dma_start3A_36 = tpu.memref_slice %arg9[%add3A_25, %dma_start3A_35] : memref<102400x4xf32, #tpu.memory_space<vmem_shared>> -> memref<1280x4xf32, #tpu.memory_space<vmem_shared>>
      tpu.enqueue_dma source(%dma_start3A_36 : memref<1280x4xf32, #tpu.memory_space<vmem_shared>>) target(%dma_start3A_34 : memref<1280x4xf32, #tpu.memory_space<hbm>>) target_semaphore(%run_scoped3A : memref<!tpu.dma_semaphore, #tpu.memory_space<semaphore_mem>>)
      %dma_wait3A = arith.constant 0 : i32
      %dma_wait3A_37 = arith.constant 0 : i32
      %dma_wait3A_38 = tpu.memref_slice %arg5[%arg0, %dma_wait3A, %dma_wait3A_37] : memref<2x102400x4xf32, #tpu.memory_space<hbm>> -> memref<1x102400x4xf32, #tpu.memory_space<hbm>>
      %dma_wait3A_39 = tpu.memref_squeeze %dma_wait3A_38 : memref<1x102400x4xf32, #tpu.memory_space<hbm>> -> memref<102400x4xf32, #tpu.memory_space<hbm>>
      %dma_wait3A_40 = arith.constant 0 : i32
      %dma_wait3A_41 = tpu.memref_slice %dma_wait3A_39[%add3A_25, %dma_wait3A_40] : memref<102400x4xf32, #tpu.memory_space<hbm>> -> memref<1280x4xf32, #tpu.memory_space<hbm>>
      %dma_wait3A_42 = arith.constant 0 : i32
      %dma_wait3A_43 = tpu.memref_slice %arg9[%add3A_25, %dma_wait3A_42] : memref<102400x4xf32, #tpu.memory_space<vmem_shared>> -> memref<1280x4xf32, #tpu.memory_space<vmem_shared>>
      tpu.wait_dma2 semaphore(%run_scoped3A : memref<!tpu.dma_semaphore, #tpu.memory_space<semaphore_mem>>) src(%dma_wait3A_43 : memref<1280x4xf32, #tpu.memory_space<vmem_shared>>) dst(%dma_wait3A_41 : memref<1280x4xf32, #tpu.memory_space<hbm>>)
      tpu.yield
    }) : () -> ()
    %add3A_26 = arith.constant 3840 : i32
    %add3A_27 = arith.addi %mul3A_2, %add3A_26 : i32
    "tpu.region"() ({
      %run_scoped3A = tpu.sem_alloc : memref<!tpu.dma_semaphore, #tpu.memory_space<semaphore_mem>>
      %dma_start3A = arith.constant 0 : i32
      %dma_start3A_30 = arith.constant 0 : i32
      %dma_start3A_31 = tpu.memref_slice %arg5[%arg0, %dma_start3A, %dma_start3A_30] : memref<2x102400x4xf32, #tpu.memory_space<hbm>> -> memref<1x102400x4xf32, #tpu.memory_space<hbm>>
      %dma_start3A_32 = tpu.memref_squeeze %dma_start3A_31 : memref<1x102400x4xf32, #tpu.memory_space<hbm>> -> memref<102400x4xf32, #tpu.memory_space<hbm>>
      %dma_start3A_33 = arith.constant 0 : i32
      %dma_start3A_34 = tpu.memref_slice %dma_start3A_32[%add3A_27, %dma_start3A_33] : memref<102400x4xf32, #tpu.memory_space<hbm>> -> memref<1280x4xf32, #tpu.memory_space<hbm>>
      %dma_start3A_35 = arith.constant 0 : i32
      %dma_start3A_36 = tpu.memref_slice %arg9[%add3A_27, %dma_start3A_35] : memref<102400x4xf32, #tpu.memory_space<vmem_shared>> -> memref<1280x4xf32, #tpu.memory_space<vmem_shared>>
      tpu.enqueue_dma source(%dma_start3A_36 : memref<1280x4xf32, #tpu.memory_space<vmem_shared>>) target(%dma_start3A_34 : memref<1280x4xf32, #tpu.memory_space<hbm>>) target_semaphore(%run_scoped3A : memref<!tpu.dma_semaphore, #tpu.memory_space<semaphore_mem>>)
      %dma_wait3A = arith.constant 0 : i32
      %dma_wait3A_37 = arith.constant 0 : i32
      %dma_wait3A_38 = tpu.memref_slice %arg5[%arg0, %dma_wait3A, %dma_wait3A_37] : memref<2x102400x4xf32, #tpu.memory_space<hbm>> -> memref<1x102400x4xf32, #tpu.memory_space<hbm>>
      %dma_wait3A_39 = tpu.memref_squeeze %dma_wait3A_38 : memref<1x102400x4xf32, #tpu.memory_space<hbm>> -> memref<102400x4xf32, #tpu.memory_space<hbm>>
      %dma_wait3A_40 = arith.constant 0 : i32
      %dma_wait3A_41 = tpu.memref_slice %dma_wait3A_39[%add3A_27, %dma_wait3A_40] : memref<102400x4xf32, #tpu.memory_space<hbm>> -> memref<1280x4xf32, #tpu.memory_space<hbm>>
      %dma_wait3A_42 = arith.constant 0 : i32
      %dma_wait3A_43 = tpu.memref_slice %arg9[%add3A_27, %dma_wait3A_42] : memref<102400x4xf32, #tpu.memory_space<vmem_shared>> -> memref<1280x4xf32, #tpu.memory_space<vmem_shared>>
      tpu.wait_dma2 semaphore(%run_scoped3A : memref<!tpu.dma_semaphore, #tpu.memory_space<semaphore_mem>>) src(%dma_wait3A_43 : memref<1280x4xf32, #tpu.memory_space<vmem_shared>>) dst(%dma_wait3A_41 : memref<1280x4xf32, #tpu.memory_space<hbm>>)
      tpu.yield
    }) : () -> ()
    %add3A_28 = arith.constant 5120 : i32
    %add3A_29 = arith.addi %mul3A_2, %add3A_28 : i32
    "tpu.region"() ({
      %run_scoped3A = tpu.sem_alloc : memref<!tpu.dma_semaphore, #tpu.memory_space<semaphore_mem>>
      %dma_start3A = arith.constant 0 : i32
      %dma_start3A_30 = arith.constant 0 : i32
      %dma_start3A_31 = tpu.memref_slice %arg5[%arg0, %dma_start3A, %dma_start3A_30] : memref<2x102400x4xf32, #tpu.memory_space<hbm>> -> memref<1x102400x4xf32, #tpu.memory_space<hbm>>
      %dma_start3A_32 = tpu.memref_squeeze %dma_start3A_31 : memref<1x102400x4xf32, #tpu.memory_space<hbm>> -> memref<102400x4xf32, #tpu.memory_space<hbm>>
      %dma_start3A_33 = arith.constant 0 : i32
      %dma_start3A_34 = tpu.memref_slice %dma_start3A_32[%add3A_29, %dma_start3A_33] : memref<102400x4xf32, #tpu.memory_space<hbm>> -> memref<1280x4xf32, #tpu.memory_space<hbm>>
      %dma_start3A_35 = arith.constant 0 : i32
      %dma_start3A_36 = tpu.memref_slice %arg9[%add3A_29, %dma_start3A_35] : memref<102400x4xf32, #tpu.memory_space<vmem_shared>> -> memref<1280x4xf32, #tpu.memory_space<vmem_shared>>
      tpu.enqueue_dma source(%dma_start3A_36 : memref<1280x4xf32, #tpu.memory_space<vmem_shared>>) target(%dma_start3A_34 : memref<1280x4xf32, #tpu.memory_space<hbm>>) target_semaphore(%run_scoped3A : memref<!tpu.dma_semaphore, #tpu.memory_space<semaphore_mem>>)
      %dma_wait3A = arith.constant 0 : i32
      %dma_wait3A_37 = arith.constant 0 : i32
      %dma_wait3A_38 = tpu.memref_slice %arg5[%arg0, %dma_wait3A, %dma_wait3A_37] : memref<2x102400x4xf32, #tpu.memory_space<hbm>> -> memref<1x102400x4xf32, #tpu.memory_space<hbm>>
      %dma_wait3A_39 = tpu.memref_squeeze %dma_wait3A_38 : memref<1x102400x4xf32, #tpu.memory_space<hbm>> -> memref<102400x4xf32, #tpu.memory_space<hbm>>
      %dma_wait3A_40 = arith.constant 0 : i32
      %dma_wait3A_41 = tpu.memref_slice %dma_wait3A_39[%add3A_29, %dma_wait3A_40] : memref<102400x4xf32, #tpu.memory_space<hbm>> -> memref<1280x4xf32, #tpu.memory_space<hbm>>
      %dma_wait3A_42 = arith.constant 0 : i32
      %dma_wait3A_43 = tpu.memref_slice %arg9[%add3A_29, %dma_wait3A_42] : memref<102400x4xf32, #tpu.memory_space<vmem_shared>> -> memref<1280x4xf32, #tpu.memory_space<vmem_shared>>
      tpu.wait_dma2 semaphore(%run_scoped3A : memref<!tpu.dma_semaphore, #tpu.memory_space<semaphore_mem>>) src(%dma_wait3A_43 : memref<1280x4xf32, #tpu.memory_space<vmem_shared>>) dst(%dma_wait3A_41 : memref<1280x4xf32, #tpu.memory_space<hbm>>)
      tpu.yield
    }) : () -> ()
    return
  }
}

#map = affine_map<(d0, d1) -> (0, 0)>
#map1 = affine_map<(d0, d1) -> (0)>
#map2 = affine_map<(d0, d1) -> (0, 0, 0)>
module attributes {stable_mosaic.version = 14 : i64} {
  func.func @segsum_kernel(%arg0: i32, %arg1: i32, %arg2: memref<100000x8xf32, #tpu.memory_space<hbm>>, %arg3: memref<1605632xi32, #tpu.memory_space<hbm>>, %arg4: memref<1605632xi32, #tpu.memory_space<hbm>>, %arg5: memref<1280x8xf32, #tpu.memory_space<hbm>>, %arg6: memref<2x102400x8xf32, #tpu.memory_space<hbm>>, %arg7: memref<1792xi32, #tpu.memory_space<vmem>>, %arg8: memref<1792xi32, #tpu.memory_space<vmem>>, %arg9: memref<1792xi32, #tpu.memory_space<vmem>>, %arg10: memref<1792xi32, #tpu.memory_space<vmem>>, %arg11: memref<1792x8xf32, #tpu.memory_space<vmem>>, %arg12: memref<1792x8xf32, #tpu.memory_space<vmem>>, %arg13: memref<1280x8xf32, #tpu.memory_space<vmem>>, %arg14: memref<102400x8xf32, #tpu.memory_space<vmem_shared>>, %arg15: memref<!tpu.dma_semaphore, #tpu.memory_space<semaphore_mem>>, %arg16: memref<!tpu.dma_semaphore, #tpu.memory_space<semaphore_mem>>, %arg17: memref<!tpu.dma_semaphore, #tpu.memory_space<semaphore_mem>>, %arg18: memref<!tpu.dma_semaphore, #tpu.memory_space<semaphore_mem>>) attributes {dimension_semantics = [#tpu.dimension_semantics<core_parallel>, #tpu.dimension_semantics<subcore_parallel>], iteration_bounds = array<i64: 2, 16>, scalar_prefetch = 0 : i64, scratch_operands = 12 : i64, tpu.core_type = #tpu.core_type<sc_vector_subcore>, window_params = [{transform_indices = #map}, {transform_indices = #map1}, {transform_indices = #map1}, {transform_indices = #map}, {transform_indices = #map2}]} {
    %mul3A = arith.constant 16 : i32
    %mul3A_0 = arith.muli %arg0, %mul3A : i32
    %add3A = arith.addi %mul3A_0, %arg1 : i32
    "tpu.region"() ({
      %run_scoped3A = tpu.sem_alloc : memref<!tpu.dma_semaphore, #tpu.memory_space<semaphore_mem>>
      tpu.enqueue_dma source(%arg5 : memref<1280x8xf32, #tpu.memory_space<hbm>>) target(%arg13 : memref<1280x8xf32, #tpu.memory_space<vmem>>) target_semaphore(%run_scoped3A : memref<!tpu.dma_semaphore, #tpu.memory_space<semaphore_mem>>)
      tpu.wait_dma2 semaphore(%run_scoped3A : memref<!tpu.dma_semaphore, #tpu.memory_space<semaphore_mem>>) src(%arg5 : memref<1280x8xf32, #tpu.memory_space<hbm>>) dst(%arg13 : memref<1280x8xf32, #tpu.memory_space<vmem>>)
      tpu.yield
    }) : () -> ()
    %mul3A_1 = arith.constant 6400 : i32
    %mul3A_2 = arith.muli %arg1, %mul3A_1 : i32
    %add3A_3 = arith.constant 0 : i32
    %add3A_4 = arith.addi %mul3A_2, %add3A_3 : i32
    "tpu.region"() ({
      %run_scoped3A = tpu.sem_alloc : memref<!tpu.dma_semaphore, #tpu.memory_space<semaphore_mem>>
      %dma_start3A_53 = arith.constant 0 : i32
      %dma_start3A_54 = tpu.memref_slice %arg14[%add3A_4, %dma_start3A_53] : memref<102400x8xf32, #tpu.memory_space<vmem_shared>> -> memref<1280x8xf32, #tpu.memory_space<vmem_shared>>
      %dma_start3A_55 = arith.constant 0 : i32
      %dma_start3A_56 = tpu.memref_slice %arg14[%add3A_4, %dma_start3A_55] : memref<102400x8xf32, #tpu.memory_space<vmem_shared>> -> memref<1280x8xf32, #tpu.memory_space<vmem_shared>>
      tpu.enqueue_dma source(%arg13 : memref<1280x8xf32, #tpu.memory_space<vmem>>) target(%dma_start3A_56 : memref<1280x8xf32, #tpu.memory_space<vmem_shared>>) target_semaphore(%run_scoped3A : memref<!tpu.dma_semaphore, #tpu.memory_space<semaphore_mem>>)
      %dma_wait3A_57 = arith.constant 0 : i32
      %dma_wait3A_58 = tpu.memref_slice %arg14[%add3A_4, %dma_wait3A_57] : memref<102400x8xf32, #tpu.memory_space<vmem_shared>> -> memref<1280x8xf32, #tpu.memory_space<vmem_shared>>
      %dma_wait3A_59 = arith.constant 0 : i32
      %dma_wait3A_60 = tpu.memref_slice %arg14[%add3A_4, %dma_wait3A_59] : memref<102400x8xf32, #tpu.memory_space<vmem_shared>> -> memref<1280x8xf32, #tpu.memory_space<vmem_shared>>
      tpu.wait_dma2 semaphore(%run_scoped3A : memref<!tpu.dma_semaphore, #tpu.memory_space<semaphore_mem>>) src(%arg13 : memref<1280x8xf32, #tpu.memory_space<vmem>>) dst(%dma_wait3A_60 : memref<1280x8xf32, #tpu.memory_space<vmem_shared>>)
      tpu.yield
    }) : () -> ()
    %add3A_5 = arith.constant 1280 : i32
    %add3A_6 = arith.addi %mul3A_2, %add3A_5 : i32
    "tpu.region"() ({
      %run_scoped3A = tpu.sem_alloc : memref<!tpu.dma_semaphore, #tpu.memory_space<semaphore_mem>>
      %dma_start3A_53 = arith.constant 0 : i32
      %dma_start3A_54 = tpu.memref_slice %arg14[%add3A_6, %dma_start3A_53] : memref<102400x8xf32, #tpu.memory_space<vmem_shared>> -> memref<1280x8xf32, #tpu.memory_space<vmem_shared>>
      %dma_start3A_55 = arith.constant 0 : i32
      %dma_start3A_56 = tpu.memref_slice %arg14[%add3A_6, %dma_start3A_55] : memref<102400x8xf32, #tpu.memory_space<vmem_shared>> -> memref<1280x8xf32, #tpu.memory_space<vmem_shared>>
      tpu.enqueue_dma source(%arg13 : memref<1280x8xf32, #tpu.memory_space<vmem>>) target(%dma_start3A_56 : memref<1280x8xf32, #tpu.memory_space<vmem_shared>>) target_semaphore(%run_scoped3A : memref<!tpu.dma_semaphore, #tpu.memory_space<semaphore_mem>>)
      %dma_wait3A_57 = arith.constant 0 : i32
      %dma_wait3A_58 = tpu.memref_slice %arg14[%add3A_6, %dma_wait3A_57] : memref<102400x8xf32, #tpu.memory_space<vmem_shared>> -> memref<1280x8xf32, #tpu.memory_space<vmem_shared>>
      %dma_wait3A_59 = arith.constant 0 : i32
      %dma_wait3A_60 = tpu.memref_slice %arg14[%add3A_6, %dma_wait3A_59] : memref<102400x8xf32, #tpu.memory_space<vmem_shared>> -> memref<1280x8xf32, #tpu.memory_space<vmem_shared>>
      tpu.wait_dma2 semaphore(%run_scoped3A : memref<!tpu.dma_semaphore, #tpu.memory_space<semaphore_mem>>) src(%arg13 : memref<1280x8xf32, #tpu.memory_space<vmem>>) dst(%dma_wait3A_60 : memref<1280x8xf32, #tpu.memory_space<vmem_shared>>)
      tpu.yield
    }) : () -> ()
    %add3A_7 = arith.constant 2560 : i32
    %add3A_8 = arith.addi %mul3A_2, %add3A_7 : i32
    "tpu.region"() ({
      %run_scoped3A = tpu.sem_alloc : memref<!tpu.dma_semaphore, #tpu.memory_space<semaphore_mem>>
      %dma_start3A_53 = arith.constant 0 : i32
      %dma_start3A_54 = tpu.memref_slice %arg14[%add3A_8, %dma_start3A_53] : memref<102400x8xf32, #tpu.memory_space<vmem_shared>> -> memref<1280x8xf32, #tpu.memory_space<vmem_shared>>
      %dma_start3A_55 = arith.constant 0 : i32
      %dma_start3A_56 = tpu.memref_slice %arg14[%add3A_8, %dma_start3A_55] : memref<102400x8xf32, #tpu.memory_space<vmem_shared>> -> memref<1280x8xf32, #tpu.memory_space<vmem_shared>>
      tpu.enqueue_dma source(%arg13 : memref<1280x8xf32, #tpu.memory_space<vmem>>) target(%dma_start3A_56 : memref<1280x8xf32, #tpu.memory_space<vmem_shared>>) target_semaphore(%run_scoped3A : memref<!tpu.dma_semaphore, #tpu.memory_space<semaphore_mem>>)
      %dma_wait3A_57 = arith.constant 0 : i32
      %dma_wait3A_58 = tpu.memref_slice %arg14[%add3A_8, %dma_wait3A_57] : memref<102400x8xf32, #tpu.memory_space<vmem_shared>> -> memref<1280x8xf32, #tpu.memory_space<vmem_shared>>
      %dma_wait3A_59 = arith.constant 0 : i32
      %dma_wait3A_60 = tpu.memref_slice %arg14[%add3A_8, %dma_wait3A_59] : memref<102400x8xf32, #tpu.memory_space<vmem_shared>> -> memref<1280x8xf32, #tpu.memory_space<vmem_shared>>
      tpu.wait_dma2 semaphore(%run_scoped3A : memref<!tpu.dma_semaphore, #tpu.memory_space<semaphore_mem>>) src(%arg13 : memref<1280x8xf32, #tpu.memory_space<vmem>>) dst(%dma_wait3A_60 : memref<1280x8xf32, #tpu.memory_space<vmem_shared>>)
      tpu.yield
    }) : () -> ()
    %add3A_9 = arith.constant 3840 : i32
    %add3A_10 = arith.addi %mul3A_2, %add3A_9 : i32
    "tpu.region"() ({
      %run_scoped3A = tpu.sem_alloc : memref<!tpu.dma_semaphore, #tpu.memory_space<semaphore_mem>>
      %dma_start3A_53 = arith.constant 0 : i32
      %dma_start3A_54 = tpu.memref_slice %arg14[%add3A_10, %dma_start3A_53] : memref<102400x8xf32, #tpu.memory_space<vmem_shared>> -> memref<1280x8xf32, #tpu.memory_space<vmem_shared>>
      %dma_start3A_55 = arith.constant 0 : i32
      %dma_start3A_56 = tpu.memref_slice %arg14[%add3A_10, %dma_start3A_55] : memref<102400x8xf32, #tpu.memory_space<vmem_shared>> -> memref<1280x8xf32, #tpu.memory_space<vmem_shared>>
      tpu.enqueue_dma source(%arg13 : memref<1280x8xf32, #tpu.memory_space<vmem>>) target(%dma_start3A_56 : memref<1280x8xf32, #tpu.memory_space<vmem_shared>>) target_semaphore(%run_scoped3A : memref<!tpu.dma_semaphore, #tpu.memory_space<semaphore_mem>>)
      %dma_wait3A_57 = arith.constant 0 : i32
      %dma_wait3A_58 = tpu.memref_slice %arg14[%add3A_10, %dma_wait3A_57] : memref<102400x8xf32, #tpu.memory_space<vmem_shared>> -> memref<1280x8xf32, #tpu.memory_space<vmem_shared>>
      %dma_wait3A_59 = arith.constant 0 : i32
      %dma_wait3A_60 = tpu.memref_slice %arg14[%add3A_10, %dma_wait3A_59] : memref<102400x8xf32, #tpu.memory_space<vmem_shared>> -> memref<1280x8xf32, #tpu.memory_space<vmem_shared>>
      tpu.wait_dma2 semaphore(%run_scoped3A : memref<!tpu.dma_semaphore, #tpu.memory_space<semaphore_mem>>) src(%arg13 : memref<1280x8xf32, #tpu.memory_space<vmem>>) dst(%dma_wait3A_60 : memref<1280x8xf32, #tpu.memory_space<vmem_shared>>)
      tpu.yield
    }) : () -> ()
    %add3A_11 = arith.constant 5120 : i32
    %add3A_12 = arith.addi %mul3A_2, %add3A_11 : i32
    "tpu.region"() ({
      %run_scoped3A = tpu.sem_alloc : memref<!tpu.dma_semaphore, #tpu.memory_space<semaphore_mem>>
      %dma_start3A_53 = arith.constant 0 : i32
      %dma_start3A_54 = tpu.memref_slice %arg14[%add3A_12, %dma_start3A_53] : memref<102400x8xf32, #tpu.memory_space<vmem_shared>> -> memref<1280x8xf32, #tpu.memory_space<vmem_shared>>
      %dma_start3A_55 = arith.constant 0 : i32
      %dma_start3A_56 = tpu.memref_slice %arg14[%add3A_12, %dma_start3A_55] : memref<102400x8xf32, #tpu.memory_space<vmem_shared>> -> memref<1280x8xf32, #tpu.memory_space<vmem_shared>>
      tpu.enqueue_dma source(%arg13 : memref<1280x8xf32, #tpu.memory_space<vmem>>) target(%dma_start3A_56 : memref<1280x8xf32, #tpu.memory_space<vmem_shared>>) target_semaphore(%run_scoped3A : memref<!tpu.dma_semaphore, #tpu.memory_space<semaphore_mem>>)
      %dma_wait3A_57 = arith.constant 0 : i32
      %dma_wait3A_58 = tpu.memref_slice %arg14[%add3A_12, %dma_wait3A_57] : memref<102400x8xf32, #tpu.memory_space<vmem_shared>> -> memref<1280x8xf32, #tpu.memory_space<vmem_shared>>
      %dma_wait3A_59 = arith.constant 0 : i32
      %dma_wait3A_60 = tpu.memref_slice %arg14[%add3A_12, %dma_wait3A_59] : memref<102400x8xf32, #tpu.memory_space<vmem_shared>> -> memref<1280x8xf32, #tpu.memory_space<vmem_shared>>
      tpu.wait_dma2 semaphore(%run_scoped3A : memref<!tpu.dma_semaphore, #tpu.memory_space<semaphore_mem>>) src(%arg13 : memref<1280x8xf32, #tpu.memory_space<vmem>>) dst(%dma_wait3A_60 : memref<1280x8xf32, #tpu.memory_space<vmem_shared>>)
      tpu.yield
    }) : () -> ()
    %barrier3A = arith.constant 0 : index
    tpu.barrier barrier_id(%barrier3A)
    %mul3A_13 = arith.constant 50176 : i32
    %mul3A_14 = arith.muli %add3A, %mul3A_13 : i32
    %mul3A_15 = arith.constant 50176 : i32
    %mul3A_16 = arith.muli %add3A, %mul3A_15 : i32
    %add3A_17 = arith.constant 0 : i32
    %add3A_18 = arith.addi %mul3A_14, %add3A_17 : i32
    %dma_start3A = tpu.memref_slice %arg3[%add3A_18] : memref<1605632xi32, #tpu.memory_space<hbm>> -> memref<1792xi32, #tpu.memory_space<hbm>>
    %dma_start3A_19 = tpu.memref_slice %arg3[%add3A_18] : memref<1605632xi32, #tpu.memory_space<hbm>> -> memref<1792xi32, #tpu.memory_space<hbm>>
    tpu.enqueue_dma source(%dma_start3A_19 : memref<1792xi32, #tpu.memory_space<hbm>>) target(%arg7 : memref<1792xi32, #tpu.memory_space<vmem>>) target_semaphore(%arg18 : memref<!tpu.dma_semaphore, #tpu.memory_space<semaphore_mem>>)
    %add3A_20 = arith.constant 0 : i32
    %add3A_21 = arith.addi %mul3A_16, %add3A_20 : i32
    %dma_start3A_22 = tpu.memref_slice %arg4[%add3A_21] : memref<1605632xi32, #tpu.memory_space<hbm>> -> memref<1792xi32, #tpu.memory_space<hbm>>
    %dma_start3A_23 = tpu.memref_slice %arg4[%add3A_21] : memref<1605632xi32, #tpu.memory_space<hbm>> -> memref<1792xi32, #tpu.memory_space<hbm>>
    tpu.enqueue_dma source(%dma_start3A_23 : memref<1792xi32, #tpu.memory_space<hbm>>) target(%arg9 : memref<1792xi32, #tpu.memory_space<vmem>>) target_semaphore(%arg18 : memref<!tpu.dma_semaphore, #tpu.memory_space<semaphore_mem>>)
    %dma_wait3A = tpu.memref_slice %arg3[%mul3A_14] : memref<1605632xi32, #tpu.memory_space<hbm>> -> memref<1792xi32, #tpu.memory_space<hbm>>
    %dma_wait3A_24 = tpu.memref_slice %arg3[%mul3A_14] : memref<1605632xi32, #tpu.memory_space<hbm>> -> memref<1792xi32, #tpu.memory_space<hbm>>
    tpu.wait_dma2 semaphore(%arg18 : memref<!tpu.dma_semaphore, #tpu.memory_space<semaphore_mem>>) src(%dma_wait3A_24 : memref<1792xi32, #tpu.memory_space<hbm>>) dst(%arg7 : memref<1792xi32, #tpu.memory_space<vmem>>)
    %dma_wait3A_25 = tpu.memref_slice %arg4[%mul3A_16] : memref<1605632xi32, #tpu.memory_space<hbm>> -> memref<1792xi32, #tpu.memory_space<hbm>>
    %dma_wait3A_26 = tpu.memref_slice %arg4[%mul3A_16] : memref<1605632xi32, #tpu.memory_space<hbm>> -> memref<1792xi32, #tpu.memory_space<hbm>>
    tpu.wait_dma2 semaphore(%arg18 : memref<!tpu.dma_semaphore, #tpu.memory_space<semaphore_mem>>) src(%dma_wait3A_26 : memref<1792xi32, #tpu.memory_space<hbm>>) dst(%arg9 : memref<1792xi32, #tpu.memory_space<vmem>>)
    %dma_start3A_27 = arith.constant 0 : i32
    %dma_start3A_28 = arith.constant 0 : i32
    %dma_start3A_29 = tpu.memref_slice %arg2[%dma_start3A_27, %dma_start3A_28] : memref<100000x8xf32, #tpu.memory_space<hbm>> -> memref<100000x8xf32, #tpu.memory_space<hbm>>
    tpu.enqueue_indirect_dma source(%dma_start3A_29 : memref<100000x8xf32, #tpu.memory_space<hbm>>) target(%arg11 : memref<1792x8xf32, #tpu.memory_space<vmem>>) offsets(%arg7 : memref<1792xi32, #tpu.memory_space<vmem>>) semaphore(%arg15 : memref<!tpu.dma_semaphore, #tpu.memory_space<semaphore_mem>>)
    %add3A_30 = arith.constant 1792 : i32
    %add3A_31 = arith.addi %mul3A_14, %add3A_30 : i32
    %dma_start3A_32 = tpu.memref_slice %arg3[%add3A_31] : memref<1605632xi32, #tpu.memory_space<hbm>> -> memref<1792xi32, #tpu.memory_space<hbm>>
    %dma_start3A_33 = tpu.memref_slice %arg3[%add3A_31] : memref<1605632xi32, #tpu.memory_space<hbm>> -> memref<1792xi32, #tpu.memory_space<hbm>>
    tpu.enqueue_dma source(%dma_start3A_33 : memref<1792xi32, #tpu.memory_space<hbm>>) target(%arg8 : memref<1792xi32, #tpu.memory_space<vmem>>) target_semaphore(%arg18 : memref<!tpu.dma_semaphore, #tpu.memory_space<semaphore_mem>>)
    %add3A_34 = arith.constant 1792 : i32
    %add3A_35 = arith.addi %mul3A_16, %add3A_34 : i32
    %dma_start3A_36 = tpu.memref_slice %arg4[%add3A_35] : memref<1605632xi32, #tpu.memory_space<hbm>> -> memref<1792xi32, #tpu.memory_space<hbm>>
    %dma_start3A_37 = tpu.memref_slice %arg4[%add3A_35] : memref<1605632xi32, #tpu.memory_space<hbm>> -> memref<1792xi32, #tpu.memory_space<hbm>>
    tpu.enqueue_dma source(%dma_start3A_37 : memref<1792xi32, #tpu.memory_space<hbm>>) target(%arg10 : memref<1792xi32, #tpu.memory_space<vmem>>) target_semaphore(%arg18 : memref<!tpu.dma_semaphore, #tpu.memory_space<semaphore_mem>>)
    %scan3A = arith.constant 0 : i32
    %scan3A_38 = arith.constant 14 : i32
    %scan3A_39 = arith.addi %scan3A, %scan3A_38 : i32
    %scan3A_40 = arith.constant 1 : i32
    scf.for %scan3A_53 = %scan3A to %scan3A_39 step %scan3A_40  : i32 {
      %mul3A_54 = arith.constant 2 : i32
      %mul3A_55 = arith.muli %scan3A_53, %mul3A_54 : i32
      %add3A_56 = arith.constant 0 : i32
      %add3A_57 = arith.addi %add3A_56, %mul3A_55 : i32
      %dma_wait3A_58 = tpu.memref_slice %arg3[%mul3A_14] : memref<1605632xi32, #tpu.memory_space<hbm>> -> memref<1792xi32, #tpu.memory_space<hbm>>
      %dma_wait3A_59 = tpu.memref_slice %arg3[%mul3A_14] : memref<1605632xi32, #tpu.memory_space<hbm>> -> memref<1792xi32, #tpu.memory_space<hbm>>
      tpu.wait_dma2 semaphore(%arg18 : memref<!tpu.dma_semaphore, #tpu.memory_space<semaphore_mem>>) src(%dma_wait3A_59 : memref<1792xi32, #tpu.memory_space<hbm>>) dst(%arg8 : memref<1792xi32, #tpu.memory_space<vmem>>)
      %dma_wait3A_60 = tpu.memref_slice %arg4[%mul3A_16] : memref<1605632xi32, #tpu.memory_space<hbm>> -> memref<1792xi32, #tpu.memory_space<hbm>>
      %dma_wait3A_61 = tpu.memref_slice %arg4[%mul3A_16] : memref<1605632xi32, #tpu.memory_space<hbm>> -> memref<1792xi32, #tpu.memory_space<hbm>>
      tpu.wait_dma2 semaphore(%arg18 : memref<!tpu.dma_semaphore, #tpu.memory_space<semaphore_mem>>) src(%dma_wait3A_61 : memref<1792xi32, #tpu.memory_space<hbm>>) dst(%arg10 : memref<1792xi32, #tpu.memory_space<vmem>>)
      %dma_start3A_62 = arith.constant 0 : i32
      %dma_start3A_63 = arith.constant 0 : i32
      %dma_start3A_64 = tpu.memref_slice %arg2[%dma_start3A_62, %dma_start3A_63] : memref<100000x8xf32, #tpu.memory_space<hbm>> -> memref<100000x8xf32, #tpu.memory_space<hbm>>
      tpu.enqueue_indirect_dma source(%dma_start3A_64 : memref<100000x8xf32, #tpu.memory_space<hbm>>) target(%arg12 : memref<1792x8xf32, #tpu.memory_space<vmem>>) offsets(%arg8 : memref<1792xi32, #tpu.memory_space<vmem>>) semaphore(%arg16 : memref<!tpu.dma_semaphore, #tpu.memory_space<semaphore_mem>>)
      %dma_wait3A_65 = arith.constant 0 : i32
      %dma_wait3A_66 = arith.constant 0 : i32
      %dma_wait3A_67 = tpu.memref_slice %arg2[%dma_wait3A_65, %dma_wait3A_66] : memref<100000x8xf32, #tpu.memory_space<hbm>> -> memref<100000x8xf32, #tpu.memory_space<hbm>>
      tpu.wait_indirect_dma semaphore(%arg15 : memref<!tpu.dma_semaphore, #tpu.memory_space<semaphore_mem>>) src(%dma_wait3A_67 : memref<100000x8xf32, #tpu.memory_space<hbm>>) dst(%arg11 : memref<1792x8xf32, #tpu.memory_space<vmem>>)
      %add3A_68 = arith.constant 2 : i32
      %add3A_69 = arith.addi %add3A_57, %add3A_68 : i32
      %lt3A = arith.constant 28 : i32
      %lt3A_70 = arith.cmpi slt, %add3A_69, %lt3A : i32
      %convert_element_type3A = arith.extui %lt3A_70 : i1 to i32
      %cond3A = arith.constant 0 : i32
      %cond3A_71 = arith.cmpi ne, %convert_element_type3A, %cond3A : i32
      scf.if %cond3A_71 {
        %add3A_101 = arith.constant 2 : i32
        %add3A_102 = arith.addi %add3A_57, %add3A_101 : i32
        %mul3A_103 = arith.constant 1792 : i32
        %mul3A_104 = arith.muli %add3A_102, %mul3A_103 : i32
        %add3A_105 = arith.addi %mul3A_14, %mul3A_104 : i32
        %dma_start3A_106 = tpu.memref_slice %arg3[%add3A_105] : memref<1605632xi32, #tpu.memory_space<hbm>> -> memref<1792xi32, #tpu.memory_space<hbm>>
        %dma_start3A_107 = tpu.memref_slice %arg3[%add3A_105] : memref<1605632xi32, #tpu.memory_space<hbm>> -> memref<1792xi32, #tpu.memory_space<hbm>>
        tpu.enqueue_dma source(%dma_start3A_107 : memref<1792xi32, #tpu.memory_space<hbm>>) target(%arg7 : memref<1792xi32, #tpu.memory_space<vmem>>) target_semaphore(%arg18 : memref<!tpu.dma_semaphore, #tpu.memory_space<semaphore_mem>>)
        %mul3A_108 = arith.constant 1792 : i32
        %mul3A_109 = arith.muli %add3A_102, %mul3A_108 : i32
        %add3A_110 = arith.addi %mul3A_16, %mul3A_109 : i32
        %dma_start3A_111 = tpu.memref_slice %arg4[%add3A_110] : memref<1605632xi32, #tpu.memory_space<hbm>> -> memref<1792xi32, #tpu.memory_space<hbm>>
        %dma_start3A_112 = tpu.memref_slice %arg4[%add3A_110] : memref<1605632xi32, #tpu.memory_space<hbm>> -> memref<1792xi32, #tpu.memory_space<hbm>>
        tpu.enqueue_dma source(%dma_start3A_112 : memref<1792xi32, #tpu.memory_space<hbm>>) target(%arg9 : memref<1792xi32, #tpu.memory_space<vmem>>) target_semaphore(%arg18 : memref<!tpu.dma_semaphore, #tpu.memory_space<semaphore_mem>>)
      } else {
      }
      %dma_start3A_72 = arith.constant 0 : i32
      %dma_start3A_73 = arith.constant 0 : i32
      %dma_start3A_74 = tpu.memref_slice %arg14[%dma_start3A_72, %dma_start3A_73] : memref<102400x8xf32, #tpu.memory_space<vmem_shared>> -> memref<102400x8xf32, #tpu.memory_space<vmem_shared>>
      tpu.enqueue_indirect_dma source(%arg11 : memref<1792x8xf32, #tpu.memory_space<vmem>>) target(%dma_start3A_74 : memref<102400x8xf32, #tpu.memory_space<vmem_shared>>) offsets(%arg9 : memref<1792xi32, #tpu.memory_space<vmem>>) semaphore(%arg17 : memref<!tpu.dma_semaphore, #tpu.memory_space<semaphore_mem>>) {add = true}
      %dma_wait3A_75 = arith.constant 0 : i32
      %dma_wait3A_76 = arith.constant 0 : i32
      %dma_wait3A_77 = tpu.memref_slice %arg14[%dma_wait3A_75, %dma_wait3A_76] : memref<102400x8xf32, #tpu.memory_space<vmem_shared>> -> memref<102400x8xf32, #tpu.memory_space<vmem_shared>>
      tpu.wait_indirect_dma semaphore(%arg17 : memref<!tpu.dma_semaphore, #tpu.memory_space<semaphore_mem>>) src(%arg11 : memref<1792x8xf32, #tpu.memory_space<vmem>>) dst(%dma_wait3A_77 : memref<102400x8xf32, #tpu.memory_space<vmem_shared>>)
      %add3A_78 = arith.constant 2 : i32
      %add3A_79 = arith.addi %add3A_57, %add3A_78 : i32
      %lt3A_80 = arith.constant 28 : i32
      %lt3A_81 = arith.cmpi slt, %add3A_79, %lt3A_80 : i32
      %convert_element_type3A_82 = arith.extui %lt3A_81 : i1 to i32
      %cond3A_83 = arith.constant 0 : i32
      %cond3A_84 = arith.cmpi ne, %convert_element_type3A_82, %cond3A_83 : i32
      scf.if %cond3A_84 {
        %dma_wait3A_101 = tpu.memref_slice %arg3[%mul3A_14] : memref<1605632xi32, #tpu.memory_space<hbm>> -> memref<1792xi32, #tpu.memory_space<hbm>>
        %dma_wait3A_102 = tpu.memref_slice %arg3[%mul3A_14] : memref<1605632xi32, #tpu.memory_space<hbm>> -> memref<1792xi32, #tpu.memory_space<hbm>>
        tpu.wait_dma2 semaphore(%arg18 : memref<!tpu.dma_semaphore, #tpu.memory_space<semaphore_mem>>) src(%dma_wait3A_102 : memref<1792xi32, #tpu.memory_space<hbm>>) dst(%arg7 : memref<1792xi32, #tpu.memory_space<vmem>>)
        %dma_wait3A_103 = tpu.memref_slice %arg4[%mul3A_16] : memref<1605632xi32, #tpu.memory_space<hbm>> -> memref<1792xi32, #tpu.memory_space<hbm>>
        %dma_wait3A_104 = tpu.memref_slice %arg4[%mul3A_16] : memref<1605632xi32, #tpu.memory_space<hbm>> -> memref<1792xi32, #tpu.memory_space<hbm>>
        tpu.wait_dma2 semaphore(%arg18 : memref<!tpu.dma_semaphore, #tpu.memory_space<semaphore_mem>>) src(%dma_wait3A_104 : memref<1792xi32, #tpu.memory_space<hbm>>) dst(%arg9 : memref<1792xi32, #tpu.memory_space<vmem>>)
        %dma_start3A_105 = arith.constant 0 : i32
        %dma_start3A_106 = arith.constant 0 : i32
        %dma_start3A_107 = tpu.memref_slice %arg2[%dma_start3A_105, %dma_start3A_106] : memref<100000x8xf32, #tpu.memory_space<hbm>> -> memref<100000x8xf32, #tpu.memory_space<hbm>>
        tpu.enqueue_indirect_dma source(%dma_start3A_107 : memref<100000x8xf32, #tpu.memory_space<hbm>>) target(%arg11 : memref<1792x8xf32, #tpu.memory_space<vmem>>) offsets(%arg7 : memref<1792xi32, #tpu.memory_space<vmem>>) semaphore(%arg15 : memref<!tpu.dma_semaphore, #tpu.memory_space<semaphore_mem>>)
      } else {
      }
      %dma_wait3A_85 = arith.constant 0 : i32
      %dma_wait3A_86 = arith.constant 0 : i32
      %dma_wait3A_87 = tpu.memref_slice %arg2[%dma_wait3A_85, %dma_wait3A_86] : memref<100000x8xf32, #tpu.memory_space<hbm>> -> memref<100000x8xf32, #tpu.memory_space<hbm>>
      tpu.wait_indirect_dma semaphore(%arg16 : memref<!tpu.dma_semaphore, #tpu.memory_space<semaphore_mem>>) src(%dma_wait3A_87 : memref<100000x8xf32, #tpu.memory_space<hbm>>) dst(%arg12 : memref<1792x8xf32, #tpu.memory_space<vmem>>)
      %add3A_88 = arith.constant 3 : i32
      %add3A_89 = arith.addi %add3A_57, %add3A_88 : i32
      %lt3A_90 = arith.constant 28 : i32
      %lt3A_91 = arith.cmpi slt, %add3A_89, %lt3A_90 : i32
      %convert_element_type3A_92 = arith.extui %lt3A_91 : i1 to i32
      %cond3A_93 = arith.constant 0 : i32
      %cond3A_94 = arith.cmpi ne, %convert_element_type3A_92, %cond3A_93 : i32
      scf.if %cond3A_94 {
        %add3A_101 = arith.constant 3 : i32
        %add3A_102 = arith.addi %add3A_57, %add3A_101 : i32
        %mul3A_103 = arith.constant 1792 : i32
        %mul3A_104 = arith.muli %add3A_102, %mul3A_103 : i32
        %add3A_105 = arith.addi %mul3A_14, %mul3A_104 : i32
        %dma_start3A_106 = tpu.memref_slice %arg3[%add3A_105] : memref<1605632xi32, #tpu.memory_space<hbm>> -> memref<1792xi32, #tpu.memory_space<hbm>>
        %dma_start3A_107 = tpu.memref_slice %arg3[%add3A_105] : memref<1605632xi32, #tpu.memory_space<hbm>> -> memref<1792xi32, #tpu.memory_space<hbm>>
        tpu.enqueue_dma source(%dma_start3A_107 : memref<1792xi32, #tpu.memory_space<hbm>>) target(%arg8 : memref<1792xi32, #tpu.memory_space<vmem>>) target_semaphore(%arg18 : memref<!tpu.dma_semaphore, #tpu.memory_space<semaphore_mem>>)
        %mul3A_108 = arith.constant 1792 : i32
        %mul3A_109 = arith.muli %add3A_102, %mul3A_108 : i32
        %add3A_110 = arith.addi %mul3A_16, %mul3A_109 : i32
        %dma_start3A_111 = tpu.memref_slice %arg4[%add3A_110] : memref<1605632xi32, #tpu.memory_space<hbm>> -> memref<1792xi32, #tpu.memory_space<hbm>>
        %dma_start3A_112 = tpu.memref_slice %arg4[%add3A_110] : memref<1605632xi32, #tpu.memory_space<hbm>> -> memref<1792xi32, #tpu.memory_space<hbm>>
        tpu.enqueue_dma source(%dma_start3A_112 : memref<1792xi32, #tpu.memory_space<hbm>>) target(%arg10 : memref<1792xi32, #tpu.memory_space<vmem>>) target_semaphore(%arg18 : memref<!tpu.dma_semaphore, #tpu.memory_space<semaphore_mem>>)
      } else {
      }
      %dma_start3A_95 = arith.constant 0 : i32
      %dma_start3A_96 = arith.constant 0 : i32
      %dma_start3A_97 = tpu.memref_slice %arg14[%dma_start3A_95, %dma_start3A_96] : memref<102400x8xf32, #tpu.memory_space<vmem_shared>> -> memref<102400x8xf32, #tpu.memory_space<vmem_shared>>
      tpu.enqueue_indirect_dma source(%arg12 : memref<1792x8xf32, #tpu.memory_space<vmem>>) target(%dma_start3A_97 : memref<102400x8xf32, #tpu.memory_space<vmem_shared>>) offsets(%arg10 : memref<1792xi32, #tpu.memory_space<vmem>>) semaphore(%arg17 : memref<!tpu.dma_semaphore, #tpu.memory_space<semaphore_mem>>) {add = true}
      %dma_wait3A_98 = arith.constant 0 : i32
      %dma_wait3A_99 = arith.constant 0 : i32
      %dma_wait3A_100 = tpu.memref_slice %arg14[%dma_wait3A_98, %dma_wait3A_99] : memref<102400x8xf32, #tpu.memory_space<vmem_shared>> -> memref<102400x8xf32, #tpu.memory_space<vmem_shared>>
      tpu.wait_indirect_dma semaphore(%arg17 : memref<!tpu.dma_semaphore, #tpu.memory_space<semaphore_mem>>) src(%arg12 : memref<1792x8xf32, #tpu.memory_space<vmem>>) dst(%dma_wait3A_100 : memref<102400x8xf32, #tpu.memory_space<vmem_shared>>)
    }
    %scan3A_41 = arith.constant 14 : i32
    %barrier3A_42 = arith.constant 0 : index
    tpu.barrier barrier_id(%barrier3A_42)
    %add3A_43 = arith.constant 0 : i32
    %add3A_44 = arith.addi %mul3A_2, %add3A_43 : i32
    "tpu.region"() ({
      %run_scoped3A = tpu.sem_alloc : memref<!tpu.dma_semaphore, #tpu.memory_space<semaphore_mem>>
      %dma_start3A_53 = arith.constant 0 : i32
      %dma_start3A_54 = arith.constant 0 : i32
      %dma_start3A_55 = tpu.memref_slice %arg6[%arg0, %dma_start3A_53, %dma_start3A_54] : memref<2x102400x8xf32, #tpu.memory_space<hbm>> -> memref<1x102400x8xf32, #tpu.memory_space<hbm>>
      %dma_start3A_56 = tpu.memref_squeeze %dma_start3A_55 : memref<1x102400x8xf32, #tpu.memory_space<hbm>> -> memref<102400x8xf32, #tpu.memory_space<hbm>>
      %dma_start3A_57 = arith.constant 0 : i32
      %dma_start3A_58 = tpu.memref_slice %dma_start3A_56[%add3A_44, %dma_start3A_57] : memref<102400x8xf32, #tpu.memory_space<hbm>> -> memref<1280x8xf32, #tpu.memory_space<hbm>>
      %dma_start3A_59 = arith.constant 0 : i32
      %dma_start3A_60 = tpu.memref_slice %arg14[%add3A_44, %dma_start3A_59] : memref<102400x8xf32, #tpu.memory_space<vmem_shared>> -> memref<1280x8xf32, #tpu.memory_space<vmem_shared>>
      tpu.enqueue_dma source(%dma_start3A_60 : memref<1280x8xf32, #tpu.memory_space<vmem_shared>>) target(%dma_start3A_58 : memref<1280x8xf32, #tpu.memory_space<hbm>>) target_semaphore(%run_scoped3A : memref<!tpu.dma_semaphore, #tpu.memory_space<semaphore_mem>>)
      %dma_wait3A_61 = arith.constant 0 : i32
      %dma_wait3A_62 = arith.constant 0 : i32
      %dma_wait3A_63 = tpu.memref_slice %arg6[%arg0, %dma_wait3A_61, %dma_wait3A_62] : memref<2x102400x8xf32, #tpu.memory_space<hbm>> -> memref<1x102400x8xf32, #tpu.memory_space<hbm>>
      %dma_wait3A_64 = tpu.memref_squeeze %dma_wait3A_63 : memref<1x102400x8xf32, #tpu.memory_space<hbm>> -> memref<102400x8xf32, #tpu.memory_space<hbm>>
      %dma_wait3A_65 = arith.constant 0 : i32
      %dma_wait3A_66 = tpu.memref_slice %dma_wait3A_64[%add3A_44, %dma_wait3A_65] : memref<102400x8xf32, #tpu.memory_space<hbm>> -> memref<1280x8xf32, #tpu.memory_space<hbm>>
      %dma_wait3A_67 = arith.constant 0 : i32
      %dma_wait3A_68 = tpu.memref_slice %arg14[%add3A_44, %dma_wait3A_67] : memref<102400x8xf32, #tpu.memory_space<vmem_shared>> -> memref<1280x8xf32, #tpu.memory_space<vmem_shared>>
      tpu.wait_dma2 semaphore(%run_scoped3A : memref<!tpu.dma_semaphore, #tpu.memory_space<semaphore_mem>>) src(%dma_wait3A_68 : memref<1280x8xf32, #tpu.memory_space<vmem_shared>>) dst(%dma_wait3A_66 : memref<1280x8xf32, #tpu.memory_space<hbm>>)
      tpu.yield
    }) : () -> ()
    %add3A_45 = arith.constant 1280 : i32
    %add3A_46 = arith.addi %mul3A_2, %add3A_45 : i32
    "tpu.region"() ({
      %run_scoped3A = tpu.sem_alloc : memref<!tpu.dma_semaphore, #tpu.memory_space<semaphore_mem>>
      %dma_start3A_53 = arith.constant 0 : i32
      %dma_start3A_54 = arith.constant 0 : i32
      %dma_start3A_55 = tpu.memref_slice %arg6[%arg0, %dma_start3A_53, %dma_start3A_54] : memref<2x102400x8xf32, #tpu.memory_space<hbm>> -> memref<1x102400x8xf32, #tpu.memory_space<hbm>>
      %dma_start3A_56 = tpu.memref_squeeze %dma_start3A_55 : memref<1x102400x8xf32, #tpu.memory_space<hbm>> -> memref<102400x8xf32, #tpu.memory_space<hbm>>
      %dma_start3A_57 = arith.constant 0 : i32
      %dma_start3A_58 = tpu.memref_slice %dma_start3A_56[%add3A_46, %dma_start3A_57] : memref<102400x8xf32, #tpu.memory_space<hbm>> -> memref<1280x8xf32, #tpu.memory_space<hbm>>
      %dma_start3A_59 = arith.constant 0 : i32
      %dma_start3A_60 = tpu.memref_slice %arg14[%add3A_46, %dma_start3A_59] : memref<102400x8xf32, #tpu.memory_space<vmem_shared>> -> memref<1280x8xf32, #tpu.memory_space<vmem_shared>>
      tpu.enqueue_dma source(%dma_start3A_60 : memref<1280x8xf32, #tpu.memory_space<vmem_shared>>) target(%dma_start3A_58 : memref<1280x8xf32, #tpu.memory_space<hbm>>) target_semaphore(%run_scoped3A : memref<!tpu.dma_semaphore, #tpu.memory_space<semaphore_mem>>)
      %dma_wait3A_61 = arith.constant 0 : i32
      %dma_wait3A_62 = arith.constant 0 : i32
      %dma_wait3A_63 = tpu.memref_slice %arg6[%arg0, %dma_wait3A_61, %dma_wait3A_62] : memref<2x102400x8xf32, #tpu.memory_space<hbm>> -> memref<1x102400x8xf32, #tpu.memory_space<hbm>>
      %dma_wait3A_64 = tpu.memref_squeeze %dma_wait3A_63 : memref<1x102400x8xf32, #tpu.memory_space<hbm>> -> memref<102400x8xf32, #tpu.memory_space<hbm>>
      %dma_wait3A_65 = arith.constant 0 : i32
      %dma_wait3A_66 = tpu.memref_slice %dma_wait3A_64[%add3A_46, %dma_wait3A_65] : memref<102400x8xf32, #tpu.memory_space<hbm>> -> memref<1280x8xf32, #tpu.memory_space<hbm>>
      %dma_wait3A_67 = arith.constant 0 : i32
      %dma_wait3A_68 = tpu.memref_slice %arg14[%add3A_46, %dma_wait3A_67] : memref<102400x8xf32, #tpu.memory_space<vmem_shared>> -> memref<1280x8xf32, #tpu.memory_space<vmem_shared>>
      tpu.wait_dma2 semaphore(%run_scoped3A : memref<!tpu.dma_semaphore, #tpu.memory_space<semaphore_mem>>) src(%dma_wait3A_68 : memref<1280x8xf32, #tpu.memory_space<vmem_shared>>) dst(%dma_wait3A_66 : memref<1280x8xf32, #tpu.memory_space<hbm>>)
      tpu.yield
    }) : () -> ()
    %add3A_47 = arith.constant 2560 : i32
    %add3A_48 = arith.addi %mul3A_2, %add3A_47 : i32
    "tpu.region"() ({
      %run_scoped3A = tpu.sem_alloc : memref<!tpu.dma_semaphore, #tpu.memory_space<semaphore_mem>>
      %dma_start3A_53 = arith.constant 0 : i32
      %dma_start3A_54 = arith.constant 0 : i32
      %dma_start3A_55 = tpu.memref_slice %arg6[%arg0, %dma_start3A_53, %dma_start3A_54] : memref<2x102400x8xf32, #tpu.memory_space<hbm>> -> memref<1x102400x8xf32, #tpu.memory_space<hbm>>
      %dma_start3A_56 = tpu.memref_squeeze %dma_start3A_55 : memref<1x102400x8xf32, #tpu.memory_space<hbm>> -> memref<102400x8xf32, #tpu.memory_space<hbm>>
      %dma_start3A_57 = arith.constant 0 : i32
      %dma_start3A_58 = tpu.memref_slice %dma_start3A_56[%add3A_48, %dma_start3A_57] : memref<102400x8xf32, #tpu.memory_space<hbm>> -> memref<1280x8xf32, #tpu.memory_space<hbm>>
      %dma_start3A_59 = arith.constant 0 : i32
      %dma_start3A_60 = tpu.memref_slice %arg14[%add3A_48, %dma_start3A_59] : memref<102400x8xf32, #tpu.memory_space<vmem_shared>> -> memref<1280x8xf32, #tpu.memory_space<vmem_shared>>
      tpu.enqueue_dma source(%dma_start3A_60 : memref<1280x8xf32, #tpu.memory_space<vmem_shared>>) target(%dma_start3A_58 : memref<1280x8xf32, #tpu.memory_space<hbm>>) target_semaphore(%run_scoped3A : memref<!tpu.dma_semaphore, #tpu.memory_space<semaphore_mem>>)
      %dma_wait3A_61 = arith.constant 0 : i32
      %dma_wait3A_62 = arith.constant 0 : i32
      %dma_wait3A_63 = tpu.memref_slice %arg6[%arg0, %dma_wait3A_61, %dma_wait3A_62] : memref<2x102400x8xf32, #tpu.memory_space<hbm>> -> memref<1x102400x8xf32, #tpu.memory_space<hbm>>
      %dma_wait3A_64 = tpu.memref_squeeze %dma_wait3A_63 : memref<1x102400x8xf32, #tpu.memory_space<hbm>> -> memref<102400x8xf32, #tpu.memory_space<hbm>>
      %dma_wait3A_65 = arith.constant 0 : i32
      %dma_wait3A_66 = tpu.memref_slice %dma_wait3A_64[%add3A_48, %dma_wait3A_65] : memref<102400x8xf32, #tpu.memory_space<hbm>> -> memref<1280x8xf32, #tpu.memory_space<hbm>>
      %dma_wait3A_67 = arith.constant 0 : i32
      %dma_wait3A_68 = tpu.memref_slice %arg14[%add3A_48, %dma_wait3A_67] : memref<102400x8xf32, #tpu.memory_space<vmem_shared>> -> memref<1280x8xf32, #tpu.memory_space<vmem_shared>>
      tpu.wait_dma2 semaphore(%run_scoped3A : memref<!tpu.dma_semaphore, #tpu.memory_space<semaphore_mem>>) src(%dma_wait3A_68 : memref<1280x8xf32, #tpu.memory_space<vmem_shared>>) dst(%dma_wait3A_66 : memref<1280x8xf32, #tpu.memory_space<hbm>>)
      tpu.yield
    }) : () -> ()
    %add3A_49 = arith.constant 3840 : i32
    %add3A_50 = arith.addi %mul3A_2, %add3A_49 : i32
    "tpu.region"() ({
      %run_scoped3A = tpu.sem_alloc : memref<!tpu.dma_semaphore, #tpu.memory_space<semaphore_mem>>
      %dma_start3A_53 = arith.constant 0 : i32
      %dma_start3A_54 = arith.constant 0 : i32
      %dma_start3A_55 = tpu.memref_slice %arg6[%arg0, %dma_start3A_53, %dma_start3A_54] : memref<2x102400x8xf32, #tpu.memory_space<hbm>> -> memref<1x102400x8xf32, #tpu.memory_space<hbm>>
      %dma_start3A_56 = tpu.memref_squeeze %dma_start3A_55 : memref<1x102400x8xf32, #tpu.memory_space<hbm>> -> memref<102400x8xf32, #tpu.memory_space<hbm>>
      %dma_start3A_57 = arith.constant 0 : i32
      %dma_start3A_58 = tpu.memref_slice %dma_start3A_56[%add3A_50, %dma_start3A_57] : memref<102400x8xf32, #tpu.memory_space<hbm>> -> memref<1280x8xf32, #tpu.memory_space<hbm>>
      %dma_start3A_59 = arith.constant 0 : i32
      %dma_start3A_60 = tpu.memref_slice %arg14[%add3A_50, %dma_start3A_59] : memref<102400x8xf32, #tpu.memory_space<vmem_shared>> -> memref<1280x8xf32, #tpu.memory_space<vmem_shared>>
      tpu.enqueue_dma source(%dma_start3A_60 : memref<1280x8xf32, #tpu.memory_space<vmem_shared>>) target(%dma_start3A_58 : memref<1280x8xf32, #tpu.memory_space<hbm>>) target_semaphore(%run_scoped3A : memref<!tpu.dma_semaphore, #tpu.memory_space<semaphore_mem>>)
      %dma_wait3A_61 = arith.constant 0 : i32
      %dma_wait3A_62 = arith.constant 0 : i32
      %dma_wait3A_63 = tpu.memref_slice %arg6[%arg0, %dma_wait3A_61, %dma_wait3A_62] : memref<2x102400x8xf32, #tpu.memory_space<hbm>> -> memref<1x102400x8xf32, #tpu.memory_space<hbm>>
      %dma_wait3A_64 = tpu.memref_squeeze %dma_wait3A_63 : memref<1x102400x8xf32, #tpu.memory_space<hbm>> -> memref<102400x8xf32, #tpu.memory_space<hbm>>
      %dma_wait3A_65 = arith.constant 0 : i32
      %dma_wait3A_66 = tpu.memref_slice %dma_wait3A_64[%add3A_50, %dma_wait3A_65] : memref<102400x8xf32, #tpu.memory_space<hbm>> -> memref<1280x8xf32, #tpu.memory_space<hbm>>
      %dma_wait3A_67 = arith.constant 0 : i32
      %dma_wait3A_68 = tpu.memref_slice %arg14[%add3A_50, %dma_wait3A_67] : memref<102400x8xf32, #tpu.memory_space<vmem_shared>> -> memref<1280x8xf32, #tpu.memory_space<vmem_shared>>
      tpu.wait_dma2 semaphore(%run_scoped3A : memref<!tpu.dma_semaphore, #tpu.memory_space<semaphore_mem>>) src(%dma_wait3A_68 : memref<1280x8xf32, #tpu.memory_space<vmem_shared>>) dst(%dma_wait3A_66 : memref<1280x8xf32, #tpu.memory_space<hbm>>)
      tpu.yield
    }) : () -> ()
    %add3A_51 = arith.constant 5120 : i32
    %add3A_52 = arith.addi %mul3A_2, %add3A_51 : i32
    "tpu.region"() ({
      %run_scoped3A = tpu.sem_alloc : memref<!tpu.dma_semaphore, #tpu.memory_space<semaphore_mem>>
      %dma_start3A_53 = arith.constant 0 : i32
      %dma_start3A_54 = arith.constant 0 : i32
      %dma_start3A_55 = tpu.memref_slice %arg6[%arg0, %dma_start3A_53, %dma_start3A_54] : memref<2x102400x8xf32, #tpu.memory_space<hbm>> -> memref<1x102400x8xf32, #tpu.memory_space<hbm>>
      %dma_start3A_56 = tpu.memref_squeeze %dma_start3A_55 : memref<1x102400x8xf32, #tpu.memory_space<hbm>> -> memref<102400x8xf32, #tpu.memory_space<hbm>>
      %dma_start3A_57 = arith.constant 0 : i32
      %dma_start3A_58 = tpu.memref_slice %dma_start3A_56[%add3A_52, %dma_start3A_57] : memref<102400x8xf32, #tpu.memory_space<hbm>> -> memref<1280x8xf32, #tpu.memory_space<hbm>>
      %dma_start3A_59 = arith.constant 0 : i32
      %dma_start3A_60 = tpu.memref_slice %arg14[%add3A_52, %dma_start3A_59] : memref<102400x8xf32, #tpu.memory_space<vmem_shared>> -> memref<1280x8xf32, #tpu.memory_space<vmem_shared>>
      tpu.enqueue_dma source(%dma_start3A_60 : memref<1280x8xf32, #tpu.memory_space<vmem_shared>>) target(%dma_start3A_58 : memref<1280x8xf32, #tpu.memory_space<hbm>>) target_semaphore(%run_scoped3A : memref<!tpu.dma_semaphore, #tpu.memory_space<semaphore_mem>>)
      %dma_wait3A_61 = arith.constant 0 : i32
      %dma_wait3A_62 = arith.constant 0 : i32
      %dma_wait3A_63 = tpu.memref_slice %arg6[%arg0, %dma_wait3A_61, %dma_wait3A_62] : memref<2x102400x8xf32, #tpu.memory_space<hbm>> -> memref<1x102400x8xf32, #tpu.memory_space<hbm>>
      %dma_wait3A_64 = tpu.memref_squeeze %dma_wait3A_63 : memref<1x102400x8xf32, #tpu.memory_space<hbm>> -> memref<102400x8xf32, #tpu.memory_space<hbm>>
      %dma_wait3A_65 = arith.constant 0 : i32
      %dma_wait3A_66 = tpu.memref_slice %dma_wait3A_64[%add3A_52, %dma_wait3A_65] : memref<102400x8xf32, #tpu.memory_space<hbm>> -> memref<1280x8xf32, #tpu.memory_space<hbm>>
      %dma_wait3A_67 = arith.constant 0 : i32
      %dma_wait3A_68 = tpu.memref_slice %arg14[%add3A_52, %dma_wait3A_67] : memref<102400x8xf32, #tpu.memory_space<vmem_shared>> -> memref<1280x8xf32, #tpu.memory_space<vmem_shared>>
      tpu.wait_dma2 semaphore(%run_scoped3A : memref<!tpu.dma_semaphore, #tpu.memory_space<semaphore_mem>>) src(%dma_wait3A_68 : memref<1280x8xf32, #tpu.memory_space<vmem_shared>>) dst(%dma_wait3A_66 : memref<1280x8xf32, #tpu.memory_space<hbm>>)
      tpu.yield
    }) : () -> ()
    return
  }
}

module attributes {stable_mosaic.version = 14 : i64} {
  func.func @body(%arg0: i32, %arg1: memref<2x2000x4xf32, #tpu.memory_space<vmem>>, %arg2: memref<2000x8xf32, #tpu.memory_space<vmem>>, %arg3: memref<2000x8xf32, #tpu.memory_space<vmem>>, %arg4: memref<2000x1xf32, #tpu.memory_space<vmem>>) attributes {dimension_semantics = [#tpu.dimension_semantics<arbitrary>], iteration_bounds = array<i64: 50>, scalar_prefetch = 0 : i64, scratch_operands = 0 : i64, tpu.core_type = #tpu.core_type<tc>, window_params = [{transform_indices = @transform_0, window_bounds = array<i64: 2, 2000, 4>}, {transform_indices = @transform_1, window_bounds = array<i64: 2000, 8>}, {transform_indices = @transform_2, window_bounds = array<i64: 2000, 8>}, {transform_indices = @transform_3, window_bounds = array<i64: 2000, 1>}]} {
    %get3A = arith.constant 0 : index
    %get3A_0 = arith.constant 0 : index
    %get3A_1 = arith.constant 0 : index
    %get3A_2 = vector.load %arg1[%get3A, %get3A_0, %get3A_1] : memref<2x2000x4xf32, #tpu.memory_space<vmem>>, vector<2x2000x4xf32>
    %slice3A = vector.extract_strided_slice %get3A_2 {offsets = [0, 0, 0], sizes = [1, 2000, 1], strides = [1, 1, 1]} : vector<2x2000x4xf32> to vector<1x2000x1xf32>
    %squeeze3A = vector.shape_cast %slice3A : vector<1x2000x1xf32> to vector<2000x1xf32>
    %slice3A_3 = vector.extract_strided_slice %get3A_2 {offsets = [1, 0, 0], sizes = [1, 2000, 1], strides = [1, 1, 1]} : vector<2x2000x4xf32> to vector<1x2000x1xf32>
    %squeeze3A_4 = vector.shape_cast %slice3A_3 : vector<1x2000x1xf32> to vector<2000x1xf32>
    %add3A = arith.addf %squeeze3A, %squeeze3A_4 : vector<2000x1xf32>
    %add3A_5 = arith.constant 1.000000e+00 : f32
    %add3A_6 = vector.broadcast %add3A_5 : f32 to vector<2000x1xf32>
    %add3A_7 = arith.addf %add3A, %add3A_6 : vector<2000x1xf32>
    %iota3A = tpu.iota {dimensions = array<i32: 0>} : vector<2000x1xi32>
    %eq3A = arith.constant 0 : i32
    %eq3A_8 = vector.broadcast %eq3A : i32 to vector<2000x1xi32>
    %eq3A_9 = arith.cmpi eq, %iota3A, %eq3A_8 : vector<2000x1xi32>
    %eq3A_10 = arith.constant 0 : i32
    %eq3A_11 = arith.cmpi eq, %arg0, %eq3A_10 : i32
    %and3A = vector.broadcast %eq3A_11 : i1 to vector<2000x1xi1>
    %and3A_12 = arith.andi %eq3A_9, %and3A : vector<2000x1xi1>
    %jit3A = arith.constant 5.632000e+03 : f32
    %jit3A_13 = arith.constant 0.000000e+00 : f32
    %broadcast_in_dim3A = vector.broadcast %jit3A : f32 to vector<2000x1xf32>
    %broadcast_in_dim3A_14 = vector.broadcast %jit3A_13 : f32 to vector<2000x1xf32>
    %select_n3A = arith.select %and3A_12, %broadcast_in_dim3A, %broadcast_in_dim3A_14 : vector<2000x1xi1>, vector<2000x1xf32>
    %sub3A = arith.subf %add3A_7, %select_n3A : vector<2000x1xf32>
    %rsqrt3A = math.rsqrt %sub3A : vector<2000x1xf32>
    %swap3A = arith.constant 0 : index
    %swap3A_15 = arith.constant 0 : index
    %swap3A_16 = vector.load %arg4[%swap3A, %swap3A_15] : memref<2000x1xf32, #tpu.memory_space<vmem>>, vector<2000x1xf32>
    tpu.vector_store %arg4[%swap3A, %swap3A_15], %rsqrt3A {strides = array<i32>} : memref<2000x1xf32, #tpu.memory_space<vmem>>, vector<2000x1xf32>,
    %iota3A_17 = tpu.iota {dimensions = array<i32: 1>} : vector<1x8xi32>
    %eq3A_18 = arith.constant 5 : i32
    %eq3A_19 = vector.broadcast %eq3A_18 : i32 to vector<1x8xi32>
    %eq3A_20 = arith.cmpi eq, %iota3A_17, %eq3A_19 : vector<1x8xi32>
    %convert_element_type3A = arith.extui %eq3A_20 : vector<1x8xi1> to vector<1x8xi32>
    %convert_element_type3A_21 = arith.sitofp %convert_element_type3A : vector<1x8xi32> to vector<1x8xf32>
    %get3A_22 = arith.constant 0 : index
    %get3A_23 = arith.constant 0 : index
    %get3A_24 = vector.load %arg2[%get3A_22, %get3A_23] : memref<2000x8xf32, #tpu.memory_space<vmem>>, vector<2000x8xf32>
    %mul3A = vector.broadcast %rsqrt3A : vector<2000x1xf32> to vector<2000x8xf32>
    %mul3A_25 = arith.mulf %get3A_24, %mul3A : vector<2000x8xf32>
    %mul3A_26 = vector.broadcast %rsqrt3A : vector<2000x1xf32> to vector<2000x8xf32>
    %mul3A_27 = vector.broadcast %convert_element_type3A_21 : vector<1x8xf32> to vector<2000x8xf32>
    %mul3A_28 = arith.mulf %mul3A_26, %mul3A_27 : vector<2000x8xf32>
    %add3A_29 = arith.addf %mul3A_25, %mul3A_28 : vector<2000x8xf32>
    %swap3A_30 = arith.constant 0 : index
    %swap3A_31 = arith.constant 0 : index
    %swap3A_32 = vector.load %arg3[%swap3A_30, %swap3A_31] : memref<2000x8xf32, #tpu.memory_space<vmem>>, vector<2000x8xf32>
    tpu.vector_store %arg3[%swap3A_30, %swap3A_31], %add3A_29 {strides = array<i32>} : memref<2000x8xf32, #tpu.memory_space<vmem>>, vector<2000x8xf32>,
    return
  }
  func.func @transform_0(%arg0: i32) -> (i32, i32, i32) {
    %c0_i32 = arith.constant 0 : i32
    %c0_i32_0 = arith.constant 0 : i32
    %c0_i32_1 = arith.constant 0 : i32
    return %c0_i32, %arg0, %c0_i32_0 : i32, i32, i32
  }
  func.func @transform_1(%arg0: i32) -> (i32, i32) {
    %c0_i32 = arith.constant 0 : i32
    %c0_i32_0 = arith.constant 0 : i32
    return %arg0, %c0_i32 : i32, i32
  }
  func.func @transform_2(%arg0: i32) -> (i32, i32) {
    %c0_i32 = arith.constant 0 : i32
    %c0_i32_0 = arith.constant 0 : i32
    return %arg0, %c0_i32 : i32, i32
  }
  func.func @transform_3(%arg0: i32) -> (i32, i32) {
    %c0_i32 = arith.constant 0 : i32
    %c0_i32_0 = arith.constant 0 : i32
    return %arg0, %c0_i32 : i32, i32
  }
}

module attributes {stable_mosaic.version = 14 : i64} {
  func.func @body(%arg0: i32, %arg1: memref<2x2000x8xf32, #tpu.memory_space<vmem>>, %arg2: memref<2000x8xf32, #tpu.memory_space<vmem>>, %arg3: memref<8x64xf32, #tpu.memory_space<vmem>>, %arg4: memref<1x64xf32, #tpu.memory_space<vmem>>, %arg5: memref<2000x64xf32, #tpu.memory_space<vmem>>) attributes {dimension_semantics = [#tpu.dimension_semantics<arbitrary>], iteration_bounds = array<i64: 50>, scalar_prefetch = 0 : i64, scratch_operands = 0 : i64, tpu.core_type = #tpu.core_type<tc>, window_params = [{transform_indices = @transform_0, window_bounds = array<i64: 2, 2000, 8>}, {transform_indices = @transform_1, window_bounds = array<i64: 2000, 8>}, {pipeline_mode = #tpu.pipeline_mode<synchronous>, transform_indices = @transform_2, window_bounds = array<i64: 8, 64>}, {pipeline_mode = #tpu.pipeline_mode<synchronous>, transform_indices = @transform_3, window_bounds = array<i64: 1, 64>}, {transform_indices = @transform_4, window_bounds = array<i64: 2000, 64>}]} {
    %get3A = arith.constant 0 : index
    %get3A_0 = arith.constant 0 : index
    %get3A_1 = arith.constant 0 : index
    %get3A_2 = vector.load %arg1[%get3A, %get3A_0, %get3A_1] : memref<2x2000x8xf32, #tpu.memory_space<vmem>>, vector<2x2000x8xf32>
    %get3A_3 = arith.constant 0 : index
    %get3A_4 = arith.constant 0 : index
    %get3A_5 = vector.load %arg2[%get3A_3, %get3A_4] : memref<2000x8xf32, #tpu.memory_space<vmem>>, vector<2000x8xf32>
    %slice3A = vector.extract_strided_slice %get3A_5 {offsets = [0, 5], sizes = [2000, 1], strides = [1, 1]} : vector<2000x8xf32> to vector<2000x1xf32>
    %slice3A_6 = vector.extract_strided_slice %get3A_2 {offsets = [0, 0, 0], sizes = [1, 2000, 8], strides = [1, 1, 1]} : vector<2x2000x8xf32> to vector<1x2000x8xf32>
    %squeeze3A = vector.shape_cast %slice3A_6 : vector<1x2000x8xf32> to vector<2000x8xf32>
    %slice3A_7 = vector.extract_strided_slice %get3A_2 {offsets = [1, 0, 0], sizes = [1, 2000, 8], strides = [1, 1, 1]} : vector<2x2000x8xf32> to vector<1x2000x8xf32>
    %squeeze3A_8 = vector.shape_cast %slice3A_7 : vector<1x2000x8xf32> to vector<2000x8xf32>
    %add3A = arith.addf %squeeze3A, %squeeze3A_8 : vector<2000x8xf32>
    %iota3A = tpu.iota {dimensions = array<i32: 0>} : vector<2000x1xi32>
    %eq3A = arith.constant 0 : i32
    %eq3A_9 = vector.broadcast %eq3A : i32 to vector<2000x1xi32>
    %eq3A_10 = arith.cmpi eq, %iota3A, %eq3A_9 : vector<2000x1xi32>
    %eq3A_11 = arith.constant 0 : i32
    %eq3A_12 = arith.cmpi eq, %arg0, %eq3A_11 : i32
    %and3A = vector.broadcast %eq3A_12 : i1 to vector<2000x1xi1>
    %and3A_13 = arith.andi %eq3A_10, %and3A : vector<2000x1xi1>
    %slice3A_14 = vector.extract_strided_slice %get3A_5 {offsets = [0, 0], sizes = [1, 8], strides = [1, 1]} : vector<2000x8xf32> to vector<1x8xf32>
    %mul3A = arith.constant 5.632000e+03 : f32
    %mul3A_15 = vector.broadcast %mul3A : f32 to vector<1x8xf32>
    %mul3A_16 = arith.mulf %mul3A_15, %slice3A_14 : vector<1x8xf32>
    %jit3A = arith.constant 0.000000e+00 : f32
    %broadcast_in_dim3A = vector.shape_cast %and3A_13 : vector<2000x1xi1> to vector<2000x1xi1>
    %broadcast_in_dim3A_17 = vector.broadcast %broadcast_in_dim3A : vector<2000x1xi1> to vector<2000x8xi1>
    %broadcast_in_dim3A_18 = vector.shape_cast %mul3A_16 : vector<1x8xf32> to vector<1x8xf32>
    %broadcast_in_dim3A_19 = vector.broadcast %broadcast_in_dim3A_18 : vector<1x8xf32> to vector<2000x8xf32>
    %broadcast_in_dim3A_20 = vector.broadcast %jit3A : f32 to vector<2000x8xf32>
    %select_n3A = arith.select %broadcast_in_dim3A_17, %broadcast_in_dim3A_19, %broadcast_in_dim3A_20 : vector<2000x8xi1>, vector<2000x8xf32>
    %sub3A = arith.subf %add3A, %select_n3A : vector<2000x8xf32>
    %add3A_21 = arith.addf %sub3A, %get3A_5 : vector<2000x8xf32>
    %mul3A_22 = vector.broadcast %slice3A : vector<2000x1xf32> to vector<2000x8xf32>
    %mul3A_23 = arith.mulf %mul3A_22, %add3A_21 : vector<2000x8xf32>
    %get3A_24 = arith.constant 0 : index
    %get3A_25 = arith.constant 0 : index
    %get3A_26 = vector.load %arg3[%get3A_24, %get3A_25] : memref<8x64xf32, #tpu.memory_space<vmem>>, vector<8x64xf32>
    %dot_general3A = arith.constant dense<0.000000e+00> : vector<2000x64xf32>
    %dot_general3A_27 = tpu.matmul %mul3A_23, %get3A_26, %dot_general3A {dimension_numbers = #tpu.dot_dimension_numbers<[1], [0], [0], [1], [0, 0, 1, 1], [], []>, precision = #tpu.contract_precision<fp32>, transpose_lhs_hint = false} : vector<2000x8xf32>, vector<8x64xf32>, vector<2000x64xf32> -> vector<2000x64xf32>
    %get3A_28 = arith.constant 0 : index
    %get3A_29 = arith.constant 0 : index
    %get3A_30 = vector.load %arg4[%get3A_28, %get3A_29] : memref<1x64xf32, #tpu.memory_space<vmem>>, vector<1x64xf32>
    %add3A_31 = vector.broadcast %get3A_30 : vector<1x64xf32> to vector<2000x64xf32>
    %add3A_32 = arith.addf %dot_general3A_27, %add3A_31 : vector<2000x64xf32>
    %max3A = arith.constant 0.000000e+00 : f32
    %max3A_33 = vector.broadcast %max3A : f32 to vector<2000x64xf32>
    %max3A_34 = arith.maximumf %add3A_32, %max3A_33 : vector<2000x64xf32>
    %mul3A_35 = vector.broadcast %slice3A : vector<2000x1xf32> to vector<2000x64xf32>
    %mul3A_36 = arith.mulf %max3A_34, %mul3A_35 : vector<2000x64xf32>
    %swap3A = arith.constant 0 : index
    %swap3A_37 = arith.constant 0 : index
    %swap3A_38 = vector.load %arg5[%swap3A, %swap3A_37] : memref<2000x64xf32, #tpu.memory_space<vmem>>, vector<2000x64xf32>
    tpu.vector_store %arg5[%swap3A, %swap3A_37], %mul3A_36 {strides = array<i32>} : memref<2000x64xf32, #tpu.memory_space<vmem>>, vector<2000x64xf32>,
    return
  }
  func.func @transform_0(%arg0: i32) -> (i32, i32, i32) {
    %c0_i32 = arith.constant 0 : i32
    %c0_i32_0 = arith.constant 0 : i32
    %c0_i32_1 = arith.constant 0 : i32
    return %c0_i32, %arg0, %c0_i32_0 : i32, i32, i32
  }
  func.func @transform_1(%arg0: i32) -> (i32, i32) {
    %c0_i32 = arith.constant 0 : i32
    %c0_i32_0 = arith.constant 0 : i32
    return %arg0, %c0_i32 : i32, i32
  }
  func.func @transform_2(%arg0: i32) -> (i32, i32) {
    %c0_i32 = arith.constant 0 : i32
    %c0_i32_0 = arith.constant 0 : i32
    %c0_i32_1 = arith.constant 0 : i32
    return %c0_i32, %c0_i32_0 : i32, i32
  }
  func.func @transform_3(%arg0: i32) -> (i32, i32) {
    %c0_i32 = arith.constant 0 : i32
    %c0_i32_0 = arith.constant 0 : i32
    %c0_i32_1 = arith.constant 0 : i32
    return %c0_i32, %c0_i32_0 : i32, i32
  }
  func.func @transform_4(%arg0: i32) -> (i32, i32) {
    %c0_i32 = arith.constant 0 : i32
    %c0_i32_0 = arith.constant 0 : i32
    return %arg0, %c0_i32 : i32, i32
  }
}

module attributes {stable_mosaic.version = 14 : i64} {
  func.func @body(%arg0: i32, %arg1: memref<2000x64xf32, #tpu.memory_space<vmem>>, %arg2: memref<2000x64xf32, #tpu.memory_space<vmem>>, %arg3: memref<2000x1xf32, #tpu.memory_space<vmem>>, %arg4: memref<64x64xf32, #tpu.memory_space<vmem>>, %arg5: memref<1x64xf32, #tpu.memory_space<vmem>>, %arg6: memref<64x8xf32, #tpu.memory_space<vmem>>, %arg7: memref<2000x8xf32, #tpu.memory_space<vmem>>) attributes {dimension_semantics = [#tpu.dimension_semantics<arbitrary>], iteration_bounds = array<i64: 50>, scalar_prefetch = 0 : i64, scratch_operands = 0 : i64, tpu.core_type = #tpu.core_type<tc>, window_params = [{transform_indices = @transform_0, window_bounds = array<i64: 2000, 64>}, {transform_indices = @transform_1, window_bounds = array<i64: 2000, 64>}, {transform_indices = @transform_2, window_bounds = array<i64: 2000, 1>}, {pipeline_mode = #tpu.pipeline_mode<synchronous>, transform_indices = @transform_3, window_bounds = array<i64: 64, 64>}, {pipeline_mode = #tpu.pipeline_mode<synchronous>, transform_indices = @transform_4, window_bounds = array<i64: 1, 64>}, {pipeline_mode = #tpu.pipeline_mode<synchronous>, transform_indices = @transform_5, window_bounds = array<i64: 64, 8>}, {transform_indices = @transform_6, window_bounds = array<i64: 2000, 8>}]} {
    %get3A = arith.constant 0 : index
    %get3A_0 = arith.constant 0 : index
    %get3A_1 = vector.load %arg2[%get3A, %get3A_0] : memref<2000x64xf32, #tpu.memory_space<vmem>>, vector<2000x64xf32>
    %get3A_2 = arith.constant 0 : index
    %get3A_3 = arith.constant 0 : index
    %get3A_4 = vector.load %arg1[%get3A_2, %get3A_3] : memref<2000x64xf32, #tpu.memory_space<vmem>>, vector<2000x64xf32>
    %iota3A = tpu.iota {dimensions = array<i32: 0>} : vector<2000x1xi32>
    %eq3A = arith.constant 0 : i32
    %eq3A_5 = vector.broadcast %eq3A : i32 to vector<2000x1xi32>
    %eq3A_6 = arith.cmpi eq, %iota3A, %eq3A_5 : vector<2000x1xi32>
    %eq3A_7 = arith.constant 0 : i32
    %eq3A_8 = arith.cmpi eq, %arg0, %eq3A_7 : i32
    %and3A = vector.broadcast %eq3A_8 : i1 to vector<2000x1xi1>
    %and3A_9 = arith.andi %eq3A_6, %and3A : vector<2000x1xi1>
    %slice3A = vector.extract_strided_slice %get3A_1 {offsets = [0, 0], sizes = [1, 64], strides = [1, 1]} : vector<2000x64xf32> to vector<1x64xf32>
    %mul3A = arith.constant 5.632000e+03 : f32
    %mul3A_10 = vector.broadcast %mul3A : f32 to vector<1x64xf32>
    %mul3A_11 = arith.mulf %mul3A_10, %slice3A : vector<1x64xf32>
    %jit3A = arith.constant 0.000000e+00 : f32
    %broadcast_in_dim3A = vector.shape_cast %and3A_9 : vector<2000x1xi1> to vector<2000x1xi1>
    %broadcast_in_dim3A_12 = vector.broadcast %broadcast_in_dim3A : vector<2000x1xi1> to vector<2000x64xi1>
    %broadcast_in_dim3A_13 = vector.shape_cast %mul3A_11 : vector<1x64xf32> to vector<1x64xf32>
    %broadcast_in_dim3A_14 = vector.broadcast %broadcast_in_dim3A_13 : vector<1x64xf32> to vector<2000x64xf32>
    %broadcast_in_dim3A_15 = vector.broadcast %jit3A : f32 to vector<2000x64xf32>
    %select_n3A = arith.select %broadcast_in_dim3A_12, %broadcast_in_dim3A_14, %broadcast_in_dim3A_15 : vector<2000x64xi1>, vector<2000x64xf32>
    %sub3A = arith.subf %get3A_4, %select_n3A : vector<2000x64xf32>
    %get3A_16 = arith.constant 0 : index
    %get3A_17 = arith.constant 0 : index
    %get3A_18 = vector.load %arg3[%get3A_16, %get3A_17] : memref<2000x1xf32, #tpu.memory_space<vmem>>, vector<2000x1xf32>
    %add3A = arith.addf %sub3A, %get3A_1 : vector<2000x64xf32>
    %mul3A_19 = vector.broadcast %get3A_18 : vector<2000x1xf32> to vector<2000x64xf32>
    %mul3A_20 = arith.mulf %mul3A_19, %add3A : vector<2000x64xf32>
    %get3A_21 = arith.constant 0 : index
    %get3A_22 = arith.constant 0 : index
    %get3A_23 = vector.load %arg4[%get3A_21, %get3A_22] : memref<64x64xf32, #tpu.memory_space<vmem>>, vector<64x64xf32>
    %dot_general3A = arith.constant dense<0.000000e+00> : vector<2000x64xf32>
    %dot_general3A_24 = tpu.matmul %mul3A_20, %get3A_23, %dot_general3A {dimension_numbers = #tpu.dot_dimension_numbers<[1], [0], [0], [1], [0, 0, 1, 1], [], []>, precision = #tpu.contract_precision<fp32>, transpose_lhs_hint = false} : vector<2000x64xf32>, vector<64x64xf32>, vector<2000x64xf32> -> vector<2000x64xf32>
    %get3A_25 = arith.constant 0 : index
    %get3A_26 = arith.constant 0 : index
    %get3A_27 = vector.load %arg5[%get3A_25, %get3A_26] : memref<1x64xf32, #tpu.memory_space<vmem>>, vector<1x64xf32>
    %add3A_28 = vector.broadcast %get3A_27 : vector<1x64xf32> to vector<2000x64xf32>
    %add3A_29 = arith.addf %dot_general3A_24, %add3A_28 : vector<2000x64xf32>
    %max3A = arith.constant 0.000000e+00 : f32
    %max3A_30 = vector.broadcast %max3A : f32 to vector<2000x64xf32>
    %max3A_31 = arith.maximumf %add3A_29, %max3A_30 : vector<2000x64xf32>
    %get3A_32 = arith.constant 0 : index
    %get3A_33 = arith.constant 0 : index
    %get3A_34 = vector.load %arg6[%get3A_32, %get3A_33] : memref<64x8xf32, #tpu.memory_space<vmem>>, vector<64x8xf32>
    %dot_general3A_35 = arith.constant dense<0.000000e+00> : vector<2000x8xf32>
    %dot_general3A_36 = tpu.matmul %max3A_31, %get3A_34, %dot_general3A_35 {dimension_numbers = #tpu.dot_dimension_numbers<[1], [0], [0], [1], [0, 0, 1, 1], [], []>, precision = #tpu.contract_precision<fp32>, transpose_lhs_hint = false} : vector<2000x64xf32>, vector<64x8xf32>, vector<2000x8xf32> -> vector<2000x8xf32>
    %get3A_37 = arith.constant 0 : index
    %get3A_38 = arith.constant 0 : index
    %get3A_39 = vector.load %arg3[%get3A_37, %get3A_38] : memref<2000x1xf32, #tpu.memory_space<vmem>>, vector<2000x1xf32>
    %iota3A_40 = tpu.iota {dimensions = array<i32: 1>} : vector<1x8xi32>
    %eq3A_41 = arith.constant 1 : i32
    %eq3A_42 = vector.broadcast %eq3A_41 : i32 to vector<1x8xi32>
    %eq3A_43 = arith.cmpi eq, %iota3A_40, %eq3A_42 : vector<1x8xi32>
    %convert_element_type3A = arith.extui %eq3A_43 : vector<1x8xi1> to vector<1x8xi32>
    %convert_element_type3A_44 = arith.sitofp %convert_element_type3A : vector<1x8xi32> to vector<1x8xf32>
    %mul3A_45 = vector.broadcast %get3A_39 : vector<2000x1xf32> to vector<2000x8xf32>
    %mul3A_46 = arith.mulf %dot_general3A_36, %mul3A_45 : vector<2000x8xf32>
    %mul3A_47 = vector.broadcast %get3A_39 : vector<2000x1xf32> to vector<2000x8xf32>
    %mul3A_48 = vector.broadcast %convert_element_type3A_44 : vector<1x8xf32> to vector<2000x8xf32>
    %mul3A_49 = arith.mulf %mul3A_47, %mul3A_48 : vector<2000x8xf32>
    %add3A_50 = arith.addf %mul3A_46, %mul3A_49 : vector<2000x8xf32>
    %swap3A = arith.constant 0 : index
    %swap3A_51 = arith.constant 0 : index
    %swap3A_52 = vector.load %arg7[%swap3A, %swap3A_51] : memref<2000x8xf32, #tpu.memory_space<vmem>>, vector<2000x8xf32>
    tpu.vector_store %arg7[%swap3A, %swap3A_51], %add3A_50 {strides = array<i32>} : memref<2000x8xf32, #tpu.memory_space<vmem>>, vector<2000x8xf32>,
    return
  }
  func.func @transform_0(%arg0: i32) -> (i32, i32) {
    %c0_i32 = arith.constant 0 : i32
    %c0_i32_0 = arith.constant 0 : i32
    return %arg0, %c0_i32 : i32, i32
  }
  func.func @transform_1(%arg0: i32) -> (i32, i32) {
    %c0_i32 = arith.constant 0 : i32
    %c0_i32_0 = arith.constant 0 : i32
    return %arg0, %c0_i32 : i32, i32
  }
  func.func @transform_2(%arg0: i32) -> (i32, i32) {
    %c0_i32 = arith.constant 0 : i32
    %c0_i32_0 = arith.constant 0 : i32
    return %arg0, %c0_i32 : i32, i32
  }
  func.func @transform_3(%arg0: i32) -> (i32, i32) {
    %c0_i32 = arith.constant 0 : i32
    %c0_i32_0 = arith.constant 0 : i32
    %c0_i32_1 = arith.constant 0 : i32
    return %c0_i32, %c0_i32_0 : i32, i32
  }
  func.func @transform_4(%arg0: i32) -> (i32, i32) {
    %c0_i32 = arith.constant 0 : i32
    %c0_i32_0 = arith.constant 0 : i32
    %c0_i32_1 = arith.constant 0 : i32
    return %c0_i32, %c0_i32_0 : i32, i32
  }
  func.func @transform_5(%arg0: i32) -> (i32, i32) {
    %c0_i32 = arith.constant 0 : i32
    %c0_i32_0 = arith.constant 0 : i32
    %c0_i32_1 = arith.constant 0 : i32
    return %c0_i32, %c0_i32_0 : i32, i32
  }
  func.func @transform_6(%arg0: i32) -> (i32, i32) {
    %c0_i32 = arith.constant 0 : i32
    %c0_i32_0 = arith.constant 0 : i32
    return %arg0, %c0_i32 : i32, i32
  }
}

module attributes {stable_mosaic.version = 14 : i64} {
  func.func @body(%arg0: i32, %arg1: memref<2x2000x8xf32, #tpu.memory_space<vmem>>, %arg2: memref<2000x8xf32, #tpu.memory_space<vmem>>, %arg3: memref<1x1xf32, #tpu.memory_space<vmem>>, %arg4: memref<2000x1xf32, #tpu.memory_space<vmem>>) attributes {dimension_semantics = [#tpu.dimension_semantics<arbitrary>], iteration_bounds = array<i64: 50>, scalar_prefetch = 0 : i64, scratch_operands = 0 : i64, tpu.core_type = #tpu.core_type<tc>, window_params = [{transform_indices = @transform_0, window_bounds = array<i64: 2, 2000, 8>}, {transform_indices = @transform_1, window_bounds = array<i64: 2000, 8>}, {pipeline_mode = #tpu.pipeline_mode<synchronous>, transform_indices = @transform_2, window_bounds = array<i64: 1, 1>}, {transform_indices = @transform_3, window_bounds = array<i64: 2000, 1>}]} {
    %get3A = arith.constant 0 : index
    %get3A_0 = arith.constant 0 : index
    %get3A_1 = arith.constant 0 : index
    %get3A_2 = vector.load %arg1[%get3A, %get3A_0, %get3A_1] : memref<2x2000x8xf32, #tpu.memory_space<vmem>>, vector<2x2000x8xf32>
    %get3A_3 = arith.constant 0 : index
    %get3A_4 = arith.constant 0 : index
    %get3A_5 = vector.load %arg2[%get3A_3, %get3A_4] : memref<2000x8xf32, #tpu.memory_space<vmem>>, vector<2000x8xf32>
    %slice3A = vector.extract_strided_slice %get3A_2 {offsets = [0, 0, 0], sizes = [1, 2000, 8], strides = [1, 1, 1]} : vector<2x2000x8xf32> to vector<1x2000x8xf32>
    %squeeze3A = vector.shape_cast %slice3A : vector<1x2000x8xf32> to vector<2000x8xf32>
    %slice3A_6 = vector.extract_strided_slice %get3A_2 {offsets = [1, 0, 0], sizes = [1, 2000, 8], strides = [1, 1, 1]} : vector<2x2000x8xf32> to vector<1x2000x8xf32>
    %squeeze3A_7 = vector.shape_cast %slice3A_6 : vector<1x2000x8xf32> to vector<2000x8xf32>
    %add3A = arith.addf %squeeze3A, %squeeze3A_7 : vector<2000x8xf32>
    %iota3A = tpu.iota {dimensions = array<i32: 0>} : vector<2000x1xi32>
    %eq3A = arith.constant 0 : i32
    %eq3A_8 = vector.broadcast %eq3A : i32 to vector<2000x1xi32>
    %eq3A_9 = arith.cmpi eq, %iota3A, %eq3A_8 : vector<2000x1xi32>
    %eq3A_10 = arith.constant 0 : i32
    %eq3A_11 = arith.cmpi eq, %arg0, %eq3A_10 : i32
    %and3A = vector.broadcast %eq3A_11 : i1 to vector<2000x1xi1>
    %and3A_12 = arith.andi %eq3A_9, %and3A : vector<2000x1xi1>
    %slice3A_13 = vector.extract_strided_slice %get3A_5 {offsets = [0, 0], sizes = [1, 8], strides = [1, 1]} : vector<2000x8xf32> to vector<1x8xf32>
    %mul3A = arith.constant 5.632000e+03 : f32
    %mul3A_14 = vector.broadcast %mul3A : f32 to vector<1x8xf32>
    %mul3A_15 = arith.mulf %mul3A_14, %slice3A_13 : vector<1x8xf32>
    %jit3A = arith.constant 0.000000e+00 : f32
    %broadcast_in_dim3A = vector.shape_cast %and3A_12 : vector<2000x1xi1> to vector<2000x1xi1>
    %broadcast_in_dim3A_16 = vector.broadcast %broadcast_in_dim3A : vector<2000x1xi1> to vector<2000x8xi1>
    %broadcast_in_dim3A_17 = vector.shape_cast %mul3A_15 : vector<1x8xf32> to vector<1x8xf32>
    %broadcast_in_dim3A_18 = vector.broadcast %broadcast_in_dim3A_17 : vector<1x8xf32> to vector<2000x8xf32>
    %broadcast_in_dim3A_19 = vector.broadcast %jit3A : f32 to vector<2000x8xf32>
    %select_n3A = arith.select %broadcast_in_dim3A_16, %broadcast_in_dim3A_18, %broadcast_in_dim3A_19 : vector<2000x8xi1>, vector<2000x8xf32>
    %sub3A = arith.subf %add3A, %select_n3A : vector<2000x8xf32>
    %slice3A_20 = vector.extract_strided_slice %get3A_5 {offsets = [0, 1], sizes = [2000, 1], strides = [1, 1]} : vector<2000x8xf32> to vector<2000x1xf32>
    %add3A_21 = arith.addf %sub3A, %get3A_5 : vector<2000x8xf32>
    %mul3A_22 = vector.broadcast %slice3A_20 : vector<2000x1xf32> to vector<2000x8xf32>
    %mul3A_23 = arith.mulf %mul3A_22, %add3A_21 : vector<2000x8xf32>
    %slice3A_24 = vector.extract_strided_slice %mul3A_23 {offsets = [0, 0], sizes = [2000, 1], strides = [1, 1]} : vector<2000x8xf32> to vector<2000x1xf32>
    %get3A_25 = arith.constant 0 : index
    %get3A_26 = arith.constant 0 : index
    %get3A_27 = vector.load %arg3[%get3A_25, %get3A_26] : memref<1x1xf32, #tpu.memory_space<vmem>>, vector<1x1xf32>
    %add3A_28 = vector.broadcast %get3A_27 : vector<1x1xf32> to vector<2000x1xf32>
    %add3A_29 = arith.addf %slice3A_24, %add3A_28 : vector<2000x1xf32>
    %swap3A = arith.constant 0 : index
    %swap3A_30 = arith.constant 0 : index
    %swap3A_31 = vector.load %arg4[%swap3A, %swap3A_30] : memref<2000x1xf32, #tpu.memory_space<vmem>>, vector<2000x1xf32>
    tpu.vector_store %arg4[%swap3A, %swap3A_30], %add3A_29 {strides = array<i32>} : memref<2000x1xf32, #tpu.memory_space<vmem>>, vector<2000x1xf32>,
    return
  }
  func.func @transform_0(%arg0: i32) -> (i32, i32, i32) {
    %c0_i32 = arith.constant 0 : i32
    %c0_i32_0 = arith.constant 0 : i32
    %c0_i32_1 = arith.constant 0 : i32
    return %c0_i32, %arg0, %c0_i32_0 : i32, i32, i32
  }
  func.func @transform_1(%arg0: i32) -> (i32, i32) {
    %c0_i32 = arith.constant 0 : i32
    %c0_i32_0 = arith.constant 0 : i32
    return %arg0, %c0_i32 : i32, i32
  }
  func.func @transform_2(%arg0: i32) -> (i32, i32) {
    %c0_i32 = arith.constant 0 : i32
    %c0_i32_0 = arith.constant 0 : i32
    %c0_i32_1 = arith.constant 0 : i32
    return %c0_i32, %c0_i32_0 : i32, i32
  }
  func.func @transform_3(%arg0: i32) -> (i32, i32) {
    %c0_i32 = arith.constant 0 : i32
    %c0_i32_0 = arith.constant 0 : i32
    return %arg0, %c0_i32 : i32, i32
  }
}

</mosaic_0001>

<sc_bundles>
// kernel: kernel.10.cloned.1.call-start
scs
__scs_entry_jumppad:
0x0: {  	(pc) =	sbr.rel $0x88, $3  }
0x1: {  	(tag) =	ssettag $0x0;
	lr =	simm.s32 $0x1  }
0x2: {  	[smem:$0x3F99] =	sst lr;
	_ =	strace $0xD0000000  }
0x3: {  	_ = 	snop  }
0x4: {  	_ = 	snop  }
0x5: {  	_ = 	snop  }
0x6: {  	_ = 	snop  }
0x7: {  	_ = 	snop  }
__scs_overlays_trampoline_lowered:
0x8: {  	[smem:$0x3FA8] =	sst s0  }
0x9: {  	[smem:$0x3FA9] =	sst s1  }
0xa: {  	[smem:$0x3FAA] =	sst s2  }
0xb: {  	[smem:$0x3FAB] =	sst s3  }
0xc: {  	[smem:$0x3FAC] =	sst s4  }
0xd: {  	[smem:$0x3FAD] =	sst s5  }
0xe: {  	[smem:$0x3FAE] =	sst s6  }
0xf: {  	[smem:$0x3FAF] =	sst s7  }
0x10: {  	[smem:$0x3FB0] =	sst s8  }
0x11: {  	[smem:$0x3FB1] =	sst s9;
	s0 =	simm.s32 @!p0 $0x0  }
0x12: {  	s1 =	sld [smem:$0x3F97];
	s0 =	simm.s32 @p0 $0x1  }
0x13: {  	[smem:$0x3FB2] =	sst s0;
	s0 =	simm.s32 @!p1 $0x0  }
0x14: {  	s2 =	sld [smem:$0x3F96];
	s0 =	simm.s32 @p1 $0x1  }
0x15: {  	[smem:$0x3FB3] =	sst s0;
	s0 =	simm.s32 @!p2 $0x0  }
0x16: {  	s3 =	sld [smem:$0x3FDB];
	s0 =	simm.s32 @p2 $0x1  }
0x17: {  	s4 =	simm.s32 $0x1BF5;
	[smem:$0x3FB5] =	sst s0  }
0x18: {  	s0 =	sld [smem:$0x3F98];
	_ =	swait.ge [sflag:s4], $0x0  }
0x19: {  	s7 =	sld [smem:$0x3F99]  }
0x1a: {  	s8 =	sadd.s32 $0xFFFFE003, lr  }
0x1b: {  	s9 =	sadd.s32 $0xFFFFFEF7, lr;
	s5 =	simm.s32 $0xFFFFFFFF;
	p2 =	slt.u32 s8, $0xFFFFF086  }
0x1c: {  	p1 =	slt.u32 s9, $0xF7A;
	s5 =	simm.s32 @!p2 $0x0  }
0x1d: {  	s5 =	simm.s32 @p1 $0x1;
	p0 =	seq.s32 s7, s2  }
0x1e: {  	s7 =	smul.u32 @!p0 $0xF7A, s2;
	p2 =	seq.s32 @!p0 s5, $0x0  }
0x1f: {  	s9 =	smul.u32 $0xF7A, s1;
	s8 =	simm.s32 @!p0 $0x1BF5;
	p2 =	por !p2, p0  }
0x20: {  	[sflag:s8] =	ssyncset.s32 @!p0 $0xFFFFF086;
	s6 =	sadd.s32 @!p0 s3, s7;
	s7 =	simm.s32 @!p0 $0x108  }
0x21: {  	s3 =	sadd.s32 s3, s9;
	s6 =	sadd.s32 @!p0 $0x88, s6;
	s7 =	simm.s32 @p2 $0x1082  }
0x22: {  	[simem:s7], [sflag:s8] =	dma.local @!p0 [hbm:s6], $0xF7A  }
0x23: {  	s9 =	sor.u32 $0xD0000000, s2;
	s6 =	simm.s32 $0x108;
	_ =	swait.ge @!p0 [sflag:s8], $0x0  }
0x24: {  	s3 =	sadd.s32 $0x88, s3;
	s6 =	simm.s32 @!p1 $0x1082;
	[sflag:s4] =	ssyncset.s32 $0xFFFFF086  }
0x25: {  	[simem:s6], [sflag:s4] =	dma.local [hbm:s3], $0xF7A  }
0x26: {  	[smem:$0x3F99] =	sst s1;
	(tag) =	ssettag s2;
	_ =	strace s9  }
0x27: {  	s1 =	sld [smem:$0x3FA9]  }
0x28: {  	s2 =	sld [smem:$0x3FAA]  }
0x29: {  	s4 =	sld [smem:$0x3FAC]  }
0x2a: {  	p0 =	seq.s32 s5, $0x0;
	s5 =	sld [smem:$0x3FAD]  }
0x2b: {  	s6 =	sld [smem:$0x3FAE]  }
0x2c: {  	s7 =	sld [smem:$0x3FAF]  }
0x2d: {  	s3 =	simm.s32 $0x108;
	s8 =	sld [smem:$0x3FB0]  }
0x2e: {  	s3 =	simm.s32 @!p0 $0x1082;
	s9 =	sld [smem:$0x3FB1]  }
0x2f: {  	lr =	sadd.s32 s0, s3;
	s0 =	sld [smem:$0x3FA8]  }
0x30: {  	s3 =	sld [smem:$0x3FAB]  }
0x31: {  	[smem:$0x3FB4] =	sst s10  }
0x32: {  	s10 =	sld [smem:$0x3FB2];
	_ =	sdelay $0x3  }
0x33: {  	p0 =	seq.s32 s10, $0x1;
	s10 =	sld [smem:$0x3FB4];
	_ =	sdelay $0x3  }
0x34: {  	[smem:$0x3FB4] =	sst s10  }
0x35: {  	s10 =	sld [smem:$0x3FB3];
	_ =	sdelay $0x3  }
0x36: {  	p1 =	seq.s32 s10, $0x1;
	s10 =	sld [smem:$0x3FB4];
	_ =	sdelay $0x3  }
0x37: {  	[smem:$0x3FB4] =	sst s10  }
0x38: {  	s10 =	sld [smem:$0x3FB5]  }
0x39: {  	_ = 	snop;
	(pc) =	sbr.ind lr, $3  }
0x3a: {  	_ = 	snop  }
0x3b: {  	_ = 	snop  }
0x3c: {  	p2 =	seq.s32 s10, $0x1;
	s10 =	sld [smem:$0x3FB4]  }
0x3d: {  	_ =	shalt  }
0x3e: {  	_ =	shalt  }
0x3f: {  	_ =	shalt  }
0x40: {  	_ =	shalt  }
0x41: {  	_ =	shalt  }
0x42: {  	_ =	shalt  }
0x43: {  	_ =	shalt  }
0x44: {  	_ =	shalt  }
0x45: {  	_ =	shalt  }
0x46: {  	_ =	shalt  }
0x47: {  	_ =	shalt  }
0x48: {  	_ =	shalt  }
0x49: {  	_ =	shalt  }
0x4a: {  	_ =	shalt  }
0x4b: {  	_ =	shalt  }
0x4c: {  	_ =	shalt  }
0x4d: {  	_ =	shalt  }
0x4e: {  	_ =	shalt  }
0x4f: {  	_ =	shalt  }
0x50: {  	_ =	shalt  }
0x51: {  	_ =	shalt  }
0x52: {  	_ =	shalt  }
0x53: {  	_ =	shalt  }
0x54: {  	_ =	shalt  }
0x55: {  	_ =	shalt  }
0x56: {  	_ =	shalt  }
0x57: {  	_ =	shalt  }
0x58: {  	_ =	shalt  }
0x59: {  	_ =	shalt  }
0x5a: {  	_ =	shalt  }
0x5b: {  	_ =	shalt  }
0x5c: {  	_ =	shalt  }
0x5d: {  	_ =	shalt  }
0x5e: {  	_ =	shalt  }
0x5f: {  	_ =	shalt  }
0x60: {  	_ =	shalt  }
0x61: {  	_ =	shalt  }
0x62: {  	_ =	shalt  }
0x63: {  	_ =	shalt  }
0x64: {  	_ =	shalt  }
0x65: {  	_ =	shalt  }
0x66: {  	_ =	shalt  }
0x67: {  	_ =	shalt  }
0x68: {  	_ =	shalt  }
0x69: {  	_ =	shalt  }
0x6a: {  	_ =	shalt  }
0x6b: {  	_ =	shalt  }
0x6c: {  	_ =	shalt  }
0x6d: {  	_ =	shalt  }
0x6e: {  	_ =	shalt  }
0x6f: {  	_ =	shalt  }
0x70: {  	_ =	shalt  }
0x71: {  	_ =	shalt  }
0x72: {  	_ =	shalt  }
0x73: {  	_ =	shalt  }
0x74: {  	_ =	shalt  }
0x75: {  	_ =	shalt  }
0x76: {  	_ =	shalt  }
0x77: {  	_ =	shalt  }
0x78: {  	_ =	shalt  }
0x79: {  	_ =	shalt  }
0x7a: {  	_ =	shalt  }
0x7b: {  	_ =	shalt  }
0x7c: {  	_ =	shalt  }
0x7d: {  	_ =	shalt  }
0x7e: {  	_ =	shalt  }
0x7f: {  	_ =	shalt  }
0x80: {  	_ =	shalt  }
0x81: {  	_ =	shalt  }
0x82: {  	_ =	shalt  }
0x83: {  	_ =	shalt  }
0x84: {  	_ =	shalt  }
0x85: {  	_ =	shalt  }
0x86: {  	_ =	shalt  }
0x87: {  	_ =	shalt  }
.Lfunc_end0:
.L_simem_size_0:
called_computation_lowered:
.L_overlay_start_0:
0x88: {  	s2 =	sld [smem:$0x3FD9]  }
0x89: {  	s3 =	sld [smem:$0x3FFE];
	_ =	sdelay $0x1  }
0x8a: {  	s1 =	srdreg.scid  }
0x8b: {  	s0 =	sand.u32 $0x1, s1  }
0x8c: {  	s17 =	sshll.u32 s0, $0xA;
	s2 =	sadd.s32 s3, s2  }
0x8d: {  	s2 =	sadd.s32 s2, s17  }
0x8e: {  	[smem:$0x3FC0] =	sst s2  }
0x8f: {  	_ = 	snop  }
0x90: {  	s2 =	sld [smem:$0x3FD0];
	(tm) =	ssettm $0x1  }
0x91: {  	s18 =	sld [smem:$0x3FFB];
	_ =	sdelay $0x3  }
0x92: {  	_ =	strace s18  }
0x93: {  	s3 =	sld [smem:$0x3FFC];
	_ =	sdelay $0x3  }
0x94: {  	_ =	strace s3  }
0x95: {  	s3 =	sld [smem:$0x3FFD];
	_ =	sdelay $0x3  }
0x96: {  	_ =	strace s3  }
0x97: {  	_ =	strace $0x8FFFFFFF  }
0x98: {  	s19 =	sld [smem:$0x3FDB];
	_ =	sdelay $0x1  }
0x99: {  	s4 =	simm.s32 $_scs_section_size  }
0x9a: {  	s5 =	simm.s32 $_size__tile_overlayer_lowered;
	s6 =	simm.s32 $_tile_overlayer_lowered  }
0x9b: {  	s22 =	simm.s32 $0x1BFF;
	s21 =	sshll.u32 s6, $0x1;
	s3 =	sadd.s32 s4, s19  }
0x9c: {  	s7 =	simm.s32 $0x0;
	s20 =	sshll.u32 s5, $0x1;
	s5 =	sadd.s32 s21, s3  }
0x9d: {  	[timem:s7], [sflag:s22] =	dma.local [hbm:s5], s20  }
0x9e: {  	_ =	swait.ge [sflag:s22], s20  }
0x9f: {  	s4 =	ssub.s32 $0x0, s20;
	[sflag:s22] =	ssyncset.done $0x0  }
0xa0: {  	[sflag:s22] =	ssyncadd.s32 s4;
	_ =	sdelay $0x1  }
0xa1: {  	s23 =	simm.s32 $0x1B8B  }
0xa2: {  	_ =	swait.ge [sflag:s23], $0x1  }
0xa3: {  	[sflag:s23] =	ssyncset.done $0x0  }
0xa4: {  	s25 =	simm.s32 $0x1B8E;
	s24 =	sld [smem:$0x3FFE];
	[sflag:s23] =	ssyncadd.s32 $0xFFFFFFFF  }
0xa5: {  	s26 =	simm.s32 $execute0_lowered;
	[smem:$0x3FD2] =	sst s25  }
0xa6: {  	s5 =	sshll.u32 s26, $0x1;
	_ =	strace $0x80000046;
	[dreg:$0x1] =	wrdreg $0xFFFFFFFF  }
0xa7: {  	s28 =	simm.s32 $_size_execute0_lowered;
	s3 =	sadd.s32 s3, s5;
	[dreg:$0x0] =	wrdreg $0x0  }
0xa8: {  	s5 =	sshll.u32 s28, $0x1;
	[dreg:$0x2] =	wrdreg s3  }
0xa9: {  	[dreg:$0x3] =	wrdreg s5  }
0xaa: {  	[dreg:$0x4] =	wrdreg $0xC0  }
0xab: {  	_ =	task [dreg:s7], $0x5FFFF  }
0xac: {  	[dreg:$0x1] =	wrdreg $0xFFFFFFFF  }
0xad: {  	[dreg:$0x0] =	wrdreg $0x60  }
0xae: {  	[dreg:$0x2] =	wrdreg s24  }
0xaf: {  	[dreg:$0x3] =	wrdreg s2  }
0xb0: {  	[dreg:$0x4] =	wrdreg $0x30000  }
0xb1: {  	[dreg:$0x5] =	wrdreg $0x9  }
0xb2: {  	_ =	task.clear_ibuf [dreg:s7], $0x6FFFF;
	_ =	strace $0x90000046  }
0xb3: {  	s29 =	simm.s32 $0x9;
	_ =	strace $0x80000048  }
0xb4: {  	_ =	swait.ge [sflag:s29], $0x1  }
0xb5: {  	[sflag:s29] =	ssyncadd.s32 $0xFFFFFFFF  }
0xb6: {  	_ =	strace $0x90000048  }
0xb7: {  	_ =	sfence  }
0xb8: {  	s30 =	sld [smem:$0x0];
	_ =	sdelay $0x2  }
0xb9: {  	s31 =	sshll.u32 s1, $0xD;
	s1 =	sshrl.u32 s1, $0x2  }
0xba: {  	s3 =	sand.u32 $0x4000, s31;
	s1 =	sadd.s32 s1, s30  }
0xbb: {  	s0 =	sor.u32 s3, s0;
	s1 =	sshll.u32 s1, $0x11  }
0xbc: {  	s0 =	sor.u32 s1, s0  }
0xbd: {  	s0 =	sadd.s32 $0x8F2B, s0  }
0xbe: {  	[sflag:s0] =	ssyncadd.remote.s32 $0x1  }
0xbf: {  	_ =	sfence.sel $0xFFFF  }
0xc0: {  	[dreg:$0x0] =	wrdreg $0xFFFFFFFF;
	(pc) =	sbr.abs _section_cstart, $3  }
0xc1: {  	[dreg:$0x1] =	wrdreg $0xFFFFFFFF  }
0xc2: {  	_ =	task.clear_ibuf [dreg:s7], $0x2FFFF;
	_ =	strace $0x9FFFFFFF  }
0xc3: {  	(tm) =	ssettm $0x7FFFFFFF  }
tec
execute0_lowered:
.L_overlay_start_1:
0x0: {  	(tag) =	ssettag $0x1  }
0x1: {  	s1 =	rddreg [dreg:$0x0];
	s0 =	srdreg.scid  }
0x2: {  	s3 =	rddreg [dreg:$0x2];
	s4 =	simm.s32 $0x0;
	s6 =	sand.u32 $0x1, s0  }
0x3: {  	s18 =	simm.s32 $0x180;
	s0 =	stileid.u32;
	s5 =	smul.u32 $0xC4000, s6  }
0x4: {  	s19 =	simm.s32 $0x200;
	s25 =	simm.s32 $0x280;
	s7 =	smul.u32 $0xC400, s0  }
0x5: {  	s26 =	simm.s32 $0x300;
	s28 =	simm.s32 $0x380;
	s30 =	smul.u32 $0x19000, s6  }
0x6: {  	[smem:$0x7FF] =	sst s4;
	s11 =	smul.u32 $0xC800, s0;
	s6 =	ssub.s32 $0x2, s6  }
0x7: {  	s29 =	simm.s32 $0x0;
	_ =	strace $0x80000047;
	s31 =	sshrl.u32 s6, $0x1  }
0x8: {  	s5 =	sadd.s32 s7, s5;
	s13 =	sadd.s32 $0x2800, s11;
	s14 =	ssub.s32 s6, s31  }
0x9: {  	s6 =	sadd.s32 s11, s3;
	s15 =	sadd.s32 $0x5000, s11;
	s16 =	sadd.s32 $0x7800, s11  }
0xa: {  	s17 =	sadd.s32 $0xA000, s11;
	s20 =	sshrl.u32 s11, $0x3;
	s5 =	sshrl.u32 s5, $0x3  }
0xb: {  	s7 =	sadd.s32 s13, s3;
	s8 =	sadd.s32 s15, s3;
	s9 =	sadd.s32 s16, s3  }
0xc: {  	s10 =	sadd.s32 s17, s3;
	s21 =	sshrl.u32 s13, $0x3;
	s22 =	sshrl.u32 s15, $0x3  }
0xd: {  	s23 =	sshrl.u32 s16, $0x3;
	s24 =	sshrl.u32 s17, $0x3;
	s11 =	smax.u32 s14, $0x1  }
0xe: {  	s13 =	simm.s32 $0x400;
	s14 =	simm.s32 $0x1;
	s15 =	simm.s32 $0x800  }
0xf: {  	s12 =	sadd.s32 s5, s1;
	s5 =	sadd.s32 $0x1800, s1;
	s1 =	sadd.s32 s30, s1  }
0x10: {  	s16 =	simm.s32 $0x80;
	s17 =	simm.s32 $0x100;
	s1 =	sadd.s32 $0x32A00, s1  }
0x11: {  	s12 =	sadd.s32 $0x1A00, s12;
	s20 =	sadd.s32 s20, s1;
	s21 =	sadd.s32 s21, s1  }
0x12: {  	s22 =	sadd.s32 s22, s1;
	s23 =	sadd.s32 s23, s1;
	s24 =	sadd.s32 s24, s1  }
.LBB2_1:
0x13: {  	[tilespmem:s13], [sflag:$0x1] =	stream.linear.gather [hbm4b:s5+s4], $0x400, $0x38;
	[tilespmem:$0x9400] =	vst v63  }
0x14: {  	_ =	swait.ge [sflag:s14], $0x400  }
0x15: {  	[sflag:s14] =	ssyncset.done $0x0  }
0x16: {  	[sflag:s14] =	ssyncadd.s32 $0xFFFFFC00  }
0x17: {  	s1 =	rddreg [dreg:$0x1]  }
0x18: {  	[tilespmem:s15], [sflag:$0x1] =	stream.linear.gather [hbm4b:s1+s4], $0x2800, $0x38;
	[tilespmem:$0x9400] =	vst v63  }
0x19: {  	_ =	swait.ge [sflag:s14], $0x2800  }
0x1a: {  	[sflag:s14] =	ssyncset.done $0x0  }
0x1b: {  	[sflag:s14] =	ssyncadd.s32 $0xFFFFD800  }
0x1c: {  	[spmem:s6] =	stream.linear.scatter [tilespmem:s15], [sflag:$0x1], $0x2800, $0x38;
	[tilespmem:$0x9400] =	vst v63  }
0x1d: {  	_ =	swait.ge [sflag:s14], $0x2800  }
0x1e: {  	[sflag:s14] =	ssyncset.done $0x0  }
0x1f: {  	[sflag:s14] =	ssyncadd.s32 $0xFFFFD800  }
0x20: {  	[spmem:s7] =	stream.linear.scatter [tilespmem:s15], [sflag:$0x1], $0x2800, $0x38;
	[tilespmem:$0x9400] =	vst v63  }
0x21: {  	_ =	swait.ge [sflag:s14], $0x2800  }
0x22: {  	[sflag:s14] =	ssyncset.done $0x0  }
0x23: {  	[sflag:s14] =	ssyncadd.s32 $0xFFFFD800  }
0x24: {  	[spmem:s8] =	stream.linear.scatter [tilespmem:s15], [sflag:$0x1], $0x2800, $0x38;
	[tilespmem:$0x9400] =	vst v63  }
0x25: {  	_ =	swait.ge [sflag:s14], $0x2800  }
0x26: {  	[sflag:s14] =	ssyncset.done $0x0  }
0x27: {  	[sflag:s14] =	ssyncadd.s32 $0xFFFFD800  }
0x28: {  	[spmem:s9] =	stream.linear.scatter [tilespmem:s15], [sflag:$0x1], $0x2800, $0x38;
	[tilespmem:$0x9400] =	vst v63  }
0x29: {  	_ =	swait.ge [sflag:s14], $0x2800  }
0x2a: {  	[sflag:s14] =	ssyncset.done $0x0  }
0x2b: {  	[sflag:s14] =	ssyncadd.s32 $0xFFFFD800  }
0x2c: {  	[spmem:s10] =	stream.linear.scatter [tilespmem:s15], [sflag:$0x1], $0x2800, $0x38;
	[tilespmem:$0x9400] =	vst v63  }
0x2d: {  	_ =	swait.ge [sflag:s14], $0x2800  }
0x2e: {  	[sflag:s14] =	ssyncset.done $0x0  }
0x2f: {  	[sflag:s14] =	ssyncadd.s32 $0xFFFFD800  }
0x30: {  	s2 =	sadd.s32 $0x0, s12;
	[bflag:$0x0] =	sbarrier.arrive $0xFFFF  }
0x31: {  	[tilespmem:s4], [sflag:$0x1] =	stream.linear.gather [hbm4b:s2+s4], $0x400, $0x38;
	[tilespmem:$0x9400] =	vst v63  }
0x32: {  	_ =	swait.ge [sflag:s14], $0x400  }
0x33: {  	[sflag:s14] =	ssyncset.done $0x0  }
0x34: {  	[sflag:s14] =	ssyncadd.s32 $0xFFFFFC00  }
0x35: {  	[spmem:s3] =	stream.indirect.scatter.add.f32 [tilespmem:s13], [sflag:$0x1], $0x4, s4, s16, $0xb8;
	[tilespmem:$0x9400] =	vst v63  }
0x36: {  	_ =	swait.ge [sflag:s14], $0x200  }
0x37: {  	[sflag:s14] =	ssyncset.done $0x0  }
0x38: {  	[sflag:s14] =	ssyncadd.s32 $0xFFFFFE00  }
0x39: {  	[spmem:s3] =	stream.indirect.scatter.add.f32 [tilespmem:s13], [sflag:$0x1], $0x4, s16, s16, $0xb8;
	[tilespmem:$0x9400] =	vst v63  }
0x3a: {  	_ =	swait.ge [sflag:s14], $0x200  }
0x3b: {  	[sflag:s14] =	ssyncset.done $0x0  }
0x3c: {  	[sflag:s14] =	ssyncadd.s32 $0xFFFFFE00  }
0x3d: {  	[spmem:s3] =	stream.indirect.scatter.add.f32 [tilespmem:s13], [sflag:$0x1], $0x4, s17, s16, $0xb8;
	[tilespmem:$0x9400] =	vst v63  }
0x3e: {  	_ =	swait.ge [sflag:s14], $0x200  }
0x3f: {  	[sflag:s14] =	ssyncset.done $0x0  }
0x40: {  	[sflag:s14] =	ssyncadd.s32 $0xFFFFFE00  }
0x41: {  	[spmem:s3] =	stream.indirect.scatter.add.f32 [tilespmem:s13], [sflag:$0x1], $0x4, s18, s16, $0xb8;
	[tilespmem:$0x9400] =	vst v63  }
0x42: {  	_ =	swait.ge [sflag:s14], $0x200  }
0x43: {  	[sflag:s14] =	ssyncset.done $0x0  }
0x44: {  	[sflag:s14] =	ssyncadd.s32 $0xFFFFFE00  }
0x45: {  	[spmem:s3] =	stream.indirect.scatter.add.f32 [tilespmem:s13], [sflag:$0x1], $0x4, s19, s16, $0xb8;
	[tilespmem:$0x9400] =	vst v63  }
0x46: {  	_ =	swait.ge [sflag:s14], $0x200  }
0x47: {  	[sflag:s14] =	ssyncset.done $0x0  }
0x48: {  	[sflag:s14] =	ssyncadd.s32 $0xFFFFFE00  }
0x49: {  	[spmem:s3] =	stream.indirect.scatter.add.f32 [tilespmem:s13], [sflag:$0x1], $0x4, s25, s16, $0xb8;
	[tilespmem:$0x9400] =	vst v63  }
0x4a: {  	_ =	swait.ge [sflag:s14], $0x200  }
0x4b: {  	[sflag:s14] =	ssyncset.done $0x0  }
0x4c: {  	[sflag:s14] =	ssyncadd.s32 $0xFFFFFE00  }
0x4d: {  	[spmem:s3] =	stream.indirect.scatter.add.f32 [tilespmem:s13], [sflag:$0x1], $0x4, s26, s16, $0xb8;
	[tilespmem:$0x9400] =	vst v63  }
0x4e: {  	_ =	swait.ge [sflag:s14], $0x200  }
0x4f: {  	[sflag:s14] =	ssyncset.done $0x0  }
0x50: {  	[sflag:s14] =	ssyncadd.s32 $0xFFFFFE00  }
0x51: {  	[spmem:s3] =	stream.indirect.scatter.add.f32 [tilespmem:s13], [sflag:$0x1], $0x4, s28, s16, $0xb8;
	[tilespmem:$0x9400] =	vst v63  }
0x52: {  	_ =	swait.ge [sflag:s14], $0x200  }
0x53: {  	s30 =	simm.s32 $0x80;
	s31 =	simm.s32 $0x100;
	[sflag:s14] =	ssyncset.done $0x0  }
.LBB2_2:
0x54: {  	s2 =	sadd.s32 s30, s12  }
0x55: {  	[sflag:s14] =	ssyncadd.s32 $0xFFFFFE00;
	s30 =	smov.u32 s31;
	s1 =	sadd.s32 $0x80, s31  }
0x56: {  	[tilespmem:s4], [sflag:$0x1] =	stream.linear.gather [hbm4b:s2+s4], $0x400, $0x38;
	[tilespmem:$0x9400] =	vst v63  }
0x57: {  	p0 =	sne.s32 s31, $0x1800;
	_ =	swait.ge [sflag:s14], $0x400  }
0x58: {  	[sflag:s14] =	ssyncset.done $0x0  }
0x59: {  	[sflag:s14] =	ssyncadd.s32 $0xFFFFFC00  }
0x5a: {  	[spmem:s3] =	stream.indirect.scatter.add.f32 [tilespmem:s13], [sflag:$0x1], $0x4, s4, s16, $0xb8;
	[tilespmem:$0x9400] =	vst v63  }
0x5b: {  	_ =	swait.ge [sflag:s14], $0x200  }
0x5c: {  	[sflag:s14] =	ssyncset.done $0x0  }
0x5d: {  	[sflag:s14] =	ssyncadd.s32 $0xFFFFFE00  }
0x5e: {  	[spmem:s3] =	stream.indirect.scatter.add.f32 [tilespmem:s13], [sflag:$0x1], $0x4, s16, s16, $0xb8;
	[tilespmem:$0x9400] =	vst v63  }
0x5f: {  	_ =	swait.ge [sflag:s14], $0x200  }
0x60: {  	[sflag:s14] =	ssyncset.done $0x0  }
0x61: {  	[sflag:s14] =	ssyncadd.s32 $0xFFFFFE00  }
0x62: {  	[spmem:s3] =	stream.indirect.scatter.add.f32 [tilespmem:s13], [sflag:$0x1], $0x4, s17, s16, $0xb8;
	[tilespmem:$0x9400] =	vst v63  }
0x63: {  	_ =	swait.ge [sflag:s14], $0x200  }
0x64: {  	[sflag:s14] =	ssyncset.done $0x0  }
0x65: {  	[sflag:s14] =	ssyncadd.s32 $0xFFFFFE00  }
0x66: {  	[spmem:s3] =	stream.indirect.scatter.add.f32 [tilespmem:s13], [sflag:$0x1], $0x4, s18, s16, $0xb8;
	[tilespmem:$0x9400] =	vst v63  }
0x67: {  	_ =	swait.ge [sflag:s14], $0x200  }
0x68: {  	[sflag:s14] =	ssyncset.done $0x0  }
0x69: {  	[sflag:s14] =	ssyncadd.s32 $0xFFFFFE00  }
0x6a: {  	[spmem:s3] =	stream.indirect.scatter.add.f32 [tilespmem:s13], [sflag:$0x1], $0x4, s19, s16, $0xb8;
	[tilespmem:$0x9400] =	vst v63  }
0x6b: {  	_ =	swait.ge [sflag:s14], $0x200  }
0x6c: {  	[sflag:s14] =	ssyncset.done $0x0  }
0x6d: {  	[sflag:s14] =	ssyncadd.s32 $0xFFFFFE00  }
0x6e: {  	[spmem:s3] =	stream.indirect.scatter.add.f32 [tilespmem:s13], [sflag:$0x1], $0x4, s25, s16, $0xb8;
	[tilespmem:$0x9400] =	vst v63  }
0x6f: {  	_ =	swait.ge [sflag:s14], $0x200  }
0x70: {  	[sflag:s14] =	ssyncset.done $0x0  }
0x71: {  	[sflag:s14] =	ssyncadd.s32 $0xFFFFFE00  }
0x72: {  	[spmem:s3] =	stream.indirect.scatter.add.f32 [tilespmem:s13], [sflag:$0x1], $0x4, s26, s16, $0xb8;
	[tilespmem:$0x9400] =	vst v63  }
0x73: {  	_ =	swait.ge [sflag:s14], $0x200  }
.Ltmp0:
0x74: {  	[sflag:s14] =	ssyncset.done $0x0;
	(pc) =	sbr.rel @p0 .LBB2_2-.Ltmp0, $4  }
0x75: {  	[sflag:s14] =	ssyncadd.s32 $0xFFFFFE00  }
0x76: {  	[spmem:s3] =	stream.indirect.scatter.add.f32 [tilespmem:s13], [sflag:$0x1], $0x4, s28, s16, $0xb8;
	[tilespmem:$0x9400] =	vst v63  }
0x77: {  	_ =	swait.ge [sflag:s14], $0x200  }
0x78: {  	s31 =	smov.u32 s1;
	[sflag:s14] =	ssyncset.done $0x0  }
0x79: {  	s1 =	sadd.s32 s30, s12;
	[sflag:s14] =	ssyncadd.s32 $0xFFFFFE00  }
0x7a: {  	[tilespmem:s4], [sflag:$0x1] =	stream.linear.gather [hbm4b:s1+s4], $0x400, $0x38;
	[tilespmem:$0x9400] =	vst v63  }
0x7b: {  	_ =	swait.ge [sflag:s14], $0x400  }
0x7c: {  	[sflag:s14] =	ssyncset.done $0x0  }
0x7d: {  	[sflag:s14] =	ssyncadd.s32 $0xFFFFFC00  }
0x7e: {  	[spmem:s3] =	stream.indirect.scatter.add.f32 [tilespmem:s13], [sflag:$0x1], $0x4, s4, s16, $0xb8;
	[tilespmem:$0x9400] =	vst v63  }
0x7f: {  	_ =	swait.ge [sflag:s14], $0x200  }
0x80: {  	[sflag:s14] =	ssyncset.done $0x0  }
0x81: {  	[sflag:s14] =	ssyncadd.s32 $0xFFFFFE00  }
0x82: {  	[spmem:s3] =	stream.indirect.scatter.add.f32 [tilespmem:s13], [sflag:$0x1], $0x4, s16, s16, $0xb8;
	[tilespmem:$0x9400] =	vst v63  }
0x83: {  	_ =	swait.ge [sflag:s14], $0x200  }
0x84: {  	[sflag:s14] =	ssyncset.done $0x0  }
0x85: {  	[sflag:s14] =	ssyncadd.s32 $0xFFFFFE00  }
0x86: {  	[spmem:s3] =	stream.indirect.scatter.add.f32 [tilespmem:s13], [sflag:$0x1], $0x4, s17, s16, $0xb8;
	[tilespmem:$0x9400] =	vst v63  }
0x87: {  	_ =	swait.ge [sflag:s14], $0x200  }
0x88: {  	[sflag:s14] =	ssyncset.done $0x0  }
0x89: {  	[sflag:s14] =	ssyncadd.s32 $0xFFFFFE00  }
0x8a: {  	[spmem:s3] =	stream.indirect.scatter.add.f32 [tilespmem:s13], [sflag:$0x1], $0x4, s18, s16, $0xb8;
	[tilespmem:$0x9400] =	vst v63  }
0x8b: {  	_ =	swait.ge [sflag:s14], $0x200  }
0x8c: {  	[sflag:s14] =	ssyncset.done $0x0  }
0x8d: {  	[sflag:s14] =	ssyncadd.s32 $0xFFFFFE00  }
0x8e: {  	[spmem:s3] =	stream.indirect.scatter.add.f32 [tilespmem:s13], [sflag:$0x1], $0x4, s19, s16, $0xb8;
	[tilespmem:$0x9400] =	vst v63  }
0x8f: {  	_ =	swait.ge [sflag:s14], $0x200  }
0x90: {  	[sflag:s14] =	ssyncset.done $0x0  }
0x91: {  	[sflag:s14] =	ssyncadd.s32 $0xFFFFFE00  }
0x92: {  	[spmem:s3] =	stream.indirect.scatter.add.f32 [tilespmem:s13], [sflag:$0x1], $0x4, s25, s16, $0xb8;
	[tilespmem:$0x9400] =	vst v63  }
0x93: {  	_ =	swait.ge [sflag:s14], $0x200  }
0x94: {  	[sflag:s14] =	ssyncset.done $0x0  }
0x95: {  	[sflag:s14] =	ssyncadd.s32 $0xFFFFFE00  }
0x96: {  	[spmem:s3] =	stream.indirect.scatter.add.f32 [tilespmem:s13], [sflag:$0x1], $0x4, s26, s16, $0xb8;
	[tilespmem:$0x9400] =	vst v63  }
0x97: {  	_ =	swait.ge [sflag:s14], $0x200  }
0x98: {  	[sflag:s14] =	ssyncset.done $0x0  }
0x99: {  	[sflag:s14] =	ssyncadd.s32 $0xFFFFFE00  }
0x9a: {  	[spmem:s3] =	stream.indirect.scatter.add.f32 [tilespmem:s13], [sflag:$0x1], $0x4, s28, s16, $0xb8;
	[tilespmem:$0x9400] =	vst v63  }
0x9b: {  	_ =	swait.ge [sflag:s14], $0x200  }
0x9c: {  	[sflag:s14] =	ssyncset.done $0x0  }
0x9d: {  	s2 =	sshll.u32 s0, $0x6;
	[sflag:s14] =	ssyncadd.s32 $0xFFFFFE00  }
0x9e: {  	s1 =	sor.u32 $0x1C01, s2;
	s2 =	sshrl.u32 s6, $0x3;
	[bflag:$0x0] =	sbarrier.arrive $0xFFFF  }
0x9f: {  	[hbm:s20], [sflag:s1] =	dma.local [spmem:s2], $0x500  }
0xa0: {  	_ =	swait.ge [sflag:s14], $0x500  }
0xa1: {  	[sflag:s14] =	ssyncset.done $0x0  }
0xa2: {  	s30 =	sshrl.u32 s7, $0x3;
	[sflag:s14] =	ssyncadd.s32 $0xFFFFFB00  }
0xa3: {  	[hbm:s21], [sflag:s1] =	dma.local [spmem:s30], $0x500  }
0xa4: {  	_ =	swait.ge [sflag:s14], $0x500  }
0xa5: {  	[sflag:s14] =	ssyncset.done $0x0  }
0xa6: {  	s31 =	sshrl.u32 s8, $0x3;
	[sflag:s14] =	ssyncadd.s32 $0xFFFFFB00  }
0xa7: {  	[hbm:s22], [sflag:s1] =	dma.local [spmem:s31], $0x500  }
0xa8: {  	_ =	swait.ge [sflag:s14], $0x500  }
0xa9: {  	[sflag:s14] =	ssyncset.done $0x0  }
0xaa: {  	s30 =	sshrl.u32 s9, $0x3;
	[sflag:s14] =	ssyncadd.s32 $0xFFFFFB00  }
0xab: {  	[hbm:s23], [sflag:s1] =	dma.local [spmem:s30], $0x500  }
0xac: {  	s29 =	sadd.s32 $0x1, s29;
	_ =	swait.ge [sflag:s14], $0x500  }
0xad: {  	p0 =	sne.s32 s29, s11;
	[sflag:s14] =	ssyncset.done $0x0  }
.Ltmp1:
0xae: {  	s31 =	sshrl.u32 s10, $0x3;
	[sflag:s14] =	ssyncadd.s32 $0xFFFFFB00;
	(pc) =	sbr.rel @p0 .LBB2_1-.Ltmp1, $4  }
0xaf: {  	[hbm:s24], [sflag:s1] =	dma.local [spmem:s31], $0x500  }
0xb0: {  	_ =	swait.ge [sflag:s14], $0x500  }
0xb1: {  	[sflag:s14] =	ssyncset.done $0x0  }
0xb2: {  	[sflag:s14] =	ssyncadd.s32 $0xFFFFFB00  }
0xb3: {  	_ =	sfence.sel $0x180000  }
0xb4: {  	[bflag:$0x0] =	sbarrier.arrive $0xFFFF  }
0xb5: {  	_ =	strace $0x90000047  }
0xb6: {  	[bflag:$0x2] =	sbarrier.arrive $0xFFFF  }
0xb7: {  	p0 =	sne.s32 s0, $0x0;
	s0 =	rddreg [dreg:$0x3]  }
0xb8: {  	s0 =	sadd.s32 @!p0 $0x100000, s0  }
0xb9: {  	[sflag:s0] =	ssyncadd.tile.s32 @!p0 $0x1;
	_ =	shalt  }
.Lfunc_end2:
_tile_overlayer_lowered:
.L_overlay_start_2:
0xba: {  	(tag) =	ssettag $0x2  }
0xbb: {  	s0 =	rddreg [dreg:$0x0];
	s2 =	stileid.u32  }
0xbc: {  	s1 =	rddreg [dreg:$0x1];
	p0 =	sne.s32 s2, $0x0  }
0xbd: {  	s3 =	rddreg [dreg:$0x2];
	[bflag:$0x3] =	sbarrier.arrive $0xFFFF;
	s2 =	simm.s32 @!p0 $0x1C01  }
0xbe: {  	[timem:s3], [sflag:s2] =	dma.local @!p0 [hbm:s0], s1  }
0xbf: {  	s0 =	simm.s32 @!p0 $0x1  }
0xc0: {  	_ =	swait.ge @!p0 [sflag:s0], s1  }
0xc1: {  	s1 =	ssub.s32 @!p0 $0x0, s1;
	[sflag:s0] =	ssyncset.done @!p0 $0x0  }
0xc2: {  	[sflag:s0] =	ssyncadd.s32 @!p0 s1  }
0xc3: {  	[bflag:$0x3] =	sbarrier.arrive $0xFFFF  }
0xc4: {  	_ =	shalt  }

// kernel: kernel.13.cloned.1.call-start
scs
__scs_entry_jumppad:
0x0: {  	(pc) =	sbr.rel $0x88, $3  }
0x1: {  	(tag) =	ssettag $0x0;
	lr =	simm.s32 $0x1  }
0x2: {  	[smem:$0x3F99] =	sst lr;
	_ =	strace $0xD0000000  }
0x3: {  	_ = 	snop  }
0x4: {  	_ = 	snop  }
0x5: {  	_ = 	snop  }
0x6: {  	_ = 	snop  }
0x7: {  	_ = 	snop  }
__scs_overlays_trampoline_lowered:
0x8: {  	[smem:$0x3FA8] =	sst s0  }
0x9: {  	[smem:$0x3FA9] =	sst s1  }
0xa: {  	[smem:$0x3FAA] =	sst s2  }
0xb: {  	[smem:$0x3FAB] =	sst s3  }
0xc: {  	[smem:$0x3FAC] =	sst s4  }
0xd: {  	[smem:$0x3FAD] =	sst s5  }
0xe: {  	[smem:$0x3FAE] =	sst s6  }
0xf: {  	[smem:$0x3FAF] =	sst s7  }
0x10: {  	[smem:$0x3FB0] =	sst s8  }
0x11: {  	[smem:$0x3FB1] =	sst s9;
	s0 =	simm.s32 @!p0 $0x0  }
0x12: {  	s1 =	sld [smem:$0x3F97];
	s0 =	simm.s32 @p0 $0x1  }
0x13: {  	[smem:$0x3FB2] =	sst s0;
	s0 =	simm.s32 @!p1 $0x0  }
0x14: {  	s2 =	sld [smem:$0x3F96];
	s0 =	simm.s32 @p1 $0x1  }
0x15: {  	[smem:$0x3FB3] =	sst s0;
	s0 =	simm.s32 @!p2 $0x0  }
0x16: {  	s3 =	sld [smem:$0x3FDB];
	s0 =	simm.s32 @p2 $0x1  }
0x17: {  	s4 =	simm.s32 $0x1BF5;
	[smem:$0x3FB5] =	sst s0  }
0x18: {  	s0 =	sld [smem:$0x3F98];
	_ =	swait.ge [sflag:s4], $0x0  }
0x19: {  	s7 =	sld [smem:$0x3F99]  }
0x1a: {  	s8 =	sadd.s32 $0xFFFFE003, lr  }
0x1b: {  	s9 =	sadd.s32 $0xFFFFFEF7, lr;
	s5 =	simm.s32 $0xFFFFFFFF;
	p2 =	slt.u32 s8, $0xFFFFF086  }
0x1c: {  	p1 =	slt.u32 s9, $0xF7A;
	s5 =	simm.s32 @!p2 $0x0  }
0x1d: {  	s5 =	simm.s32 @p1 $0x1;
	p0 =	seq.s32 s7, s2  }
0x1e: {  	s7 =	smul.u32 @!p0 $0xF7A, s2;
	p2 =	seq.s32 @!p0 s5, $0x0  }
0x1f: {  	s9 =	smul.u32 $0xF7A, s1;
	s8 =	simm.s32 @!p0 $0x1BF5;
	p2 =	por !p2, p0  }
0x20: {  	[sflag:s8] =	ssyncset.s32 @!p0 $0xFFFFF086;
	s6 =	sadd.s32 @!p0 s3, s7;
	s7 =	simm.s32 @!p0 $0x108  }
0x21: {  	s3 =	sadd.s32 s3, s9;
	s6 =	sadd.s32 @!p0 $0x88, s6;
	s7 =	simm.s32 @p2 $0x1082  }
0x22: {  	[simem:s7], [sflag:s8] =	dma.local @!p0 [hbm:s6], $0xF7A  }
0x23: {  	s9 =	sor.u32 $0xD0000000, s2;
	s6 =	simm.s32 $0x108;
	_ =	swait.ge @!p0 [sflag:s8], $0x0  }
0x24: {  	s3 =	sadd.s32 $0x88, s3;
	s6 =	simm.s32 @!p1 $0x1082;
	[sflag:s4] =	ssyncset.s32 $0xFFFFF086  }
0x25: {  	[simem:s6], [sflag:s4] =	dma.local [hbm:s3], $0xF7A  }
0x26: {  	[smem:$0x3F99] =	sst s1;
	(tag) =	ssettag s2;
	_ =	strace s9  }
0x27: {  	s1 =	sld [smem:$0x3FA9]  }
0x28: {  	s2 =	sld [smem:$0x3FAA]  }
0x29: {  	s4 =	sld [smem:$0x3FAC]  }
0x2a: {  	p0 =	seq.s32 s5, $0x0;
	s5 =	sld [smem:$0x3FAD]  }
0x2b: {  	s6 =	sld [smem:$0x3FAE]  }
0x2c: {  	s7 =	sld [smem:$0x3FAF]  }
0x2d: {  	s3 =	simm.s32 $0x108;
	s8 =	sld [smem:$0x3FB0]  }
0x2e: {  	s3 =	simm.s32 @!p0 $0x1082;
	s9 =	sld [smem:$0x3FB1]  }
0x2f: {  	lr =	sadd.s32 s0, s3;
	s0 =	sld [smem:$0x3FA8]  }
0x30: {  	s3 =	sld [smem:$0x3FAB]  }
0x31: {  	[smem:$0x3FB4] =	sst s10  }
0x32: {  	s10 =	sld [smem:$0x3FB2];
	_ =	sdelay $0x3  }
0x33: {  	p0 =	seq.s32 s10, $0x1;
	s10 =	sld [smem:$0x3FB4];
	_ =	sdelay $0x3  }
0x34: {  	[smem:$0x3FB4] =	sst s10  }
0x35: {  	s10 =	sld [smem:$0x3FB3];
	_ =	sdelay $0x3  }
0x36: {  	p1 =	seq.s32 s10, $0x1;
	s10 =	sld [smem:$0x3FB4];
	_ =	sdelay $0x3  }
0x37: {  	[smem:$0x3FB4] =	sst s10  }
0x38: {  	s10 =	sld [smem:$0x3FB5]  }
0x39: {  	_ = 	snop;
	(pc) =	sbr.ind lr, $3  }
0x3a: {  	_ = 	snop  }
0x3b: {  	_ = 	snop  }
0x3c: {  	p2 =	seq.s32 s10, $0x1;
	s10 =	sld [smem:$0x3FB4]  }
0x3d: {  	_ =	shalt  }
0x3e: {  	_ =	shalt  }
0x3f: {  	_ =	shalt  }
0x40: {  	_ =	shalt  }
0x41: {  	_ =	shalt  }
0x42: {  	_ =	shalt  }
0x43: {  	_ =	shalt  }
0x44: {  	_ =	shalt  }
0x45: {  	_ =	shalt  }
0x46: {  	_ =	shalt  }
0x47: {  	_ =	shalt  }
0x48: {  	_ =	shalt  }
0x49: {  	_ =	shalt  }
0x4a: {  	_ =	shalt  }
0x4b: {  	_ =	shalt  }
0x4c: {  	_ =	shalt  }
0x4d: {  	_ =	shalt  }
0x4e: {  	_ =	shalt  }
0x4f: {  	_ =	shalt  }
0x50: {  	_ =	shalt  }
0x51: {  	_ =	shalt  }
0x52: {  	_ =	shalt  }
0x53: {  	_ =	shalt  }
0x54: {  	_ =	shalt  }
0x55: {  	_ =	shalt  }
0x56: {  	_ =	shalt  }
0x57: {  	_ =	shalt  }
0x58: {  	_ =	shalt  }
0x59: {  	_ =	shalt  }
0x5a: {  	_ =	shalt  }
0x5b: {  	_ =	shalt  }
0x5c: {  	_ =	shalt  }
0x5d: {  	_ =	shalt  }
0x5e: {  	_ =	shalt  }
0x5f: {  	_ =	shalt  }
0x60: {  	_ =	shalt  }
0x61: {  	_ =	shalt  }
0x62: {  	_ =	shalt  }
0x63: {  	_ =	shalt  }
0x64: {  	_ =	shalt  }
0x65: {  	_ =	shalt  }
0x66: {  	_ =	shalt  }
0x67: {  	_ =	shalt  }
0x68: {  	_ =	shalt  }
0x69: {  	_ =	shalt  }
0x6a: {  	_ =	shalt  }
0x6b: {  	_ =	shalt  }
0x6c: {  	_ =	shalt  }
0x6d: {  	_ =	shalt  }
0x6e: {  	_ =	shalt  }
0x6f: {  	_ =	shalt  }
0x70: {  	_ =	shalt  }
0x71: {  	_ =	shalt  }
0x72: {  	_ =	shalt  }
0x73: {  	_ =	shalt  }
0x74: {  	_ =	shalt  }
0x75: {  	_ =	shalt  }
0x76: {  	_ =	shalt  }
0x77: {  	_ =	shalt  }
0x78: {  	_ =	shalt  }
0x79: {  	_ =	shalt  }
0x7a: {  	_ =	shalt  }
0x7b: {  	_ =	shalt  }
0x7c: {  	_ =	shalt  }
0x7d: {  	_ =	shalt  }
0x7e: {  	_ =	shalt  }
0x7f: {  	_ =	shalt  }
0x80: {  	_ =	shalt  }
0x81: {  	_ =	shalt  }
0x82: {  	_ =	shalt  }
0x83: {  	_ =	shalt  }
0x84: {  	_ =	shalt  }
0x85: {  	_ =	shalt  }
0x86: {  	_ =	shalt  }
0x87: {  	_ =	shalt  }
.Lfunc_end0:
.L_simem_size_0:
called_computation.1_lowered:
.L_overlay_start_0:
0x88: {  	s2 =	sld [smem:$0x3FD9]  }
0x89: {  	s3 =	sld [smem:$0x3FFE];
	_ =	sdelay $0x1  }
0x8a: {  	s1 =	srdreg.scid  }
0x8b: {  	s0 =	sand.u32 $0x1, s1  }
0x8c: {  	s17 =	sshll.u32 s0, $0xA;
	s2 =	sadd.s32 s3, s2  }
0x8d: {  	s2 =	sadd.s32 s2, s17  }
0x8e: {  	[smem:$0x3FC0] =	sst s2  }
0x8f: {  	_ = 	snop  }
0x90: {  	s2 =	sld [smem:$0x3FD0];
	(tm) =	ssettm $0x1  }
0x91: {  	s18 =	sld [smem:$0x3FFB];
	_ =	sdelay $0x3  }
0x92: {  	_ =	strace s18  }
0x93: {  	s3 =	sld [smem:$0x3FFC];
	_ =	sdelay $0x3  }
0x94: {  	_ =	strace s3  }
0x95: {  	s3 =	sld [smem:$0x3FFD];
	_ =	sdelay $0x3  }
0x96: {  	_ =	strace s3  }
0x97: {  	_ =	strace $0x8FFFFFFF  }
0x98: {  	s19 =	sld [smem:$0x3FDB];
	_ =	sdelay $0x1  }
0x99: {  	s4 =	simm.s32 $_scs_section_size  }
0x9a: {  	s5 =	simm.s32 $_size__tile_overlayer_lowered;
	s6 =	simm.s32 $_tile_overlayer_lowered  }
0x9b: {  	s22 =	simm.s32 $0x1BFF;
	s21 =	sshll.u32 s6, $0x1;
	s3 =	sadd.s32 s4, s19  }
0x9c: {  	s7 =	simm.s32 $0x0;
	s20 =	sshll.u32 s5, $0x1;
	s5 =	sadd.s32 s21, s3  }
0x9d: {  	[timem:s7], [sflag:s22] =	dma.local [hbm:s5], s20  }
0x9e: {  	_ =	swait.ge [sflag:s22], s20  }
0x9f: {  	s4 =	ssub.s32 $0x0, s20;
	[sflag:s22] =	ssyncset.done $0x0  }
0xa0: {  	[sflag:s22] =	ssyncadd.s32 s4;
	_ =	sdelay $0x1  }
0xa1: {  	s23 =	simm.s32 $0x1B8B  }
0xa2: {  	_ =	swait.ge [sflag:s23], $0x1  }
0xa3: {  	[sflag:s23] =	ssyncset.done $0x0  }
0xa4: {  	s25 =	simm.s32 $0x1B8E;
	s24 =	sld [smem:$0x3FFE];
	[sflag:s23] =	ssyncadd.s32 $0xFFFFFFFF  }
0xa5: {  	s26 =	simm.s32 $execute0_lowered;
	[smem:$0x3FD2] =	sst s25  }
0xa6: {  	s5 =	sshll.u32 s26, $0x1;
	_ =	strace $0x80000049;
	[dreg:$0x1] =	wrdreg $0xFFFFFFFF  }
0xa7: {  	s28 =	simm.s32 $_size_execute0_lowered;
	s3 =	sadd.s32 s3, s5;
	[dreg:$0x0] =	wrdreg $0x0  }
0xa8: {  	s5 =	sshll.u32 s28, $0x1;
	[dreg:$0x2] =	wrdreg s3  }
0xa9: {  	[dreg:$0x3] =	wrdreg s5  }
0xaa: {  	[dreg:$0x4] =	wrdreg $0xC0  }
0xab: {  	_ =	task [dreg:s7], $0x5FFFF  }
0xac: {  	[dreg:$0x1] =	wrdreg $0xFFFFFFFF  }
0xad: {  	[dreg:$0x0] =	wrdreg $0x60  }
0xae: {  	[dreg:$0x2] =	wrdreg s24  }
0xaf: {  	[dreg:$0x3] =	wrdreg s2  }
0xb0: {  	[dreg:$0x4] =	wrdreg $0xB4000  }
0xb1: {  	[dreg:$0x5] =	wrdreg $0x9  }
0xb2: {  	_ =	task.clear_ibuf [dreg:s7], $0x6FFFF;
	_ =	strace $0x90000049  }
0xb3: {  	s29 =	simm.s32 $0x9;
	_ =	strace $0x8000004B  }
0xb4: {  	_ =	swait.ge [sflag:s29], $0x1  }
0xb5: {  	[sflag:s29] =	ssyncadd.s32 $0xFFFFFFFF  }
0xb6: {  	_ =	strace $0x9000004B  }
0xb7: {  	_ =	sfence  }
0xb8: {  	s30 =	sld [smem:$0x0];
	_ =	sdelay $0x2  }
0xb9: {  	s31 =	sshll.u32 s1, $0xD;
	s1 =	sshrl.u32 s1, $0x2  }
0xba: {  	s3 =	sand.u32 $0x4000, s31;
	s1 =	sadd.s32 s1, s30  }
0xbb: {  	s0 =	sor.u32 s3, s0;
	s1 =	sshll.u32 s1, $0x11  }
0xbc: {  	s0 =	sor.u32 s1, s0  }
0xbd: {  	s0 =	sadd.s32 $0x8F2B, s0  }
0xbe: {  	[sflag:s0] =	ssyncadd.remote.s32 $0x1  }
0xbf: {  	_ =	sfence.sel $0xFFFF  }
0xc0: {  	[dreg:$0x0] =	wrdreg $0xFFFFFFFF;
	(pc) =	sbr.abs _section_cstart, $3  }
0xc1: {  	[dreg:$0x1] =	wrdreg $0xFFFFFFFF  }
0xc2: {  	_ =	task.clear_ibuf [dreg:s7], $0x2FFFF;
	_ =	strace $0x9FFFFFFF  }
0xc3: {  	(tm) =	ssettm $0x7FFFFFFF  }
tec
execute0_lowered:
.L_overlay_start_1:
0x0: {  	(tag) =	ssettag $0x1  }
0x1: {  	s0 =	rddreg [dreg:$0x0]  }
0x2: {  	s2 =	rddreg [dreg:$0x2];
	s3 =	simm.s32 $0x0;
	s1 =	srdreg.scid  }
0x3: {  	s19 =	stileid.u32;
	s28 =	simm.s32 $0x5;
	s29 =	simm.s32 $0xE00  }
0x4: {  	s30 =	simm.s32 $0x4;
	s31 =	simm.s32 $0x700;
	[smem:$0x7FF] =	sst s3  }
0x5: {  	s4 =	sadd.s32 $0x32A00, s0;
	s6 =	sadd.s32 $0x64A00, s0;
	s13 =	smul.u32 $0xC800, s19  }
0x6: {  	s7 =	sadd.s32 $0x1A00, s0;
	s1 =	sand.u32 $0x1, s1;
	s22 =	smul.u32 $0xC400, s19  }
0x7: {  	_ =	strace $0x8000004A;
	s5 =	smul.u32 $0x19000, s1;
	s8 =	ssub.s32 $0x2, s1  }
0x8: {  	s10 =	sshll.u32 s1, $0x4;
	s1 =	smul.u32 $0xC4000, s1;
	s9 =	sshrl.u32 s8, $0x1  }
0x9: {  	s25 =	sor.u32 s19, s10;
	s14 =	sadd.s32 $0x2800, s13;
	s15 =	sadd.s32 $0x5000, s13  }
0xa: {  	s16 =	sadd.s32 $0x7800, s13;
	s17 =	sadd.s32 $0xA000, s13;
	s0 =	sadd.s32 s5, s0  }
0xb: {  	s24 =	ssub.s32 s8, s9;
	s11 =	smul.u32 $0xC400, s25;
	s8 =	sadd.s32 s13, s2  }
0xc: {  	s9 =	sadd.s32 s14, s2;
	s10 =	sadd.s32 s15, s2;
	s12 =	sadd.s32 s17, s2  }
0xd: {  	s13 =	sshrl.u32 s13, $0x3;
	s14 =	sshrl.u32 s14, $0x3;
	s15 =	sshrl.u32 s15, $0x3  }
0xe: {  	s1 =	sadd.s32 s22, s1;
	s17 =	sshrl.u32 s17, $0x3;
	s0 =	sadd.s32 $0x95A00, s0  }
0xf: {  	s5 =	smax.u32 s24, $0x1;
	s23 =	sadd.s32 $0x1500, s1;
	s18 =	sshrl.u32 s11, $0x3  }
0x10: {  	s11 =	sadd.s32 s16, s2;
	s16 =	sshrl.u32 s16, $0x3;
	[dreg:$0x8] =	wrdreg s5  }
0x11: {  	s5 =	sshrl.u32 s23, $0x3;
	s13 =	sadd.s32 s13, s0;
	s24 =	sadd.s32 s14, s0  }
0x12: {  	s25 =	sadd.s32 s15, s0;
	s22 =	sadd.s32 s17, s0;
	[dreg:$0x9] =	wrdreg s13  }
0x13: {  	s14 =	simm.s32 $0x3;
	s15 =	simm.s32 $0x2;
	[dreg:$0xa] =	wrdreg s24  }
0x14: {  	s20 =	sadd.s32 s6, s18;
	s26 =	sadd.s32 s7, s18;
	[dreg:$0xb] =	wrdreg s25  }
0x15: {  	s18 =	sadd.s32 $0xE0, s18;
	s23 =	sadd.s32 s5, s7;
	[dreg:$0x4] =	wrdreg s20  }
0x16: {  	s24 =	sadd.s32 s5, s6;
	[dreg:$0x5] =	wrdreg s26;
	s21 =	sadd.s32 s6, s18  }
0x17: {  	s5 =	simm.s32 $0x5400;
	s18 =	sadd.s32 s7, s18;
	[dreg:$0x6] =	wrdreg s21  }
0x18: {  	s13 =	simm.s32 $0x1;
	s26 =	sadd.s32 s16, s0;
	[dreg:$0x7] =	wrdreg s18  }
0x19: {  	s0 =	simm.s32 $0x1C00;
	s16 =	simm.s32 $0x0;
	[dreg:$0xc] =	wrdreg s26  }
0x1a: {  	s18 =	sadd.s32 $0xE00, s1;
	s26 =	simm.s32 $0x8C00;
	s1 =	simm.s32 $0x1500  }
.LBB2_1:
0x1b: {  	s17 =	rddreg [dreg:$0x1]  }
0x1c: {  	[tilespmem:s26], [sflag:$0x5] =	stream.linear.gather [hbm4b:s17+s3], $0x2800, $0x38;
	[tilespmem:$0x17C00] =	vst v63  }
0x1d: {  	_ =	swait.ge [sflag:s28], $0x2800  }
0x1e: {  	[sflag:s28] =	ssyncset.done $0x0  }
0x1f: {  	[sflag:s28] =	ssyncadd.s32 $0xFFFFD800  }
0x20: {  	[spmem:s8] =	stream.linear.scatter [tilespmem:s26], [sflag:$0x5], $0x2800, $0x38;
	[tilespmem:$0x17C00] =	vst v63  }
0x21: {  	_ =	swait.ge [sflag:s28], $0x2800  }
0x22: {  	[sflag:s28] =	ssyncset.done $0x0  }
0x23: {  	[sflag:s28] =	ssyncadd.s32 $0xFFFFD800  }
0x24: {  	[spmem:s9] =	stream.linear.scatter [tilespmem:s26], [sflag:$0x5], $0x2800, $0x38;
	[tilespmem:$0x17C00] =	vst v63  }
0x25: {  	_ =	swait.ge [sflag:s28], $0x2800  }
0x26: {  	[sflag:s28] =	ssyncset.done $0x0  }
0x27: {  	[sflag:s28] =	ssyncadd.s32 $0xFFFFD800  }
0x28: {  	[spmem:s10] =	stream.linear.scatter [tilespmem:s26], [sflag:$0x5], $0x2800, $0x38;
	[tilespmem:$0x17C00] =	vst v63  }
0x29: {  	_ =	swait.ge [sflag:s28], $0x2800  }
0x2a: {  	[sflag:s28] =	ssyncset.done $0x0  }
0x2b: {  	[sflag:s28] =	ssyncadd.s32 $0xFFFFD800  }
0x2c: {  	[spmem:s11] =	stream.linear.scatter [tilespmem:s26], [sflag:$0x5], $0x2800, $0x38;
	[tilespmem:$0x17C00] =	vst v63  }
0x2d: {  	_ =	swait.ge [sflag:s28], $0x2800  }
0x2e: {  	[sflag:s28] =	ssyncset.done $0x0  }
0x2f: {  	[sflag:s28] =	ssyncadd.s32 $0xFFFFD800  }
0x30: {  	[spmem:s12] =	stream.linear.scatter [tilespmem:s26], [sflag:$0x5], $0x2800, $0x38;
	[tilespmem:$0x17C00] =	vst v63  }
0x31: {  	_ =	swait.ge [sflag:s28], $0x2800  }
0x32: {  	[sflag:s28] =	ssyncset.done $0x0  }
0x33: {  	[sflag:s28] =	ssyncadd.s32 $0xFFFFD800  }
0x34: {  	[bflag:$0x0] =	sbarrier.arrive $0xFFFF  }
0x35: {  	s20 =	rddreg [dreg:$0x4]  }
0x36: {  	[tilespmem:s3], [sflag:$0x4] =	stream.linear.gather [hbm4b:s20+s3], $0x700, $0x38;
	[tilespmem:$0x17C00] =	vst v63  }
0x37: {  	s21 =	rddreg [dreg:$0x5]  }
0x38: {  	[tilespmem:s29], [sflag:$0x4] =	stream.linear.gather [hbm4b:s21+s3], $0x700, $0x38;
	[tilespmem:$0x17C00] =	vst v63  }
0x39: {  	_ =	swait.ge [sflag:s30], $0x700  }
0x3a: {  	[sflag:s30] =	ssyncset.done $0x0  }
0x3b: {  	[sflag:s30] =	ssyncadd.s32 $0xFFFFF900  }
0x3c: {  	_ =	swait.ge [sflag:s30], $0x700  }
0x3d: {  	[sflag:s30] =	ssyncset.done $0x0  }
0x3e: {  	[sflag:s30] =	ssyncadd.s32 $0xFFFFF900  }
0x3f: {  	[tilespmem:s0], [sflag:$0x1] =	stream.indirect.gather [hbm4b:s4+s31], $0x8, s3, s31, $0xb8;
	[tilespmem:$0x17C00] =	vst v63  }
0x40: {  	s25 =	rddreg [dreg:$0x6]  }
0x41: {  	[tilespmem:s31], [sflag:$0x4] =	stream.linear.gather [hbm4b:s25+s3], $0x700, $0x38;
	[tilespmem:$0x17C00] =	vst v63  }
0x42: {  	s19 =	rddreg [dreg:$0x7]  }
0x43: {  	[tilespmem:s1], [sflag:$0x4] =	stream.linear.gather [hbm4b:s19+s3], $0x700, $0x38;
	[tilespmem:$0x17C00] =	vst v63  }
0x44: {  	_ =	swait.ge [sflag:s30], $0x700  }
0x45: {  	[sflag:s30] =	ssyncset.done $0x0  }
0x46: {  	[sflag:s30] =	ssyncadd.s32 $0xFFFFF900  }
0x47: {  	_ =	swait.ge [sflag:s30], $0x700  }
0x48: {  	[sflag:s30] =	ssyncset.done $0x0  }
0x49: {  	[sflag:s30] =	ssyncadd.s32 $0xFFFFF900  }
0x4a: {  	[tilespmem:s5], [sflag:$0x2] =	stream.indirect.gather [hbm4b:s4+s31], $0x8, s31, s31, $0xb8;
	[tilespmem:$0x17C00] =	vst v63  }
0x4b: {  	_ =	swait.ge [sflag:s13], $0x3800  }
0x4c: {  	s20 =	sshrl.u32 s18, $0x3;
	[sflag:s13] =	ssyncset.done $0x0  }
0x4d: {  	s19 =	sadd.s32 s6, s20;
	[sflag:s13] =	ssyncadd.s32 $0xFFFFC800  }
0x4e: {  	[tilespmem:s3], [sflag:$0x4] =	stream.linear.gather [hbm4b:s19+s3], $0x700, $0x38;
	[tilespmem:$0x17C00] =	vst v63  }
0x4f: {  	s17 =	sadd.s32 s7, s20  }
0x50: {  	[tilespmem:s29], [sflag:$0x4] =	stream.linear.gather [hbm4b:s17+s3], $0x700, $0x38;
	[tilespmem:$0x17C00] =	vst v63  }
0x51: {  	_ = 	snop  }
0x52: {  	[spmem:s2] =	stream.indirect.scatter.add.f32 [tilespmem:s0], [sflag:$0x3], $0x8, s29, s31, $0xb8;
	[tilespmem:$0x17C00] =	vst v63  }
0x53: {  	_ =	swait.ge [sflag:s14], $0x3800  }
0x54: {  	[sflag:s14] =	ssyncset.done $0x0  }
0x55: {  	[sflag:s14] =	ssyncadd.s32 $0xFFFFC800  }
0x56: {  	_ =	swait.ge [sflag:s30], $0x700  }
0x57: {  	[sflag:s30] =	ssyncset.done $0x0  }
0x58: {  	[sflag:s30] =	ssyncadd.s32 $0xFFFFF900  }
0x59: {  	_ =	swait.ge [sflag:s30], $0x700  }
0x5a: {  	[sflag:s30] =	ssyncset.done $0x0  }
0x5b: {  	[sflag:s30] =	ssyncadd.s32 $0xFFFFF900  }
0x5c: {  	[tilespmem:s0], [sflag:$0x1] =	stream.indirect.gather [hbm4b:s4+s31], $0x8, s3, s31, $0xb8;
	[tilespmem:$0x17C00] =	vst v63  }
0x5d: {  	_ =	swait.ge [sflag:s15], $0x3800  }
0x5e: {  	[sflag:s15] =	ssyncset.done $0x0  }
0x5f: {  	s21 =	sadd.s32 $0x0, s24;
	[sflag:s15] =	ssyncadd.s32 $0xFFFFC800  }
0x60: {  	[tilespmem:s31], [sflag:$0x4] =	stream.linear.gather [hbm4b:s21+s3], $0x700, $0x38;
	[tilespmem:$0x17C00] =	vst v63  }
0x61: {  	s25 =	sadd.s32 $0x0, s23  }
0x62: {  	[tilespmem:s1], [sflag:$0x4] =	stream.linear.gather [hbm4b:s25+s3], $0x700, $0x38;
	[tilespmem:$0x17C00] =	vst v63  }
0x63: {  	_ = 	snop  }
0x64: {  	[spmem:s2] =	stream.indirect.scatter.add.f32 [tilespmem:s5], [sflag:$0x3], $0x8, s1, s31, $0xb8;
	[tilespmem:$0x17C00] =	vst v63  }
0x65: {  	_ =	swait.ge [sflag:s14], $0x3800  }
0x66: {  	s17 =	simm.s32 $0x1C0;
	s25 =	smov.u32 s18;
	[sflag:s14] =	ssyncset.done $0x0  }
.LBB2_2:
0x67: {  	p0 =	sne.s32 s17, $0x1500;
	[sflag:s14] =	ssyncadd.s32 $0xFFFFC800;
	s25 =	sadd.s32 $0xE00, s25  }
0x68: {  	s19 =	smov.u32 s17;
	s17 =	sadd.s32 $0x1C0, s17  }
0x69: {  	_ =	swait.ge [sflag:s30], $0x700  }
0x6a: {  	[sflag:s30] =	ssyncset.done $0x0  }
0x6b: {  	[sflag:s30] =	ssyncadd.s32 $0xFFFFF900  }
0x6c: {  	_ =	swait.ge [sflag:s30], $0x700  }
0x6d: {  	[sflag:s30] =	ssyncset.done $0x0  }
0x6e: {  	[sflag:s30] =	ssyncadd.s32 $0xFFFFF900  }
0x6f: {  	[tilespmem:s5], [sflag:$0x2] =	stream.indirect.gather [hbm4b:s4+s31], $0x8, s31, s31, $0xb8;
	[tilespmem:$0x17C00] =	vst v63  }
0x70: {  	_ =	swait.ge [sflag:s13], $0x3800  }
0x71: {  	s20 =	sshrl.u32 s25, $0x3;
	[sflag:s13] =	ssyncset.done $0x0  }
0x72: {  	s21 =	sadd.s32 s6, s20;
	[sflag:s13] =	ssyncadd.s32 $0xFFFFC800  }
0x73: {  	[tilespmem:s3], [sflag:$0x4] =	stream.linear.gather [hbm4b:s21+s3], $0x700, $0x38;
	[tilespmem:$0x17C00] =	vst v63  }
0x74: {  	s20 =	sadd.s32 s7, s20  }
0x75: {  	[tilespmem:s29], [sflag:$0x4] =	stream.linear.gather [hbm4b:s20+s3], $0x700, $0x38;
	[tilespmem:$0x17C00] =	vst v63  }
0x76: {  	_ = 	snop  }
0x77: {  	[spmem:s2] =	stream.indirect.scatter.add.f32 [tilespmem:s0], [sflag:$0x3], $0x8, s29, s31, $0xb8;
	[tilespmem:$0x17C00] =	vst v63  }
0x78: {  	_ =	swait.ge [sflag:s14], $0x3800  }
0x79: {  	[sflag:s14] =	ssyncset.done $0x0  }
0x7a: {  	[sflag:s14] =	ssyncadd.s32 $0xFFFFC800  }
0x7b: {  	_ =	swait.ge [sflag:s30], $0x700  }
0x7c: {  	[sflag:s30] =	ssyncset.done $0x0  }
0x7d: {  	[sflag:s30] =	ssyncadd.s32 $0xFFFFF900  }
0x7e: {  	_ =	swait.ge [sflag:s30], $0x700  }
0x7f: {  	[sflag:s30] =	ssyncset.done $0x0  }
0x80: {  	[sflag:s30] =	ssyncadd.s32 $0xFFFFF900  }
0x81: {  	[tilespmem:s0], [sflag:$0x1] =	stream.indirect.gather [hbm4b:s4+s31], $0x8, s3, s31, $0xb8;
	[tilespmem:$0x17C00] =	vst v63  }
0x82: {  	_ =	swait.ge [sflag:s15], $0x3800  }
0x83: {  	[sflag:s15] =	ssyncset.done $0x0  }
0x84: {  	s20 =	sadd.s32 s19, s24;
	[sflag:s15] =	ssyncadd.s32 $0xFFFFC800  }
0x85: {  	[tilespmem:s31], [sflag:$0x4] =	stream.linear.gather [hbm4b:s20+s3], $0x700, $0x38;
	[tilespmem:$0x17C00] =	vst v63  }
0x86: {  	s19 =	sadd.s32 s19, s23  }
0x87: {  	[tilespmem:s1], [sflag:$0x4] =	stream.linear.gather [hbm4b:s19+s3], $0x700, $0x38;
	[tilespmem:$0x17C00] =	vst v63  }
.Ltmp0:
0x88: {  	_ = 	snop;
	(pc) =	sbr.rel @p0 .LBB2_2-.Ltmp0, $4  }
0x89: {  	_ = 	snop  }
0x8a: {  	[spmem:s2] =	stream.indirect.scatter.add.f32 [tilespmem:s5], [sflag:$0x3], $0x8, s1, s31, $0xb8;
	[tilespmem:$0x17C00] =	vst v63  }
0x8b: {  	_ =	swait.ge [sflag:s14], $0x3800  }
0x8c: {  	[sflag:s14] =	ssyncset.done $0x0  }
0x8d: {  	[sflag:s14] =	ssyncadd.s32 $0xFFFFC800  }
0x8e: {  	_ =	swait.ge [sflag:s30], $0x700  }
0x8f: {  	[sflag:s30] =	ssyncset.done $0x0  }
0x90: {  	[sflag:s30] =	ssyncadd.s32 $0xFFFFF900  }
0x91: {  	_ =	swait.ge [sflag:s30], $0x700  }
0x92: {  	[sflag:s30] =	ssyncset.done $0x0  }
0x93: {  	[sflag:s30] =	ssyncadd.s32 $0xFFFFF900  }
0x94: {  	[tilespmem:s5], [sflag:$0x2] =	stream.indirect.gather [hbm4b:s4+s31], $0x8, s31, s31, $0xb8;
	[tilespmem:$0x17C00] =	vst v63  }
0x95: {  	_ =	swait.ge [sflag:s13], $0x3800  }
0x96: {  	[sflag:s13] =	ssyncset.done $0x0  }
0x97: {  	[sflag:s13] =	ssyncadd.s32 $0xFFFFC800  }
0x98: {  	[spmem:s2] =	stream.indirect.scatter.add.f32 [tilespmem:s0], [sflag:$0x3], $0x8, s29, s31, $0xb8;
	[tilespmem:$0x17C00] =	vst v63  }
0x99: {  	_ =	swait.ge [sflag:s14], $0x3800  }
0x9a: {  	[sflag:s14] =	ssyncset.done $0x0  }
0x9b: {  	[sflag:s14] =	ssyncadd.s32 $0xFFFFC800  }
0x9c: {  	_ =	swait.ge [sflag:s15], $0x3800  }
0x9d: {  	[sflag:s15] =	ssyncset.done $0x0  }
0x9e: {  	[sflag:s15] =	ssyncadd.s32 $0xFFFFC800  }
0x9f: {  	[spmem:s2] =	stream.indirect.scatter.add.f32 [tilespmem:s5], [sflag:$0x3], $0x8, s1, s31, $0xb8;
	[tilespmem:$0x17C00] =	vst v63  }
0xa0: {  	_ =	swait.ge [sflag:s14], $0x3800  }
0xa1: {  	[sflag:s14] =	ssyncset.done $0x0  }
0xa2: {  	s17 =	stileid.u32;
	[sflag:s14] =	ssyncadd.s32 $0xFFFFC800  }
0xa3: {  	s17 =	sshll.u32 s17, $0x6;
	[bflag:$0x0] =	sbarrier.arrive $0xFFFF  }
0xa4: {  	s19 =	sshrl.u32 s8, $0x3;
	s17 =	sor.u32 $0x1C05, s17;
	s20 =	rddreg [dreg:$0x9]  }
0xa5: {  	[hbm:s20], [sflag:s17] =	dma.local [spmem:s19], $0x500  }
0xa6: {  	_ =	swait.ge [sflag:s28], $0x500  }
0xa7: {  	[sflag:s28] =	ssyncset.done $0x0  }
0xa8: {  	s21 =	sshrl.u32 s9, $0x3;
	s25 =	rddreg [dreg:$0xa];
	[sflag:s28] =	ssyncadd.s32 $0xFFFFFB00  }
0xa9: {  	[hbm:s25], [sflag:s17] =	dma.local [spmem:s21], $0x500  }
0xaa: {  	_ =	swait.ge [sflag:s28], $0x500  }
0xab: {  	[sflag:s28] =	ssyncset.done $0x0  }
0xac: {  	s21 =	sshrl.u32 s10, $0x3;
	s25 =	rddreg [dreg:$0xb];
	[sflag:s28] =	ssyncadd.s32 $0xFFFFFB00  }
0xad: {  	[hbm:s25], [sflag:s17] =	dma.local [spmem:s21], $0x500  }
0xae: {  	_ =	swait.ge [sflag:s28], $0x500  }
0xaf: {  	[sflag:s28] =	ssyncset.done $0x0  }
0xb0: {  	s21 =	sshrl.u32 s11, $0x3;
	s25 =	rddreg [dreg:$0xc];
	[sflag:s28] =	ssyncadd.s32 $0xFFFFFB00  }
0xb1: {  	[hbm:s25], [sflag:s17] =	dma.local [spmem:s21], $0x500  }
0xb2: {  	_ =	swait.ge [sflag:s28], $0x500  }
0xb3: {  	[sflag:s28] =	ssyncset.done $0x0  }
0xb4: {  	s21 =	sshrl.u32 s12, $0x3;
	[sflag:s28] =	ssyncadd.s32 $0xFFFFFB00  }
0xb5: {  	[hbm:s22], [sflag:s17] =	dma.local [spmem:s21], $0x500  }
0xb6: {  	_ =	swait.ge [sflag:s28], $0x500  }
0xb7: {  	s16 =	sadd.s32 $0x1, s16;
	s25 =	rddreg [dreg:$0x8]  }
0xb8: {  	p0 =	sne.s32 s16, s25  }
.Ltmp1:
0xb9: {  	_ = 	snop;
	(pc) =	sbr.rel @p0 .LBB2_1-.Ltmp1, $3  }
0xba: {  	_ =	sdelay $0x1  }
0xbb: {  	[sflag:s28] =	ssyncset.done $0x0  }
0xbc: {  	[sflag:s28] =	ssyncadd.s32 $0xFFFFFB00  }
0xbd: {  	_ =	sfence.sel $0x180000  }
0xbe: {  	[bflag:$0x0] =	sbarrier.arrive $0xFFFF  }
0xbf: {  	_ =	strace $0x9000004A  }
0xc0: {  	s0 =	stileid.u32;
	[bflag:$0x2] =	sbarrier.arrive $0xFFFF  }
0xc1: {  	p0 =	sne.s32 s0, $0x0;
	s0 =	rddreg [dreg:$0x3]  }
0xc2: {  	s0 =	sadd.s32 @!p0 $0x100000, s0  }
0xc3: {  	[sflag:s0] =	ssyncadd.tile.s32 @!p0 $0x1;
	_ =	shalt  }
.Lfunc_end2:
_tile_overlayer_lowered:
.L_overlay_start_2:
0xc4: {  	(tag) =	ssettag $0x2  }
0xc5: {  	s0 =	rddreg [dreg:$0x0];
	s2 =	stileid.u32  }
0xc6: {  	s1 =	rddreg [dreg:$0x1];
	p0 =	sne.s32 s2, $0x0  }
0xc7: {  	s3 =	rddreg [dreg:$0x2];
	[bflag:$0x3] =	sbarrier.arrive $0xFFFF;
	s2 =	simm.s32 @!p0 $0x1C05  }
0xc8: {  	[timem:s3], [sflag:s2] =	dma.local @!p0 [hbm:s0], s1  }
0xc9: {  	s0 =	simm.s32 @!p0 $0x5  }
0xca: {  	_ =	swait.ge @!p0 [sflag:s0], s1  }
0xcb: {  	s1 =	ssub.s32 @!p0 $0x0, s1;
	[sflag:s0] =	ssyncset.done @!p0 $0x0  }
0xcc: {  	[sflag:s0] =	ssyncadd.s32 @!p0 s1  }
0xcd: {  	[bflag:$0x3] =	sbarrier.arrive $0xFFFF  }
0xce: {  	_ =	shalt  }

// kernel: kernel.16.cloned.1.call-start
scs
__scs_entry_jumppad:
0x0: {  	(pc) =	sbr.rel $0x88, $3  }
0x1: {  	(tag) =	ssettag $0x0;
	lr =	simm.s32 $0x1  }
0x2: {  	[smem:$0x3F99] =	sst lr;
	_ =	strace $0xD0000000  }
0x3: {  	_ = 	snop  }
0x4: {  	_ = 	snop  }
0x5: {  	_ = 	snop  }
0x6: {  	_ = 	snop  }
0x7: {  	_ = 	snop  }
__scs_overlays_trampoline_lowered:
0x8: {  	[smem:$0x3FA8] =	sst s0  }
0x9: {  	[smem:$0x3FA9] =	sst s1  }
0xa: {  	[smem:$0x3FAA] =	sst s2  }
0xb: {  	[smem:$0x3FAB] =	sst s3  }
0xc: {  	[smem:$0x3FAC] =	sst s4  }
0xd: {  	[smem:$0x3FAD] =	sst s5  }
0xe: {  	[smem:$0x3FAE] =	sst s6  }
0xf: {  	[smem:$0x3FAF] =	sst s7  }
0x10: {  	[smem:$0x3FB0] =	sst s8  }
0x11: {  	[smem:$0x3FB1] =	sst s9;
	s0 =	simm.s32 @!p0 $0x0  }
0x12: {  	s1 =	sld [smem:$0x3F97];
	s0 =	simm.s32 @p0 $0x1  }
0x13: {  	[smem:$0x3FB2] =	sst s0;
	s0 =	simm.s32 @!p1 $0x0  }
0x14: {  	s2 =	sld [smem:$0x3F96];
	s0 =	simm.s32 @p1 $0x1  }
0x15: {  	[smem:$0x3FB3] =	sst s0;
	s0 =	simm.s32 @!p2 $0x0  }
0x16: {  	s3 =	sld [smem:$0x3FDB];
	s0 =	simm.s32 @p2 $0x1  }
0x17: {  	s4 =	simm.s32 $0x1BF5;
	[smem:$0x3FB5] =	sst s0  }
0x18: {  	s0 =	sld [smem:$0x3F98];
	_ =	swait.ge [sflag:s4], $0x0  }
0x19: {  	s7 =	sld [smem:$0x3F99]  }
0x1a: {  	s8 =	sadd.s32 $0xFFFFE003, lr  }
0x1b: {  	s9 =	sadd.s32 $0xFFFFFEF7, lr;
	s5 =	simm.s32 $0xFFFFFFFF;
	p2 =	slt.u32 s8, $0xFFFFF086  }
0x1c: {  	p1 =	slt.u32 s9, $0xF7A;
	s5 =	simm.s32 @!p2 $0x0  }
0x1d: {  	s5 =	simm.s32 @p1 $0x1;
	p0 =	seq.s32 s7, s2  }
0x1e: {  	s7 =	smul.u32 @!p0 $0xF7A, s2;
	p2 =	seq.s32 @!p0 s5, $0x0  }
0x1f: {  	s9 =	smul.u32 $0xF7A, s1;
	s8 =	simm.s32 @!p0 $0x1BF5;
	p2 =	por !p2, p0  }
0x20: {  	[sflag:s8] =	ssyncset.s32 @!p0 $0xFFFFF086;
	s6 =	sadd.s32 @!p0 s3, s7;
	s7 =	simm.s32 @!p0 $0x108  }
0x21: {  	s3 =	sadd.s32 s3, s9;
	s6 =	sadd.s32 @!p0 $0x88, s6;
	s7 =	simm.s32 @p2 $0x1082  }
0x22: {  	[simem:s7], [sflag:s8] =	dma.local @!p0 [hbm:s6], $0xF7A  }
0x23: {  	s9 =	sor.u32 $0xD0000000, s2;
	s6 =	simm.s32 $0x108;
	_ =	swait.ge @!p0 [sflag:s8], $0x0  }
0x24: {  	s3 =	sadd.s32 $0x88, s3;
	s6 =	simm.s32 @!p1 $0x1082;
	[sflag:s4] =	ssyncset.s32 $0xFFFFF086  }
0x25: {  	[simem:s6], [sflag:s4] =	dma.local [hbm:s3], $0xF7A  }
0x26: {  	[smem:$0x3F99] =	sst s1;
	(tag) =	ssettag s2;
	_ =	strace s9  }
0x27: {  	s1 =	sld [smem:$0x3FA9]  }
0x28: {  	s2 =	sld [smem:$0x3FAA]  }
0x29: {  	s4 =	sld [smem:$0x3FAC]  }
0x2a: {  	p0 =	seq.s32 s5, $0x0;
	s5 =	sld [smem:$0x3FAD]  }
0x2b: {  	s6 =	sld [smem:$0x3FAE]  }
0x2c: {  	s7 =	sld [smem:$0x3FAF]  }
0x2d: {  	s3 =	simm.s32 $0x108;
	s8 =	sld [smem:$0x3FB0]  }
0x2e: {  	s3 =	simm.s32 @!p0 $0x1082;
	s9 =	sld [smem:$0x3FB1]  }
0x2f: {  	lr =	sadd.s32 s0, s3;
	s0 =	sld [smem:$0x3FA8]  }
0x30: {  	s3 =	sld [smem:$0x3FAB]  }
0x31: {  	[smem:$0x3FB4] =	sst s10  }
0x32: {  	s10 =	sld [smem:$0x3FB2];
	_ =	sdelay $0x3  }
0x33: {  	p0 =	seq.s32 s10, $0x1;
	s10 =	sld [smem:$0x3FB4];
	_ =	sdelay $0x3  }
0x34: {  	[smem:$0x3FB4] =	sst s10  }
0x35: {  	s10 =	sld [smem:$0x3FB3];
	_ =	sdelay $0x3  }
0x36: {  	p1 =	seq.s32 s10, $0x1;
	s10 =	sld [smem:$0x3FB4];
	_ =	sdelay $0x3  }
0x37: {  	[smem:$0x3FB4] =	sst s10  }
0x38: {  	s10 =	sld [smem:$0x3FB5]  }
0x39: {  	_ = 	snop;
	(pc) =	sbr.ind lr, $3  }
0x3a: {  	_ = 	snop  }
0x3b: {  	_ = 	snop  }
0x3c: {  	p2 =	seq.s32 s10, $0x1;
	s10 =	sld [smem:$0x3FB4]  }
0x3d: {  	_ =	shalt  }
0x3e: {  	_ =	shalt  }
0x3f: {  	_ =	shalt  }
0x40: {  	_ =	shalt  }
0x41: {  	_ =	shalt  }
0x42: {  	_ =	shalt  }
0x43: {  	_ =	shalt  }
0x44: {  	_ =	shalt  }
0x45: {  	_ =	shalt  }
0x46: {  	_ =	shalt  }
0x47: {  	_ =	shalt  }
0x48: {  	_ =	shalt  }
0x49: {  	_ =	shalt  }
0x4a: {  	_ =	shalt  }
0x4b: {  	_ =	shalt  }
0x4c: {  	_ =	shalt  }
0x4d: {  	_ =	shalt  }
0x4e: {  	_ =	shalt  }
0x4f: {  	_ =	shalt  }
0x50: {  	_ =	shalt  }
0x51: {  	_ =	shalt  }
0x52: {  	_ =	shalt  }
0x53: {  	_ =	shalt  }
0x54: {  	_ =	shalt  }
0x55: {  	_ =	shalt  }
0x56: {  	_ =	shalt  }
0x57: {  	_ =	shalt  }
0x58: {  	_ =	shalt  }
0x59: {  	_ =	shalt  }
0x5a: {  	_ =	shalt  }
0x5b: {  	_ =	shalt  }
0x5c: {  	_ =	shalt  }
0x5d: {  	_ =	shalt  }
0x5e: {  	_ =	shalt  }
0x5f: {  	_ =	shalt  }
0x60: {  	_ =	shalt  }
0x61: {  	_ =	shalt  }
0x62: {  	_ =	shalt  }
0x63: {  	_ =	shalt  }
0x64: {  	_ =	shalt  }
0x65: {  	_ =	shalt  }
0x66: {  	_ =	shalt  }
0x67: {  	_ =	shalt  }
0x68: {  	_ =	shalt  }
0x69: {  	_ =	shalt  }
0x6a: {  	_ =	shalt  }
0x6b: {  	_ =	shalt  }
0x6c: {  	_ =	shalt  }
0x6d: {  	_ =	shalt  }
0x6e: {  	_ =	shalt  }
0x6f: {  	_ =	shalt  }
0x70: {  	_ =	shalt  }
0x71: {  	_ =	shalt  }
0x72: {  	_ =	shalt  }
0x73: {  	_ =	shalt  }
0x74: {  	_ =	shalt  }
0x75: {  	_ =	shalt  }
0x76: {  	_ =	shalt  }
0x77: {  	_ =	shalt  }
0x78: {  	_ =	shalt  }
0x79: {  	_ =	shalt  }
0x7a: {  	_ =	shalt  }
0x7b: {  	_ =	shalt  }
0x7c: {  	_ =	shalt  }
0x7d: {  	_ =	shalt  }
0x7e: {  	_ =	shalt  }
0x7f: {  	_ =	shalt  }
0x80: {  	_ =	shalt  }
0x81: {  	_ =	shalt  }
0x82: {  	_ =	shalt  }
0x83: {  	_ =	shalt  }
0x84: {  	_ =	shalt  }
0x85: {  	_ =	shalt  }
0x86: {  	_ =	shalt  }
0x87: {  	_ =	shalt  }
.Lfunc_end0:
.L_simem_size_0:
called_computation.2_lowered:
.L_overlay_start_0:
0x88: {  	s2 =	sld [smem:$0x3FD9]  }
0x89: {  	s3 =	sld [smem:$0x3FFE];
	_ =	sdelay $0x1  }
0x8a: {  	s1 =	srdreg.scid  }
0x8b: {  	s0 =	sand.u32 $0x1, s1  }
0x8c: {  	s16 =	sshll.u32 s0, $0xA;
	s2 =	sadd.s32 s3, s2  }
0x8d: {  	s2 =	sadd.s32 s2, s16  }
0x8e: {  	[smem:$0x3FC0] =	sst s2  }
0x8f: {  	_ = 	snop  }
0x90: {  	(tm) =	ssettm $0x1  }
0x91: {  	s17 =	sld [smem:$0x3FFB];
	_ =	sdelay $0x3  }
0x92: {  	_ =	strace s17  }
0x93: {  	s2 =	sld [smem:$0x3FFC];
	_ =	sdelay $0x3  }
0x94: {  	_ =	strace s2  }
0x95: {  	s2 =	sld [smem:$0x3FFD];
	_ =	sdelay $0x3  }
0x96: {  	_ =	strace s2  }
0x97: {  	_ =	strace $0x8FFFFFFF  }
0x98: {  	s18 =	sld [smem:$0x3FDB];
	_ =	sdelay $0x1  }
0x99: {  	s19 =	simm.s32 $_scs_section_size  }
0x9a: {  	s4 =	simm.s32 $_size__tile_overlayer_lowered;
	s5 =	simm.s32 $_tile_overlayer_lowered  }
0x9b: {  	s22 =	simm.s32 $0x1BFF;
	s21 =	sshll.u32 s5, $0x1;
	s2 =	sadd.s32 s19, s18  }
0x9c: {  	s6 =	simm.s32 $0x0;
	s20 =	sshll.u32 s4, $0x1;
	s4 =	sadd.s32 s21, s2  }
0x9d: {  	[timem:s6], [sflag:s22] =	dma.local [hbm:s4], s20  }
0x9e: {  	_ =	swait.ge [sflag:s22], s20  }
0x9f: {  	s3 =	ssub.s32 $0x0, s20;
	[sflag:s22] =	ssyncset.done $0x0  }
0xa0: {  	[sflag:s22] =	ssyncadd.s32 s3;
	_ =	sdelay $0x1  }
0xa1: {  	s23 =	simm.s32 $0x1B8B  }
0xa2: {  	_ =	swait.ge [sflag:s23], $0x1  }
0xa3: {  	[sflag:s23] =	ssyncset.done $0x0  }
0xa4: {  	s25 =	simm.s32 $0x1B8E;
	s24 =	sld [smem:$0x3FFE];
	[sflag:s23] =	ssyncadd.s32 $0xFFFFFFFF  }
0xa5: {  	s26 =	simm.s32 $execute0_lowered;
	[smem:$0x3FD2] =	sst s25  }
0xa6: {  	s4 =	sshll.u32 s26, $0x1;
	_ =	strace $0x8000004C;
	[dreg:$0x1] =	wrdreg $0xFFFFFFFF  }
0xa7: {  	s28 =	simm.s32 $_size_execute0_lowered;
	s2 =	sadd.s32 s2, s4;
	[dreg:$0x0] =	wrdreg $0x0  }
0xa8: {  	s4 =	sshll.u32 s28, $0x1;
	[dreg:$0x2] =	wrdreg s2  }
0xa9: {  	[dreg:$0x3] =	wrdreg s4  }
0xaa: {  	[dreg:$0x4] =	wrdreg $0xC0  }
0xab: {  	_ =	task [dreg:s6], $0x5FFFF  }
0xac: {  	[dreg:$0x1] =	wrdreg $0xFFFFFFFF  }
0xad: {  	[dreg:$0x0] =	wrdreg $0x60  }
0xae: {  	[dreg:$0x2] =	wrdreg s24  }
0xaf: {  	[dreg:$0x3] =	wrdreg $0x5C000  }
0xb0: {  	[dreg:$0x4] =	wrdreg $0x9  }
0xb1: {  	_ =	task.clear_ibuf [dreg:s6], $0x5FFFF;
	_ =	strace $0x9000004C  }
0xb2: {  	s29 =	simm.s32 $0x9;
	_ =	strace $0x8000004E  }
0xb3: {  	_ =	swait.ge [sflag:s29], $0x1  }
0xb4: {  	[sflag:s29] =	ssyncadd.s32 $0xFFFFFFFF  }
0xb5: {  	_ =	strace $0x9000004E  }
0xb6: {  	_ =	sfence  }
0xb7: {  	s30 =	sld [smem:$0x0];
	_ =	sdelay $0x2  }
0xb8: {  	s31 =	sshll.u32 s1, $0xD;
	s1 =	sshrl.u32 s1, $0x2  }
0xb9: {  	s3 =	sand.u32 $0x4000, s31;
	s1 =	sadd.s32 s1, s30  }
0xba: {  	s0 =	sor.u32 s3, s0;
	s1 =	sshll.u32 s1, $0x11  }
0xbb: {  	s0 =	sor.u32 s1, s0  }
0xbc: {  	s0 =	sadd.s32 $0x8F2B, s0  }
0xbd: {  	[sflag:s0] =	ssyncadd.remote.s32 $0x1  }
0xbe: {  	_ =	sfence.sel $0xFFFF  }
0xbf: {  	[dreg:$0x0] =	wrdreg $0xFFFFFFFF;
	(pc) =	sbr.abs _section_cstart, $3  }
0xc0: {  	[dreg:$0x1] =	wrdreg $0xFFFFFFFF  }
0xc1: {  	_ =	task.clear_ibuf [dreg:s6], $0x2FFFF;
	_ =	strace $0x9FFFFFFF  }
0xc2: {  	(tm) =	ssettm $0x7FFFFFFF  }
0xc3: {  	_ =	shalt  }
tec
execute0_lowered:
.L_overlay_start_1:
0x0: {  	(tag) =	ssettag $0x1  }
0x1: {  	s0 =	srdreg.scid;
	s22 =	stileid.u32  }
0x2: {  	s4 =	rddreg [dreg:$0x0];
	s12 =	sand.u32 $0x1, s0;
	s13 =	smul.u32 $0x64000, s22  }
0x3: {  	s11 =	sadd.s32 $0x6F5A00, s4;
	s0 =	ssub.s32 $0x2, s12  }
0x4: {  	s17 =	sshll.u32 s12, $0x5;
	s1 =	sshrl.u32 s0, $0x1;
	s14 =	sadd.s32 $0x5000, s13  }
0x5: {  	s8 =	sadd.s32 $0xA000, s13;
	s9 =	sadd.s32 $0xF000, s13;
	s10 =	sadd.s32 $0x14000, s13  }
0x6: {  	s5 =	sadd.s32 $0x19000, s13;
	s6 =	sadd.s32 $0x1E000, s13;
	s7 =	sadd.s32 $0x23000, s13  }
0x7: {  	s2 =	sadd.s32 $0x2D000, s13;
	s3 =	sadd.s32 $0x32000, s13;
	s15 =	sor.u32 s17, s13  }
0x8: {  	s28 =	sadd.s32 $0x50000, s13;
	s29 =	sadd.s32 $0x5A000, s13;
	s30 =	sadd.s32 $0x5F000, s13  }
0x9: {  	s0 =	ssub.s32 s0, s1;
	s1 =	sadd.s32 $0x28000, s13;
	s15 =	sshrl.u32 s15, $0x3  }
0xa: {  	s16 =	sor.u32 s17, s14;
	s18 =	sor.u32 s17, s8;
	s24 =	sor.u32 s17, s9  }
0xb: {  	s25 =	sor.u32 s17, s10;
	s26 =	sor.u32 s17, s5;
	s15 =	sadd.s32 s11, s15  }
0xc: {  	s20 =	sshrl.u32 s16, $0x3;
	s21 =	sshrl.u32 s18, $0x3;
	s16 =	sshrl.u32 s25, $0x3  }
0xd: {  	s18 =	sshrl.u32 s26, $0x3;
	[dreg:$0x3] =	wrdreg s15;
	s15 =	sadd.s32 s11, s20  }
0xe: {  	s23 =	sadd.s32 s11, s21;
	s19 =	sadd.s32 s11, s18;
	[dreg:$0x4] =	wrdreg s15  }
0xf: {  	s20 =	sor.u32 s17, s6;
	s21 =	sor.u32 s17, s7;
	[dreg:$0x5] =	wrdreg s23  }
0x10: {  	s15 =	sshrl.u32 s24, $0x3;
	[dreg:$0x8] =	wrdreg s19;
	s23 =	sor.u32 s17, s1  }
0x11: {  	s24 =	sshrl.u32 s21, $0x3;
	s15 =	sadd.s32 s11, s15;
	s25 =	sshrl.u32 s23, $0x3  }
0x12: {  	[dreg:$0x6] =	wrdreg s15;
	s15 =	sadd.s32 s11, s16;
	s26 =	sadd.s32 s11, s25  }
0x13: {  	s16 =	sor.u32 s17, s2;
	[dreg:$0x7] =	wrdreg s15;
	s15 =	sshrl.u32 s20, $0x3  }
0x14: {  	[dreg:$0xb] =	wrdreg s26;
	s18 =	sshrl.u32 s16, $0x3;
	s15 =	sadd.s32 s11, s15  }
0x15: {  	s19 =	sor.u32 s17, s3;
	s16 =	sadd.s32 s11, s18;
	[dreg:$0x9] =	wrdreg s15  }
0x16: {  	s20 =	sshrl.u32 s19, $0x3;
	s15 =	sadd.s32 s11, s24;
	[dreg:$0xc] =	wrdreg s16  }
0x17: {  	s16 =	sadd.s32 s11, s20;
	[dreg:$0xa] =	wrdreg s15;
	s15 =	sadd.s32 $0x37000, s13  }
0x18: {  	s24 =	sadd.s32 $0x41000, s13;
	[dreg:$0xd] =	wrdreg s16;
	s21 =	sor.u32 s17, s15  }
0x19: {  	s16 =	sadd.s32 $0x3C000, s13;
	s19 =	sor.u32 s17, s24;
	s18 =	sshrl.u32 s21, $0x3  }
0x1a: {  	s23 =	sor.u32 s17, s16;
	s25 =	sshrl.u32 s19, $0x3;
	s18 =	sadd.s32 s11, s18  }
0x1b: {  	[dreg:$0xe] =	wrdreg s18;
	s18 =	sshrl.u32 s23, $0x3;
	s23 =	sadd.s32 $0x46000, s13  }
0x1c: {  	s21 =	sor.u32 s17, s28;
	s18 =	sadd.s32 s11, s18;
	s26 =	sor.u32 s17, s23  }
0x1d: {  	[dreg:$0xf] =	wrdreg s18;
	s18 =	sadd.s32 s11, s25;
	s19 =	sshrl.u32 s26, $0x3  }
0x1e: {  	s25 =	sadd.s32 $0x4B000, s13;
	s26 =	sadd.s32 $0x55000, s13;
	[dreg:$0x10] =	wrdreg s18  }
0x1f: {  	s18 =	sadd.s32 s11, s19;
	s20 =	sor.u32 s17, s25;
	s19 =	sshrl.u32 s21, $0x3  }
0x20: {  	[dreg:$0x11] =	wrdreg s18;
	s18 =	sshrl.u32 s20, $0x3;
	s20 =	sor.u32 s17, s26  }
0x21: {  	s18 =	sadd.s32 s11, s18;
	s21 =	sshrl.u32 s20, $0x3;
	s20 =	sor.u32 s17, s30  }
0x22: {  	[dreg:$0x12] =	wrdreg s18;
	s18 =	sadd.s32 s11, s19;
	s19 =	sor.u32 s17, s29  }
0x23: {  	s17 =	smul.u32 $0x310000, s12;
	[dreg:$0x13] =	wrdreg s18;
	s18 =	sadd.s32 s11, s21  }
0x24: {  	s0 =	smax.u32 s0, $0x1;
	s12 =	sshllo.u32 s12, $0x1;
	[dreg:$0x14] =	wrdreg s18  }
0x25: {  	s18 =	sshrl.u32 s19, $0x3;
	s19 =	sshrl.u32 s20, $0x3;
	s20 =	sshll.u32 s12, $0x4  }
0x26: {  	s12 =	smul.u32 $0x188000, s12;
	s18 =	sadd.s32 s11, s18;
	s21 =	sadd.s32 s11, s19  }
0x27: {  	s19 =	sor.u32 s13, s20;
	s13 =	sshrl.u32 s13, $0x2;
	[dreg:$0x15] =	wrdreg s18  }
0x28: {  	[dreg:$0x16] =	wrdreg s21;
	s18 =	sshrl.u32 s19, $0x3;
	s21 =	sor.u32 s14, s20  }
0x29: {  	s14 =	sshrl.u32 s14, $0x2;
	s18 =	sadd.s32 s11, s18;
	s19 =	sshrl.u32 s21, $0x3  }
0x2a: {  	s21 =	sor.u32 s8, s20;
	s8 =	sshrl.u32 s8, $0x2;
	[dreg:$0x17] =	wrdreg s18  }
0x2b: {  	s18 =	sadd.s32 s11, s19;
	s19 =	sshrl.u32 s21, $0x3;
	s21 =	sor.u32 s9, s20  }
0x2c: {  	s9 =	sshrl.u32 s9, $0x2;
	[dreg:$0x18] =	wrdreg s18;
	s18 =	sadd.s32 s11, s19  }
0x2d: {  	s19 =	sshrl.u32 s21, $0x3;
	s21 =	sor.u32 s10, s20;
	s10 =	sshrl.u32 s10, $0x2  }
0x2e: {  	[dreg:$0x19] =	wrdreg s18;
	s18 =	sadd.s32 s11, s19;
	s19 =	sshrl.u32 s21, $0x3  }
0x2f: {  	s21 =	sor.u32 s5, s20;
	[dreg:$0x1a] =	wrdreg s18;
	s18 =	sadd.s32 s11, s19  }
0x30: {  	s19 =	sshrl.u32 s21, $0x3;
	s21 =	sor.u32 s6, s20;
	[dreg:$0x1b] =	wrdreg s18  }
0x31: {  	s18 =	sadd.s32 s11, s19;
	s19 =	sshrl.u32 s21, $0x3;
	s21 =	sor.u32 s7, s20  }
0x32: {  	[dreg:$0x1c] =	wrdreg s18;
	s18 =	sadd.s32 s11, s19;
	s19 =	sshrl.u32 s21, $0x3  }
0x33: {  	s21 =	sor.u32 s1, s20;
	[dreg:$0x1d] =	wrdreg s18;
	s18 =	sadd.s32 s11, s19  }
0x34: {  	s19 =	sshrl.u32 s21, $0x3;
	s21 =	sor.u32 s2, s20;
	[dreg:$0x1e] =	wrdreg s18  }
0x35: {  	s18 =	sadd.s32 s11, s19;
	s19 =	sshrl.u32 s21, $0x3;
	s21 =	sor.u32 s3, s20  }
0x36: {  	[dreg:$0x1f] =	wrdreg s18;
	s18 =	sadd.s32 s11, s19;
	s19 =	sshrl.u32 s21, $0x3  }
0x37: {  	s21 =	sor.u32 s15, s20;
	[smem:$0x7D7] =	sst s18;
	s18 =	sadd.s32 s11, s19  }
0x38: {  	s19 =	sshrl.u32 s21, $0x3;
	s21 =	sor.u32 s16, s20;
	[smem:$0x7D8] =	sst s18  }
0x39: {  	s18 =	sadd.s32 s11, s19;
	s19 =	sshrl.u32 s21, $0x3;
	s21 =	sor.u32 s24, s20  }
0x3a: {  	[smem:$0x7D9] =	sst s18;
	s18 =	sadd.s32 s11, s19;
	s19 =	sshrl.u32 s21, $0x3  }
0x3b: {  	s21 =	sor.u32 s23, s20;
	[smem:$0x7DA] =	sst s18;
	s18 =	sadd.s32 s11, s19  }
0x3c: {  	s19 =	sshrl.u32 s21, $0x3;
	s21 =	sor.u32 s25, s20;
	[smem:$0x7DB] =	sst s18  }
0x3d: {  	s18 =	sadd.s32 s11, s19;
	s19 =	sshrl.u32 s21, $0x3;
	s21 =	sor.u32 s28, s20  }
0x3e: {  	[smem:$0x7DC] =	sst s18;
	s18 =	sadd.s32 s11, s19;
	s19 =	sshrl.u32 s21, $0x3  }
0x3f: {  	s21 =	sor.u32 s26, s20;
	[smem:$0x7DD] =	sst s18;
	s18 =	sadd.s32 s11, s19  }
0x40: {  	[smem:$0x7DE] =	sst s18;
	s18 =	sshrl.u32 s21, $0x3;
	s21 =	sor.u32 s29, s20  }
0x41: {  	s1 =	sshrl.u32 s1, $0x2;
	s20 =	sor.u32 s30, s20;
	s19 =	sshrl.u32 s21, $0x3  }
0x42: {  	s21 =	smul.u32 $0x18800, s22;
	s18 =	sadd.s32 s11, s18;
	s20 =	sshrl.u32 s20, $0x3  }
0x43: {  	[smem:$0x7DF] =	sst s18;
	s19 =	sadd.s32 s11, s19;
	s11 =	sadd.s32 s11, s20  }
0x44: {  	s18 =	smul.u32 $0x3100, s22;
	[smem:$0x7E0] =	sst s19;
	s19 =	sadd.s32 s21, s17  }
0x45: {  	s17 =	sadd.s32 s21, s12;
	s20 =	sshrl.u32 s21, $0x3;
	s21 =	sadd.s32 $0x1A00, s4  }
0x46: {  	[smem:$0x7E1] =	sst s11;
	s12 =	simm.s32 $0x0;
	s31 =	sadd.s32 s21, s20  }
0x47: {  	s11 =	sadd.s32 s18, s21;
	s21 =	sadd.s32 $0xC7A00, s4;
	s18 =	sshrl.u32 s19, $0x3  }
0x48: {  	s20 =	sadd.s32 $0xC7A40, s4;
	[smem:$0x7FF] =	sst s12;
	s22 =	sadd.s32 s21, s18  }
0x49: {  	s17 =	sshrl.u32 s17, $0x3;
	s18 =	sadd.s32 s18, s20;
	[smem:$0x7E2] =	sst s22  }
0x4a: {  	s2 =	sshrl.u32 s2, $0x2;
	s20 =	sadd.s32 s17, s20;
	[smem:$0x7E3] =	sst s18  }
0x4b: {  	s17 =	sadd.s32 s21, s17;
	s18 =	sor.u32 $0x400, s19;
	[smem:$0x7E4] =	sst s20  }
0x4c: {  	s22 =	sor.u32 $0x600, s19;
	[smem:$0x7E5] =	sst s17;
	s18 =	sshrl.u32 s18, $0x3  }
0x4d: {  	s20 =	sadd.s32 $0x188400, s19;
	s22 =	sshrl.u32 s22, $0x3;
	s17 =	sadd.s32 s18, s21  }
0x4e: {  	s18 =	sadd.s32 s22, s21;
	s22 =	sadd.s32 $0x188600, s19;
	s19 =	rddreg [dreg:$0x1]  }
0x4f: {  	s20 =	sshrl.u32 s20, $0x3;
	_ =	strace $0x8000004D;
	[smem:$0x7FB] =	sst s0  }
0x50: {  	s3 =	sshrl.u32 s3, $0x2;
	s20 =	sadd.s32 s20, s21;
	[smem:$0x7FC] =	sst s31  }
0x51: {  	s0 =	simm.s32 $0x2;
	s22 =	sshrl.u32 s22, $0x3;
	s13 =	sadd.s32 s13, s19  }
0x52: {  	s14 =	sadd.s32 s14, s19;
	s1 =	sadd.s32 s1, s19;
	[smem:$0x7E7] =	sst s13  }
0x53: {  	s2 =	sadd.s32 s2, s19;
	s3 =	sadd.s32 s3, s19;
	[smem:$0x7E8] =	sst s14  }
0x54: {  	s21 =	sadd.s32 s22, s21;
	s22 =	sadd.s32 $0x632400, s4;
	[smem:$0x7EF] =	sst s1  }
0x55: {  	s4 =	sadd.s32 $0x32A00, s4;
	s13 =	sadd.s32 s9, s19;
	[smem:$0x7F0] =	sst s2  }
0x56: {  	s14 =	sadd.s32 s10, s19;
	s9 =	sshrl.u32 s6, $0x2;
	[smem:$0x7F1] =	sst s3  }
0x57: {  	s10 =	sshrl.u32 s7, $0x2;
	s6 =	sshrl.u32 s24, $0x2;
	[smem:$0x7E6] =	sst s4  }
0x58: {  	s24 =	sshrl.u32 s30, $0x2;
	s30 =	simm.s32 $0x1;
	[smem:$0x7EA] =	sst s13  }
0x59: {  	s3 =	simm.s32 $0x0;
	s4 =	sadd.s32 s8, s19;
	[smem:$0x7EB] =	sst s14  }
0x5a: {  	s8 =	sshrl.u32 s5, $0x2;
	s13 =	sadd.s32 s9, s19;
	s14 =	sadd.s32 s10, s19  }
0x5b: {  	s5 =	sshrl.u32 s16, $0x2;
	s9 =	sshrl.u32 s23, $0x2;
	[smem:$0x7E9] =	sst s4  }
0x5c: {  	s10 =	sshrl.u32 s25, $0x2;
	s16 =	sshrl.u32 s26, $0x2;
	[smem:$0x7ED] =	sst s13  }
0x5d: {  	s23 =	sshrl.u32 s29, $0x2;
	s26 =	sadd.s32 s24, s19;
	[smem:$0x7EE] =	sst s14  }
0x5e: {  	s24 =	simm.s32 $0x4;
	s4 =	sadd.s32 s8, s19;
	[smem:$0x7FA] =	sst s26  }
0x5f: {  	s29 =	simm.s32 $0x2800;
	s7 =	sadd.s32 s5, s19;
	[smem:$0x7EC] =	sst s4  }
0x60: {  	s8 =	sadd.s32 s6, s19;
	s13 =	sshrl.u32 s28, $0x2;
	[smem:$0x7F3] =	sst s7  }
0x61: {  	s14 =	sadd.s32 s10, s19;
	s25 =	sadd.s32 s23, s19;
	[smem:$0x7F4] =	sst s8  }
0x62: {  	s5 =	sadd.s32 $0x40, s31;
	s10 =	simm.s32 $0x5;
	[smem:$0x7F6] =	sst s14  }
0x63: {  	s23 =	simm.s32 $0x400;
	s26 =	simm.s32 $0x800;
	[smem:$0x7F9] =	sst s25  }
0x64: {  	s4 =	sshrl.u32 s15, $0x2;
	s15 =	sadd.s32 s13, s19;
	[smem:$0x7FD] =	sst s5  }
0x65: {  	s28 =	simm.s32 $0x600;
	s1 =	sadd.s32 s4, s19;
	[smem:$0x7F7] =	sst s15  }
0x66: {  	s31 =	simm.s32 $0x3;
	[smem:$0x7F2] =	sst s1;
	s1 =	sadd.s32 s9, s19  }
0x67: {  	s25 =	simm.s32 $0x200;
	[smem:$0x7F5] =	sst s1;
	s1 =	sadd.s32 s16, s19  }
0x68: {  	s15 =	simm.s32 $0x8;
	s16 =	simm.s32 $0x4800;
	[smem:$0x7F8] =	sst s1  }
.LBB2_1:
0x69: {  	s1 =	sld [smem:$0x7E6];
	_ =	sdelay $0x1  }
0x6a: {  	[smem:$0x7D6] =	sst s3  }
0x6b: {  	[tilespmem:s16], [sflag:$0x5] =	stream.linear.gather [hbm4b:s1+s12], $0x1400, $0x38;
	[tilespmem:$0x1EC00] =	vst v63  }
0x6c: {  	_ =	swait.ge [sflag:s10], $0x1400  }
0x6d: {  	s2 =	sld [smem:$0x7E7]  }
0x6e: {  	[sflag:s10] =	ssyncset.done $0x0  }
0x6f: {  	[sflag:s10] =	ssyncadd.s32 $0xFFFFEC00  }
0x70: {  	[spmem:s2] =	stream.linear.scatter [tilespmem:s16], [sflag:$0x5], $0x1400, $0x38;
	[tilespmem:$0x1EC00] =	vst v63  }
0x71: {  	_ =	swait.ge [sflag:s10], $0x1400  }
0x72: {  	s4 =	sld [smem:$0x7E8]  }
0x73: {  	[sflag:s10] =	ssyncset.done $0x0  }
0x74: {  	[sflag:s10] =	ssyncadd.s32 $0xFFFFEC00  }
0x75: {  	[spmem:s4] =	stream.linear.scatter [tilespmem:s16], [sflag:$0x5], $0x1400, $0x38;
	[tilespmem:$0x1EC00] =	vst v63  }
0x76: {  	_ =	swait.ge [sflag:s10], $0x1400  }
0x77: {  	s6 =	sld [smem:$0x7E9]  }
0x78: {  	[sflag:s10] =	ssyncset.done $0x0  }
0x79: {  	[sflag:s10] =	ssyncadd.s32 $0xFFFFEC00  }
0x7a: {  	[spmem:s6] =	stream.linear.scatter [tilespmem:s16], [sflag:$0x5], $0x1400, $0x38;
	[tilespmem:$0x1EC00] =	vst v63  }
0x7b: {  	_ =	swait.ge [sflag:s10], $0x1400  }
0x7c: {  	s7 =	sld [smem:$0x7EA]  }
0x7d: {  	[sflag:s10] =	ssyncset.done $0x0  }
0x7e: {  	[sflag:s10] =	ssyncadd.s32 $0xFFFFEC00  }
0x7f: {  	[spmem:s7] =	stream.linear.scatter [tilespmem:s16], [sflag:$0x5], $0x1400, $0x38;
	[tilespmem:$0x1EC00] =	vst v63  }
0x80: {  	_ =	swait.ge [sflag:s10], $0x1400  }
0x81: {  	s8 =	sld [smem:$0x7EB]  }
0x82: {  	[sflag:s10] =	ssyncset.done $0x0  }
0x83: {  	[sflag:s10] =	ssyncadd.s32 $0xFFFFEC00  }
0x84: {  	[spmem:s8] =	stream.linear.scatter [tilespmem:s16], [sflag:$0x5], $0x1400, $0x38;
	[tilespmem:$0x1EC00] =	vst v63  }
0x85: {  	_ =	swait.ge [sflag:s10], $0x1400  }
0x86: {  	s9 =	sld [smem:$0x7EC]  }
0x87: {  	[sflag:s10] =	ssyncset.done $0x0  }
0x88: {  	[sflag:s10] =	ssyncadd.s32 $0xFFFFEC00  }
0x89: {  	[spmem:s9] =	stream.linear.scatter [tilespmem:s16], [sflag:$0x5], $0x1400, $0x38;
	[tilespmem:$0x1EC00] =	vst v63  }
0x8a: {  	_ =	swait.ge [sflag:s10], $0x1400  }
0x8b: {  	s2 =	sld [smem:$0x7ED]  }
0x8c: {  	[sflag:s10] =	ssyncset.done $0x0  }
0x8d: {  	[sflag:s10] =	ssyncadd.s32 $0xFFFFEC00  }
0x8e: {  	[spmem:s2] =	stream.linear.scatter [tilespmem:s16], [sflag:$0x5], $0x1400, $0x38;
	[tilespmem:$0x1EC00] =	vst v63  }
0x8f: {  	_ =	swait.ge [sflag:s10], $0x1400  }
0x90: {  	s13 =	sld [smem:$0x7EE]  }
0x91: {  	[sflag:s10] =	ssyncset.done $0x0  }
0x92: {  	[sflag:s10] =	ssyncadd.s32 $0xFFFFEC00  }
0x93: {  	[spmem:s13] =	stream.linear.scatter [tilespmem:s16], [sflag:$0x5], $0x1400, $0x38;
	[tilespmem:$0x1EC00] =	vst v63  }
0x94: {  	_ =	swait.ge [sflag:s10], $0x1400  }
0x95: {  	s14 =	sld [smem:$0x7EF]  }
0x96: {  	[sflag:s10] =	ssyncset.done $0x0  }
0x97: {  	[sflag:s10] =	ssyncadd.s32 $0xFFFFEC00  }
0x98: {  	[spmem:s14] =	stream.linear.scatter [tilespmem:s16], [sflag:$0x5], $0x1400, $0x38;
	[tilespmem:$0x1EC00] =	vst v63  }
0x99: {  	_ =	swait.ge [sflag:s10], $0x1400  }
0x9a: {  	s1 =	sld [smem:$0x7F0]  }
0x9b: {  	[sflag:s10] =	ssyncset.done $0x0  }
0x9c: {  	[sflag:s10] =	ssyncadd.s32 $0xFFFFEC00  }
0x9d: {  	[spmem:s1] =	stream.linear.scatter [tilespmem:s16], [sflag:$0x5], $0x1400, $0x38;
	[tilespmem:$0x1EC00] =	vst v63  }
0x9e: {  	_ =	swait.ge [sflag:s10], $0x1400  }
0x9f: {  	s3 =	sld [smem:$0x7F1]  }
0xa0: {  	[sflag:s10] =	ssyncset.done $0x0  }
0xa1: {  	[sflag:s10] =	ssyncadd.s32 $0xFFFFEC00  }
0xa2: {  	[spmem:s3] =	stream.linear.scatter [tilespmem:s16], [sflag:$0x5], $0x1400, $0x38;
	[tilespmem:$0x1EC00] =	vst v63  }
0xa3: {  	_ =	swait.ge [sflag:s10], $0x1400  }
0xa4: {  	s4 =	sld [smem:$0x7F2]  }
0xa5: {  	[sflag:s10] =	ssyncset.done $0x0  }
0xa6: {  	[sflag:s10] =	ssyncadd.s32 $0xFFFFEC00  }
0xa7: {  	[spmem:s4] =	stream.linear.scatter [tilespmem:s16], [sflag:$0x5], $0x1400, $0x38;
	[tilespmem:$0x1EC00] =	vst v63  }
0xa8: {  	_ =	swait.ge [sflag:s10], $0x1400  }
0xa9: {  	s6 =	sld [smem:$0x7F3]  }
0xaa: {  	[sflag:s10] =	ssyncset.done $0x0  }
0xab: {  	[sflag:s10] =	ssyncadd.s32 $0xFFFFEC00  }
0xac: {  	[spmem:s6] =	stream.linear.scatter [tilespmem:s16], [sflag:$0x5], $0x1400, $0x38;
	[tilespmem:$0x1EC00] =	vst v63  }
0xad: {  	_ =	swait.ge [sflag:s10], $0x1400  }
0xae: {  	s7 =	sld [smem:$0x7F4]  }
0xaf: {  	[sflag:s10] =	ssyncset.done $0x0  }
0xb0: {  	[sflag:s10] =	ssyncadd.s32 $0xFFFFEC00  }
0xb1: {  	[spmem:s7] =	stream.linear.scatter [tilespmem:s16], [sflag:$0x5], $0x1400, $0x38;
	[tilespmem:$0x1EC00] =	vst v63  }
0xb2: {  	_ =	swait.ge [sflag:s10], $0x1400  }
0xb3: {  	s8 =	sld [smem:$0x7F5]  }
0xb4: {  	[sflag:s10] =	ssyncset.done $0x0  }
0xb5: {  	[sflag:s10] =	ssyncadd.s32 $0xFFFFEC00  }
0xb6: {  	[spmem:s8] =	stream.linear.scatter [tilespmem:s16], [sflag:$0x5], $0x1400, $0x38;
	[tilespmem:$0x1EC00] =	vst v63  }
0xb7: {  	_ =	swait.ge [sflag:s10], $0x1400  }
0xb8: {  	s9 =	sld [smem:$0x7F6]  }
0xb9: {  	[sflag:s10] =	ssyncset.done $0x0  }
0xba: {  	[sflag:s10] =	ssyncadd.s32 $0xFFFFEC00  }
0xbb: {  	[spmem:s9] =	stream.linear.scatter [tilespmem:s16], [sflag:$0x5], $0x1400, $0x38;
	[tilespmem:$0x1EC00] =	vst v63  }
0xbc: {  	_ =	swait.ge [sflag:s10], $0x1400  }
0xbd: {  	s13 =	sld [smem:$0x7F7]  }
0xbe: {  	[sflag:s10] =	ssyncset.done $0x0  }
0xbf: {  	[sflag:s10] =	ssyncadd.s32 $0xFFFFEC00  }
0xc0: {  	[spmem:s13] =	stream.linear.scatter [tilespmem:s16], [sflag:$0x5], $0x1400, $0x38;
	[tilespmem:$0x1EC00] =	vst v63  }
0xc1: {  	_ =	swait.ge [sflag:s10], $0x1400  }
0xc2: {  	s14 =	sld [smem:$0x7F8]  }
0xc3: {  	[sflag:s10] =	ssyncset.done $0x0  }
0xc4: {  	[sflag:s10] =	ssyncadd.s32 $0xFFFFEC00  }
0xc5: {  	[spmem:s14] =	stream.linear.scatter [tilespmem:s16], [sflag:$0x5], $0x1400, $0x38;
	[tilespmem:$0x1EC00] =	vst v63  }
0xc6: {  	_ =	swait.ge [sflag:s10], $0x1400  }
0xc7: {  	s1 =	sld [smem:$0x7F9]  }
0xc8: {  	[sflag:s10] =	ssyncset.done $0x0  }
0xc9: {  	[sflag:s10] =	ssyncadd.s32 $0xFFFFEC00  }
0xca: {  	[spmem:s1] =	stream.linear.scatter [tilespmem:s16], [sflag:$0x5], $0x1400, $0x38;
	[tilespmem:$0x1EC00] =	vst v63  }
0xcb: {  	_ =	swait.ge [sflag:s10], $0x1400  }
0xcc: {  	s3 =	sld [smem:$0x7FA]  }
0xcd: {  	[sflag:s10] =	ssyncset.done $0x0  }
0xce: {  	[sflag:s10] =	ssyncadd.s32 $0xFFFFEC00  }
0xcf: {  	[spmem:s3] =	stream.linear.scatter [tilespmem:s16], [sflag:$0x5], $0x1400, $0x38;
	[tilespmem:$0x1EC00] =	vst v63  }
0xd0: {  	_ =	swait.ge [sflag:s10], $0x1400  }
0xd1: {  	[sflag:s10] =	ssyncset.done $0x0  }
0xd2: {  	[sflag:s10] =	ssyncadd.s32 $0xFFFFEC00  }
0xd3: {  	[bflag:$0x0] =	sbarrier.arrive $0xFFFF  }
0xd4: {  	s4 =	sld [smem:$0x7E2];
	_ =	sdelay $0x1  }
0xd5: {  	s6 =	sld [smem:$0x7FC]  }
0xd6: {  	[tilespmem:s12], [sflag:$0x4] =	stream.linear.gather [hbm4b:s4+s12], $0x200, $0x38;
	[tilespmem:$0x1EC00] =	vst v63  }
0xd7: {  	_ = 	snop  }
0xd8: {  	[tilespmem:s23], [sflag:$0x4] =	stream.linear.gather [hbm4b:s6+s12], $0x200, $0x38;
	[tilespmem:$0x1EC00] =	vst v63  }
0xd9: {  	_ =	swait.ge [sflag:s24], $0x200  }
0xda: {  	[sflag:s24] =	ssyncset.done $0x0  }
0xdb: {  	[sflag:s24] =	ssyncadd.s32 $0xFFFFFE00  }
0xdc: {  	_ =	swait.ge [sflag:s24], $0x200  }
0xdd: {  	[sflag:s24] =	ssyncset.done $0x0  }
0xde: {  	s7 =	sld [smem:$0x7E3];
	[sflag:s24] =	ssyncadd.s32 $0xFFFFFE00  }
0xdf: {  	[tilespmem:s26], [sflag:$0x1] =	stream.indirect.gather [hbm4b:s22+s25], $0x10, s12, s25, $0xb8;
	[tilespmem:$0x1EC00] =	vst v63  }
0xe0: {  	_ = 	snop  }
0xe1: {  	[tilespmem:s25], [sflag:$0x4] =	stream.linear.gather [hbm4b:s7+s12], $0x200, $0x38;
	[tilespmem:$0x1EC00] =	vst v63  }
0xe2: {  	_ = 	snop  }
0xe3: {  	[tilespmem:s28], [sflag:$0x4] =	stream.linear.gather [hbm4b:s5+s12], $0x200, $0x38;
	[tilespmem:$0x1EC00] =	vst v63  }
0xe4: {  	_ =	swait.ge [sflag:s24], $0x200  }
0xe5: {  	[sflag:s24] =	ssyncset.done $0x0  }
0xe6: {  	[sflag:s24] =	ssyncadd.s32 $0xFFFFFE00  }
0xe7: {  	_ =	swait.ge [sflag:s24], $0x200  }
0xe8: {  	[sflag:s24] =	ssyncset.done $0x0  }
0xe9: {  	[sflag:s24] =	ssyncadd.s32 $0xFFFFFE00  }
0xea: {  	[tilespmem:s29], [sflag:$0x2] =	stream.indirect.gather [hbm4b:s22+s25], $0x10, s25, s25, $0xb8;
	[tilespmem:$0x1EC00] =	vst v63  }
0xeb: {  	_ =	swait.ge [sflag:s30], $0x2000  }
0xec: {  	[sflag:s30] =	ssyncset.done $0x0  }
0xed: {  	s8 =	sadd.s32 $0x0, s17;
	s4 =	sadd.s32 $0x0, s11;
	[sflag:s30] =	ssyncadd.s32 $0xFFFFE000  }
0xee: {  	[tilespmem:s12], [sflag:$0x4] =	stream.linear.gather [hbm4b:s8+s12], $0x200, $0x38;
	[tilespmem:$0x1EC00] =	vst v63  }
0xef: {  	s9 =	sadd.s32 $0x80, s4  }
0xf0: {  	[tilespmem:s23], [sflag:$0x4] =	stream.linear.gather [hbm4b:s9+s12], $0x200, $0x38;
	[tilespmem:$0x1EC00] =	vst v63  }
0xf1: {  	_ = 	snop  }
0xf2: {  	[spmem:s19] =	stream.indirect.scatter.add.f32 [tilespmem:s26], [sflag:$0x3], $0x10, s23, s25, $0xb8;
	[tilespmem:$0x1EC00] =	vst v63  }
0xf3: {  	_ =	swait.ge [sflag:s31], $0x2000  }
0xf4: {  	[sflag:s31] =	ssyncset.done $0x0  }
0xf5: {  	[sflag:s31] =	ssyncadd.s32 $0xFFFFE000  }
0xf6: {  	_ =	swait.ge [sflag:s24], $0x200  }
0xf7: {  	[sflag:s24] =	ssyncset.done $0x0  }
0xf8: {  	[sflag:s24] =	ssyncadd.s32 $0xFFFFFE00  }
0xf9: {  	_ =	swait.ge [sflag:s24], $0x200  }
0xfa: {  	[sflag:s24] =	ssyncset.done $0x0  }
0xfb: {  	[sflag:s24] =	ssyncadd.s32 $0xFFFFFE00  }
0xfc: {  	[tilespmem:s26], [sflag:$0x1] =	stream.indirect.gather [hbm4b:s22+s25], $0x10, s12, s25, $0xb8;
	[tilespmem:$0x1EC00] =	vst v63  }
0xfd: {  	_ =	swait.ge [sflag:s0], $0x2000  }
0xfe: {  	[sflag:s0] =	ssyncset.done $0x0  }
0xff: {  	s13 =	sadd.s32 $0x0, s18;
	[sflag:s0] =	ssyncadd.s32 $0xFFFFE000  }
0x100: {  	[tilespmem:s25], [sflag:$0x4] =	stream.linear.gather [hbm4b:s13+s12], $0x200, $0x38;
	[tilespmem:$0x1EC00] =	vst v63  }
0x101: {  	s14 =	sadd.s32 $0xC0, s4  }
0x102: {  	[tilespmem:s28], [sflag:$0x4] =	stream.linear.gather [hbm4b:s14+s12], $0x200, $0x38;
	[tilespmem:$0x1EC00] =	vst v63  }
0x103: {  	_ = 	snop  }
0x104: {  	[spmem:s19] =	stream.indirect.scatter.add.f32 [tilespmem:s29], [sflag:$0x3], $0x10, s28, s25, $0xb8;
	[tilespmem:$0x1EC00] =	vst v63  }
0x105: {  	_ =	swait.ge [sflag:s31], $0x2000  }
0x106: {  	s3 =	simm.s32 $0x80;
	[sflag:s31] =	ssyncset.done $0x0  }
.LBB2_2:
0x107: {  	p0 =	sne.s32 s3, $0x3000  }
0x108: {  	[sflag:s31] =	ssyncadd.s32 $0xFFFFE000;
	s4 =	smov.u32 s3;
	s3 =	sadd.s32 $0x80, s3  }
0x109: {  	_ = 	snop  }
0x10a: {  	_ =	swait.ge [sflag:s24], $0x200  }
0x10b: {  	[sflag:s24] =	ssyncset.done $0x0  }
0x10c: {  	[sflag:s24] =	ssyncadd.s32 $0xFFFFFE00  }
0x10d: {  	_ =	swait.ge [sflag:s24], $0x200  }
0x10e: {  	[sflag:s24] =	ssyncset.done $0x0  }
0x10f: {  	[sflag:s24] =	ssyncadd.s32 $0xFFFFFE00  }
0x110: {  	[tilespmem:s29], [sflag:$0x2] =	stream.indirect.gather [hbm4b:s22+s25], $0x10, s25, s25, $0xb8;
	[tilespmem:$0x1EC00] =	vst v63  }
0x111: {  	_ =	swait.ge [sflag:s30], $0x2000  }
0x112: {  	[sflag:s30] =	ssyncset.done $0x0  }
0x113: {  	s5 =	sadd.s32 s4, s17;
	s6 =	sadd.s32 s4, s11;
	[sflag:s30] =	ssyncadd.s32 $0xFFFFE000  }
0x114: {  	[tilespmem:s12], [sflag:$0x4] =	stream.linear.gather [hbm4b:s5+s12], $0x200, $0x38;
	[tilespmem:$0x1EC00] =	vst v63  }
0x115: {  	s5 =	sadd.s32 $0x80, s6  }
0x116: {  	[tilespmem:s23], [sflag:$0x4] =	stream.linear.gather [hbm4b:s5+s12], $0x200, $0x38;
	[tilespmem:$0x1EC00] =	vst v63  }
0x117: {  	_ = 	snop  }
0x118: {  	[spmem:s19] =	stream.indirect.scatter.add.f32 [tilespmem:s26], [sflag:$0x3], $0x10, s23, s25, $0xb8;
	[tilespmem:$0x1EC00] =	vst v63  }
0x119: {  	_ =	swait.ge [sflag:s31], $0x2000  }
0x11a: {  	[sflag:s31] =	ssyncset.done $0x0  }
0x11b: {  	[sflag:s31] =	ssyncadd.s32 $0xFFFFE000  }
0x11c: {  	_ =	swait.ge [sflag:s24], $0x200  }
0x11d: {  	[sflag:s24] =	ssyncset.done $0x0  }
0x11e: {  	[sflag:s24] =	ssyncadd.s32 $0xFFFFFE00  }
0x11f: {  	_ =	swait.ge [sflag:s24], $0x200  }
0x120: {  	[sflag:s24] =	ssyncset.done $0x0  }
0x121: {  	[sflag:s24] =	ssyncadd.s32 $0xFFFFFE00  }
0x122: {  	[tilespmem:s26], [sflag:$0x1] =	stream.indirect.gather [hbm4b:s22+s25], $0x10, s12, s25, $0xb8;
	[tilespmem:$0x1EC00] =	vst v63  }
0x123: {  	_ =	swait.ge [sflag:s0], $0x2000  }
0x124: {  	[sflag:s0] =	ssyncset.done $0x0  }
0x125: {  	s4 =	sadd.s32 s4, s18;
	[sflag:s0] =	ssyncadd.s32 $0xFFFFE000  }
0x126: {  	[tilespmem:s25], [sflag:$0x4] =	stream.linear.gather [hbm4b:s4+s12], $0x200, $0x38;
	[tilespmem:$0x1EC00] =	vst v63  }
0x127: {  	s4 =	sadd.s32 $0xC0, s6  }
0x128: {  	[tilespmem:s28], [sflag:$0x4] =	stream.linear.gather [hbm4b:s4+s12], $0x200, $0x38;
	[tilespmem:$0x1EC00] =	vst v63  }
.Ltmp0:
0x129: {  	_ = 	snop;
	(pc) =	sbr.rel @p0 .LBB2_2-.Ltmp0, $4  }
0x12a: {  	_ = 	snop  }
0x12b: {  	[spmem:s19] =	stream.indirect.scatter.add.f32 [tilespmem:s29], [sflag:$0x3], $0x10, s28, s25, $0xb8;
	[tilespmem:$0x1EC00] =	vst v63  }
0x12c: {  	_ =	swait.ge [sflag:s31], $0x2000  }
0x12d: {  	[sflag:s31] =	ssyncset.done $0x0  }
0x12e: {  	[sflag:s31] =	ssyncadd.s32 $0xFFFFE000  }
0x12f: {  	_ =	swait.ge [sflag:s24], $0x200  }
0x130: {  	[sflag:s24] =	ssyncset.done $0x0  }
0x131: {  	[sflag:s24] =	ssyncadd.s32 $0xFFFFFE00  }
0x132: {  	_ =	swait.ge [sflag:s24], $0x200  }
0x133: {  	[sflag:s24] =	ssyncset.done $0x0  }
0x134: {  	[sflag:s24] =	ssyncadd.s32 $0xFFFFFE00  }
0x135: {  	[tilespmem:s29], [sflag:$0x2] =	stream.indirect.gather [hbm4b:s22+s25], $0x10, s25, s25, $0xb8;
	[tilespmem:$0x1EC00] =	vst v63  }
0x136: {  	_ =	swait.ge [sflag:s30], $0x2000  }
0x137: {  	[sflag:s30] =	ssyncset.done $0x0  }
0x138: {  	[sflag:s30] =	ssyncadd.s32 $0xFFFFE000  }
0x139: {  	[spmem:s19] =	stream.indirect.scatter.add.f32 [tilespmem:s26], [sflag:$0x3], $0x10, s23, s25, $0xb8;
	[tilespmem:$0x1EC00] =	vst v63  }
0x13a: {  	_ =	swait.ge [sflag:s31], $0x2000  }
0x13b: {  	[sflag:s31] =	ssyncset.done $0x0  }
0x13c: {  	[sflag:s31] =	ssyncadd.s32 $0xFFFFE000  }
0x13d: {  	_ =	swait.ge [sflag:s0], $0x2000  }
0x13e: {  	[sflag:s0] =	ssyncset.done $0x0  }
0x13f: {  	[sflag:s0] =	ssyncadd.s32 $0xFFFFE000  }
0x140: {  	[spmem:s19] =	stream.indirect.scatter.add.f32 [tilespmem:s29], [sflag:$0x3], $0x10, s28, s25, $0xb8;
	[tilespmem:$0x1EC00] =	vst v63  }
0x141: {  	_ =	swait.ge [sflag:s31], $0x2000  }
0x142: {  	[sflag:s31] =	ssyncset.done $0x0  }
0x143: {  	[sflag:s31] =	ssyncadd.s32 $0xFFFFE000  }
0x144: {  	[bflag:$0x0] =	sbarrier.arrive $0xFFFF  }
0x145: {  	s1 =	sld [smem:$0x7E7];
	_ =	sdelay $0x1  }
0x146: {  	s3 =	stileid.u32  }
0x147: {  	s3 =	sshll.u32 s3, $0x6;
	s4 =	rddreg [dreg:$0x3];
	s2 =	sshrl.u32 s1, $0x3  }
0x148: {  	s3 =	sor.u32 $0x1C05, s3;
	[smem:$0x7C2] =	sst s2  }
0x149: {  	[hbm:s4@s15], [sflag:s3] =	dma.strided [spmem:s2@s0], $0x280, s30, $0x2   }
0x14a: {  	_ =	swait.ge [sflag:s10], $0x280  }
0x14b: {  	s13 =	sld [smem:$0x7E8];
	_ =	sdelay $0x2  }
0x14c: {  	[sflag:s10] =	ssyncset.done $0x0;
	s1 =	rddreg [dreg:$0x4];
	s14 =	sshrl.u32 s13, $0x3  }
0x14d: {  	[sflag:s10] =	ssyncadd.s32 $0xFFFFFD80;
	[smem:$0x7C3] =	sst s14  }
0x14e: {  	[hbm:s1@s15], [sflag:s3] =	dma.strided [spmem:s14@s0], $0x280, s30, $0x2   }
0x14f: {  	_ =	swait.ge [sflag:s10], $0x280  }
0x150: {  	s4 =	sld [smem:$0x7E9];
	_ =	sdelay $0x2  }
0x151: {  	[sflag:s10] =	ssyncset.done $0x0;
	s6 =	rddreg [dreg:$0x5];
	s5 =	sshrl.u32 s4, $0x3  }
0x152: {  	[sflag:s10] =	ssyncadd.s32 $0xFFFFFD80;
	[smem:$0x7C4] =	sst s5  }
0x153: {  	[hbm:s6@s15], [sflag:s3] =	dma.strided [spmem:s5@s0], $0x280, s30, $0x2   }
0x154: {  	_ =	swait.ge [sflag:s10], $0x280  }
0x155: {  	s7 =	sld [smem:$0x7EA];
	_ =	sdelay $0x2  }
0x156: {  	[sflag:s10] =	ssyncset.done $0x0;
	s9 =	rddreg [dreg:$0x6];
	s8 =	sshrl.u32 s7, $0x3  }
0x157: {  	[sflag:s10] =	ssyncadd.s32 $0xFFFFFD80;
	[smem:$0x7C5] =	sst s8  }
0x158: {  	[hbm:s9@s15], [sflag:s3] =	dma.strided [spmem:s8@s0], $0x280, s30, $0x2   }
0x159: {  	_ =	swait.ge [sflag:s10], $0x280  }
0x15a: {  	s13 =	sld [smem:$0x7EB];
	_ =	sdelay $0x2  }
0x15b: {  	[sflag:s10] =	ssyncset.done $0x0;
	s1 =	rddreg [dreg:$0x7];
	s14 =	sshrl.u32 s13, $0x3  }
0x15c: {  	[sflag:s10] =	ssyncadd.s32 $0xFFFFFD80;
	[smem:$0x7C6] =	sst s14  }
0x15d: {  	[hbm:s1@s15], [sflag:s3] =	dma.strided [spmem:s14@s0], $0x280, s30, $0x2   }
0x15e: {  	_ =	swait.ge [sflag:s10], $0x280  }
0x15f: {  	s4 =	sld [smem:$0x7EC];
	_ =	sdelay $0x2  }
0x160: {  	[sflag:s10] =	ssyncset.done $0x0;
	s6 =	rddreg [dreg:$0x8];
	s5 =	sshrl.u32 s4, $0x3  }
0x161: {  	[sflag:s10] =	ssyncadd.s32 $0xFFFFFD80;
	[smem:$0x7C7] =	sst s5  }
0x162: {  	[hbm:s6@s15], [sflag:s3] =	dma.strided [spmem:s5@s0], $0x280, s30, $0x2   }
0x163: {  	_ =	swait.ge [sflag:s10], $0x280  }
0x164: {  	s7 =	sld [smem:$0x7ED];
	_ =	sdelay $0x2  }
0x165: {  	[sflag:s10] =	ssyncset.done $0x0;
	s9 =	rddreg [dreg:$0x9];
	s8 =	sshrl.u32 s7, $0x3  }
0x166: {  	[sflag:s10] =	ssyncadd.s32 $0xFFFFFD80;
	[smem:$0x7C8] =	sst s8  }
0x167: {  	[hbm:s9@s15], [sflag:s3] =	dma.strided [spmem:s8@s0], $0x280, s30, $0x2   }
0x168: {  	_ =	swait.ge [sflag:s10], $0x280  }
0x169: {  	s13 =	sld [smem:$0x7EE];
	_ =	sdelay $0x2  }
0x16a: {  	[sflag:s10] =	ssyncset.done $0x0;
	s1 =	rddreg [dreg:$0xa];
	s14 =	sshrl.u32 s13, $0x3  }
0x16b: {  	[sflag:s10] =	ssyncadd.s32 $0xFFFFFD80;
	[smem:$0x7C9] =	sst s14  }
0x16c: {  	[hbm:s1@s15], [sflag:s3] =	dma.strided [spmem:s14@s0], $0x280, s30, $0x2   }
0x16d: {  	_ =	swait.ge [sflag:s10], $0x280  }
0x16e: {  	s4 =	sld [smem:$0x7EF];
	_ =	sdelay $0x2  }
0x16f: {  	[sflag:s10] =	ssyncset.done $0x0;
	s6 =	rddreg [dreg:$0xb];
	s5 =	sshrl.u32 s4, $0x3  }
0x170: {  	[sflag:s10] =	ssyncadd.s32 $0xFFFFFD80;
	[smem:$0x7CA] =	sst s5  }
0x171: {  	[hbm:s6@s15], [sflag:s3] =	dma.strided [spmem:s5@s0], $0x280, s30, $0x2   }
0x172: {  	_ =	swait.ge [sflag:s10], $0x280  }
0x173: {  	s7 =	sld [smem:$0x7F0];
	_ =	sdelay $0x2  }
0x174: {  	[sflag:s10] =	ssyncset.done $0x0;
	s9 =	rddreg [dreg:$0xc];
	s8 =	sshrl.u32 s7, $0x3  }
0x175: {  	[sflag:s10] =	ssyncadd.s32 $0xFFFFFD80;
	[smem:$0x7CB] =	sst s8  }
0x176: {  	[hbm:s9@s15], [sflag:s3] =	dma.strided [spmem:s8@s0], $0x280, s30, $0x2   }
0x177: {  	_ =	swait.ge [sflag:s10], $0x280  }
0x178: {  	s13 =	sld [smem:$0x7F1];
	_ =	sdelay $0x2  }
0x179: {  	[sflag:s10] =	ssyncset.done $0x0;
	s1 =	rddreg [dreg:$0xd];
	s14 =	sshrl.u32 s13, $0x3  }
0x17a: {  	[sflag:s10] =	ssyncadd.s32 $0xFFFFFD80;
	[smem:$0x7CC] =	sst s14  }
0x17b: {  	[hbm:s1@s15], [sflag:s3] =	dma.strided [spmem:s14@s0], $0x280, s30, $0x2   }
0x17c: {  	_ =	swait.ge [sflag:s10], $0x280  }
0x17d: {  	s4 =	sld [smem:$0x7F2];
	_ =	sdelay $0x2  }
0x17e: {  	[sflag:s10] =	ssyncset.done $0x0;
	s6 =	rddreg [dreg:$0xe];
	s5 =	sshrl.u32 s4, $0x3  }
0x17f: {  	[sflag:s10] =	ssyncadd.s32 $0xFFFFFD80;
	[smem:$0x7CD] =	sst s5  }
0x180: {  	[hbm:s6@s15], [sflag:s3] =	dma.strided [spmem:s5@s0], $0x280, s30, $0x2   }
0x181: {  	_ =	swait.ge [sflag:s10], $0x280  }
0x182: {  	s14 =	sld [smem:$0x7F3];
	_ =	sdelay $0x2  }
0x183: {  	[sflag:s10] =	ssyncset.done $0x0;
	s8 =	rddreg [dreg:$0xf];
	s7 =	sshrl.u32 s14, $0x3  }
0x184: {  	[sflag:s10] =	ssyncadd.s32 $0xFFFFFD80;
	[smem:$0x7CE] =	sst s7  }
0x185: {  	[hbm:s8@s15], [sflag:s3] =	dma.strided [spmem:s7@s0], $0x280, s30, $0x2   }
0x186: {  	_ =	swait.ge [sflag:s10], $0x280  }
0x187: {  	s13 =	sld [smem:$0x7F4];
	_ =	sdelay $0x2  }
0x188: {  	[sflag:s10] =	ssyncset.done $0x0;
	s1 =	rddreg [dreg:$0x10];
	s9 =	sshrl.u32 s13, $0x3  }
0x189: {  	[sflag:s10] =	ssyncadd.s32 $0xFFFFFD80;
	[smem:$0x7CF] =	sst s9  }
0x18a: {  	[hbm:s1@s15], [sflag:s3] =	dma.strided [spmem:s9@s0], $0x280, s30, $0x2   }
0x18b: {  	_ =	swait.ge [sflag:s10], $0x280  }
0x18c: {  	s9 =	sld [smem:$0x7F5];
	_ =	sdelay $0x2  }
0x18d: {  	[sflag:s10] =	ssyncset.done $0x0;
	s6 =	rddreg [dreg:$0x11];
	s5 =	sshrl.u32 s9, $0x3  }
0x18e: {  	[sflag:s10] =	ssyncadd.s32 $0xFFFFFD80;
	[smem:$0x7D0] =	sst s5  }
0x18f: {  	[hbm:s6@s15], [sflag:s3] =	dma.strided [spmem:s5@s0], $0x280, s30, $0x2   }
0x190: {  	_ =	swait.ge [sflag:s10], $0x280  }
0x191: {  	s8 =	sld [smem:$0x7F6];
	_ =	sdelay $0x2  }
0x192: {  	[sflag:s10] =	ssyncset.done $0x0;
	s1 =	rddreg [dreg:$0x12];
	s7 =	sshrl.u32 s8, $0x3  }
0x193: {  	[sflag:s10] =	ssyncadd.s32 $0xFFFFFD80;
	[smem:$0x7D1] =	sst s7  }
0x194: {  	[hbm:s1@s15], [sflag:s3] =	dma.strided [spmem:s7@s0], $0x280, s30, $0x2   }
0x195: {  	_ =	swait.ge [sflag:s10], $0x280  }
0x196: {  	s7 =	sld [smem:$0x7F7];
	_ =	sdelay $0x2  }
0x197: {  	[sflag:s10] =	ssyncset.done $0x0;
	s5 =	rddreg [dreg:$0x13];
	s4 =	sshrl.u32 s7, $0x3  }
0x198: {  	[sflag:s10] =	ssyncadd.s32 $0xFFFFFD80;
	[smem:$0x7D2] =	sst s4  }
0x199: {  	[hbm:s5@s15], [sflag:s3] =	dma.strided [spmem:s4@s0], $0x280, s30, $0x2   }
0x19a: {  	_ =	swait.ge [sflag:s10], $0x280  }
0x19b: {  	s2 =	sld [smem:$0x7F8];
	_ =	sdelay $0x2  }
0x19c: {  	[sflag:s10] =	ssyncset.done $0x0;
	s6 =	rddreg [dreg:$0x14];
	s5 =	sshrl.u32 s2, $0x3  }
0x19d: {  	[sflag:s10] =	ssyncadd.s32 $0xFFFFFD80;
	[smem:$0x7D3] =	sst s5  }
0x19e: {  	[hbm:s6@s15], [sflag:s3] =	dma.strided [spmem:s5@s0], $0x280, s30, $0x2   }
0x19f: {  	_ =	swait.ge [sflag:s10], $0x280  }
0x1a0: {  	s4 =	sld [smem:$0x7F9];
	_ =	sdelay $0x2  }
0x1a1: {  	[sflag:s10] =	ssyncset.done $0x0;
	s1 =	rddreg [dreg:$0x15];
	s6 =	sshrl.u32 s4, $0x3  }
0x1a2: {  	[sflag:s10] =	ssyncadd.s32 $0xFFFFFD80;
	[smem:$0x7D4] =	sst s6  }
0x1a3: {  	[hbm:s1@s15], [sflag:s3] =	dma.strided [spmem:s6@s0], $0x280, s30, $0x2   }
0x1a4: {  	_ =	swait.ge [sflag:s10], $0x280  }
0x1a5: {  	s5 =	sld [smem:$0x7FA];
	_ =	sdelay $0x2  }
0x1a6: {  	[sflag:s10] =	ssyncset.done $0x0;
	s6 =	rddreg [dreg:$0x16];
	s1 =	sshrl.u32 s5, $0x3  }
0x1a7: {  	[sflag:s10] =	ssyncadd.s32 $0xFFFFFD80;
	[smem:$0x7D5] =	sst s1  }
0x1a8: {  	[hbm:s6@s15], [sflag:s3] =	dma.strided [spmem:s1@s0], $0x280, s30, $0x2   }
0x1a9: {  	_ =	swait.ge [sflag:s10], $0x280  }
0x1aa: {  	[sflag:s10] =	ssyncset.done $0x0  }
0x1ab: {  	[sflag:s10] =	ssyncadd.s32 $0xFFFFFD80  }
0x1ac: {  	[bflag:$0x0] =	sbarrier.arrive $0xFFFF  }
0x1ad: {  	s6 =	sld [smem:$0x7E7];
	_ =	sdelay $0x2  }
0x1ae: {  	[spmem:s6] =	stream.linear.scatter [tilespmem:s16], [sflag:$0x5], $0x1400, $0x38;
	[tilespmem:$0x1EC00] =	vst v63  }
0x1af: {  	_ =	swait.ge [sflag:s10], $0x1400  }
0x1b0: {  	s6 =	sld [smem:$0x7E8]  }
0x1b1: {  	[sflag:s10] =	ssyncset.done $0x0  }
0x1b2: {  	[sflag:s10] =	ssyncadd.s32 $0xFFFFEC00  }
0x1b3: {  	[spmem:s6] =	stream.linear.scatter [tilespmem:s16], [sflag:$0x5], $0x1400, $0x38;
	[tilespmem:$0x1EC00] =	vst v63  }
0x1b4: {  	_ =	swait.ge [sflag:s10], $0x1400  }
0x1b5: {  	s6 =	sld [smem:$0x7E9]  }
0x1b6: {  	[sflag:s10] =	ssyncset.done $0x0  }
0x1b7: {  	[sflag:s10] =	ssyncadd.s32 $0xFFFFEC00  }
0x1b8: {  	[spmem:s6] =	stream.linear.scatter [tilespmem:s16], [sflag:$0x5], $0x1400, $0x38;
	[tilespmem:$0x1EC00] =	vst v63  }
0x1b9: {  	_ =	swait.ge [sflag:s10], $0x1400  }
0x1ba: {  	s6 =	sld [smem:$0x7EA]  }
0x1bb: {  	[sflag:s10] =	ssyncset.done $0x0  }
0x1bc: {  	[sflag:s10] =	ssyncadd.s32 $0xFFFFEC00  }
0x1bd: {  	[spmem:s6] =	stream.linear.scatter [tilespmem:s16], [sflag:$0x5], $0x1400, $0x38;
	[tilespmem:$0x1EC00] =	vst v63  }
0x1be: {  	_ =	swait.ge [sflag:s10], $0x1400  }
0x1bf: {  	s6 =	sld [smem:$0x7EB]  }
0x1c0: {  	[sflag:s10] =	ssyncset.done $0x0  }
0x1c1: {  	[sflag:s10] =	ssyncadd.s32 $0xFFFFEC00  }
0x1c2: {  	[spmem:s6] =	stream.linear.scatter [tilespmem:s16], [sflag:$0x5], $0x1400, $0x38;
	[tilespmem:$0x1EC00] =	vst v63  }
0x1c3: {  	_ =	swait.ge [sflag:s10], $0x1400  }
0x1c4: {  	s6 =	sld [smem:$0x7EC]  }
0x1c5: {  	[sflag:s10] =	ssyncset.done $0x0  }
0x1c6: {  	[sflag:s10] =	ssyncadd.s32 $0xFFFFEC00  }
0x1c7: {  	[spmem:s6] =	stream.linear.scatter [tilespmem:s16], [sflag:$0x5], $0x1400, $0x38;
	[tilespmem:$0x1EC00] =	vst v63  }
0x1c8: {  	_ =	swait.ge [sflag:s10], $0x1400  }
0x1c9: {  	s6 =	sld [smem:$0x7ED]  }
0x1ca: {  	[sflag:s10] =	ssyncset.done $0x0  }
0x1cb: {  	[sflag:s10] =	ssyncadd.s32 $0xFFFFEC00  }
0x1cc: {  	[spmem:s6] =	stream.linear.scatter [tilespmem:s16], [sflag:$0x5], $0x1400, $0x38;
	[tilespmem:$0x1EC00] =	vst v63  }
0x1cd: {  	_ =	swait.ge [sflag:s10], $0x1400  }
0x1ce: {  	s6 =	sld [smem:$0x7EE]  }
0x1cf: {  	[sflag:s10] =	ssyncset.done $0x0  }
0x1d0: {  	[sflag:s10] =	ssyncadd.s32 $0xFFFFEC00  }
0x1d1: {  	[spmem:s6] =	stream.linear.scatter [tilespmem:s16], [sflag:$0x5], $0x1400, $0x38;
	[tilespmem:$0x1EC00] =	vst v63  }
0x1d2: {  	_ =	swait.ge [sflag:s10], $0x1400  }
0x1d3: {  	s6 =	sld [smem:$0x7EF]  }
0x1d4: {  	[sflag:s10] =	ssyncset.done $0x0  }
0x1d5: {  	[sflag:s10] =	ssyncadd.s32 $0xFFFFEC00  }
0x1d6: {  	[spmem:s6] =	stream.linear.scatter [tilespmem:s16], [sflag:$0x5], $0x1400, $0x38;
	[tilespmem:$0x1EC00] =	vst v63  }
0x1d7: {  	_ =	swait.ge [sflag:s10], $0x1400  }
0x1d8: {  	s6 =	sld [smem:$0x7F0]  }
0x1d9: {  	[sflag:s10] =	ssyncset.done $0x0  }
0x1da: {  	[sflag:s10] =	ssyncadd.s32 $0xFFFFEC00  }
0x1db: {  	[spmem:s6] =	stream.linear.scatter [tilespmem:s16], [sflag:$0x5], $0x1400, $0x38;
	[tilespmem:$0x1EC00] =	vst v63  }
0x1dc: {  	_ =	swait.ge [sflag:s10], $0x1400  }
0x1dd: {  	s6 =	sld [smem:$0x7F1]  }
0x1de: {  	[sflag:s10] =	ssyncset.done $0x0  }
0x1df: {  	[sflag:s10] =	ssyncadd.s32 $0xFFFFEC00  }
0x1e0: {  	[spmem:s6] =	stream.linear.scatter [tilespmem:s16], [sflag:$0x5], $0x1400, $0x38;
	[tilespmem:$0x1EC00] =	vst v63  }
0x1e1: {  	_ =	swait.ge [sflag:s10], $0x1400  }
0x1e2: {  	s6 =	sld [smem:$0x7F2]  }
0x1e3: {  	[sflag:s10] =	ssyncset.done $0x0  }
0x1e4: {  	[sflag:s10] =	ssyncadd.s32 $0xFFFFEC00  }
0x1e5: {  	[spmem:s6] =	stream.linear.scatter [tilespmem:s16], [sflag:$0x5], $0x1400, $0x38;
	[tilespmem:$0x1EC00] =	vst v63  }
0x1e6: {  	_ =	swait.ge [sflag:s10], $0x1400  }
0x1e7: {  	[sflag:s10] =	ssyncset.done $0x0  }
0x1e8: {  	[sflag:s10] =	ssyncadd.s32 $0xFFFFEC00  }
0x1e9: {  	[spmem:s14] =	stream.linear.scatter [tilespmem:s16], [sflag:$0x5], $0x1400, $0x38;
	[tilespmem:$0x1EC00] =	vst v63  }
0x1ea: {  	_ =	swait.ge [sflag:s10], $0x1400  }
0x1eb: {  	[sflag:s10] =	ssyncset.done $0x0  }
0x1ec: {  	[sflag:s10] =	ssyncadd.s32 $0xFFFFEC00  }
0x1ed: {  	[spmem:s13] =	stream.linear.scatter [tilespmem:s16], [sflag:$0x5], $0x1400, $0x38;
	[tilespmem:$0x1EC00] =	vst v63  }
0x1ee: {  	_ =	swait.ge [sflag:s10], $0x1400  }
0x1ef: {  	[sflag:s10] =	ssyncset.done $0x0  }
0x1f0: {  	[sflag:s10] =	ssyncadd.s32 $0xFFFFEC00  }
0x1f1: {  	[spmem:s9] =	stream.linear.scatter [tilespmem:s16], [sflag:$0x5], $0x1400, $0x38;
	[tilespmem:$0x1EC00] =	vst v63  }
0x1f2: {  	_ =	swait.ge [sflag:s10], $0x1400  }
0x1f3: {  	[sflag:s10] =	ssyncset.done $0x0  }
0x1f4: {  	[sflag:s10] =	ssyncadd.s32 $0xFFFFEC00  }
0x1f5: {  	[spmem:s8] =	stream.linear.scatter [tilespmem:s16], [sflag:$0x5], $0x1400, $0x38;
	[tilespmem:$0x1EC00] =	vst v63  }
0x1f6: {  	_ =	swait.ge [sflag:s10], $0x1400  }
0x1f7: {  	[sflag:s10] =	ssyncset.done $0x0  }
0x1f8: {  	[sflag:s10] =	ssyncadd.s32 $0xFFFFEC00  }
0x1f9: {  	[spmem:s7] =	stream.linear.scatter [tilespmem:s16], [sflag:$0x5], $0x1400, $0x38;
	[tilespmem:$0x1EC00] =	vst v63  }
0x1fa: {  	_ =	swait.ge [sflag:s10], $0x1400  }
0x1fb: {  	[sflag:s10] =	ssyncset.done $0x0  }
0x1fc: {  	[sflag:s10] =	ssyncadd.s32 $0xFFFFEC00  }
0x1fd: {  	[spmem:s2] =	stream.linear.scatter [tilespmem:s16], [sflag:$0x5], $0x1400, $0x38;
	[tilespmem:$0x1EC00] =	vst v63  }
0x1fe: {  	_ =	swait.ge [sflag:s10], $0x1400  }
0x1ff: {  	[sflag:s10] =	ssyncset.done $0x0  }
0x200: {  	[sflag:s10] =	ssyncadd.s32 $0xFFFFEC00  }
0x201: {  	[spmem:s4] =	stream.linear.scatter [tilespmem:s16], [sflag:$0x5], $0x1400, $0x38;
	[tilespmem:$0x1EC00] =	vst v63  }
0x202: {  	_ =	swait.ge [sflag:s10], $0x1400  }
0x203: {  	[sflag:s10] =	ssyncset.done $0x0  }
0x204: {  	[sflag:s10] =	ssyncadd.s32 $0xFFFFEC00  }
0x205: {  	[spmem:s5] =	stream.linear.scatter [tilespmem:s16], [sflag:$0x5], $0x1400, $0x38;
	[tilespmem:$0x1EC00] =	vst v63  }
0x206: {  	_ =	swait.ge [sflag:s10], $0x1400  }
0x207: {  	[sflag:s10] =	ssyncset.done $0x0  }
0x208: {  	[sflag:s10] =	ssyncadd.s32 $0xFFFFEC00  }
0x209: {  	[bflag:$0x0] =	sbarrier.arrive $0xFFFF  }
0x20a: {  	s2 =	sld [smem:$0x7E5];
	_ =	sdelay $0x1  }
0x20b: {  	s1 =	simm.s32 $0x0;
	s4 =	sld [smem:$0x7FC]  }
0x20c: {  	[tilespmem:s1], [sflag:$0x4] =	stream.linear.gather [hbm4b:s2+s1], $0x200, $0x38;
	[tilespmem:$0x1EC00] =	vst v63  }
0x20d: {  	_ = 	snop  }
0x20e: {  	[tilespmem:s23], [sflag:$0x4] =	stream.linear.gather [hbm4b:s4+s1], $0x200, $0x38;
	[tilespmem:$0x1EC00] =	vst v63  }
0x20f: {  	_ =	swait.ge [sflag:s24], $0x200  }
0x210: {  	[sflag:s24] =	ssyncset.done $0x0  }
0x211: {  	[sflag:s24] =	ssyncadd.s32 $0xFFFFFE00  }
0x212: {  	_ =	swait.ge [sflag:s24], $0x200  }
0x213: {  	[sflag:s24] =	ssyncset.done $0x0  }
0x214: {  	s5 =	sld [smem:$0x7E4];
	[sflag:s24] =	ssyncadd.s32 $0xFFFFFE00  }
0x215: {  	[tilespmem:s26], [sflag:$0x1] =	stream.indirect.gather [hbm4b:s22+s25], $0x10, s1, s25, $0xb8;
	[tilespmem:$0x1EC00] =	vst v63  }
0x216: {  	_ = 	snop  }
0x217: {  	[tilespmem:s25], [sflag:$0x4] =	stream.linear.gather [hbm4b:s5+s1], $0x200, $0x38;
	[tilespmem:$0x1EC00] =	vst v63  }
0x218: {  	s5 =	sld [smem:$0x7FD];
	_ =	sdelay $0x2  }
0x219: {  	[tilespmem:s28], [sflag:$0x4] =	stream.linear.gather [hbm4b:s5+s1], $0x200, $0x38;
	[tilespmem:$0x1EC00] =	vst v63  }
0x21a: {  	_ =	swait.ge [sflag:s24], $0x200  }
0x21b: {  	[sflag:s24] =	ssyncset.done $0x0  }
0x21c: {  	[sflag:s24] =	ssyncadd.s32 $0xFFFFFE00  }
0x21d: {  	_ =	swait.ge [sflag:s24], $0x200  }
0x21e: {  	[sflag:s24] =	ssyncset.done $0x0  }
0x21f: {  	[sflag:s24] =	ssyncadd.s32 $0xFFFFFE00  }
0x220: {  	[tilespmem:s29], [sflag:$0x2] =	stream.indirect.gather [hbm4b:s22+s25], $0x10, s25, s25, $0xb8;
	[tilespmem:$0x1EC00] =	vst v63  }
0x221: {  	_ =	swait.ge [sflag:s30], $0x2000  }
0x222: {  	[sflag:s30] =	ssyncset.done $0x0  }
0x223: {  	s8 =	sadd.s32 $0x0, s11;
	s7 =	sadd.s32 $0x0, s20;
	[sflag:s30] =	ssyncadd.s32 $0xFFFFE000  }
0x224: {  	[tilespmem:s12], [sflag:$0x4] =	stream.linear.gather [hbm4b:s7+s12], $0x200, $0x38;
	[tilespmem:$0x1EC00] =	vst v63  }
0x225: {  	s9 =	sadd.s32 $0x80, s8  }
0x226: {  	[tilespmem:s23], [sflag:$0x4] =	stream.linear.gather [hbm4b:s9+s12], $0x200, $0x38;
	[tilespmem:$0x1EC00] =	vst v63  }
0x227: {  	_ = 	snop  }
0x228: {  	[spmem:s19] =	stream.indirect.scatter.add.f32 [tilespmem:s26], [sflag:$0x3], $0x10, s23, s25, $0xb8;
	[tilespmem:$0x1EC00] =	vst v63  }
0x229: {  	_ =	swait.ge [sflag:s31], $0x2000  }
0x22a: {  	[sflag:s31] =	ssyncset.done $0x0  }
0x22b: {  	[sflag:s31] =	ssyncadd.s32 $0xFFFFE000  }
0x22c: {  	_ =	swait.ge [sflag:s24], $0x200  }
0x22d: {  	[sflag:s24] =	ssyncset.done $0x0  }
0x22e: {  	[sflag:s24] =	ssyncadd.s32 $0xFFFFFE00  }
0x22f: {  	_ =	swait.ge [sflag:s24], $0x200  }
0x230: {  	[sflag:s24] =	ssyncset.done $0x0  }
0x231: {  	[sflag:s24] =	ssyncadd.s32 $0xFFFFFE00  }
0x232: {  	[tilespmem:s26], [sflag:$0x1] =	stream.indirect.gather [hbm4b:s22+s25], $0x10, s12, s25, $0xb8;
	[tilespmem:$0x1EC00] =	vst v63  }
0x233: {  	_ =	swait.ge [sflag:s0], $0x2000  }
0x234: {  	[sflag:s0] =	ssyncset.done $0x0  }
0x235: {  	s13 =	sadd.s32 $0x0, s21;
	[sflag:s0] =	ssyncadd.s32 $0xFFFFE000  }
0x236: {  	[tilespmem:s25], [sflag:$0x4] =	stream.linear.gather [hbm4b:s13+s12], $0x200, $0x38;
	[tilespmem:$0x1EC00] =	vst v63  }
0x237: {  	s14 =	sadd.s32 $0xC0, s8  }
0x238: {  	[tilespmem:s28], [sflag:$0x4] =	stream.linear.gather [hbm4b:s14+s12], $0x200, $0x38;
	[tilespmem:$0x1EC00] =	vst v63  }
0x239: {  	_ = 	snop  }
0x23a: {  	[spmem:s19] =	stream.indirect.scatter.add.f32 [tilespmem:s29], [sflag:$0x3], $0x10, s28, s25, $0xb8;
	[tilespmem:$0x1EC00] =	vst v63  }
0x23b: {  	_ =	swait.ge [sflag:s31], $0x2000  }
0x23c: {  	s6 =	simm.s32 $0x80;
	[sflag:s31] =	ssyncset.done $0x0  }
.LBB2_4:
0x23d: {  	p0 =	sne.s32 s6, $0x3000  }
0x23e: {  	[sflag:s31] =	ssyncadd.s32 $0xFFFFE000;
	s7 =	smov.u32 s6;
	s6 =	sadd.s32 $0x80, s6  }
0x23f: {  	_ = 	snop  }
0x240: {  	_ =	swait.ge [sflag:s24], $0x200  }
0x241: {  	[sflag:s24] =	ssyncset.done $0x0  }
0x242: {  	[sflag:s24] =	ssyncadd.s32 $0xFFFFFE00  }
0x243: {  	_ =	swait.ge [sflag:s24], $0x200  }
0x244: {  	[sflag:s24] =	ssyncset.done $0x0  }
0x245: {  	[sflag:s24] =	ssyncadd.s32 $0xFFFFFE00  }
0x246: {  	[tilespmem:s29], [sflag:$0x2] =	stream.indirect.gather [hbm4b:s22+s25], $0x10, s25, s25, $0xb8;
	[tilespmem:$0x1EC00] =	vst v63  }
0x247: {  	_ =	swait.ge [sflag:s30], $0x2000  }
0x248: {  	[sflag:s30] =	ssyncset.done $0x0  }
0x249: {  	s8 =	sadd.s32 s7, s20;
	s9 =	sadd.s32 s7, s11;
	[sflag:s30] =	ssyncadd.s32 $0xFFFFE000  }
0x24a: {  	[tilespmem:s12], [sflag:$0x4] =	stream.linear.gather [hbm4b:s8+s12], $0x200, $0x38;
	[tilespmem:$0x1EC00] =	vst v63  }
0x24b: {  	s8 =	sadd.s32 $0x80, s9  }
0x24c: {  	[tilespmem:s23], [sflag:$0x4] =	stream.linear.gather [hbm4b:s8+s12], $0x200, $0x38;
	[tilespmem:$0x1EC00] =	vst v63  }
0x24d: {  	_ = 	snop  }
0x24e: {  	[spmem:s19] =	stream.indirect.scatter.add.f32 [tilespmem:s26], [sflag:$0x3], $0x10, s23, s25, $0xb8;
	[tilespmem:$0x1EC00] =	vst v63  }
0x24f: {  	_ =	swait.ge [sflag:s31], $0x2000  }
0x250: {  	[sflag:s31] =	ssyncset.done $0x0  }
0x251: {  	[sflag:s31] =	ssyncadd.s32 $0xFFFFE000  }
0x252: {  	_ =	swait.ge [sflag:s24], $0x200  }
0x253: {  	[sflag:s24] =	ssyncset.done $0x0  }
0x254: {  	[sflag:s24] =	ssyncadd.s32 $0xFFFFFE00  }
0x255: {  	_ =	swait.ge [sflag:s24], $0x200  }
0x256: {  	[sflag:s24] =	ssyncset.done $0x0  }
0x257: {  	[sflag:s24] =	ssyncadd.s32 $0xFFFFFE00  }
0x258: {  	[tilespmem:s26], [sflag:$0x1] =	stream.indirect.gather [hbm4b:s22+s25], $0x10, s12, s25, $0xb8;
	[tilespmem:$0x1EC00] =	vst v63  }
0x259: {  	_ =	swait.ge [sflag:s0], $0x2000  }
0x25a: {  	[sflag:s0] =	ssyncset.done $0x0  }
0x25b: {  	s7 =	sadd.s32 s7, s21;
	[sflag:s0] =	ssyncadd.s32 $0xFFFFE000  }
0x25c: {  	[tilespmem:s25], [sflag:$0x4] =	stream.linear.gather [hbm4b:s7+s12], $0x200, $0x38;
	[tilespmem:$0x1EC00] =	vst v63  }
0x25d: {  	s7 =	sadd.s32 $0xC0, s9  }
0x25e: {  	[tilespmem:s28], [sflag:$0x4] =	stream.linear.gather [hbm4b:s7+s12], $0x200, $0x38;
	[tilespmem:$0x1EC00] =	vst v63  }
.Ltmp1:
0x25f: {  	_ = 	snop;
	(pc) =	sbr.rel @p0 .LBB2_4-.Ltmp1, $4  }
0x260: {  	_ = 	snop  }
0x261: {  	[spmem:s19] =	stream.indirect.scatter.add.f32 [tilespmem:s29], [sflag:$0x3], $0x10, s28, s25, $0xb8;
	[tilespmem:$0x1EC00] =	vst v63  }
0x262: {  	_ =	swait.ge [sflag:s31], $0x2000  }
0x263: {  	[sflag:s31] =	ssyncset.done $0x0  }
0x264: {  	[sflag:s31] =	ssyncadd.s32 $0xFFFFE000  }
0x265: {  	_ =	swait.ge [sflag:s24], $0x200  }
0x266: {  	[sflag:s24] =	ssyncset.done $0x0  }
0x267: {  	[sflag:s24] =	ssyncadd.s32 $0xFFFFFE00  }
0x268: {  	_ =	swait.ge [sflag:s24], $0x200  }
0x269: {  	[sflag:s24] =	ssyncset.done $0x0  }
0x26a: {  	[sflag:s24] =	ssyncadd.s32 $0xFFFFFE00  }
0x26b: {  	[tilespmem:s29], [sflag:$0x2] =	stream.indirect.gather [hbm4b:s22+s25], $0x10, s25, s25, $0xb8;
	[tilespmem:$0x1EC00] =	vst v63  }
0x26c: {  	_ =	swait.ge [sflag:s30], $0x2000  }
0x26d: {  	[sflag:s30] =	ssyncset.done $0x0  }
0x26e: {  	[sflag:s30] =	ssyncadd.s32 $0xFFFFE000  }
0x26f: {  	[spmem:s19] =	stream.indirect.scatter.add.f32 [tilespmem:s26], [sflag:$0x3], $0x10, s23, s25, $0xb8;
	[tilespmem:$0x1EC00] =	vst v63  }
0x270: {  	_ =	swait.ge [sflag:s31], $0x2000  }
0x271: {  	[sflag:s31] =	ssyncset.done $0x0  }
0x272: {  	[sflag:s31] =	ssyncadd.s32 $0xFFFFE000  }
0x273: {  	_ =	swait.ge [sflag:s0], $0x2000  }
0x274: {  	[sflag:s0] =	ssyncset.done $0x0  }
0x275: {  	[sflag:s0] =	ssyncadd.s32 $0xFFFFE000  }
0x276: {  	[spmem:s19] =	stream.indirect.scatter.add.f32 [tilespmem:s29], [sflag:$0x3], $0x10, s28, s25, $0xb8;
	[tilespmem:$0x1EC00] =	vst v63  }
0x277: {  	_ =	swait.ge [sflag:s31], $0x2000  }
0x278: {  	[sflag:s31] =	ssyncset.done $0x0  }
0x279: {  	[sflag:s31] =	ssyncadd.s32 $0xFFFFE000  }
0x27a: {  	[bflag:$0x0] =	sbarrier.arrive $0xFFFF  }
0x27b: {  	s2 =	sld [smem:$0x7C2];
	_ =	sdelay $0x1  }
0x27c: {  	s6 =	rddreg [dreg:$0x17]  }
0x27d: {  	[hbm:s6@s15], [sflag:s3] =	dma.strided [spmem:s2@s0], $0x280, s30, $0x2   }
0x27e: {  	_ =	swait.ge [sflag:s10], $0x280  }
0x27f: {  	s4 =	sld [smem:$0x7C3]  }
0x280: {  	[sflag:s10] =	ssyncset.done $0x0  }
0x281: {  	s2 =	rddreg [dreg:$0x18];
	[sflag:s10] =	ssyncadd.s32 $0xFFFFFD80  }
0x282: {  	[hbm:s2@s15], [sflag:s3] =	dma.strided [spmem:s4@s0], $0x280, s30, $0x2   }
0x283: {  	_ =	swait.ge [sflag:s10], $0x280  }
0x284: {  	s8 =	sld [smem:$0x7C4]  }
0x285: {  	[sflag:s10] =	ssyncset.done $0x0  }
0x286: {  	s7 =	rddreg [dreg:$0x19];
	[sflag:s10] =	ssyncadd.s32 $0xFFFFFD80  }
0x287: {  	[hbm:s7@s15], [sflag:s3] =	dma.strided [spmem:s8@s0], $0x280, s30, $0x2   }
0x288: {  	_ =	swait.ge [sflag:s10], $0x280  }
0x289: {  	s13 =	sld [smem:$0x7C5]  }
0x28a: {  	[sflag:s10] =	ssyncset.done $0x0  }
0x28b: {  	s9 =	rddreg [dreg:$0x1a];
	[sflag:s10] =	ssyncadd.s32 $0xFFFFFD80  }
0x28c: {  	[hbm:s9@s15], [sflag:s3] =	dma.strided [spmem:s13@s0], $0x280, s30, $0x2   }
0x28d: {  	_ =	swait.ge [sflag:s10], $0x280  }
0x28e: {  	s1 =	sld [smem:$0x7C6]  }
0x28f: {  	[sflag:s10] =	ssyncset.done $0x0  }
0x290: {  	s14 =	rddreg [dreg:$0x1b];
	[sflag:s10] =	ssyncadd.s32 $0xFFFFFD80  }
0x291: {  	[hbm:s14@s15], [sflag:s3] =	dma.strided [spmem:s1@s0], $0x280, s30, $0x2   }
0x292: {  	_ =	swait.ge [sflag:s10], $0x280  }
0x293: {  	s4 =	sld [smem:$0x7C7]  }
0x294: {  	[sflag:s10] =	ssyncset.done $0x0  }
0x295: {  	s2 =	rddreg [dreg:$0x1c];
	[sflag:s10] =	ssyncadd.s32 $0xFFFFFD80  }
0x296: {  	[hbm:s2@s15], [sflag:s3] =	dma.strided [spmem:s4@s0], $0x280, s30, $0x2   }
0x297: {  	_ =	swait.ge [sflag:s10], $0x280  }
0x298: {  	s8 =	sld [smem:$0x7C8]  }
0x299: {  	[sflag:s10] =	ssyncset.done $0x0  }
0x29a: {  	s7 =	rddreg [dreg:$0x1d];
	[sflag:s10] =	ssyncadd.s32 $0xFFFFFD80  }
0x29b: {  	[hbm:s7@s15], [sflag:s3] =	dma.strided [spmem:s8@s0], $0x280, s30, $0x2   }
0x29c: {  	_ =	swait.ge [sflag:s10], $0x280  }
0x29d: {  	s13 =	sld [smem:$0x7C9]  }
0x29e: {  	[sflag:s10] =	ssyncset.done $0x0  }
0x29f: {  	s9 =	rddreg [dreg:$0x1e];
	[sflag:s10] =	ssyncadd.s32 $0xFFFFFD80  }
0x2a0: {  	[hbm:s9@s15], [sflag:s3] =	dma.strided [spmem:s13@s0], $0x280, s30, $0x2   }
0x2a1: {  	_ =	swait.ge [sflag:s10], $0x280  }
0x2a2: {  	s1 =	sld [smem:$0x7CA]  }
0x2a3: {  	[sflag:s10] =	ssyncset.done $0x0  }
0x2a4: {  	s14 =	rddreg [dreg:$0x1f];
	[sflag:s10] =	ssyncadd.s32 $0xFFFFFD80  }
0x2a5: {  	[hbm:s14@s15], [sflag:s3] =	dma.strided [spmem:s1@s0], $0x280, s30, $0x2   }
0x2a6: {  	_ =	swait.ge [sflag:s10], $0x280  }
0x2a7: {  	s2 =	sld [smem:$0x7D7]  }
0x2a8: {  	s4 =	sld [smem:$0x7CB]  }
0x2a9: {  	[sflag:s10] =	ssyncset.done $0x0  }
0x2aa: {  	[sflag:s10] =	ssyncadd.s32 $0xFFFFFD80  }
0x2ab: {  	[hbm:s2@s15], [sflag:s3] =	dma.strided [spmem:s4@s0], $0x280, s30, $0x2   }
0x2ac: {  	_ =	swait.ge [sflag:s10], $0x280  }
0x2ad: {  	s7 =	sld [smem:$0x7D8]  }
0x2ae: {  	s8 =	sld [smem:$0x7CC]  }
0x2af: {  	[sflag:s10] =	ssyncset.done $0x0  }
0x2b0: {  	[sflag:s10] =	ssyncadd.s32 $0xFFFFFD80  }
0x2b1: {  	[hbm:s7@s15], [sflag:s3] =	dma.strided [spmem:s8@s0], $0x280, s30, $0x2   }
0x2b2: {  	_ =	swait.ge [sflag:s10], $0x280  }
0x2b3: {  	s9 =	sld [smem:$0x7D9]  }
0x2b4: {  	s13 =	sld [smem:$0x7CD]  }
0x2b5: {  	[sflag:s10] =	ssyncset.done $0x0  }
0x2b6: {  	[sflag:s10] =	ssyncadd.s32 $0xFFFFFD80  }
0x2b7: {  	[hbm:s9@s15], [sflag:s3] =	dma.strided [spmem:s13@s0], $0x280, s30, $0x2   }
0x2b8: {  	_ =	swait.ge [sflag:s10], $0x280  }
0x2b9: {  	s14 =	sld [smem:$0x7DA]  }
0x2ba: {  	s1 =	sld [smem:$0x7CE]  }
0x2bb: {  	[sflag:s10] =	ssyncset.done $0x0  }
0x2bc: {  	[sflag:s10] =	ssyncadd.s32 $0xFFFFFD80  }
0x2bd: {  	[hbm:s14@s15], [sflag:s3] =	dma.strided [spmem:s1@s0], $0x280, s30, $0x2   }
0x2be: {  	_ =	swait.ge [sflag:s10], $0x280  }
0x2bf: {  	s2 =	sld [smem:$0x7DB]  }
0x2c0: {  	s4 =	sld [smem:$0x7CF]  }
0x2c1: {  	[sflag:s10] =	ssyncset.done $0x0  }
0x2c2: {  	[sflag:s10] =	ssyncadd.s32 $0xFFFFFD80  }
0x2c3: {  	[hbm:s2@s15], [sflag:s3] =	dma.strided [spmem:s4@s0], $0x280, s30, $0x2   }
0x2c4: {  	_ =	swait.ge [sflag:s10], $0x280  }
0x2c5: {  	s7 =	sld [smem:$0x7DC]  }
0x2c6: {  	s8 =	sld [smem:$0x7D0]  }
0x2c7: {  	[sflag:s10] =	ssyncset.done $0x0  }
0x2c8: {  	[sflag:s10] =	ssyncadd.s32 $0xFFFFFD80  }
0x2c9: {  	[hbm:s7@s15], [sflag:s3] =	dma.strided [spmem:s8@s0], $0x280, s30, $0x2   }
0x2ca: {  	_ =	swait.ge [sflag:s10], $0x280  }
0x2cb: {  	s9 =	sld [smem:$0x7DD]  }
0x2cc: {  	s13 =	sld [smem:$0x7D1]  }
0x2cd: {  	[sflag:s10] =	ssyncset.done $0x0  }
0x2ce: {  	[sflag:s10] =	ssyncadd.s32 $0xFFFFFD80  }
0x2cf: {  	[hbm:s9@s15], [sflag:s3] =	dma.strided [spmem:s13@s0], $0x280, s30, $0x2   }
0x2d0: {  	_ =	swait.ge [sflag:s10], $0x280  }
0x2d1: {  	s14 =	sld [smem:$0x7DE]  }
0x2d2: {  	s1 =	sld [smem:$0x7D2]  }
0x2d3: {  	[sflag:s10] =	ssyncset.done $0x0  }
0x2d4: {  	[sflag:s10] =	ssyncadd.s32 $0xFFFFFD80  }
0x2d5: {  	[hbm:s14@s15], [sflag:s3] =	dma.strided [spmem:s1@s0], $0x280, s30, $0x2   }
0x2d6: {  	_ =	swait.ge [sflag:s10], $0x280  }
0x2d7: {  	s2 =	sld [smem:$0x7DF]  }
0x2d8: {  	s4 =	sld [smem:$0x7D3]  }
0x2d9: {  	[sflag:s10] =	ssyncset.done $0x0  }
0x2da: {  	[sflag:s10] =	ssyncadd.s32 $0xFFFFFD80  }
0x2db: {  	[hbm:s2@s15], [sflag:s3] =	dma.strided [spmem:s4@s0], $0x280, s30, $0x2   }
0x2dc: {  	_ =	swait.ge [sflag:s10], $0x280  }
0x2dd: {  	s7 =	sld [smem:$0x7E0]  }
0x2de: {  	s8 =	sld [smem:$0x7D4]  }
0x2df: {  	[sflag:s10] =	ssyncset.done $0x0  }
0x2e0: {  	[sflag:s10] =	ssyncadd.s32 $0xFFFFFD80  }
0x2e1: {  	[hbm:s7@s15], [sflag:s3] =	dma.strided [spmem:s8@s0], $0x280, s30, $0x2   }
0x2e2: {  	_ =	swait.ge [sflag:s10], $0x280  }
0x2e3: {  	s4 =	sld [smem:$0x7E1]  }
0x2e4: {  	s9 =	sld [smem:$0x7D5]  }
0x2e5: {  	[sflag:s10] =	ssyncset.done $0x0  }
0x2e6: {  	[sflag:s10] =	ssyncadd.s32 $0xFFFFFD80  }
0x2e7: {  	[hbm:s4@s15], [sflag:s3] =	dma.strided [spmem:s9@s0], $0x280, s30, $0x2   }
0x2e8: {  	_ =	swait.ge [sflag:s10], $0x280  }
0x2e9: {  	s13 =	sld [smem:$0x7D6]  }
0x2ea: {  	s14 =	sld [smem:$0x7FB];
	_ =	sdelay $0x1  }
0x2eb: {  	s3 =	sadd.s32 $0x1, s13  }
0x2ec: {  	p0 =	sne.s32 s3, s14  }
.Ltmp2:
0x2ed: {  	_ = 	snop;
	(pc) =	sbr.rel @p0 .LBB2_1-.Ltmp2, $3  }
0x2ee: {  	[sflag:s10] =	ssyncset.done $0x0  }
0x2ef: {  	[sflag:s10] =	ssyncadd.s32 $0xFFFFFD80  }
0x2f0: {  	[bflag:$0x0] =	sbarrier.arrive $0xFFFF;
	_ =	sdelay $0x1  }
0x2f1: {  	_ =	sfence.sel $0x180000  }
0x2f2: {  	[bflag:$0x0] =	sbarrier.arrive $0xFFFF  }
0x2f3: {  	_ =	strace $0x9000004D  }
0x2f4: {  	s0 =	stileid.u32;
	[bflag:$0x2] =	sbarrier.arrive $0xFFFF  }
0x2f5: {  	p0 =	sne.s32 s0, $0x0;
	s0 =	rddreg [dreg:$0x2]  }
0x2f6: {  	s0 =	sadd.s32 @!p0 $0x100000, s0  }
0x2f7: {  	[sflag:s0] =	ssyncadd.tile.s32 @!p0 $0x1;
	_ =	shalt  }
.Lfunc_end2:
_tile_overlayer_lowered:
.L_overlay_start_2:
0x2f8: {  	(tag) =	ssettag $0x2  }
0x2f9: {  	s0 =	rddreg [dreg:$0x0];
	s2 =	stileid.u32  }
0x2fa: {  	s1 =	rddreg [dreg:$0x1];
	p0 =	sne.s32 s2, $0x0  }
0x2fb: {  	s3 =	rddreg [dreg:$0x2];
	[bflag:$0x3] =	sbarrier.arrive $0xFFFF;
	s2 =	simm.s32 @!p0 $0x1C05  }
0x2fc: {  	[timem:s3], [sflag:s2] =	dma.local @!p0 [hbm:s0], s1  }
0x2fd: {  	s0 =	simm.s32 @!p0 $0x5  }
0x2fe: {  	_ =	swait.ge @!p0 [sflag:s0], s1  }
0x2ff: {  	s1 =	ssub.s32 @!p0 $0x0, s1;
	[sflag:s0] =	ssyncset.done @!p0 $0x0  }
0x300: {  	[sflag:s0] =	ssyncadd.s32 @!p0 s1  }
0x301: {  	[bflag:$0x3] =	sbarrier.arrive $0xFFFF  }
0x302: {  	_ =	shalt  }

// kernel: kernel.19.cloned.1.call-start
scs
__scs_entry_jumppad:
0x0: {  	(pc) =	sbr.rel $0x88, $3  }
0x1: {  	(tag) =	ssettag $0x0;
	lr =	simm.s32 $0x1  }
0x2: {  	[smem:$0x3F99] =	sst lr;
	_ =	strace $0xD0000000  }
0x3: {  	_ = 	snop  }
0x4: {  	_ = 	snop  }
0x5: {  	_ = 	snop  }
0x6: {  	_ = 	snop  }
0x7: {  	_ = 	snop  }
__scs_overlays_trampoline_lowered:
0x8: {  	[smem:$0x3FA8] =	sst s0  }
0x9: {  	[smem:$0x3FA9] =	sst s1  }
0xa: {  	[smem:$0x3FAA] =	sst s2  }
0xb: {  	[smem:$0x3FAB] =	sst s3  }
0xc: {  	[smem:$0x3FAC] =	sst s4  }
0xd: {  	[smem:$0x3FAD] =	sst s5  }
0xe: {  	[smem:$0x3FAE] =	sst s6  }
0xf: {  	[smem:$0x3FAF] =	sst s7  }
0x10: {  	[smem:$0x3FB0] =	sst s8  }
0x11: {  	[smem:$0x3FB1] =	sst s9;
	s0 =	simm.s32 @!p0 $0x0  }
0x12: {  	s1 =	sld [smem:$0x3F97];
	s0 =	simm.s32 @p0 $0x1  }
0x13: {  	[smem:$0x3FB2] =	sst s0;
	s0 =	simm.s32 @!p1 $0x0  }
0x14: {  	s2 =	sld [smem:$0x3F96];
	s0 =	simm.s32 @p1 $0x1  }
0x15: {  	[smem:$0x3FB3] =	sst s0;
	s0 =	simm.s32 @!p2 $0x0  }
0x16: {  	s3 =	sld [smem:$0x3FDB];
	s0 =	simm.s32 @p2 $0x1  }
0x17: {  	s4 =	simm.s32 $0x1BF5;
	[smem:$0x3FB5] =	sst s0  }
0x18: {  	s0 =	sld [smem:$0x3F98];
	_ =	swait.ge [sflag:s4], $0x0  }
0x19: {  	s7 =	sld [smem:$0x3F99]  }
0x1a: {  	s8 =	sadd.s32 $0xFFFFE003, lr  }
0x1b: {  	s9 =	sadd.s32 $0xFFFFFEF7, lr;
	s5 =	simm.s32 $0xFFFFFFFF;
	p2 =	slt.u32 s8, $0xFFFFF086  }
0x1c: {  	p1 =	slt.u32 s9, $0xF7A;
	s5 =	simm.s32 @!p2 $0x0  }
0x1d: {  	s5 =	simm.s32 @p1 $0x1;
	p0 =	seq.s32 s7, s2  }
0x1e: {  	s7 =	smul.u32 @!p0 $0xF7A, s2;
	p2 =	seq.s32 @!p0 s5, $0x0  }
0x1f: {  	s9 =	smul.u32 $0xF7A, s1;
	s8 =	simm.s32 @!p0 $0x1BF5;
	p2 =	por !p2, p0  }
0x20: {  	[sflag:s8] =	ssyncset.s32 @!p0 $0xFFFFF086;
	s6 =	sadd.s32 @!p0 s3, s7;
	s7 =	simm.s32 @!p0 $0x108  }
0x21: {  	s3 =	sadd.s32 s3, s9;
	s6 =	sadd.s32 @!p0 $0x88, s6;
	s7 =	simm.s32 @p2 $0x1082  }
0x22: {  	[simem:s7], [sflag:s8] =	dma.local @!p0 [hbm:s6], $0xF7A  }
0x23: {  	s9 =	sor.u32 $0xD0000000, s2;
	s6 =	simm.s32 $0x108;
	_ =	swait.ge @!p0 [sflag:s8], $0x0  }
0x24: {  	s3 =	sadd.s32 $0x88, s3;
	s6 =	simm.s32 @!p1 $0x1082;
	[sflag:s4] =	ssyncset.s32 $0xFFFFF086  }
0x25: {  	[simem:s6], [sflag:s4] =	dma.local [hbm:s3], $0xF7A  }
0x26: {  	[smem:$0x3F99] =	sst s1;
	(tag) =	ssettag s2;
	_ =	strace s9  }
0x27: {  	s1 =	sld [smem:$0x3FA9]  }
0x28: {  	s2 =	sld [smem:$0x3FAA]  }
0x29: {  	s4 =	sld [smem:$0x3FAC]  }
0x2a: {  	p0 =	seq.s32 s5, $0x0;
	s5 =	sld [smem:$0x3FAD]  }
0x2b: {  	s6 =	sld [smem:$0x3FAE]  }
0x2c: {  	s7 =	sld [smem:$0x3FAF]  }
0x2d: {  	s3 =	simm.s32 $0x108;
	s8 =	sld [smem:$0x3FB0]  }
0x2e: {  	s3 =	simm.s32 @!p0 $0x1082;
	s9 =	sld [smem:$0x3FB1]  }
0x2f: {  	lr =	sadd.s32 s0, s3;
	s0 =	sld [smem:$0x3FA8]  }
0x30: {  	s3 =	sld [smem:$0x3FAB]  }
0x31: {  	[smem:$0x3FB4] =	sst s10  }
0x32: {  	s10 =	sld [smem:$0x3FB2];
	_ =	sdelay $0x3  }
0x33: {  	p0 =	seq.s32 s10, $0x1;
	s10 =	sld [smem:$0x3FB4];
	_ =	sdelay $0x3  }
0x34: {  	[smem:$0x3FB4] =	sst s10  }
0x35: {  	s10 =	sld [smem:$0x3FB3];
	_ =	sdelay $0x3  }
0x36: {  	p1 =	seq.s32 s10, $0x1;
	s10 =	sld [smem:$0x3FB4];
	_ =	sdelay $0x3  }
0x37: {  	[smem:$0x3FB4] =	sst s10  }
0x38: {  	s10 =	sld [smem:$0x3FB5]  }
0x39: {  	_ = 	snop;
	(pc) =	sbr.ind lr, $3  }
0x3a: {  	_ = 	snop  }
0x3b: {  	_ = 	snop  }
0x3c: {  	p2 =	seq.s32 s10, $0x1;
	s10 =	sld [smem:$0x3FB4]  }
0x3d: {  	_ =	shalt  }
0x3e: {  	_ =	shalt  }
0x3f: {  	_ =	shalt  }
0x40: {  	_ =	shalt  }
0x41: {  	_ =	shalt  }
0x42: {  	_ =	shalt  }
0x43: {  	_ =	shalt  }
0x44: {  	_ =	shalt  }
0x45: {  	_ =	shalt  }
0x46: {  	_ =	shalt  }
0x47: {  	_ =	shalt  }
0x48: {  	_ =	shalt  }
0x49: {  	_ =	shalt  }
0x4a: {  	_ =	shalt  }
0x4b: {  	_ =	shalt  }
0x4c: {  	_ =	shalt  }
0x4d: {  	_ =	shalt  }
0x4e: {  	_ =	shalt  }
0x4f: {  	_ =	shalt  }
0x50: {  	_ =	shalt  }
0x51: {  	_ =	shalt  }
0x52: {  	_ =	shalt  }
0x53: {  	_ =	shalt  }
0x54: {  	_ =	shalt  }
0x55: {  	_ =	shalt  }
0x56: {  	_ =	shalt  }
0x57: {  	_ =	shalt  }
0x58: {  	_ =	shalt  }
0x59: {  	_ =	shalt  }
0x5a: {  	_ =	shalt  }
0x5b: {  	_ =	shalt  }
0x5c: {  	_ =	shalt  }
0x5d: {  	_ =	shalt  }
0x5e: {  	_ =	shalt  }
0x5f: {  	_ =	shalt  }
0x60: {  	_ =	shalt  }
0x61: {  	_ =	shalt  }
0x62: {  	_ =	shalt  }
0x63: {  	_ =	shalt  }
0x64: {  	_ =	shalt  }
0x65: {  	_ =	shalt  }
0x66: {  	_ =	shalt  }
0x67: {  	_ =	shalt  }
0x68: {  	_ =	shalt  }
0x69: {  	_ =	shalt  }
0x6a: {  	_ =	shalt  }
0x6b: {  	_ =	shalt  }
0x6c: {  	_ =	shalt  }
0x6d: {  	_ =	shalt  }
0x6e: {  	_ =	shalt  }
0x6f: {  	_ =	shalt  }
0x70: {  	_ =	shalt  }
0x71: {  	_ =	shalt  }
0x72: {  	_ =	shalt  }
0x73: {  	_ =	shalt  }
0x74: {  	_ =	shalt  }
0x75: {  	_ =	shalt  }
0x76: {  	_ =	shalt  }
0x77: {  	_ =	shalt  }
0x78: {  	_ =	shalt  }
0x79: {  	_ =	shalt  }
0x7a: {  	_ =	shalt  }
0x7b: {  	_ =	shalt  }
0x7c: {  	_ =	shalt  }
0x7d: {  	_ =	shalt  }
0x7e: {  	_ =	shalt  }
0x7f: {  	_ =	shalt  }
0x80: {  	_ =	shalt  }
0x81: {  	_ =	shalt  }
0x82: {  	_ =	shalt  }
0x83: {  	_ =	shalt  }
0x84: {  	_ =	shalt  }
0x85: {  	_ =	shalt  }
0x86: {  	_ =	shalt  }
0x87: {  	_ =	shalt  }
.Lfunc_end0:
.L_simem_size_0:
called_computation.3_lowered:
.L_overlay_start_0:
0x88: {  	s2 =	sld [smem:$0x3FD9]  }
0x89: {  	s3 =	sld [smem:$0x3FFE];
	_ =	sdelay $0x1  }
0x8a: {  	s1 =	srdreg.scid  }
0x8b: {  	s0 =	sand.u32 $0x1, s1  }
0x8c: {  	s17 =	sshll.u32 s0, $0xA;
	s2 =	sadd.s32 s3, s2  }
0x8d: {  	s2 =	sadd.s32 s2, s17  }
0x8e: {  	[smem:$0x3FC0] =	sst s2  }
0x8f: {  	_ = 	snop  }
0x90: {  	s2 =	sld [smem:$0x3FD0];
	(tm) =	ssettm $0x1  }
0x91: {  	s18 =	sld [smem:$0x3FFB];
	_ =	sdelay $0x3  }
0x92: {  	_ =	strace s18  }
0x93: {  	s3 =	sld [smem:$0x3FFC];
	_ =	sdelay $0x3  }
0x94: {  	_ =	strace s3  }
0x95: {  	s3 =	sld [smem:$0x3FFD];
	_ =	sdelay $0x3  }
0x96: {  	_ =	strace s3  }
0x97: {  	_ =	strace $0x8FFFFFFF  }
0x98: {  	s19 =	sld [smem:$0x3FDB];
	_ =	sdelay $0x1  }
0x99: {  	s4 =	simm.s32 $_scs_section_size  }
0x9a: {  	s5 =	simm.s32 $_size__tile_overlayer_lowered;
	s6 =	simm.s32 $_tile_overlayer_lowered  }
0x9b: {  	s22 =	simm.s32 $0x1BFF;
	s21 =	sshll.u32 s6, $0x1;
	s3 =	sadd.s32 s4, s19  }
0x9c: {  	s7 =	simm.s32 $0x0;
	s20 =	sshll.u32 s5, $0x1;
	s5 =	sadd.s32 s21, s3  }
0x9d: {  	[timem:s7], [sflag:s22] =	dma.local [hbm:s5], s20  }
0x9e: {  	_ =	swait.ge [sflag:s22], s20  }
0x9f: {  	s4 =	ssub.s32 $0x0, s20;
	[sflag:s22] =	ssyncset.done $0x0  }
0xa0: {  	[sflag:s22] =	ssyncadd.s32 s4;
	_ =	sdelay $0x1  }
0xa1: {  	s23 =	simm.s32 $0x1B8B  }
0xa2: {  	_ =	swait.ge [sflag:s23], $0x1  }
0xa3: {  	[sflag:s23] =	ssyncset.done $0x0  }
0xa4: {  	s25 =	simm.s32 $0x1B8E;
	s24 =	sld [smem:$0x3FFE];
	[sflag:s23] =	ssyncadd.s32 $0xFFFFFFFF  }
0xa5: {  	s26 =	simm.s32 $execute0_lowered;
	[smem:$0x3FD2] =	sst s25  }
0xa6: {  	s5 =	sshll.u32 s26, $0x1;
	_ =	strace $0x8000004F;
	[dreg:$0x1] =	wrdreg $0xFFFFFFFF  }
0xa7: {  	s28 =	simm.s32 $_size_execute0_lowered;
	s3 =	sadd.s32 s3, s5;
	[dreg:$0x0] =	wrdreg $0x0  }
0xa8: {  	s5 =	sshll.u32 s28, $0x1;
	[dreg:$0x2] =	wrdreg s3  }
0xa9: {  	[dreg:$0x3] =	wrdreg s5  }
0xaa: {  	[dreg:$0x4] =	wrdreg $0xC0  }
0xab: {  	_ =	task [dreg:s7], $0x5FFFF  }
0xac: {  	[dreg:$0x1] =	wrdreg $0xFFFFFFFF  }
0xad: {  	[dreg:$0x0] =	wrdreg $0x60  }
0xae: {  	[dreg:$0x2] =	wrdreg s24  }
0xaf: {  	[dreg:$0x3] =	wrdreg s2  }
0xb0: {  	[dreg:$0x4] =	wrdreg $0xB4000  }
0xb1: {  	[dreg:$0x5] =	wrdreg $0x9  }
0xb2: {  	_ =	task.clear_ibuf [dreg:s7], $0x6FFFF;
	_ =	strace $0x9000004F  }
0xb3: {  	s29 =	simm.s32 $0x9;
	_ =	strace $0x80000051  }
0xb4: {  	_ =	swait.ge [sflag:s29], $0x1  }
0xb5: {  	[sflag:s29] =	ssyncadd.s32 $0xFFFFFFFF  }
0xb6: {  	_ =	strace $0x90000051  }
0xb7: {  	_ =	sfence  }
0xb8: {  	s30 =	sld [smem:$0x0];
	_ =	sdelay $0x2  }
0xb9: {  	s31 =	sshll.u32 s1, $0xD;
	s1 =	sshrl.u32 s1, $0x2  }
0xba: {  	s3 =	sand.u32 $0x4000, s31;
	s1 =	sadd.s32 s1, s30  }
0xbb: {  	s0 =	sor.u32 s3, s0;
	s1 =	sshll.u32 s1, $0x11  }
0xbc: {  	s0 =	sor.u32 s1, s0  }
0xbd: {  	s0 =	sadd.s32 $0x8F2B, s0  }
0xbe: {  	[sflag:s0] =	ssyncadd.remote.s32 $0x1  }
0xbf: {  	_ =	sfence.sel $0xFFFF  }
0xc0: {  	[dreg:$0x0] =	wrdreg $0xFFFFFFFF;
	(pc) =	sbr.abs _section_cstart, $3  }
0xc1: {  	[dreg:$0x1] =	wrdreg $0xFFFFFFFF  }
0xc2: {  	_ =	task.clear_ibuf [dreg:s7], $0x2FFFF;
	_ =	strace $0x9FFFFFFF  }
0xc3: {  	(tm) =	ssettm $0x7FFFFFFF  }
tec
execute0_lowered:
.L_overlay_start_1:
0x0: {  	(tag) =	ssettag $0x1  }
0x1: {  	s0 =	rddreg [dreg:$0x0]  }
0x2: {  	s2 =	rddreg [dreg:$0x2];
	s3 =	simm.s32 $0x0;
	s1 =	srdreg.scid  }
0x3: {  	s19 =	stileid.u32;
	s28 =	simm.s32 $0x5;
	s29 =	simm.s32 $0xE00  }
0x4: {  	s30 =	simm.s32 $0x4;
	s31 =	simm.s32 $0x700;
	[smem:$0x7FF] =	sst s3  }
0x5: {  	s4 =	sadd.s32 $0x32A00, s0;
	s6 =	sadd.s32 $0x64A00, s0;
	s13 =	smul.u32 $0xC800, s19  }
0x6: {  	s7 =	sadd.s32 $0x1A00, s0;
	s1 =	sand.u32 $0x1, s1;
	s22 =	smul.u32 $0xC400, s19  }
0x7: {  	_ =	strace $0x80000050;
	s5 =	smul.u32 $0x19000, s1;
	s8 =	ssub.s32 $0x2, s1  }
0x8: {  	s10 =	sshll.u32 s1, $0x4;
	s1 =	smul.u32 $0xC4000, s1;
	s9 =	sshrl.u32 s8, $0x1  }
0x9: {  	s25 =	sor.u32 s19, s10;
	s14 =	sadd.s32 $0x2800, s13;
	s15 =	sadd.s32 $0x5000, s13  }
0xa: {  	s16 =	sadd.s32 $0x7800, s13;
	s17 =	sadd.s32 $0xA000, s13;
	s0 =	sadd.s32 s5, s0  }
0xb: {  	s24 =	ssub.s32 s8, s9;
	s11 =	smul.u32 $0xC400, s25;
	s8 =	sadd.s32 s13, s2  }
0xc: {  	s9 =	sadd.s32 s14, s2;
	s10 =	sadd.s32 s15, s2;
	s12 =	sadd.s32 s17, s2  }
0xd: {  	s13 =	sshrl.u32 s13, $0x3;
	s14 =	sshrl.u32 s14, $0x3;
	s15 =	sshrl.u32 s15, $0x3  }
0xe: {  	s1 =	sadd.s32 s22, s1;
	s17 =	sshrl.u32 s17, $0x3;
	s0 =	sadd.s32 $0x95A00, s0  }
0xf: {  	s5 =	smax.u32 s24, $0x1;
	s23 =	sadd.s32 $0x1500, s1;
	s18 =	sshrl.u32 s11, $0x3  }
0x10: {  	s11 =	sadd.s32 s16, s2;
	s16 =	sshrl.u32 s16, $0x3;
	[dreg:$0x8] =	wrdreg s5  }
0x11: {  	s5 =	sshrl.u32 s23, $0x3;
	s13 =	sadd.s32 s13, s0;
	s24 =	sadd.s32 s14, s0  }
0x12: {  	s25 =	sadd.s32 s15, s0;
	s22 =	sadd.s32 s17, s0;
	[dreg:$0x9] =	wrdreg s13  }
0x13: {  	s14 =	simm.s32 $0x3;
	s15 =	simm.s32 $0x2;
	[dreg:$0xa] =	wrdreg s24  }
0x14: {  	s20 =	sadd.s32 s6, s18;
	s26 =	sadd.s32 s7, s18;
	[dreg:$0xb] =	wrdreg s25  }
0x15: {  	s18 =	sadd.s32 $0xE0, s18;
	s23 =	sadd.s32 s5, s7;
	[dreg:$0x4] =	wrdreg s20  }
0x16: {  	s24 =	sadd.s32 s5, s6;
	[dreg:$0x5] =	wrdreg s26;
	s21 =	sadd.s32 s6, s18  }
0x17: {  	s5 =	simm.s32 $0x5400;
	s18 =	sadd.s32 s7, s18;
	[dreg:$0x6] =	wrdreg s21  }
0x18: {  	s13 =	simm.s32 $0x1;
	s26 =	sadd.s32 s16, s0;
	[dreg:$0x7] =	wrdreg s18  }
0x19: {  	s0 =	simm.s32 $0x1C00;
	s16 =	simm.s32 $0x0;
	[dreg:$0xc] =	wrdreg s26  }
0x1a: {  	s18 =	sadd.s32 $0xE00, s1;
	s26 =	simm.s32 $0x8C00;
	s1 =	simm.s32 $0x1500  }
.LBB2_1:
0x1b: {  	s17 =	rddreg [dreg:$0x1]  }
0x1c: {  	[tilespmem:s26], [sflag:$0x5] =	stream.linear.gather [hbm4b:s17+s3], $0x2800, $0x38;
	[tilespmem:$0x17C00] =	vst v63  }
0x1d: {  	_ =	swait.ge [sflag:s28], $0x2800  }
0x1e: {  	[sflag:s28] =	ssyncset.done $0x0  }
0x1f: {  	[sflag:s28] =	ssyncadd.s32 $0xFFFFD800  }
0x20: {  	[spmem:s8] =	stream.linear.scatter [tilespmem:s26], [sflag:$0x5], $0x2800, $0x38;
	[tilespmem:$0x17C00] =	vst v63  }
0x21: {  	_ =	swait.ge [sflag:s28], $0x2800  }
0x22: {  	[sflag:s28] =	ssyncset.done $0x0  }
0x23: {  	[sflag:s28] =	ssyncadd.s32 $0xFFFFD800  }
0x24: {  	[spmem:s9] =	stream.linear.scatter [tilespmem:s26], [sflag:$0x5], $0x2800, $0x38;
	[tilespmem:$0x17C00] =	vst v63  }
0x25: {  	_ =	swait.ge [sflag:s28], $0x2800  }
0x26: {  	[sflag:s28] =	ssyncset.done $0x0  }
0x27: {  	[sflag:s28] =	ssyncadd.s32 $0xFFFFD800  }
0x28: {  	[spmem:s10] =	stream.linear.scatter [tilespmem:s26], [sflag:$0x5], $0x2800, $0x38;
	[tilespmem:$0x17C00] =	vst v63  }
0x29: {  	_ =	swait.ge [sflag:s28], $0x2800  }
0x2a: {  	[sflag:s28] =	ssyncset.done $0x0  }
0x2b: {  	[sflag:s28] =	ssyncadd.s32 $0xFFFFD800  }
0x2c: {  	[spmem:s11] =	stream.linear.scatter [tilespmem:s26], [sflag:$0x5], $0x2800, $0x38;
	[tilespmem:$0x17C00] =	vst v63  }
0x2d: {  	_ =	swait.ge [sflag:s28], $0x2800  }
0x2e: {  	[sflag:s28] =	ssyncset.done $0x0  }
0x2f: {  	[sflag:s28] =	ssyncadd.s32 $0xFFFFD800  }
0x30: {  	[spmem:s12] =	stream.linear.scatter [tilespmem:s26], [sflag:$0x5], $0x2800, $0x38;
	[tilespmem:$0x17C00] =	vst v63  }
0x31: {  	_ =	swait.ge [sflag:s28], $0x2800  }
0x32: {  	[sflag:s28] =	ssyncset.done $0x0  }
0x33: {  	[sflag:s28] =	ssyncadd.s32 $0xFFFFD800  }
0x34: {  	[bflag:$0x0] =	sbarrier.arrive $0xFFFF  }
0x35: {  	s20 =	rddreg [dreg:$0x4]  }
0x36: {  	[tilespmem:s3], [sflag:$0x4] =	stream.linear.gather [hbm4b:s20+s3], $0x700, $0x38;
	[tilespmem:$0x17C00] =	vst v63  }
0x37: {  	s21 =	rddreg [dreg:$0x5]  }
0x38: {  	[tilespmem:s29], [sflag:$0x4] =	stream.linear.gather [hbm4b:s21+s3], $0x700, $0x38;
	[tilespmem:$0x17C00] =	vst v63  }
0x39: {  	_ =	swait.ge [sflag:s30], $0x700  }
0x3a: {  	[sflag:s30] =	ssyncset.done $0x0  }
0x3b: {  	[sflag:s30] =	ssyncadd.s32 $0xFFFFF900  }
0x3c: {  	_ =	swait.ge [sflag:s30], $0x700  }
0x3d: {  	[sflag:s30] =	ssyncset.done $0x0  }
0x3e: {  	[sflag:s30] =	ssyncadd.s32 $0xFFFFF900  }
0x3f: {  	[tilespmem:s0], [sflag:$0x1] =	stream.indirect.gather [hbm4b:s4+s31], $0x8, s3, s31, $0xb8;
	[tilespmem:$0x17C00] =	vst v63  }
0x40: {  	s25 =	rddreg [dreg:$0x6]  }
0x41: {  	[tilespmem:s31], [sflag:$0x4] =	stream.linear.gather [hbm4b:s25+s3], $0x700, $0x38;
	[tilespmem:$0x17C00] =	vst v63  }
0x42: {  	s19 =	rddreg [dreg:$0x7]  }
0x43: {  	[tilespmem:s1], [sflag:$0x4] =	stream.linear.gather [hbm4b:s19+s3], $0x700, $0x38;
	[tilespmem:$0x17C00] =	vst v63  }
0x44: {  	_ =	swait.ge [sflag:s30], $0x700  }
0x45: {  	[sflag:s30] =	ssyncset.done $0x0  }
0x46: {  	[sflag:s30] =	ssyncadd.s32 $0xFFFFF900  }
0x47: {  	_ =	swait.ge [sflag:s30], $0x700  }
0x48: {  	[sflag:s30] =	ssyncset.done $0x0  }
0x49: {  	[sflag:s30] =	ssyncadd.s32 $0xFFFFF900  }
0x4a: {  	[tilespmem:s5], [sflag:$0x2] =	stream.indirect.gather [hbm4b:s4+s31], $0x8, s31, s31, $0xb8;
	[tilespmem:$0x17C00] =	vst v63  }
0x4b: {  	_ =	swait.ge [sflag:s13], $0x3800  }
0x4c: {  	s20 =	sshrl.u32 s18, $0x3;
	[sflag:s13] =	ssyncset.done $0x0  }
0x4d: {  	s19 =	sadd.s32 s6, s20;
	[sflag:s13] =	ssyncadd.s32 $0xFFFFC800  }
0x4e: {  	[tilespmem:s3], [sflag:$0x4] =	stream.linear.gather [hbm4b:s19+s3], $0x700, $0x38;
	[tilespmem:$0x17C00] =	vst v63  }
0x4f: {  	s17 =	sadd.s32 s7, s20  }
0x50: {  	[tilespmem:s29], [sflag:$0x4] =	stream.linear.gather [hbm4b:s17+s3], $0x700, $0x38;
	[tilespmem:$0x17C00] =	vst v63  }
0x51: {  	_ = 	snop  }
0x52: {  	[spmem:s2] =	stream.indirect.scatter.add.f32 [tilespmem:s0], [sflag:$0x3], $0x8, s29, s31, $0xb8;
	[tilespmem:$0x17C00] =	vst v63  }
0x53: {  	_ =	swait.ge [sflag:s14], $0x3800  }
0x54: {  	[sflag:s14] =	ssyncset.done $0x0  }
0x55: {  	[sflag:s14] =	ssyncadd.s32 $0xFFFFC800  }
0x56: {  	_ =	swait.ge [sflag:s30], $0x700  }
0x57: {  	[sflag:s30] =	ssyncset.done $0x0  }
0x58: {  	[sflag:s30] =	ssyncadd.s32 $0xFFFFF900  }
0x59: {  	_ =	swait.ge [sflag:s30], $0x700  }
0x5a: {  	[sflag:s30] =	ssyncset.done $0x0  }
0x5b: {  	[sflag:s30] =	ssyncadd.s32 $0xFFFFF900  }
0x5c: {  	[tilespmem:s0], [sflag:$0x1] =	stream.indirect.gather [hbm4b:s4+s31], $0x8, s3, s31, $0xb8;
	[tilespmem:$0x17C00] =	vst v63  }
0x5d: {  	_ =	swait.ge [sflag:s15], $0x3800  }
0x5e: {  	[sflag:s15] =	ssyncset.done $0x0  }
0x5f: {  	s21 =	sadd.s32 $0x0, s24;
	[sflag:s15] =	ssyncadd.s32 $0xFFFFC800  }
0x60: {  	[tilespmem:s31], [sflag:$0x4] =	stream.linear.gather [hbm4b:s21+s3], $0x700, $0x38;
	[tilespmem:$0x17C00] =	vst v63  }
0x61: {  	s25 =	sadd.s32 $0x0, s23  }
0x62: {  	[tilespmem:s1], [sflag:$0x4] =	stream.linear.gather [hbm4b:s25+s3], $0x700, $0x38;
	[tilespmem:$0x17C00] =	vst v63  }
0x63: {  	_ = 	snop  }
0x64: {  	[spmem:s2] =	stream.indirect.scatter.add.f32 [tilespmem:s5], [sflag:$0x3], $0x8, s1, s31, $0xb8;
	[tilespmem:$0x17C00] =	vst v63  }
0x65: {  	_ =	swait.ge [sflag:s14], $0x3800  }
0x66: {  	s17 =	simm.s32 $0x1C0;
	s25 =	smov.u32 s18;
	[sflag:s14] =	ssyncset.done $0x0  }
.LBB2_2:
0x67: {  	p0 =	sne.s32 s17, $0x1500;
	[sflag:s14] =	ssyncadd.s32 $0xFFFFC800;
	s25 =	sadd.s32 $0xE00, s25  }
0x68: {  	s19 =	smov.u32 s17;
	s17 =	sadd.s32 $0x1C0, s17  }
0x69: {  	_ =	swait.ge [sflag:s30], $0x700  }
0x6a: {  	[sflag:s30] =	ssyncset.done $0x0  }
0x6b: {  	[sflag:s30] =	ssyncadd.s32 $0xFFFFF900  }
0x6c: {  	_ =	swait.ge [sflag:s30], $0x700  }
0x6d: {  	[sflag:s30] =	ssyncset.done $0x0  }
0x6e: {  	[sflag:s30] =	ssyncadd.s32 $0xFFFFF900  }
0x6f: {  	[tilespmem:s5], [sflag:$0x2] =	stream.indirect.gather [hbm4b:s4+s31], $0x8, s31, s31, $0xb8;
	[tilespmem:$0x17C00] =	vst v63  }
0x70: {  	_ =	swait.ge [sflag:s13], $0x3800  }
0x71: {  	s20 =	sshrl.u32 s25, $0x3;
	[sflag:s13] =	ssyncset.done $0x0  }
0x72: {  	s21 =	sadd.s32 s6, s20;
	[sflag:s13] =	ssyncadd.s32 $0xFFFFC800  }
0x73: {  	[tilespmem:s3], [sflag:$0x4] =	stream.linear.gather [hbm4b:s21+s3], $0x700, $0x38;
	[tilespmem:$0x17C00] =	vst v63  }
0x74: {  	s20 =	sadd.s32 s7, s20  }
0x75: {  	[tilespmem:s29], [sflag:$0x4] =	stream.linear.gather [hbm4b:s20+s3], $0x700, $0x38;
	[tilespmem:$0x17C00] =	vst v63  }
0x76: {  	_ = 	snop  }
0x77: {  	[spmem:s2] =	stream.indirect.scatter.add.f32 [tilespmem:s0], [sflag:$0x3], $0x8, s29, s31, $0xb8;
	[tilespmem:$0x17C00] =	vst v63  }
0x78: {  	_ =	swait.ge [sflag:s14], $0x3800  }
0x79: {  	[sflag:s14] =	ssyncset.done $0x0  }
0x7a: {  	[sflag:s14] =	ssyncadd.s32 $0xFFFFC800  }
0x7b: {  	_ =	swait.ge [sflag:s30], $0x700  }
0x7c: {  	[sflag:s30] =	ssyncset.done $0x0  }
0x7d: {  	[sflag:s30] =	ssyncadd.s32 $0xFFFFF900  }
0x7e: {  	_ =	swait.ge [sflag:s30], $0x700  }
0x7f: {  	[sflag:s30] =	ssyncset.done $0x0  }
0x80: {  	[sflag:s30] =	ssyncadd.s32 $0xFFFFF900  }
0x81: {  	[tilespmem:s0], [sflag:$0x1] =	stream.indirect.gather [hbm4b:s4+s31], $0x8, s3, s31, $0xb8;
	[tilespmem:$0x17C00] =	vst v63  }
0x82: {  	_ =	swait.ge [sflag:s15], $0x3800  }
0x83: {  	[sflag:s15] =	ssyncset.done $0x0  }
0x84: {  	s20 =	sadd.s32 s19, s24;
	[sflag:s15] =	ssyncadd.s32 $0xFFFFC800  }
0x85: {  	[tilespmem:s31], [sflag:$0x4] =	stream.linear.gather [hbm4b:s20+s3], $0x700, $0x38;
	[tilespmem:$0x17C00] =	vst v63  }
0x86: {  	s19 =	sadd.s32 s19, s23  }
0x87: {  	[tilespmem:s1], [sflag:$0x4] =	stream.linear.gather [hbm4b:s19+s3], $0x700, $0x38;
	[tilespmem:$0x17C00] =	vst v63  }
.Ltmp0:
0x88: {  	_ = 	snop;
	(pc) =	sbr.rel @p0 .LBB2_2-.Ltmp0, $4  }
0x89: {  	_ = 	snop  }
0x8a: {  	[spmem:s2] =	stream.indirect.scatter.add.f32 [tilespmem:s5], [sflag:$0x3], $0x8, s1, s31, $0xb8;
	[tilespmem:$0x17C00] =	vst v63  }
0x8b: {  	_ =	swait.ge [sflag:s14], $0x3800  }
0x8c: {  	[sflag:s14] =	ssyncset.done $0x0  }
0x8d: {  	[sflag:s14] =	ssyncadd.s32 $0xFFFFC800  }
0x8e: {  	_ =	swait.ge [sflag:s30], $0x700  }
0x8f: {  	[sflag:s30] =	ssyncset.done $0x0  }
0x90: {  	[sflag:s30] =	ssyncadd.s32 $0xFFFFF900  }
0x91: {  	_ =	swait.ge [sflag:s30], $0x700  }
0x92: {  	[sflag:s30] =	ssyncset.done $0x0  }
0x93: {  	[sflag:s30] =	ssyncadd.s32 $0xFFFFF900  }
0x94: {  	[tilespmem:s5], [sflag:$0x2] =	stream.indirect.gather [hbm4b:s4+s31], $0x8, s31, s31, $0xb8;
	[tilespmem:$0x17C00] =	vst v63  }
0x95: {  	_ =	swait.ge [sflag:s13], $0x3800  }
0x96: {  	[sflag:s13] =	ssyncset.done $0x0  }
0x97: {  	[sflag:s13] =	ssyncadd.s32 $0xFFFFC800  }
0x98: {  	[spmem:s2] =	stream.indirect.scatter.add.f32 [tilespmem:s0], [sflag:$0x3], $0x8, s29, s31, $0xb8;
	[tilespmem:$0x17C00] =	vst v63  }
0x99: {  	_ =	swait.ge [sflag:s14], $0x3800  }
0x9a: {  	[sflag:s14] =	ssyncset.done $0x0  }
0x9b: {  	[sflag:s14] =	ssyncadd.s32 $0xFFFFC800  }
0x9c: {  	_ =	swait.ge [sflag:s15], $0x3800  }
0x9d: {  	[sflag:s15] =	ssyncset.done $0x0  }
0x9e: {  	[sflag:s15] =	ssyncadd.s32 $0xFFFFC800  }
0x9f: {  	[spmem:s2] =	stream.indirect.scatter.add.f32 [tilespmem:s5], [sflag:$0x3], $0x8, s1, s31, $0xb8;
	[tilespmem:$0x17C00] =	vst v63  }
0xa0: {  	_ =	swait.ge [sflag:s14], $0x3800  }
0xa1: {  	[sflag:s14] =	ssyncset.done $0x0  }
0xa2: {  	s17 =	stileid.u32;
	[sflag:s14] =	ssyncadd.s32 $0xFFFFC800  }
0xa3: {  	s17 =	sshll.u32 s17, $0x6;
	[bflag:$0x0] =	sbarrier.arrive $0xFFFF  }
0xa4: {  	s19 =	sshrl.u32 s8, $0x3;
	s17 =	sor.u32 $0x1C05, s17;
	s20 =	rddreg [dreg:$0x9]  }
0xa5: {  	[hbm:s20], [sflag:s17] =	dma.local [spmem:s19], $0x500  }
0xa6: {  	_ =	swait.ge [sflag:s28], $0x500  }
0xa7: {  	[sflag:s28] =	ssyncset.done $0x0  }
0xa8: {  	s21 =	sshrl.u32 s9, $0x3;
	s25 =	rddreg [dreg:$0xa];
	[sflag:s28] =	ssyncadd.s32 $0xFFFFFB00  }
0xa9: {  	[hbm:s25], [sflag:s17] =	dma.local [spmem:s21], $0x500  }
0xaa: {  	_ =	swait.ge [sflag:s28], $0x500  }
0xab: {  	[sflag:s28] =	ssyncset.done $0x0  }
0xac: {  	s21 =	sshrl.u32 s10, $0x3;
	s25 =	rddreg [dreg:$0xb];
	[sflag:s28] =	ssyncadd.s32 $0xFFFFFB00  }
0xad: {  	[hbm:s25], [sflag:s17] =	dma.local [spmem:s21], $0x500  }
0xae: {  	_ =	swait.ge [sflag:s28], $0x500  }
0xaf: {  	[sflag:s28] =	ssyncset.done $0x0  }
0xb0: {  	s21 =	sshrl.u32 s11, $0x3;
	s25 =	rddreg [dreg:$0xc];
	[sflag:s28] =	ssyncadd.s32 $0xFFFFFB00  }
0xb1: {  	[hbm:s25], [sflag:s17] =	dma.local [spmem:s21], $0x500  }
0xb2: {  	_ =	swait.ge [sflag:s28], $0x500  }
0xb3: {  	[sflag:s28] =	ssyncset.done $0x0  }
0xb4: {  	s21 =	sshrl.u32 s12, $0x3;
	[sflag:s28] =	ssyncadd.s32 $0xFFFFFB00  }
0xb5: {  	[hbm:s22], [sflag:s17] =	dma.local [spmem:s21], $0x500  }
0xb6: {  	_ =	swait.ge [sflag:s28], $0x500  }
0xb7: {  	s16 =	sadd.s32 $0x1, s16;
	s25 =	rddreg [dreg:$0x8]  }
0xb8: {  	p0 =	sne.s32 s16, s25  }
.Ltmp1:
0xb9: {  	_ = 	snop;
	(pc) =	sbr.rel @p0 .LBB2_1-.Ltmp1, $3  }
0xba: {  	_ =	sdelay $0x1  }
0xbb: {  	[sflag:s28] =	ssyncset.done $0x0  }
0xbc: {  	[sflag:s28] =	ssyncadd.s32 $0xFFFFFB00  }
0xbd: {  	_ =	sfence.sel $0x180000  }
0xbe: {  	[bflag:$0x0] =	sbarrier.arrive $0xFFFF  }
0xbf: {  	_ =	strace $0x90000050  }
0xc0: {  	s0 =	stileid.u32;
	[bflag:$0x2] =	sbarrier.arrive $0xFFFF  }
0xc1: {  	p0 =	sne.s32 s0, $0x0;
	s0 =	rddreg [dreg:$0x3]  }
0xc2: {  	s0 =	sadd.s32 @!p0 $0x100000, s0  }
0xc3: {  	[sflag:s0] =	ssyncadd.tile.s32 @!p0 $0x1;
	_ =	shalt  }
.Lfunc_end2:
_tile_overlayer_lowered:
.L_overlay_start_2:
0xc4: {  	(tag) =	ssettag $0x2  }
0xc5: {  	s0 =	rddreg [dreg:$0x0];
	s2 =	stileid.u32  }
0xc6: {  	s1 =	rddreg [dreg:$0x1];
	p0 =	sne.s32 s2, $0x0  }
0xc7: {  	s3 =	rddreg [dreg:$0x2];
	[bflag:$0x3] =	sbarrier.arrive $0xFFFF;
	s2 =	simm.s32 @!p0 $0x1C05  }
0xc8: {  	[timem:s3], [sflag:s2] =	dma.local @!p0 [hbm:s0], s1  }
0xc9: {  	s0 =	simm.s32 @!p0 $0x5  }
0xca: {  	_ =	swait.ge @!p0 [sflag:s0], s1  }
0xcb: {  	s1 =	ssub.s32 @!p0 $0x0, s1;
	[sflag:s0] =	ssyncset.done @!p0 $0x0  }
0xcc: {  	[sflag:s0] =	ssyncadd.s32 @!p0 s1  }
0xcd: {  	[bflag:$0x3] =	sbarrier.arrive $0xFFFF  }
0xce: {  	_ =	shalt  }

</sc_bundles>
